<compile_context>
chip_gen: v7x
topology: tpu7x:2x2x1
jax: 0.10.2.dev20260603
libtpu: 0.0.44.dev20260713+nightly
codegen_flags: <defaults>
</compile_context>

<pallas_src>
import jax
import jax.numpy as jnp
from jax import lax
from jax.experimental import pallas as pl
from jax.experimental.pallas import tpu as pltpu
from jax.experimental.pallas import tpu_sc as plsc

EMB = 128
OUT_W = 2 * EMB
ROWS = 16384
NUM_CORES = 2
NUM_SUBCORES = 16
NUM_WORKERS = NUM_CORES * NUM_SUBCORES
ROWS_PER_WORKER = ROWS // NUM_WORKERS
CHUNK = 128
CHUNKS_PER_WORKER = ROWS_PER_WORKER // CHUNK
GROUPS_PER_WORKER = ROWS_PER_WORKER // 16


def _bucket(lv):
    return ((jnp.minimum(lv, 2) - 1)
            + (jnp.minimum(lv, 4) >> 2)
            + (jnp.minimum(lv, 8) >> 3))


def _encode_body(len_hbm, tab_hbm, out_hbm,
                 len_v, tab_v, boff_v, buf0, buf1, wsem0, wsem1):
    wid = lax.axis_index("s") * NUM_CORES + lax.axis_index("c")
    base = pl.multiple_of(wid * ROWS_PER_WORKER, ROWS_PER_WORKER)

    pltpu.sync_copy(tab_hbm, tab_v)
    pltpu.sync_copy(len_hbm.at[pl.ds(base, ROWS_PER_WORKER)], len_v)

    for g in range(GROUPS_PER_WORKER):
        lv = len_v[pl.ds(g * 16, 16)]
        boff_v[pl.ds(g * 16, 16)] = _bucket(lv) * OUT_W

    iota16 = lax.iota(jnp.int32, 16)

    bufs = (buf0, buf1)
    wsems = (wsem0, wsem1)
    pending = [None, None]
    for c in range(CHUNKS_PER_WORKER):
        b = c % 2
        if pending[b] is not None:
            pending[b].wait()
        buf = bufs[b]

        @plsc.parallel_loop(0, CHUNK, unroll=2)
        def _(r):
            src0 = plsc.load_gather(boff_v, [jnp.broadcast_to(c * CHUNK + r, (16,))])
            src0 = src0 + iota16
            row = jnp.broadcast_to(r, (16,))
            for k in range(OUT_W // 16):
                v = plsc.load_gather(tab_v, [src0 + k * 16])
                plsc.store_scatter(buf, [row, iota16 + k * 16], v)

        pending[b] = pltpu.async_copy(
            buf, out_hbm.at[pl.ds(base + c * CHUNK, CHUNK)], wsems[b])
    pending[0].wait()
    pending[1].wait()


def kernel(chunks_length, start_pos, genre_id, distance_emb, genre_emb):
    del start_pos
    gid = jnp.asarray(genre_id, jnp.int32)
    genre_row = jnp.take(genre_emb, gid[None], axis=0)
    combined = jnp.concatenate(
        [distance_emb, jnp.broadcast_to(genre_row, (4, EMB))], axis=1)

    mesh = plsc.VectorSubcoreMesh(
        core_axis_name="c", subcore_axis_name="s",
        num_cores=NUM_CORES, num_subcores=NUM_SUBCORES)
    run = pl.kernel(
        _encode_body,
        out_type=jax.ShapeDtypeStruct((ROWS, OUT_W), jnp.float32),
        mesh=mesh,
        compiler_params=pltpu.CompilerParams(needs_layout_passes=False),
        scratch_types=[
            pltpu.VMEM((ROWS_PER_WORKER,), jnp.int32),
            pltpu.VMEM((4 * OUT_W,), jnp.float32),
            pltpu.VMEM((ROWS_PER_WORKER,), jnp.int32),
            pltpu.VMEM((CHUNK, OUT_W), jnp.float32),
            pltpu.VMEM((CHUNK, OUT_W), jnp.float32),
            pltpu.SemaphoreType.DMA,
            pltpu.SemaphoreType.DMA,
        ],
    )
    return run(chunks_length, combined.reshape(-1))

# --- scband reference (transcript-rebuilt; emitter-appended) ---
"""Pipeline reference for scband-chunk-encoder-88021059764806 (READ-ONLY COPY).

The authoritative reference and input builder live on the scoring server;
editing this copy changes nothing except your own understanding.
"""

import jax, jax.numpy as jnp
import numpy as np

EMB = 128
N = 16384

def setup_inputs(seed: int = 0) -> dict:
    key = jax.random.key(seed)
    k1, k2, k3, k4 = jax.random.split(key, 4)
    # chunk lengths >= 1 so log2 is finite (torch code implicitly assumes positive lengths)
    chunks_length = jax.random.randint(k1, (N,), 1, 1024).astype(jnp.int32)
    start_pos = jax.random.randint(k2, (N,), 0, 100000).astype(jnp.int32)
    genre_id = 3  # genre2int['nw'] from doc['document_id'][:2]
    distance_emb = jax.random.normal(k3, (4, EMB), dtype=jnp.float32)
    genre_emb = jax.random.normal(k4, (7, EMB), dtype=jnp.float32)
    return {
        "chunks_length": chunks_length,
        "start_pos": start_pos,
        "genre_id": genre_id,
        "distance_emb": distance_emb,
        "genre_emb": genre_emb,
    }

def reference(chunks_length, start_pos, genre_id, distance_emb, genre_emb):
    # log_distance = chunks_length.float().log2().floor_().clamp_max_(3).long()
    log_distance = jnp.floor(jnp.log2(chunks_length.astype(jnp.float32)))
    log_distance = jnp.minimum(log_distance, 3.0).astype(jnp.int32)
    distance = jnp.take(distance_emb, log_distance, axis=0)
    # genre scalar expanded to start_pos shape, then embedded
    genre = jnp.broadcast_to(jnp.asarray(genre_id, dtype=jnp.int32), start_pos.shape)
    genre_e = jnp.take(genre_emb, genre, axis=0)
    # dropout with rate 0.0 (eval) is identity
    return jnp.concatenate((distance, genre_e), axis=1)

if __name__ == "__main__":
    import jax
    _d = setup_inputs()
    print(jax.jit(kernel)(*tuple(_d.values())))

</pallas_src>

<mosaic_0001>
#map = affine_map<(d0, d1) -> (0)>
#map1 = affine_map<(d0, d1) -> (0, 0)>
module attributes {stable_mosaic.version = 14 : i64} {
  func.func @_encode_body(%arg0: i32, %arg1: i32, %arg2: memref<16384xi32, #tpu.memory_space<hbm>>, %arg3: memref<1024xf32, #tpu.memory_space<hbm>>, %arg4: memref<16384x256xf32, #tpu.memory_space<hbm>>, %arg5: memref<512xi32, #tpu.memory_space<vmem>>, %arg6: memref<1024xf32, #tpu.memory_space<vmem>>, %arg7: memref<512xi32, #tpu.memory_space<vmem>>, %arg8: memref<128x256xf32, #tpu.memory_space<vmem>>, %arg9: memref<128x256xf32, #tpu.memory_space<vmem>>, %arg10: memref<!tpu.dma_semaphore, #tpu.memory_space<semaphore_mem>>, %arg11: memref<!tpu.dma_semaphore, #tpu.memory_space<semaphore_mem>>) attributes {dimension_semantics = [#tpu.dimension_semantics<core_parallel>, #tpu.dimension_semantics<subcore_parallel>], iteration_bounds = array<i64: 2, 16>, scalar_prefetch = 0 : i64, scratch_operands = 7 : i64, tpu.core_type = #tpu.core_type<sc_vector_subcore>, window_params = [{transform_indices = #map}, {transform_indices = #map}, {transform_indices = #map1}]} {
    %mul3A = arith.constant 2 : i32
    %mul3A_0 = arith.muli %arg1, %mul3A : i32
    %add3A = arith.addi %mul3A_0, %arg0 : i32
    %mul3A_1 = arith.constant 512 : i32
    %mul3A_2 = arith.muli %add3A, %mul3A_1 : i32
    %multiple_of3A = tpu.assume_multiple %mul3A_2, 512 : i32
    "tpu.region"() ({
      %run_scoped3A = tpu.sem_alloc : memref<!tpu.dma_semaphore, #tpu.memory_space<semaphore_mem>>
      tpu.enqueue_dma source(%arg3 : memref<1024xf32, #tpu.memory_space<hbm>>) target(%arg6 : memref<1024xf32, #tpu.memory_space<vmem>>) target_semaphore(%run_scoped3A : memref<!tpu.dma_semaphore, #tpu.memory_space<semaphore_mem>>)
      tpu.wait_dma2 semaphore(%run_scoped3A : memref<!tpu.dma_semaphore, #tpu.memory_space<semaphore_mem>>) src(%arg3 : memref<1024xf32, #tpu.memory_space<hbm>>) dst(%arg6 : memref<1024xf32, #tpu.memory_space<vmem>>)
      tpu.yield
    }) : () -> ()
    "tpu.region"() ({
      %run_scoped3A = tpu.sem_alloc : memref<!tpu.dma_semaphore, #tpu.memory_space<semaphore_mem>>
      %dma_start3A_911 = tpu.memref_slice %arg2[%multiple_of3A] : memref<16384xi32, #tpu.memory_space<hbm>> -> memref<512xi32, #tpu.memory_space<hbm>>
      %dma_start3A_912 = tpu.memref_slice %arg2[%multiple_of3A] : memref<16384xi32, #tpu.memory_space<hbm>> -> memref<512xi32, #tpu.memory_space<hbm>>
      tpu.enqueue_dma source(%dma_start3A_912 : memref<512xi32, #tpu.memory_space<hbm>>) target(%arg5 : memref<512xi32, #tpu.memory_space<vmem>>) target_semaphore(%run_scoped3A : memref<!tpu.dma_semaphore, #tpu.memory_space<semaphore_mem>>)
      %dma_wait3A_913 = tpu.memref_slice %arg2[%multiple_of3A] : memref<16384xi32, #tpu.memory_space<hbm>> -> memref<512xi32, #tpu.memory_space<hbm>>
      %dma_wait3A_914 = tpu.memref_slice %arg2[%multiple_of3A] : memref<16384xi32, #tpu.memory_space<hbm>> -> memref<512xi32, #tpu.memory_space<hbm>>
      tpu.wait_dma2 semaphore(%run_scoped3A : memref<!tpu.dma_semaphore, #tpu.memory_space<semaphore_mem>>) src(%dma_wait3A_914 : memref<512xi32, #tpu.memory_space<hbm>>) dst(%arg5 : memref<512xi32, #tpu.memory_space<vmem>>)
      tpu.yield
    }) : () -> ()
    %get3A = arith.constant 0 : index
    %get3A_3 = tpu.vector_load %arg5[%get3A] {strides = array<i32>} : memref<512xi32, #tpu.memory_space<vmem>>, vector<16xi32>,
    %min3A = arith.constant 2 : i32
    %min3A_4 = vector.broadcast %min3A : i32 to vector<16xi32>
    %min3A_5 = arith.minsi %get3A_3, %min3A_4 : vector<16xi32>
    %sub3A = arith.constant 1 : i32
    %sub3A_6 = vector.broadcast %sub3A : i32 to vector<16xi32>
    %sub3A_7 = arith.subi %min3A_5, %sub3A_6 : vector<16xi32>
    %min3A_8 = arith.constant 4 : i32
    %min3A_9 = vector.broadcast %min3A_8 : i32 to vector<16xi32>
    %min3A_10 = arith.minsi %get3A_3, %min3A_9 : vector<16xi32>
    %shift_right_arithmetic3A = arith.constant 2 : i32
    %shift_right_arithmetic3A_11 = vector.broadcast %shift_right_arithmetic3A : i32 to vector<16xi32>
    %shift_right_arithmetic3A_12 = arith.shrsi %min3A_10, %shift_right_arithmetic3A_11 : vector<16xi32>
    %add3A_13 = arith.addi %sub3A_7, %shift_right_arithmetic3A_12 : vector<16xi32>
    %min3A_14 = arith.constant 8 : i32
    %min3A_15 = vector.broadcast %min3A_14 : i32 to vector<16xi32>
    %min3A_16 = arith.minsi %get3A_3, %min3A_15 : vector<16xi32>
    %shift_right_arithmetic3A_17 = arith.constant 3 : i32
    %shift_right_arithmetic3A_18 = vector.broadcast %shift_right_arithmetic3A_17 : i32 to vector<16xi32>
    %shift_right_arithmetic3A_19 = arith.shrsi %min3A_16, %shift_right_arithmetic3A_18 : vector<16xi32>
    %add3A_20 = arith.addi %add3A_13, %shift_right_arithmetic3A_19 : vector<16xi32>
    %mul3A_21 = arith.constant 256 : i32
    %mul3A_22 = vector.broadcast %mul3A_21 : i32 to vector<16xi32>
    %mul3A_23 = arith.muli %add3A_20, %mul3A_22 : vector<16xi32>
    %swap3A = arith.constant 0 : index
    %swap3A_24 = tpu.vector_load %arg7[%swap3A] {strides = array<i32>} : memref<512xi32, #tpu.memory_space<vmem>>, vector<16xi32>,
    tpu.vector_store %arg7[%swap3A], %mul3A_23 {strides = array<i32>} : memref<512xi32, #tpu.memory_space<vmem>>, vector<16xi32>,
    %get3A_25 = arith.constant 16 : index
    %get3A_26 = tpu.vector_load %arg5[%get3A_25] {strides = array<i32>} : memref<512xi32, #tpu.memory_space<vmem>>, vector<16xi32>,
    %min3A_27 = arith.constant 2 : i32
    %min3A_28 = vector.broadcast %min3A_27 : i32 to vector<16xi32>
    %min3A_29 = arith.minsi %get3A_26, %min3A_28 : vector<16xi32>
    %sub3A_30 = arith.constant 1 : i32
    %sub3A_31 = vector.broadcast %sub3A_30 : i32 to vector<16xi32>
    %sub3A_32 = arith.subi %min3A_29, %sub3A_31 : vector<16xi32>
    %min3A_33 = arith.constant 4 : i32
    %min3A_34 = vector.broadcast %min3A_33 : i32 to vector<16xi32>
    %min3A_35 = arith.minsi %get3A_26, %min3A_34 : vector<16xi32>
    %shift_right_arithmetic3A_36 = arith.constant 2 : i32
    %shift_right_arithmetic3A_37 = vector.broadcast %shift_right_arithmetic3A_36 : i32 to vector<16xi32>
    %shift_right_arithmetic3A_38 = arith.shrsi %min3A_35, %shift_right_arithmetic3A_37 : vector<16xi32>
    %add3A_39 = arith.addi %sub3A_32, %shift_right_arithmetic3A_38 : vector<16xi32>
    %min3A_40 = arith.constant 8 : i32
    %min3A_41 = vector.broadcast %min3A_40 : i32 to vector<16xi32>
    %min3A_42 = arith.minsi %get3A_26, %min3A_41 : vector<16xi32>
    %shift_right_arithmetic3A_43 = arith.constant 3 : i32
    %shift_right_arithmetic3A_44 = vector.broadcast %shift_right_arithmetic3A_43 : i32 to vector<16xi32>
    %shift_right_arithmetic3A_45 = arith.shrsi %min3A_42, %shift_right_arithmetic3A_44 : vector<16xi32>
    %add3A_46 = arith.addi %add3A_39, %shift_right_arithmetic3A_45 : vector<16xi32>
    %mul3A_47 = arith.constant 256 : i32
    %mul3A_48 = vector.broadcast %mul3A_47 : i32 to vector<16xi32>
    %mul3A_49 = arith.muli %add3A_46, %mul3A_48 : vector<16xi32>
    %swap3A_50 = arith.constant 16 : index
    %swap3A_51 = tpu.vector_load %arg7[%swap3A_50] {strides = array<i32>} : memref<512xi32, #tpu.memory_space<vmem>>, vector<16xi32>,
    tpu.vector_store %arg7[%swap3A_50], %mul3A_49 {strides = array<i32>} : memref<512xi32, #tpu.memory_space<vmem>>, vector<16xi32>,
    %get3A_52 = arith.constant 32 : index
    %get3A_53 = tpu.vector_load %arg5[%get3A_52] {strides = array<i32>} : memref<512xi32, #tpu.memory_space<vmem>>, vector<16xi32>,
    %min3A_54 = arith.constant 2 : i32
    %min3A_55 = vector.broadcast %min3A_54 : i32 to vector<16xi32>
    %min3A_56 = arith.minsi %get3A_53, %min3A_55 : vector<16xi32>
    %sub3A_57 = arith.constant 1 : i32
    %sub3A_58 = vector.broadcast %sub3A_57 : i32 to vector<16xi32>
    %sub3A_59 = arith.subi %min3A_56, %sub3A_58 : vector<16xi32>
    %min3A_60 = arith.constant 4 : i32
    %min3A_61 = vector.broadcast %min3A_60 : i32 to vector<16xi32>
    %min3A_62 = arith.minsi %get3A_53, %min3A_61 : vector<16xi32>
    %shift_right_arithmetic3A_63 = arith.constant 2 : i32
    %shift_right_arithmetic3A_64 = vector.broadcast %shift_right_arithmetic3A_63 : i32 to vector<16xi32>
    %shift_right_arithmetic3A_65 = arith.shrsi %min3A_62, %shift_right_arithmetic3A_64 : vector<16xi32>
    %add3A_66 = arith.addi %sub3A_59, %shift_right_arithmetic3A_65 : vector<16xi32>
    %min3A_67 = arith.constant 8 : i32
    %min3A_68 = vector.broadcast %min3A_67 : i32 to vector<16xi32>
    %min3A_69 = arith.minsi %get3A_53, %min3A_68 : vector<16xi32>
    %shift_right_arithmetic3A_70 = arith.constant 3 : i32
    %shift_right_arithmetic3A_71 = vector.broadcast %shift_right_arithmetic3A_70 : i32 to vector<16xi32>
    %shift_right_arithmetic3A_72 = arith.shrsi %min3A_69, %shift_right_arithmetic3A_71 : vector<16xi32>
    %add3A_73 = arith.addi %add3A_66, %shift_right_arithmetic3A_72 : vector<16xi32>
    %mul3A_74 = arith.constant 256 : i32
    %mul3A_75 = vector.broadcast %mul3A_74 : i32 to vector<16xi32>
    %mul3A_76 = arith.muli %add3A_73, %mul3A_75 : vector<16xi32>
    %swap3A_77 = arith.constant 32 : index
    %swap3A_78 = tpu.vector_load %arg7[%swap3A_77] {strides = array<i32>} : memref<512xi32, #tpu.memory_space<vmem>>, vector<16xi32>,
    tpu.vector_store %arg7[%swap3A_77], %mul3A_76 {strides = array<i32>} : memref<512xi32, #tpu.memory_space<vmem>>, vector<16xi32>,
    %get3A_79 = arith.constant 48 : index
    %get3A_80 = tpu.vector_load %arg5[%get3A_79] {strides = array<i32>} : memref<512xi32, #tpu.memory_space<vmem>>, vector<16xi32>,
    %min3A_81 = arith.constant 2 : i32
    %min3A_82 = vector.broadcast %min3A_81 : i32 to vector<16xi32>
    %min3A_83 = arith.minsi %get3A_80, %min3A_82 : vector<16xi32>
    %sub3A_84 = arith.constant 1 : i32
    %sub3A_85 = vector.broadcast %sub3A_84 : i32 to vector<16xi32>
    %sub3A_86 = arith.subi %min3A_83, %sub3A_85 : vector<16xi32>
    %min3A_87 = arith.constant 4 : i32
    %min3A_88 = vector.broadcast %min3A_87 : i32 to vector<16xi32>
    %min3A_89 = arith.minsi %get3A_80, %min3A_88 : vector<16xi32>
    %shift_right_arithmetic3A_90 = arith.constant 2 : i32
    %shift_right_arithmetic3A_91 = vector.broadcast %shift_right_arithmetic3A_90 : i32 to vector<16xi32>
    %shift_right_arithmetic3A_92 = arith.shrsi %min3A_89, %shift_right_arithmetic3A_91 : vector<16xi32>
    %add3A_93 = arith.addi %sub3A_86, %shift_right_arithmetic3A_92 : vector<16xi32>
    %min3A_94 = arith.constant 8 : i32
    %min3A_95 = vector.broadcast %min3A_94 : i32 to vector<16xi32>
    %min3A_96 = arith.minsi %get3A_80, %min3A_95 : vector<16xi32>
    %shift_right_arithmetic3A_97 = arith.constant 3 : i32
    %shift_right_arithmetic3A_98 = vector.broadcast %shift_right_arithmetic3A_97 : i32 to vector<16xi32>
    %shift_right_arithmetic3A_99 = arith.shrsi %min3A_96, %shift_right_arithmetic3A_98 : vector<16xi32>
    %add3A_100 = arith.addi %add3A_93, %shift_right_arithmetic3A_99 : vector<16xi32>
    %mul3A_101 = arith.constant 256 : i32
    %mul3A_102 = vector.broadcast %mul3A_101 : i32 to vector<16xi32>
    %mul3A_103 = arith.muli %add3A_100, %mul3A_102 : vector<16xi32>
    %swap3A_104 = arith.constant 48 : index
    %swap3A_105 = tpu.vector_load %arg7[%swap3A_104] {strides = array<i32>} : memref<512xi32, #tpu.memory_space<vmem>>, vector<16xi32>,
    tpu.vector_store %arg7[%swap3A_104], %mul3A_103 {strides = array<i32>} : memref<512xi32, #tpu.memory_space<vmem>>, vector<16xi32>,
    %get3A_106 = arith.constant 64 : index
    %get3A_107 = tpu.vector_load %arg5[%get3A_106] {strides = array<i32>} : memref<512xi32, #tpu.memory_space<vmem>>, vector<16xi32>,
    %min3A_108 = arith.constant 2 : i32
    %min3A_109 = vector.broadcast %min3A_108 : i32 to vector<16xi32>
    %min3A_110 = arith.minsi %get3A_107, %min3A_109 : vector<16xi32>
    %sub3A_111 = arith.constant 1 : i32
    %sub3A_112 = vector.broadcast %sub3A_111 : i32 to vector<16xi32>
    %sub3A_113 = arith.subi %min3A_110, %sub3A_112 : vector<16xi32>
    %min3A_114 = arith.constant 4 : i32
    %min3A_115 = vector.broadcast %min3A_114 : i32 to vector<16xi32>
    %min3A_116 = arith.minsi %get3A_107, %min3A_115 : vector<16xi32>
    %shift_right_arithmetic3A_117 = arith.constant 2 : i32
    %shift_right_arithmetic3A_118 = vector.broadcast %shift_right_arithmetic3A_117 : i32 to vector<16xi32>
    %shift_right_arithmetic3A_119 = arith.shrsi %min3A_116, %shift_right_arithmetic3A_118 : vector<16xi32>
    %add3A_120 = arith.addi %sub3A_113, %shift_right_arithmetic3A_119 : vector<16xi32>
    %min3A_121 = arith.constant 8 : i32
    %min3A_122 = vector.broadcast %min3A_121 : i32 to vector<16xi32>
    %min3A_123 = arith.minsi %get3A_107, %min3A_122 : vector<16xi32>
    %shift_right_arithmetic3A_124 = arith.constant 3 : i32
    %shift_right_arithmetic3A_125 = vector.broadcast %shift_right_arithmetic3A_124 : i32 to vector<16xi32>
    %shift_right_arithmetic3A_126 = arith.shrsi %min3A_123, %shift_right_arithmetic3A_125 : vector<16xi32>
    %add3A_127 = arith.addi %add3A_120, %shift_right_arithmetic3A_126 : vector<16xi32>
    %mul3A_128 = arith.constant 256 : i32
    %mul3A_129 = vector.broadcast %mul3A_128 : i32 to vector<16xi32>
    %mul3A_130 = arith.muli %add3A_127, %mul3A_129 : vector<16xi32>
    %swap3A_131 = arith.constant 64 : index
    %swap3A_132 = tpu.vector_load %arg7[%swap3A_131] {strides = array<i32>} : memref<512xi32, #tpu.memory_space<vmem>>, vector<16xi32>,
    tpu.vector_store %arg7[%swap3A_131], %mul3A_130 {strides = array<i32>} : memref<512xi32, #tpu.memory_space<vmem>>, vector<16xi32>,
    %get3A_133 = arith.constant 80 : index
    %get3A_134 = tpu.vector_load %arg5[%get3A_133] {strides = array<i32>} : memref<512xi32, #tpu.memory_space<vmem>>, vector<16xi32>,
    %min3A_135 = arith.constant 2 : i32
    %min3A_136 = vector.broadcast %min3A_135 : i32 to vector<16xi32>
    %min3A_137 = arith.minsi %get3A_134, %min3A_136 : vector<16xi32>
    %sub3A_138 = arith.constant 1 : i32
    %sub3A_139 = vector.broadcast %sub3A_138 : i32 to vector<16xi32>
    %sub3A_140 = arith.subi %min3A_137, %sub3A_139 : vector<16xi32>
    %min3A_141 = arith.constant 4 : i32
    %min3A_142 = vector.broadcast %min3A_141 : i32 to vector<16xi32>
    %min3A_143 = arith.minsi %get3A_134, %min3A_142 : vector<16xi32>
    %shift_right_arithmetic3A_144 = arith.constant 2 : i32
    %shift_right_arithmetic3A_145 = vector.broadcast %shift_right_arithmetic3A_144 : i32 to vector<16xi32>
    %shift_right_arithmetic3A_146 = arith.shrsi %min3A_143, %shift_right_arithmetic3A_145 : vector<16xi32>
    %add3A_147 = arith.addi %sub3A_140, %shift_right_arithmetic3A_146 : vector<16xi32>
    %min3A_148 = arith.constant 8 : i32
    %min3A_149 = vector.broadcast %min3A_148 : i32 to vector<16xi32>
    %min3A_150 = arith.minsi %get3A_134, %min3A_149 : vector<16xi32>
    %shift_right_arithmetic3A_151 = arith.constant 3 : i32
    %shift_right_arithmetic3A_152 = vector.broadcast %shift_right_arithmetic3A_151 : i32 to vector<16xi32>
    %shift_right_arithmetic3A_153 = arith.shrsi %min3A_150, %shift_right_arithmetic3A_152 : vector<16xi32>
    %add3A_154 = arith.addi %add3A_147, %shift_right_arithmetic3A_153 : vector<16xi32>
    %mul3A_155 = arith.constant 256 : i32
    %mul3A_156 = vector.broadcast %mul3A_155 : i32 to vector<16xi32>
    %mul3A_157 = arith.muli %add3A_154, %mul3A_156 : vector<16xi32>
    %swap3A_158 = arith.constant 80 : index
    %swap3A_159 = tpu.vector_load %arg7[%swap3A_158] {strides = array<i32>} : memref<512xi32, #tpu.memory_space<vmem>>, vector<16xi32>,
    tpu.vector_store %arg7[%swap3A_158], %mul3A_157 {strides = array<i32>} : memref<512xi32, #tpu.memory_space<vmem>>, vector<16xi32>,
    %get3A_160 = arith.constant 96 : index
    %get3A_161 = tpu.vector_load %arg5[%get3A_160] {strides = array<i32>} : memref<512xi32, #tpu.memory_space<vmem>>, vector<16xi32>,
    %min3A_162 = arith.constant 2 : i32
    %min3A_163 = vector.broadcast %min3A_162 : i32 to vector<16xi32>
    %min3A_164 = arith.minsi %get3A_161, %min3A_163 : vector<16xi32>
    %sub3A_165 = arith.constant 1 : i32
    %sub3A_166 = vector.broadcast %sub3A_165 : i32 to vector<16xi32>
    %sub3A_167 = arith.subi %min3A_164, %sub3A_166 : vector<16xi32>
    %min3A_168 = arith.constant 4 : i32
    %min3A_169 = vector.broadcast %min3A_168 : i32 to vector<16xi32>
    %min3A_170 = arith.minsi %get3A_161, %min3A_169 : vector<16xi32>
    %shift_right_arithmetic3A_171 = arith.constant 2 : i32
    %shift_right_arithmetic3A_172 = vector.broadcast %shift_right_arithmetic3A_171 : i32 to vector<16xi32>
    %shift_right_arithmetic3A_173 = arith.shrsi %min3A_170, %shift_right_arithmetic3A_172 : vector<16xi32>
    %add3A_174 = arith.addi %sub3A_167, %shift_right_arithmetic3A_173 : vector<16xi32>
    %min3A_175 = arith.constant 8 : i32
    %min3A_176 = vector.broadcast %min3A_175 : i32 to vector<16xi32>
    %min3A_177 = arith.minsi %get3A_161, %min3A_176 : vector<16xi32>
    %shift_right_arithmetic3A_178 = arith.constant 3 : i32
    %shift_right_arithmetic3A_179 = vector.broadcast %shift_right_arithmetic3A_178 : i32 to vector<16xi32>
    %shift_right_arithmetic3A_180 = arith.shrsi %min3A_177, %shift_right_arithmetic3A_179 : vector<16xi32>
    %add3A_181 = arith.addi %add3A_174, %shift_right_arithmetic3A_180 : vector<16xi32>
    %mul3A_182 = arith.constant 256 : i32
    %mul3A_183 = vector.broadcast %mul3A_182 : i32 to vector<16xi32>
    %mul3A_184 = arith.muli %add3A_181, %mul3A_183 : vector<16xi32>
    %swap3A_185 = arith.constant 96 : index
    %swap3A_186 = tpu.vector_load %arg7[%swap3A_185] {strides = array<i32>} : memref<512xi32, #tpu.memory_space<vmem>>, vector<16xi32>,
    tpu.vector_store %arg7[%swap3A_185], %mul3A_184 {strides = array<i32>} : memref<512xi32, #tpu.memory_space<vmem>>, vector<16xi32>,
    %get3A_187 = arith.constant 112 : index
    %get3A_188 = tpu.vector_load %arg5[%get3A_187] {strides = array<i32>} : memref<512xi32, #tpu.memory_space<vmem>>, vector<16xi32>,
    %min3A_189 = arith.constant 2 : i32
    %min3A_190 = vector.broadcast %min3A_189 : i32 to vector<16xi32>
    %min3A_191 = arith.minsi %get3A_188, %min3A_190 : vector<16xi32>
    %sub3A_192 = arith.constant 1 : i32
    %sub3A_193 = vector.broadcast %sub3A_192 : i32 to vector<16xi32>
    %sub3A_194 = arith.subi %min3A_191, %sub3A_193 : vector<16xi32>
    %min3A_195 = arith.constant 4 : i32
    %min3A_196 = vector.broadcast %min3A_195 : i32 to vector<16xi32>
    %min3A_197 = arith.minsi %get3A_188, %min3A_196 : vector<16xi32>
    %shift_right_arithmetic3A_198 = arith.constant 2 : i32
    %shift_right_arithmetic3A_199 = vector.broadcast %shift_right_arithmetic3A_198 : i32 to vector<16xi32>
    %shift_right_arithmetic3A_200 = arith.shrsi %min3A_197, %shift_right_arithmetic3A_199 : vector<16xi32>
    %add3A_201 = arith.addi %sub3A_194, %shift_right_arithmetic3A_200 : vector<16xi32>
    %min3A_202 = arith.constant 8 : i32
    %min3A_203 = vector.broadcast %min3A_202 : i32 to vector<16xi32>
    %min3A_204 = arith.minsi %get3A_188, %min3A_203 : vector<16xi32>
    %shift_right_arithmetic3A_205 = arith.constant 3 : i32
    %shift_right_arithmetic3A_206 = vector.broadcast %shift_right_arithmetic3A_205 : i32 to vector<16xi32>
    %shift_right_arithmetic3A_207 = arith.shrsi %min3A_204, %shift_right_arithmetic3A_206 : vector<16xi32>
    %add3A_208 = arith.addi %add3A_201, %shift_right_arithmetic3A_207 : vector<16xi32>
    %mul3A_209 = arith.constant 256 : i32
    %mul3A_210 = vector.broadcast %mul3A_209 : i32 to vector<16xi32>
    %mul3A_211 = arith.muli %add3A_208, %mul3A_210 : vector<16xi32>
    %swap3A_212 = arith.constant 112 : index
    %swap3A_213 = tpu.vector_load %arg7[%swap3A_212] {strides = array<i32>} : memref<512xi32, #tpu.memory_space<vmem>>, vector<16xi32>,
    tpu.vector_store %arg7[%swap3A_212], %mul3A_211 {strides = array<i32>} : memref<512xi32, #tpu.memory_space<vmem>>, vector<16xi32>,
    %get3A_214 = arith.constant 128 : index
    %get3A_215 = tpu.vector_load %arg5[%get3A_214] {strides = array<i32>} : memref<512xi32, #tpu.memory_space<vmem>>, vector<16xi32>,
    %min3A_216 = arith.constant 2 : i32
    %min3A_217 = vector.broadcast %min3A_216 : i32 to vector<16xi32>
    %min3A_218 = arith.minsi %get3A_215, %min3A_217 : vector<16xi32>
    %sub3A_219 = arith.constant 1 : i32
    %sub3A_220 = vector.broadcast %sub3A_219 : i32 to vector<16xi32>
    %sub3A_221 = arith.subi %min3A_218, %sub3A_220 : vector<16xi32>
    %min3A_222 = arith.constant 4 : i32
    %min3A_223 = vector.broadcast %min3A_222 : i32 to vector<16xi32>
    %min3A_224 = arith.minsi %get3A_215, %min3A_223 : vector<16xi32>
    %shift_right_arithmetic3A_225 = arith.constant 2 : i32
    %shift_right_arithmetic3A_226 = vector.broadcast %shift_right_arithmetic3A_225 : i32 to vector<16xi32>
    %shift_right_arithmetic3A_227 = arith.shrsi %min3A_224, %shift_right_arithmetic3A_226 : vector<16xi32>
    %add3A_228 = arith.addi %sub3A_221, %shift_right_arithmetic3A_227 : vector<16xi32>
    %min3A_229 = arith.constant 8 : i32
    %min3A_230 = vector.broadcast %min3A_229 : i32 to vector<16xi32>
    %min3A_231 = arith.minsi %get3A_215, %min3A_230 : vector<16xi32>
    %shift_right_arithmetic3A_232 = arith.constant 3 : i32
    %shift_right_arithmetic3A_233 = vector.broadcast %shift_right_arithmetic3A_232 : i32 to vector<16xi32>
    %shift_right_arithmetic3A_234 = arith.shrsi %min3A_231, %shift_right_arithmetic3A_233 : vector<16xi32>
    %add3A_235 = arith.addi %add3A_228, %shift_right_arithmetic3A_234 : vector<16xi32>
    %mul3A_236 = arith.constant 256 : i32
    %mul3A_237 = vector.broadcast %mul3A_236 : i32 to vector<16xi32>
    %mul3A_238 = arith.muli %add3A_235, %mul3A_237 : vector<16xi32>
    %swap3A_239 = arith.constant 128 : index
    %swap3A_240 = tpu.vector_load %arg7[%swap3A_239] {strides = array<i32>} : memref<512xi32, #tpu.memory_space<vmem>>, vector<16xi32>,
    tpu.vector_store %arg7[%swap3A_239], %mul3A_238 {strides = array<i32>} : memref<512xi32, #tpu.memory_space<vmem>>, vector<16xi32>,
    %get3A_241 = arith.constant 144 : index
    %get3A_242 = tpu.vector_load %arg5[%get3A_241] {strides = array<i32>} : memref<512xi32, #tpu.memory_space<vmem>>, vector<16xi32>,
    %min3A_243 = arith.constant 2 : i32
    %min3A_244 = vector.broadcast %min3A_243 : i32 to vector<16xi32>
    %min3A_245 = arith.minsi %get3A_242, %min3A_244 : vector<16xi32>
    %sub3A_246 = arith.constant 1 : i32
    %sub3A_247 = vector.broadcast %sub3A_246 : i32 to vector<16xi32>
    %sub3A_248 = arith.subi %min3A_245, %sub3A_247 : vector<16xi32>
    %min3A_249 = arith.constant 4 : i32
    %min3A_250 = vector.broadcast %min3A_249 : i32 to vector<16xi32>
    %min3A_251 = arith.minsi %get3A_242, %min3A_250 : vector<16xi32>
    %shift_right_arithmetic3A_252 = arith.constant 2 : i32
    %shift_right_arithmetic3A_253 = vector.broadcast %shift_right_arithmetic3A_252 : i32 to vector<16xi32>
    %shift_right_arithmetic3A_254 = arith.shrsi %min3A_251, %shift_right_arithmetic3A_253 : vector<16xi32>
    %add3A_255 = arith.addi %sub3A_248, %shift_right_arithmetic3A_254 : vector<16xi32>
    %min3A_256 = arith.constant 8 : i32
    %min3A_257 = vector.broadcast %min3A_256 : i32 to vector<16xi32>
    %min3A_258 = arith.minsi %get3A_242, %min3A_257 : vector<16xi32>
    %shift_right_arithmetic3A_259 = arith.constant 3 : i32
    %shift_right_arithmetic3A_260 = vector.broadcast %shift_right_arithmetic3A_259 : i32 to vector<16xi32>
    %shift_right_arithmetic3A_261 = arith.shrsi %min3A_258, %shift_right_arithmetic3A_260 : vector<16xi32>
    %add3A_262 = arith.addi %add3A_255, %shift_right_arithmetic3A_261 : vector<16xi32>
    %mul3A_263 = arith.constant 256 : i32
    %mul3A_264 = vector.broadcast %mul3A_263 : i32 to vector<16xi32>
    %mul3A_265 = arith.muli %add3A_262, %mul3A_264 : vector<16xi32>
    %swap3A_266 = arith.constant 144 : index
    %swap3A_267 = tpu.vector_load %arg7[%swap3A_266] {strides = array<i32>} : memref<512xi32, #tpu.memory_space<vmem>>, vector<16xi32>,
    tpu.vector_store %arg7[%swap3A_266], %mul3A_265 {strides = array<i32>} : memref<512xi32, #tpu.memory_space<vmem>>, vector<16xi32>,
    %get3A_268 = arith.constant 160 : index
    %get3A_269 = tpu.vector_load %arg5[%get3A_268] {strides = array<i32>} : memref<512xi32, #tpu.memory_space<vmem>>, vector<16xi32>,
    %min3A_270 = arith.constant 2 : i32
    %min3A_271 = vector.broadcast %min3A_270 : i32 to vector<16xi32>
    %min3A_272 = arith.minsi %get3A_269, %min3A_271 : vector<16xi32>
    %sub3A_273 = arith.constant 1 : i32
    %sub3A_274 = vector.broadcast %sub3A_273 : i32 to vector<16xi32>
    %sub3A_275 = arith.subi %min3A_272, %sub3A_274 : vector<16xi32>
    %min3A_276 = arith.constant 4 : i32
    %min3A_277 = vector.broadcast %min3A_276 : i32 to vector<16xi32>
    %min3A_278 = arith.minsi %get3A_269, %min3A_277 : vector<16xi32>
    %shift_right_arithmetic3A_279 = arith.constant 2 : i32
    %shift_right_arithmetic3A_280 = vector.broadcast %shift_right_arithmetic3A_279 : i32 to vector<16xi32>
    %shift_right_arithmetic3A_281 = arith.shrsi %min3A_278, %shift_right_arithmetic3A_280 : vector<16xi32>
    %add3A_282 = arith.addi %sub3A_275, %shift_right_arithmetic3A_281 : vector<16xi32>
    %min3A_283 = arith.constant 8 : i32
    %min3A_284 = vector.broadcast %min3A_283 : i32 to vector<16xi32>
    %min3A_285 = arith.minsi %get3A_269, %min3A_284 : vector<16xi32>
    %shift_right_arithmetic3A_286 = arith.constant 3 : i32
    %shift_right_arithmetic3A_287 = vector.broadcast %shift_right_arithmetic3A_286 : i32 to vector<16xi32>
    %shift_right_arithmetic3A_288 = arith.shrsi %min3A_285, %shift_right_arithmetic3A_287 : vector<16xi32>
    %add3A_289 = arith.addi %add3A_282, %shift_right_arithmetic3A_288 : vector<16xi32>
    %mul3A_290 = arith.constant 256 : i32
    %mul3A_291 = vector.broadcast %mul3A_290 : i32 to vector<16xi32>
    %mul3A_292 = arith.muli %add3A_289, %mul3A_291 : vector<16xi32>
    %swap3A_293 = arith.constant 160 : index
    %swap3A_294 = tpu.vector_load %arg7[%swap3A_293] {strides = array<i32>} : memref<512xi32, #tpu.memory_space<vmem>>, vector<16xi32>,
    tpu.vector_store %arg7[%swap3A_293], %mul3A_292 {strides = array<i32>} : memref<512xi32, #tpu.memory_space<vmem>>, vector<16xi32>,
    %get3A_295 = arith.constant 176 : index
    %get3A_296 = tpu.vector_load %arg5[%get3A_295] {strides = array<i32>} : memref<512xi32, #tpu.memory_space<vmem>>, vector<16xi32>,
    %min3A_297 = arith.constant 2 : i32
    %min3A_298 = vector.broadcast %min3A_297 : i32 to vector<16xi32>
    %min3A_299 = arith.minsi %get3A_296, %min3A_298 : vector<16xi32>
    %sub3A_300 = arith.constant 1 : i32
    %sub3A_301 = vector.broadcast %sub3A_300 : i32 to vector<16xi32>
    %sub3A_302 = arith.subi %min3A_299, %sub3A_301 : vector<16xi32>
    %min3A_303 = arith.constant 4 : i32
    %min3A_304 = vector.broadcast %min3A_303 : i32 to vector<16xi32>
    %min3A_305 = arith.minsi %get3A_296, %min3A_304 : vector<16xi32>
    %shift_right_arithmetic3A_306 = arith.constant 2 : i32
    %shift_right_arithmetic3A_307 = vector.broadcast %shift_right_arithmetic3A_306 : i32 to vector<16xi32>
    %shift_right_arithmetic3A_308 = arith.shrsi %min3A_305, %shift_right_arithmetic3A_307 : vector<16xi32>
    %add3A_309 = arith.addi %sub3A_302, %shift_right_arithmetic3A_308 : vector<16xi32>
    %min3A_310 = arith.constant 8 : i32
    %min3A_311 = vector.broadcast %min3A_310 : i32 to vector<16xi32>
    %min3A_312 = arith.minsi %get3A_296, %min3A_311 : vector<16xi32>
    %shift_right_arithmetic3A_313 = arith.constant 3 : i32
    %shift_right_arithmetic3A_314 = vector.broadcast %shift_right_arithmetic3A_313 : i32 to vector<16xi32>
    %shift_right_arithmetic3A_315 = arith.shrsi %min3A_312, %shift_right_arithmetic3A_314 : vector<16xi32>
    %add3A_316 = arith.addi %add3A_309, %shift_right_arithmetic3A_315 : vector<16xi32>
    %mul3A_317 = arith.constant 256 : i32
    %mul3A_318 = vector.broadcast %mul3A_317 : i32 to vector<16xi32>
    %mul3A_319 = arith.muli %add3A_316, %mul3A_318 : vector<16xi32>
    %swap3A_320 = arith.constant 176 : index
    %swap3A_321 = tpu.vector_load %arg7[%swap3A_320] {strides = array<i32>} : memref<512xi32, #tpu.memory_space<vmem>>, vector<16xi32>,
    tpu.vector_store %arg7[%swap3A_320], %mul3A_319 {strides = array<i32>} : memref<512xi32, #tpu.memory_space<vmem>>, vector<16xi32>,
    %get3A_322 = arith.constant 192 : index
    %get3A_323 = tpu.vector_load %arg5[%get3A_322] {strides = array<i32>} : memref<512xi32, #tpu.memory_space<vmem>>, vector<16xi32>,
    %min3A_324 = arith.constant 2 : i32
    %min3A_325 = vector.broadcast %min3A_324 : i32 to vector<16xi32>
    %min3A_326 = arith.minsi %get3A_323, %min3A_325 : vector<16xi32>
    %sub3A_327 = arith.constant 1 : i32
    %sub3A_328 = vector.broadcast %sub3A_327 : i32 to vector<16xi32>
    %sub3A_329 = arith.subi %min3A_326, %sub3A_328 : vector<16xi32>
    %min3A_330 = arith.constant 4 : i32
    %min3A_331 = vector.broadcast %min3A_330 : i32 to vector<16xi32>
    %min3A_332 = arith.minsi %get3A_323, %min3A_331 : vector<16xi32>
    %shift_right_arithmetic3A_333 = arith.constant 2 : i32
    %shift_right_arithmetic3A_334 = vector.broadcast %shift_right_arithmetic3A_333 : i32 to vector<16xi32>
    %shift_right_arithmetic3A_335 = arith.shrsi %min3A_332, %shift_right_arithmetic3A_334 : vector<16xi32>
    %add3A_336 = arith.addi %sub3A_329, %shift_right_arithmetic3A_335 : vector<16xi32>
    %min3A_337 = arith.constant 8 : i32
    %min3A_338 = vector.broadcast %min3A_337 : i32 to vector<16xi32>
    %min3A_339 = arith.minsi %get3A_323, %min3A_338 : vector<16xi32>
    %shift_right_arithmetic3A_340 = arith.constant 3 : i32
    %shift_right_arithmetic3A_341 = vector.broadcast %shift_right_arithmetic3A_340 : i32 to vector<16xi32>
    %shift_right_arithmetic3A_342 = arith.shrsi %min3A_339, %shift_right_arithmetic3A_341 : vector<16xi32>
    %add3A_343 = arith.addi %add3A_336, %shift_right_arithmetic3A_342 : vector<16xi32>
    %mul3A_344 = arith.constant 256 : i32
    %mul3A_345 = vector.broadcast %mul3A_344 : i32 to vector<16xi32>
    %mul3A_346 = arith.muli %add3A_343, %mul3A_345 : vector<16xi32>
    %swap3A_347 = arith.constant 192 : index
    %swap3A_348 = tpu.vector_load %arg7[%swap3A_347] {strides = array<i32>} : memref<512xi32, #tpu.memory_space<vmem>>, vector<16xi32>,
    tpu.vector_store %arg7[%swap3A_347], %mul3A_346 {strides = array<i32>} : memref<512xi32, #tpu.memory_space<vmem>>, vector<16xi32>,
    %get3A_349 = arith.constant 208 : index
    %get3A_350 = tpu.vector_load %arg5[%get3A_349] {strides = array<i32>} : memref<512xi32, #tpu.memory_space<vmem>>, vector<16xi32>,
    %min3A_351 = arith.constant 2 : i32
    %min3A_352 = vector.broadcast %min3A_351 : i32 to vector<16xi32>
    %min3A_353 = arith.minsi %get3A_350, %min3A_352 : vector<16xi32>
    %sub3A_354 = arith.constant 1 : i32
    %sub3A_355 = vector.broadcast %sub3A_354 : i32 to vector<16xi32>
    %sub3A_356 = arith.subi %min3A_353, %sub3A_355 : vector<16xi32>
    %min3A_357 = arith.constant 4 : i32
    %min3A_358 = vector.broadcast %min3A_357 : i32 to vector<16xi32>
    %min3A_359 = arith.minsi %get3A_350, %min3A_358 : vector<16xi32>
    %shift_right_arithmetic3A_360 = arith.constant 2 : i32
    %shift_right_arithmetic3A_361 = vector.broadcast %shift_right_arithmetic3A_360 : i32 to vector<16xi32>
    %shift_right_arithmetic3A_362 = arith.shrsi %min3A_359, %shift_right_arithmetic3A_361 : vector<16xi32>
    %add3A_363 = arith.addi %sub3A_356, %shift_right_arithmetic3A_362 : vector<16xi32>
    %min3A_364 = arith.constant 8 : i32
    %min3A_365 = vector.broadcast %min3A_364 : i32 to vector<16xi32>
    %min3A_366 = arith.minsi %get3A_350, %min3A_365 : vector<16xi32>
    %shift_right_arithmetic3A_367 = arith.constant 3 : i32
    %shift_right_arithmetic3A_368 = vector.broadcast %shift_right_arithmetic3A_367 : i32 to vector<16xi32>
    %shift_right_arithmetic3A_369 = arith.shrsi %min3A_366, %shift_right_arithmetic3A_368 : vector<16xi32>
    %add3A_370 = arith.addi %add3A_363, %shift_right_arithmetic3A_369 : vector<16xi32>
    %mul3A_371 = arith.constant 256 : i32
    %mul3A_372 = vector.broadcast %mul3A_371 : i32 to vector<16xi32>
    %mul3A_373 = arith.muli %add3A_370, %mul3A_372 : vector<16xi32>
    %swap3A_374 = arith.constant 208 : index
    %swap3A_375 = tpu.vector_load %arg7[%swap3A_374] {strides = array<i32>} : memref<512xi32, #tpu.memory_space<vmem>>, vector<16xi32>,
    tpu.vector_store %arg7[%swap3A_374], %mul3A_373 {strides = array<i32>} : memref<512xi32, #tpu.memory_space<vmem>>, vector<16xi32>,
    %get3A_376 = arith.constant 224 : index
    %get3A_377 = tpu.vector_load %arg5[%get3A_376] {strides = array<i32>} : memref<512xi32, #tpu.memory_space<vmem>>, vector<16xi32>,
    %min3A_378 = arith.constant 2 : i32
    %min3A_379 = vector.broadcast %min3A_378 : i32 to vector<16xi32>
    %min3A_380 = arith.minsi %get3A_377, %min3A_379 : vector<16xi32>
    %sub3A_381 = arith.constant 1 : i32
    %sub3A_382 = vector.broadcast %sub3A_381 : i32 to vector<16xi32>
    %sub3A_383 = arith.subi %min3A_380, %sub3A_382 : vector<16xi32>
    %min3A_384 = arith.constant 4 : i32
    %min3A_385 = vector.broadcast %min3A_384 : i32 to vector<16xi32>
    %min3A_386 = arith.minsi %get3A_377, %min3A_385 : vector<16xi32>
    %shift_right_arithmetic3A_387 = arith.constant 2 : i32
    %shift_right_arithmetic3A_388 = vector.broadcast %shift_right_arithmetic3A_387 : i32 to vector<16xi32>
    %shift_right_arithmetic3A_389 = arith.shrsi %min3A_386, %shift_right_arithmetic3A_388 : vector<16xi32>
    %add3A_390 = arith.addi %sub3A_383, %shift_right_arithmetic3A_389 : vector<16xi32>
    %min3A_391 = arith.constant 8 : i32
    %min3A_392 = vector.broadcast %min3A_391 : i32 to vector<16xi32>
    %min3A_393 = arith.minsi %get3A_377, %min3A_392 : vector<16xi32>
    %shift_right_arithmetic3A_394 = arith.constant 3 : i32
    %shift_right_arithmetic3A_395 = vector.broadcast %shift_right_arithmetic3A_394 : i32 to vector<16xi32>
    %shift_right_arithmetic3A_396 = arith.shrsi %min3A_393, %shift_right_arithmetic3A_395 : vector<16xi32>
    %add3A_397 = arith.addi %add3A_390, %shift_right_arithmetic3A_396 : vector<16xi32>
    %mul3A_398 = arith.constant 256 : i32
    %mul3A_399 = vector.broadcast %mul3A_398 : i32 to vector<16xi32>
    %mul3A_400 = arith.muli %add3A_397, %mul3A_399 : vector<16xi32>
    %swap3A_401 = arith.constant 224 : index
    %swap3A_402 = tpu.vector_load %arg7[%swap3A_401] {strides = array<i32>} : memref<512xi32, #tpu.memory_space<vmem>>, vector<16xi32>,
    tpu.vector_store %arg7[%swap3A_401], %mul3A_400 {strides = array<i32>} : memref<512xi32, #tpu.memory_space<vmem>>, vector<16xi32>,
    %get3A_403 = arith.constant 240 : index
    %get3A_404 = tpu.vector_load %arg5[%get3A_403] {strides = array<i32>} : memref<512xi32, #tpu.memory_space<vmem>>, vector<16xi32>,
    %min3A_405 = arith.constant 2 : i32
    %min3A_406 = vector.broadcast %min3A_405 : i32 to vector<16xi32>
    %min3A_407 = arith.minsi %get3A_404, %min3A_406 : vector<16xi32>
    %sub3A_408 = arith.constant 1 : i32
    %sub3A_409 = vector.broadcast %sub3A_408 : i32 to vector<16xi32>
    %sub3A_410 = arith.subi %min3A_407, %sub3A_409 : vector<16xi32>
    %min3A_411 = arith.constant 4 : i32
    %min3A_412 = vector.broadcast %min3A_411 : i32 to vector<16xi32>
    %min3A_413 = arith.minsi %get3A_404, %min3A_412 : vector<16xi32>
    %shift_right_arithmetic3A_414 = arith.constant 2 : i32
    %shift_right_arithmetic3A_415 = vector.broadcast %shift_right_arithmetic3A_414 : i32 to vector<16xi32>
    %shift_right_arithmetic3A_416 = arith.shrsi %min3A_413, %shift_right_arithmetic3A_415 : vector<16xi32>
    %add3A_417 = arith.addi %sub3A_410, %shift_right_arithmetic3A_416 : vector<16xi32>
    %min3A_418 = arith.constant 8 : i32
    %min3A_419 = vector.broadcast %min3A_418 : i32 to vector<16xi32>
    %min3A_420 = arith.minsi %get3A_404, %min3A_419 : vector<16xi32>
    %shift_right_arithmetic3A_421 = arith.constant 3 : i32
    %shift_right_arithmetic3A_422 = vector.broadcast %shift_right_arithmetic3A_421 : i32 to vector<16xi32>
    %shift_right_arithmetic3A_423 = arith.shrsi %min3A_420, %shift_right_arithmetic3A_422 : vector<16xi32>
    %add3A_424 = arith.addi %add3A_417, %shift_right_arithmetic3A_423 : vector<16xi32>
    %mul3A_425 = arith.constant 256 : i32
    %mul3A_426 = vector.broadcast %mul3A_425 : i32 to vector<16xi32>
    %mul3A_427 = arith.muli %add3A_424, %mul3A_426 : vector<16xi32>
    %swap3A_428 = arith.constant 240 : index
    %swap3A_429 = tpu.vector_load %arg7[%swap3A_428] {strides = array<i32>} : memref<512xi32, #tpu.memory_space<vmem>>, vector<16xi32>,
    tpu.vector_store %arg7[%swap3A_428], %mul3A_427 {strides = array<i32>} : memref<512xi32, #tpu.memory_space<vmem>>, vector<16xi32>,
    %get3A_430 = arith.constant 256 : index
    %get3A_431 = tpu.vector_load %arg5[%get3A_430] {strides = array<i32>} : memref<512xi32, #tpu.memory_space<vmem>>, vector<16xi32>,
    %min3A_432 = arith.constant 2 : i32
    %min3A_433 = vector.broadcast %min3A_432 : i32 to vector<16xi32>
    %min3A_434 = arith.minsi %get3A_431, %min3A_433 : vector<16xi32>
    %sub3A_435 = arith.constant 1 : i32
    %sub3A_436 = vector.broadcast %sub3A_435 : i32 to vector<16xi32>
    %sub3A_437 = arith.subi %min3A_434, %sub3A_436 : vector<16xi32>
    %min3A_438 = arith.constant 4 : i32
    %min3A_439 = vector.broadcast %min3A_438 : i32 to vector<16xi32>
    %min3A_440 = arith.minsi %get3A_431, %min3A_439 : vector<16xi32>
    %shift_right_arithmetic3A_441 = arith.constant 2 : i32
    %shift_right_arithmetic3A_442 = vector.broadcast %shift_right_arithmetic3A_441 : i32 to vector<16xi32>
    %shift_right_arithmetic3A_443 = arith.shrsi %min3A_440, %shift_right_arithmetic3A_442 : vector<16xi32>
    %add3A_444 = arith.addi %sub3A_437, %shift_right_arithmetic3A_443 : vector<16xi32>
    %min3A_445 = arith.constant 8 : i32
    %min3A_446 = vector.broadcast %min3A_445 : i32 to vector<16xi32>
    %min3A_447 = arith.minsi %get3A_431, %min3A_446 : vector<16xi32>
    %shift_right_arithmetic3A_448 = arith.constant 3 : i32
    %shift_right_arithmetic3A_449 = vector.broadcast %shift_right_arithmetic3A_448 : i32 to vector<16xi32>
    %shift_right_arithmetic3A_450 = arith.shrsi %min3A_447, %shift_right_arithmetic3A_449 : vector<16xi32>
    %add3A_451 = arith.addi %add3A_444, %shift_right_arithmetic3A_450 : vector<16xi32>
    %mul3A_452 = arith.constant 256 : i32
    %mul3A_453 = vector.broadcast %mul3A_452 : i32 to vector<16xi32>
    %mul3A_454 = arith.muli %add3A_451, %mul3A_453 : vector<16xi32>
    %swap3A_455 = arith.constant 256 : index
    %swap3A_456 = tpu.vector_load %arg7[%swap3A_455] {strides = array<i32>} : memref<512xi32, #tpu.memory_space<vmem>>, vector<16xi32>,
    tpu.vector_store %arg7[%swap3A_455], %mul3A_454 {strides = array<i32>} : memref<512xi32, #tpu.memory_space<vmem>>, vector<16xi32>,
    %get3A_457 = arith.constant 272 : index
    %get3A_458 = tpu.vector_load %arg5[%get3A_457] {strides = array<i32>} : memref<512xi32, #tpu.memory_space<vmem>>, vector<16xi32>,
    %min3A_459 = arith.constant 2 : i32
    %min3A_460 = vector.broadcast %min3A_459 : i32 to vector<16xi32>
    %min3A_461 = arith.minsi %get3A_458, %min3A_460 : vector<16xi32>
    %sub3A_462 = arith.constant 1 : i32
    %sub3A_463 = vector.broadcast %sub3A_462 : i32 to vector<16xi32>
    %sub3A_464 = arith.subi %min3A_461, %sub3A_463 : vector<16xi32>
    %min3A_465 = arith.constant 4 : i32
    %min3A_466 = vector.broadcast %min3A_465 : i32 to vector<16xi32>
    %min3A_467 = arith.minsi %get3A_458, %min3A_466 : vector<16xi32>
    %shift_right_arithmetic3A_468 = arith.constant 2 : i32
    %shift_right_arithmetic3A_469 = vector.broadcast %shift_right_arithmetic3A_468 : i32 to vector<16xi32>
    %shift_right_arithmetic3A_470 = arith.shrsi %min3A_467, %shift_right_arithmetic3A_469 : vector<16xi32>
    %add3A_471 = arith.addi %sub3A_464, %shift_right_arithmetic3A_470 : vector<16xi32>
    %min3A_472 = arith.constant 8 : i32
    %min3A_473 = vector.broadcast %min3A_472 : i32 to vector<16xi32>
    %min3A_474 = arith.minsi %get3A_458, %min3A_473 : vector<16xi32>
    %shift_right_arithmetic3A_475 = arith.constant 3 : i32
    %shift_right_arithmetic3A_476 = vector.broadcast %shift_right_arithmetic3A_475 : i32 to vector<16xi32>
    %shift_right_arithmetic3A_477 = arith.shrsi %min3A_474, %shift_right_arithmetic3A_476 : vector<16xi32>
    %add3A_478 = arith.addi %add3A_471, %shift_right_arithmetic3A_477 : vector<16xi32>
    %mul3A_479 = arith.constant 256 : i32
    %mul3A_480 = vector.broadcast %mul3A_479 : i32 to vector<16xi32>
    %mul3A_481 = arith.muli %add3A_478, %mul3A_480 : vector<16xi32>
    %swap3A_482 = arith.constant 272 : index
    %swap3A_483 = tpu.vector_load %arg7[%swap3A_482] {strides = array<i32>} : memref<512xi32, #tpu.memory_space<vmem>>, vector<16xi32>,
    tpu.vector_store %arg7[%swap3A_482], %mul3A_481 {strides = array<i32>} : memref<512xi32, #tpu.memory_space<vmem>>, vector<16xi32>,
    %get3A_484 = arith.constant 288 : index
    %get3A_485 = tpu.vector_load %arg5[%get3A_484] {strides = array<i32>} : memref<512xi32, #tpu.memory_space<vmem>>, vector<16xi32>,
    %min3A_486 = arith.constant 2 : i32
    %min3A_487 = vector.broadcast %min3A_486 : i32 to vector<16xi32>
    %min3A_488 = arith.minsi %get3A_485, %min3A_487 : vector<16xi32>
    %sub3A_489 = arith.constant 1 : i32
    %sub3A_490 = vector.broadcast %sub3A_489 : i32 to vector<16xi32>
    %sub3A_491 = arith.subi %min3A_488, %sub3A_490 : vector<16xi32>
    %min3A_492 = arith.constant 4 : i32
    %min3A_493 = vector.broadcast %min3A_492 : i32 to vector<16xi32>
    %min3A_494 = arith.minsi %get3A_485, %min3A_493 : vector<16xi32>
    %shift_right_arithmetic3A_495 = arith.constant 2 : i32
    %shift_right_arithmetic3A_496 = vector.broadcast %shift_right_arithmetic3A_495 : i32 to vector<16xi32>
    %shift_right_arithmetic3A_497 = arith.shrsi %min3A_494, %shift_right_arithmetic3A_496 : vector<16xi32>
    %add3A_498 = arith.addi %sub3A_491, %shift_right_arithmetic3A_497 : vector<16xi32>
    %min3A_499 = arith.constant 8 : i32
    %min3A_500 = vector.broadcast %min3A_499 : i32 to vector<16xi32>
    %min3A_501 = arith.minsi %get3A_485, %min3A_500 : vector<16xi32>
    %shift_right_arithmetic3A_502 = arith.constant 3 : i32
    %shift_right_arithmetic3A_503 = vector.broadcast %shift_right_arithmetic3A_502 : i32 to vector<16xi32>
    %shift_right_arithmetic3A_504 = arith.shrsi %min3A_501, %shift_right_arithmetic3A_503 : vector<16xi32>
    %add3A_505 = arith.addi %add3A_498, %shift_right_arithmetic3A_504 : vector<16xi32>
    %mul3A_506 = arith.constant 256 : i32
    %mul3A_507 = vector.broadcast %mul3A_506 : i32 to vector<16xi32>
    %mul3A_508 = arith.muli %add3A_505, %mul3A_507 : vector<16xi32>
    %swap3A_509 = arith.constant 288 : index
    %swap3A_510 = tpu.vector_load %arg7[%swap3A_509] {strides = array<i32>} : memref<512xi32, #tpu.memory_space<vmem>>, vector<16xi32>,
    tpu.vector_store %arg7[%swap3A_509], %mul3A_508 {strides = array<i32>} : memref<512xi32, #tpu.memory_space<vmem>>, vector<16xi32>,
    %get3A_511 = arith.constant 304 : index
    %get3A_512 = tpu.vector_load %arg5[%get3A_511] {strides = array<i32>} : memref<512xi32, #tpu.memory_space<vmem>>, vector<16xi32>,
    %min3A_513 = arith.constant 2 : i32
    %min3A_514 = vector.broadcast %min3A_513 : i32 to vector<16xi32>
    %min3A_515 = arith.minsi %get3A_512, %min3A_514 : vector<16xi32>
    %sub3A_516 = arith.constant 1 : i32
    %sub3A_517 = vector.broadcast %sub3A_516 : i32 to vector<16xi32>
    %sub3A_518 = arith.subi %min3A_515, %sub3A_517 : vector<16xi32>
    %min3A_519 = arith.constant 4 : i32
    %min3A_520 = vector.broadcast %min3A_519 : i32 to vector<16xi32>
    %min3A_521 = arith.minsi %get3A_512, %min3A_520 : vector<16xi32>
    %shift_right_arithmetic3A_522 = arith.constant 2 : i32
    %shift_right_arithmetic3A_523 = vector.broadcast %shift_right_arithmetic3A_522 : i32 to vector<16xi32>
    %shift_right_arithmetic3A_524 = arith.shrsi %min3A_521, %shift_right_arithmetic3A_523 : vector<16xi32>
    %add3A_525 = arith.addi %sub3A_518, %shift_right_arithmetic3A_524 : vector<16xi32>
    %min3A_526 = arith.constant 8 : i32
    %min3A_527 = vector.broadcast %min3A_526 : i32 to vector<16xi32>
    %min3A_528 = arith.minsi %get3A_512, %min3A_527 : vector<16xi32>
    %shift_right_arithmetic3A_529 = arith.constant 3 : i32
    %shift_right_arithmetic3A_530 = vector.broadcast %shift_right_arithmetic3A_529 : i32 to vector<16xi32>
    %shift_right_arithmetic3A_531 = arith.shrsi %min3A_528, %shift_right_arithmetic3A_530 : vector<16xi32>
    %add3A_532 = arith.addi %add3A_525, %shift_right_arithmetic3A_531 : vector<16xi32>
    %mul3A_533 = arith.constant 256 : i32
    %mul3A_534 = vector.broadcast %mul3A_533 : i32 to vector<16xi32>
    %mul3A_535 = arith.muli %add3A_532, %mul3A_534 : vector<16xi32>
    %swap3A_536 = arith.constant 304 : index
    %swap3A_537 = tpu.vector_load %arg7[%swap3A_536] {strides = array<i32>} : memref<512xi32, #tpu.memory_space<vmem>>, vector<16xi32>,
    tpu.vector_store %arg7[%swap3A_536], %mul3A_535 {strides = array<i32>} : memref<512xi32, #tpu.memory_space<vmem>>, vector<16xi32>,
    %get3A_538 = arith.constant 320 : index
    %get3A_539 = tpu.vector_load %arg5[%get3A_538] {strides = array<i32>} : memref<512xi32, #tpu.memory_space<vmem>>, vector<16xi32>,
    %min3A_540 = arith.constant 2 : i32
    %min3A_541 = vector.broadcast %min3A_540 : i32 to vector<16xi32>
    %min3A_542 = arith.minsi %get3A_539, %min3A_541 : vector<16xi32>
    %sub3A_543 = arith.constant 1 : i32
    %sub3A_544 = vector.broadcast %sub3A_543 : i32 to vector<16xi32>
    %sub3A_545 = arith.subi %min3A_542, %sub3A_544 : vector<16xi32>
    %min3A_546 = arith.constant 4 : i32
    %min3A_547 = vector.broadcast %min3A_546 : i32 to vector<16xi32>
    %min3A_548 = arith.minsi %get3A_539, %min3A_547 : vector<16xi32>
    %shift_right_arithmetic3A_549 = arith.constant 2 : i32
    %shift_right_arithmetic3A_550 = vector.broadcast %shift_right_arithmetic3A_549 : i32 to vector<16xi32>
    %shift_right_arithmetic3A_551 = arith.shrsi %min3A_548, %shift_right_arithmetic3A_550 : vector<16xi32>
    %add3A_552 = arith.addi %sub3A_545, %shift_right_arithmetic3A_551 : vector<16xi32>
    %min3A_553 = arith.constant 8 : i32
    %min3A_554 = vector.broadcast %min3A_553 : i32 to vector<16xi32>
    %min3A_555 = arith.minsi %get3A_539, %min3A_554 : vector<16xi32>
    %shift_right_arithmetic3A_556 = arith.constant 3 : i32
    %shift_right_arithmetic3A_557 = vector.broadcast %shift_right_arithmetic3A_556 : i32 to vector<16xi32>
    %shift_right_arithmetic3A_558 = arith.shrsi %min3A_555, %shift_right_arithmetic3A_557 : vector<16xi32>
    %add3A_559 = arith.addi %add3A_552, %shift_right_arithmetic3A_558 : vector<16xi32>
    %mul3A_560 = arith.constant 256 : i32
    %mul3A_561 = vector.broadcast %mul3A_560 : i32 to vector<16xi32>
    %mul3A_562 = arith.muli %add3A_559, %mul3A_561 : vector<16xi32>
    %swap3A_563 = arith.constant 320 : index
    %swap3A_564 = tpu.vector_load %arg7[%swap3A_563] {strides = array<i32>} : memref<512xi32, #tpu.memory_space<vmem>>, vector<16xi32>,
    tpu.vector_store %arg7[%swap3A_563], %mul3A_562 {strides = array<i32>} : memref<512xi32, #tpu.memory_space<vmem>>, vector<16xi32>,
    %get3A_565 = arith.constant 336 : index
    %get3A_566 = tpu.vector_load %arg5[%get3A_565] {strides = array<i32>} : memref<512xi32, #tpu.memory_space<vmem>>, vector<16xi32>,
    %min3A_567 = arith.constant 2 : i32
    %min3A_568 = vector.broadcast %min3A_567 : i32 to vector<16xi32>
    %min3A_569 = arith.minsi %get3A_566, %min3A_568 : vector<16xi32>
    %sub3A_570 = arith.constant 1 : i32
    %sub3A_571 = vector.broadcast %sub3A_570 : i32 to vector<16xi32>
    %sub3A_572 = arith.subi %min3A_569, %sub3A_571 : vector<16xi32>
    %min3A_573 = arith.constant 4 : i32
    %min3A_574 = vector.broadcast %min3A_573 : i32 to vector<16xi32>
    %min3A_575 = arith.minsi %get3A_566, %min3A_574 : vector<16xi32>
    %shift_right_arithmetic3A_576 = arith.constant 2 : i32
    %shift_right_arithmetic3A_577 = vector.broadcast %shift_right_arithmetic3A_576 : i32 to vector<16xi32>
    %shift_right_arithmetic3A_578 = arith.shrsi %min3A_575, %shift_right_arithmetic3A_577 : vector<16xi32>
    %add3A_579 = arith.addi %sub3A_572, %shift_right_arithmetic3A_578 : vector<16xi32>
    %min3A_580 = arith.constant 8 : i32
    %min3A_581 = vector.broadcast %min3A_580 : i32 to vector<16xi32>
    %min3A_582 = arith.minsi %get3A_566, %min3A_581 : vector<16xi32>
    %shift_right_arithmetic3A_583 = arith.constant 3 : i32
    %shift_right_arithmetic3A_584 = vector.broadcast %shift_right_arithmetic3A_583 : i32 to vector<16xi32>
    %shift_right_arithmetic3A_585 = arith.shrsi %min3A_582, %shift_right_arithmetic3A_584 : vector<16xi32>
    %add3A_586 = arith.addi %add3A_579, %shift_right_arithmetic3A_585 : vector<16xi32>
    %mul3A_587 = arith.constant 256 : i32
    %mul3A_588 = vector.broadcast %mul3A_587 : i32 to vector<16xi32>
    %mul3A_589 = arith.muli %add3A_586, %mul3A_588 : vector<16xi32>
    %swap3A_590 = arith.constant 336 : index
    %swap3A_591 = tpu.vector_load %arg7[%swap3A_590] {strides = array<i32>} : memref<512xi32, #tpu.memory_space<vmem>>, vector<16xi32>,
    tpu.vector_store %arg7[%swap3A_590], %mul3A_589 {strides = array<i32>} : memref<512xi32, #tpu.memory_space<vmem>>, vector<16xi32>,
    %get3A_592 = arith.constant 352 : index
    %get3A_593 = tpu.vector_load %arg5[%get3A_592] {strides = array<i32>} : memref<512xi32, #tpu.memory_space<vmem>>, vector<16xi32>,
    %min3A_594 = arith.constant 2 : i32
    %min3A_595 = vector.broadcast %min3A_594 : i32 to vector<16xi32>
    %min3A_596 = arith.minsi %get3A_593, %min3A_595 : vector<16xi32>
    %sub3A_597 = arith.constant 1 : i32
    %sub3A_598 = vector.broadcast %sub3A_597 : i32 to vector<16xi32>
    %sub3A_599 = arith.subi %min3A_596, %sub3A_598 : vector<16xi32>
    %min3A_600 = arith.constant 4 : i32
    %min3A_601 = vector.broadcast %min3A_600 : i32 to vector<16xi32>
    %min3A_602 = arith.minsi %get3A_593, %min3A_601 : vector<16xi32>
    %shift_right_arithmetic3A_603 = arith.constant 2 : i32
    %shift_right_arithmetic3A_604 = vector.broadcast %shift_right_arithmetic3A_603 : i32 to vector<16xi32>
    %shift_right_arithmetic3A_605 = arith.shrsi %min3A_602, %shift_right_arithmetic3A_604 : vector<16xi32>
    %add3A_606 = arith.addi %sub3A_599, %shift_right_arithmetic3A_605 : vector<16xi32>
    %min3A_607 = arith.constant 8 : i32
    %min3A_608 = vector.broadcast %min3A_607 : i32 to vector<16xi32>
    %min3A_609 = arith.minsi %get3A_593, %min3A_608 : vector<16xi32>
    %shift_right_arithmetic3A_610 = arith.constant 3 : i32
    %shift_right_arithmetic3A_611 = vector.broadcast %shift_right_arithmetic3A_610 : i32 to vector<16xi32>
    %shift_right_arithmetic3A_612 = arith.shrsi %min3A_609, %shift_right_arithmetic3A_611 : vector<16xi32>
    %add3A_613 = arith.addi %add3A_606, %shift_right_arithmetic3A_612 : vector<16xi32>
    %mul3A_614 = arith.constant 256 : i32
    %mul3A_615 = vector.broadcast %mul3A_614 : i32 to vector<16xi32>
    %mul3A_616 = arith.muli %add3A_613, %mul3A_615 : vector<16xi32>
    %swap3A_617 = arith.constant 352 : index
    %swap3A_618 = tpu.vector_load %arg7[%swap3A_617] {strides = array<i32>} : memref<512xi32, #tpu.memory_space<vmem>>, vector<16xi32>,
    tpu.vector_store %arg7[%swap3A_617], %mul3A_616 {strides = array<i32>} : memref<512xi32, #tpu.memory_space<vmem>>, vector<16xi32>,
    %get3A_619 = arith.constant 368 : index
    %get3A_620 = tpu.vector_load %arg5[%get3A_619] {strides = array<i32>} : memref<512xi32, #tpu.memory_space<vmem>>, vector<16xi32>,
    %min3A_621 = arith.constant 2 : i32
    %min3A_622 = vector.broadcast %min3A_621 : i32 to vector<16xi32>
    %min3A_623 = arith.minsi %get3A_620, %min3A_622 : vector<16xi32>
    %sub3A_624 = arith.constant 1 : i32
    %sub3A_625 = vector.broadcast %sub3A_624 : i32 to vector<16xi32>
    %sub3A_626 = arith.subi %min3A_623, %sub3A_625 : vector<16xi32>
    %min3A_627 = arith.constant 4 : i32
    %min3A_628 = vector.broadcast %min3A_627 : i32 to vector<16xi32>
    %min3A_629 = arith.minsi %get3A_620, %min3A_628 : vector<16xi32>
    %shift_right_arithmetic3A_630 = arith.constant 2 : i32
    %shift_right_arithmetic3A_631 = vector.broadcast %shift_right_arithmetic3A_630 : i32 to vector<16xi32>
    %shift_right_arithmetic3A_632 = arith.shrsi %min3A_629, %shift_right_arithmetic3A_631 : vector<16xi32>
    %add3A_633 = arith.addi %sub3A_626, %shift_right_arithmetic3A_632 : vector<16xi32>
    %min3A_634 = arith.constant 8 : i32
    %min3A_635 = vector.broadcast %min3A_634 : i32 to vector<16xi32>
    %min3A_636 = arith.minsi %get3A_620, %min3A_635 : vector<16xi32>
    %shift_right_arithmetic3A_637 = arith.constant 3 : i32
    %shift_right_arithmetic3A_638 = vector.broadcast %shift_right_arithmetic3A_637 : i32 to vector<16xi32>
    %shift_right_arithmetic3A_639 = arith.shrsi %min3A_636, %shift_right_arithmetic3A_638 : vector<16xi32>
    %add3A_640 = arith.addi %add3A_633, %shift_right_arithmetic3A_639 : vector<16xi32>
    %mul3A_641 = arith.constant 256 : i32
    %mul3A_642 = vector.broadcast %mul3A_641 : i32 to vector<16xi32>
    %mul3A_643 = arith.muli %add3A_640, %mul3A_642 : vector<16xi32>
    %swap3A_644 = arith.constant 368 : index
    %swap3A_645 = tpu.vector_load %arg7[%swap3A_644] {strides = array<i32>} : memref<512xi32, #tpu.memory_space<vmem>>, vector<16xi32>,
    tpu.vector_store %arg7[%swap3A_644], %mul3A_643 {strides = array<i32>} : memref<512xi32, #tpu.memory_space<vmem>>, vector<16xi32>,
    %get3A_646 = arith.constant 384 : index
    %get3A_647 = tpu.vector_load %arg5[%get3A_646] {strides = array<i32>} : memref<512xi32, #tpu.memory_space<vmem>>, vector<16xi32>,
    %min3A_648 = arith.constant 2 : i32
    %min3A_649 = vector.broadcast %min3A_648 : i32 to vector<16xi32>
    %min3A_650 = arith.minsi %get3A_647, %min3A_649 : vector<16xi32>
    %sub3A_651 = arith.constant 1 : i32
    %sub3A_652 = vector.broadcast %sub3A_651 : i32 to vector<16xi32>
    %sub3A_653 = arith.subi %min3A_650, %sub3A_652 : vector<16xi32>
    %min3A_654 = arith.constant 4 : i32
    %min3A_655 = vector.broadcast %min3A_654 : i32 to vector<16xi32>
    %min3A_656 = arith.minsi %get3A_647, %min3A_655 : vector<16xi32>
    %shift_right_arithmetic3A_657 = arith.constant 2 : i32
    %shift_right_arithmetic3A_658 = vector.broadcast %shift_right_arithmetic3A_657 : i32 to vector<16xi32>
    %shift_right_arithmetic3A_659 = arith.shrsi %min3A_656, %shift_right_arithmetic3A_658 : vector<16xi32>
    %add3A_660 = arith.addi %sub3A_653, %shift_right_arithmetic3A_659 : vector<16xi32>
    %min3A_661 = arith.constant 8 : i32
    %min3A_662 = vector.broadcast %min3A_661 : i32 to vector<16xi32>
    %min3A_663 = arith.minsi %get3A_647, %min3A_662 : vector<16xi32>
    %shift_right_arithmetic3A_664 = arith.constant 3 : i32
    %shift_right_arithmetic3A_665 = vector.broadcast %shift_right_arithmetic3A_664 : i32 to vector<16xi32>
    %shift_right_arithmetic3A_666 = arith.shrsi %min3A_663, %shift_right_arithmetic3A_665 : vector<16xi32>
    %add3A_667 = arith.addi %add3A_660, %shift_right_arithmetic3A_666 : vector<16xi32>
    %mul3A_668 = arith.constant 256 : i32
    %mul3A_669 = vector.broadcast %mul3A_668 : i32 to vector<16xi32>
    %mul3A_670 = arith.muli %add3A_667, %mul3A_669 : vector<16xi32>
    %swap3A_671 = arith.constant 384 : index
    %swap3A_672 = tpu.vector_load %arg7[%swap3A_671] {strides = array<i32>} : memref<512xi32, #tpu.memory_space<vmem>>, vector<16xi32>,
    tpu.vector_store %arg7[%swap3A_671], %mul3A_670 {strides = array<i32>} : memref<512xi32, #tpu.memory_space<vmem>>, vector<16xi32>,
    %get3A_673 = arith.constant 400 : index
    %get3A_674 = tpu.vector_load %arg5[%get3A_673] {strides = array<i32>} : memref<512xi32, #tpu.memory_space<vmem>>, vector<16xi32>,
    %min3A_675 = arith.constant 2 : i32
    %min3A_676 = vector.broadcast %min3A_675 : i32 to vector<16xi32>
    %min3A_677 = arith.minsi %get3A_674, %min3A_676 : vector<16xi32>
    %sub3A_678 = arith.constant 1 : i32
    %sub3A_679 = vector.broadcast %sub3A_678 : i32 to vector<16xi32>
    %sub3A_680 = arith.subi %min3A_677, %sub3A_679 : vector<16xi32>
    %min3A_681 = arith.constant 4 : i32
    %min3A_682 = vector.broadcast %min3A_681 : i32 to vector<16xi32>
    %min3A_683 = arith.minsi %get3A_674, %min3A_682 : vector<16xi32>
    %shift_right_arithmetic3A_684 = arith.constant 2 : i32
    %shift_right_arithmetic3A_685 = vector.broadcast %shift_right_arithmetic3A_684 : i32 to vector<16xi32>
    %shift_right_arithmetic3A_686 = arith.shrsi %min3A_683, %shift_right_arithmetic3A_685 : vector<16xi32>
    %add3A_687 = arith.addi %sub3A_680, %shift_right_arithmetic3A_686 : vector<16xi32>
    %min3A_688 = arith.constant 8 : i32
    %min3A_689 = vector.broadcast %min3A_688 : i32 to vector<16xi32>
    %min3A_690 = arith.minsi %get3A_674, %min3A_689 : vector<16xi32>
    %shift_right_arithmetic3A_691 = arith.constant 3 : i32
    %shift_right_arithmetic3A_692 = vector.broadcast %shift_right_arithmetic3A_691 : i32 to vector<16xi32>
    %shift_right_arithmetic3A_693 = arith.shrsi %min3A_690, %shift_right_arithmetic3A_692 : vector<16xi32>
    %add3A_694 = arith.addi %add3A_687, %shift_right_arithmetic3A_693 : vector<16xi32>
    %mul3A_695 = arith.constant 256 : i32
    %mul3A_696 = vector.broadcast %mul3A_695 : i32 to vector<16xi32>
    %mul3A_697 = arith.muli %add3A_694, %mul3A_696 : vector<16xi32>
    %swap3A_698 = arith.constant 400 : index
    %swap3A_699 = tpu.vector_load %arg7[%swap3A_698] {strides = array<i32>} : memref<512xi32, #tpu.memory_space<vmem>>, vector<16xi32>,
    tpu.vector_store %arg7[%swap3A_698], %mul3A_697 {strides = array<i32>} : memref<512xi32, #tpu.memory_space<vmem>>, vector<16xi32>,
    %get3A_700 = arith.constant 416 : index
    %get3A_701 = tpu.vector_load %arg5[%get3A_700] {strides = array<i32>} : memref<512xi32, #tpu.memory_space<vmem>>, vector<16xi32>,
    %min3A_702 = arith.constant 2 : i32
    %min3A_703 = vector.broadcast %min3A_702 : i32 to vector<16xi32>
    %min3A_704 = arith.minsi %get3A_701, %min3A_703 : vector<16xi32>
    %sub3A_705 = arith.constant 1 : i32
    %sub3A_706 = vector.broadcast %sub3A_705 : i32 to vector<16xi32>
    %sub3A_707 = arith.subi %min3A_704, %sub3A_706 : vector<16xi32>
    %min3A_708 = arith.constant 4 : i32
    %min3A_709 = vector.broadcast %min3A_708 : i32 to vector<16xi32>
    %min3A_710 = arith.minsi %get3A_701, %min3A_709 : vector<16xi32>
    %shift_right_arithmetic3A_711 = arith.constant 2 : i32
    %shift_right_arithmetic3A_712 = vector.broadcast %shift_right_arithmetic3A_711 : i32 to vector<16xi32>
    %shift_right_arithmetic3A_713 = arith.shrsi %min3A_710, %shift_right_arithmetic3A_712 : vector<16xi32>
    %add3A_714 = arith.addi %sub3A_707, %shift_right_arithmetic3A_713 : vector<16xi32>
    %min3A_715 = arith.constant 8 : i32
    %min3A_716 = vector.broadcast %min3A_715 : i32 to vector<16xi32>
    %min3A_717 = arith.minsi %get3A_701, %min3A_716 : vector<16xi32>
    %shift_right_arithmetic3A_718 = arith.constant 3 : i32
    %shift_right_arithmetic3A_719 = vector.broadcast %shift_right_arithmetic3A_718 : i32 to vector<16xi32>
    %shift_right_arithmetic3A_720 = arith.shrsi %min3A_717, %shift_right_arithmetic3A_719 : vector<16xi32>
    %add3A_721 = arith.addi %add3A_714, %shift_right_arithmetic3A_720 : vector<16xi32>
    %mul3A_722 = arith.constant 256 : i32
    %mul3A_723 = vector.broadcast %mul3A_722 : i32 to vector<16xi32>
    %mul3A_724 = arith.muli %add3A_721, %mul3A_723 : vector<16xi32>
    %swap3A_725 = arith.constant 416 : index
    %swap3A_726 = tpu.vector_load %arg7[%swap3A_725] {strides = array<i32>} : memref<512xi32, #tpu.memory_space<vmem>>, vector<16xi32>,
    tpu.vector_store %arg7[%swap3A_725], %mul3A_724 {strides = array<i32>} : memref<512xi32, #tpu.memory_space<vmem>>, vector<16xi32>,
    %get3A_727 = arith.constant 432 : index
    %get3A_728 = tpu.vector_load %arg5[%get3A_727] {strides = array<i32>} : memref<512xi32, #tpu.memory_space<vmem>>, vector<16xi32>,
    %min3A_729 = arith.constant 2 : i32
    %min3A_730 = vector.broadcast %min3A_729 : i32 to vector<16xi32>
    %min3A_731 = arith.minsi %get3A_728, %min3A_730 : vector<16xi32>
    %sub3A_732 = arith.constant 1 : i32
    %sub3A_733 = vector.broadcast %sub3A_732 : i32 to vector<16xi32>
    %sub3A_734 = arith.subi %min3A_731, %sub3A_733 : vector<16xi32>
    %min3A_735 = arith.constant 4 : i32
    %min3A_736 = vector.broadcast %min3A_735 : i32 to vector<16xi32>
    %min3A_737 = arith.minsi %get3A_728, %min3A_736 : vector<16xi32>
    %shift_right_arithmetic3A_738 = arith.constant 2 : i32
    %shift_right_arithmetic3A_739 = vector.broadcast %shift_right_arithmetic3A_738 : i32 to vector<16xi32>
    %shift_right_arithmetic3A_740 = arith.shrsi %min3A_737, %shift_right_arithmetic3A_739 : vector<16xi32>
    %add3A_741 = arith.addi %sub3A_734, %shift_right_arithmetic3A_740 : vector<16xi32>
    %min3A_742 = arith.constant 8 : i32
    %min3A_743 = vector.broadcast %min3A_742 : i32 to vector<16xi32>
    %min3A_744 = arith.minsi %get3A_728, %min3A_743 : vector<16xi32>
    %shift_right_arithmetic3A_745 = arith.constant 3 : i32
    %shift_right_arithmetic3A_746 = vector.broadcast %shift_right_arithmetic3A_745 : i32 to vector<16xi32>
    %shift_right_arithmetic3A_747 = arith.shrsi %min3A_744, %shift_right_arithmetic3A_746 : vector<16xi32>
    %add3A_748 = arith.addi %add3A_741, %shift_right_arithmetic3A_747 : vector<16xi32>
    %mul3A_749 = arith.constant 256 : i32
    %mul3A_750 = vector.broadcast %mul3A_749 : i32 to vector<16xi32>
    %mul3A_751 = arith.muli %add3A_748, %mul3A_750 : vector<16xi32>
    %swap3A_752 = arith.constant 432 : index
    %swap3A_753 = tpu.vector_load %arg7[%swap3A_752] {strides = array<i32>} : memref<512xi32, #tpu.memory_space<vmem>>, vector<16xi32>,
    tpu.vector_store %arg7[%swap3A_752], %mul3A_751 {strides = array<i32>} : memref<512xi32, #tpu.memory_space<vmem>>, vector<16xi32>,
    %get3A_754 = arith.constant 448 : index
    %get3A_755 = tpu.vector_load %arg5[%get3A_754] {strides = array<i32>} : memref<512xi32, #tpu.memory_space<vmem>>, vector<16xi32>,
    %min3A_756 = arith.constant 2 : i32
    %min3A_757 = vector.broadcast %min3A_756 : i32 to vector<16xi32>
    %min3A_758 = arith.minsi %get3A_755, %min3A_757 : vector<16xi32>
    %sub3A_759 = arith.constant 1 : i32
    %sub3A_760 = vector.broadcast %sub3A_759 : i32 to vector<16xi32>
    %sub3A_761 = arith.subi %min3A_758, %sub3A_760 : vector<16xi32>
    %min3A_762 = arith.constant 4 : i32
    %min3A_763 = vector.broadcast %min3A_762 : i32 to vector<16xi32>
    %min3A_764 = arith.minsi %get3A_755, %min3A_763 : vector<16xi32>
    %shift_right_arithmetic3A_765 = arith.constant 2 : i32
    %shift_right_arithmetic3A_766 = vector.broadcast %shift_right_arithmetic3A_765 : i32 to vector<16xi32>
    %shift_right_arithmetic3A_767 = arith.shrsi %min3A_764, %shift_right_arithmetic3A_766 : vector<16xi32>
    %add3A_768 = arith.addi %sub3A_761, %shift_right_arithmetic3A_767 : vector<16xi32>
    %min3A_769 = arith.constant 8 : i32
    %min3A_770 = vector.broadcast %min3A_769 : i32 to vector<16xi32>
    %min3A_771 = arith.minsi %get3A_755, %min3A_770 : vector<16xi32>
    %shift_right_arithmetic3A_772 = arith.constant 3 : i32
    %shift_right_arithmetic3A_773 = vector.broadcast %shift_right_arithmetic3A_772 : i32 to vector<16xi32>
    %shift_right_arithmetic3A_774 = arith.shrsi %min3A_771, %shift_right_arithmetic3A_773 : vector<16xi32>
    %add3A_775 = arith.addi %add3A_768, %shift_right_arithmetic3A_774 : vector<16xi32>
    %mul3A_776 = arith.constant 256 : i32
    %mul3A_777 = vector.broadcast %mul3A_776 : i32 to vector<16xi32>
    %mul3A_778 = arith.muli %add3A_775, %mul3A_777 : vector<16xi32>
    %swap3A_779 = arith.constant 448 : index
    %swap3A_780 = tpu.vector_load %arg7[%swap3A_779] {strides = array<i32>} : memref<512xi32, #tpu.memory_space<vmem>>, vector<16xi32>,
    tpu.vector_store %arg7[%swap3A_779], %mul3A_778 {strides = array<i32>} : memref<512xi32, #tpu.memory_space<vmem>>, vector<16xi32>,
    %get3A_781 = arith.constant 464 : index
    %get3A_782 = tpu.vector_load %arg5[%get3A_781] {strides = array<i32>} : memref<512xi32, #tpu.memory_space<vmem>>, vector<16xi32>,
    %min3A_783 = arith.constant 2 : i32
    %min3A_784 = vector.broadcast %min3A_783 : i32 to vector<16xi32>
    %min3A_785 = arith.minsi %get3A_782, %min3A_784 : vector<16xi32>
    %sub3A_786 = arith.constant 1 : i32
    %sub3A_787 = vector.broadcast %sub3A_786 : i32 to vector<16xi32>
    %sub3A_788 = arith.subi %min3A_785, %sub3A_787 : vector<16xi32>
    %min3A_789 = arith.constant 4 : i32
    %min3A_790 = vector.broadcast %min3A_789 : i32 to vector<16xi32>
    %min3A_791 = arith.minsi %get3A_782, %min3A_790 : vector<16xi32>
    %shift_right_arithmetic3A_792 = arith.constant 2 : i32
    %shift_right_arithmetic3A_793 = vector.broadcast %shift_right_arithmetic3A_792 : i32 to vector<16xi32>
    %shift_right_arithmetic3A_794 = arith.shrsi %min3A_791, %shift_right_arithmetic3A_793 : vector<16xi32>
    %add3A_795 = arith.addi %sub3A_788, %shift_right_arithmetic3A_794 : vector<16xi32>
    %min3A_796 = arith.constant 8 : i32
    %min3A_797 = vector.broadcast %min3A_796 : i32 to vector<16xi32>
    %min3A_798 = arith.minsi %get3A_782, %min3A_797 : vector<16xi32>
    %shift_right_arithmetic3A_799 = arith.constant 3 : i32
    %shift_right_arithmetic3A_800 = vector.broadcast %shift_right_arithmetic3A_799 : i32 to vector<16xi32>
    %shift_right_arithmetic3A_801 = arith.shrsi %min3A_798, %shift_right_arithmetic3A_800 : vector<16xi32>
    %add3A_802 = arith.addi %add3A_795, %shift_right_arithmetic3A_801 : vector<16xi32>
    %mul3A_803 = arith.constant 256 : i32
    %mul3A_804 = vector.broadcast %mul3A_803 : i32 to vector<16xi32>
    %mul3A_805 = arith.muli %add3A_802, %mul3A_804 : vector<16xi32>
    %swap3A_806 = arith.constant 464 : index
    %swap3A_807 = tpu.vector_load %arg7[%swap3A_806] {strides = array<i32>} : memref<512xi32, #tpu.memory_space<vmem>>, vector<16xi32>,
    tpu.vector_store %arg7[%swap3A_806], %mul3A_805 {strides = array<i32>} : memref<512xi32, #tpu.memory_space<vmem>>, vector<16xi32>,
    %get3A_808 = arith.constant 480 : index
    %get3A_809 = tpu.vector_load %arg5[%get3A_808] {strides = array<i32>} : memref<512xi32, #tpu.memory_space<vmem>>, vector<16xi32>,
    %min3A_810 = arith.constant 2 : i32
    %min3A_811 = vector.broadcast %min3A_810 : i32 to vector<16xi32>
    %min3A_812 = arith.minsi %get3A_809, %min3A_811 : vector<16xi32>
    %sub3A_813 = arith.constant 1 : i32
    %sub3A_814 = vector.broadcast %sub3A_813 : i32 to vector<16xi32>
    %sub3A_815 = arith.subi %min3A_812, %sub3A_814 : vector<16xi32>
    %min3A_816 = arith.constant 4 : i32
    %min3A_817 = vector.broadcast %min3A_816 : i32 to vector<16xi32>
    %min3A_818 = arith.minsi %get3A_809, %min3A_817 : vector<16xi32>
    %shift_right_arithmetic3A_819 = arith.constant 2 : i32
    %shift_right_arithmetic3A_820 = vector.broadcast %shift_right_arithmetic3A_819 : i32 to vector<16xi32>
    %shift_right_arithmetic3A_821 = arith.shrsi %min3A_818, %shift_right_arithmetic3A_820 : vector<16xi32>
    %add3A_822 = arith.addi %sub3A_815, %shift_right_arithmetic3A_821 : vector<16xi32>
    %min3A_823 = arith.constant 8 : i32
    %min3A_824 = vector.broadcast %min3A_823 : i32 to vector<16xi32>
    %min3A_825 = arith.minsi %get3A_809, %min3A_824 : vector<16xi32>
    %shift_right_arithmetic3A_826 = arith.constant 3 : i32
    %shift_right_arithmetic3A_827 = vector.broadcast %shift_right_arithmetic3A_826 : i32 to vector<16xi32>
    %shift_right_arithmetic3A_828 = arith.shrsi %min3A_825, %shift_right_arithmetic3A_827 : vector<16xi32>
    %add3A_829 = arith.addi %add3A_822, %shift_right_arithmetic3A_828 : vector<16xi32>
    %mul3A_830 = arith.constant 256 : i32
    %mul3A_831 = vector.broadcast %mul3A_830 : i32 to vector<16xi32>
    %mul3A_832 = arith.muli %add3A_829, %mul3A_831 : vector<16xi32>
    %swap3A_833 = arith.constant 480 : index
    %swap3A_834 = tpu.vector_load %arg7[%swap3A_833] {strides = array<i32>} : memref<512xi32, #tpu.memory_space<vmem>>, vector<16xi32>,
    tpu.vector_store %arg7[%swap3A_833], %mul3A_832 {strides = array<i32>} : memref<512xi32, #tpu.memory_space<vmem>>, vector<16xi32>,
    %get3A_835 = arith.constant 496 : index
    %get3A_836 = tpu.vector_load %arg5[%get3A_835] {strides = array<i32>} : memref<512xi32, #tpu.memory_space<vmem>>, vector<16xi32>,
    %min3A_837 = arith.constant 2 : i32
    %min3A_838 = vector.broadcast %min3A_837 : i32 to vector<16xi32>
    %min3A_839 = arith.minsi %get3A_836, %min3A_838 : vector<16xi32>
    %sub3A_840 = arith.constant 1 : i32
    %sub3A_841 = vector.broadcast %sub3A_840 : i32 to vector<16xi32>
    %sub3A_842 = arith.subi %min3A_839, %sub3A_841 : vector<16xi32>
    %min3A_843 = arith.constant 4 : i32
    %min3A_844 = vector.broadcast %min3A_843 : i32 to vector<16xi32>
    %min3A_845 = arith.minsi %get3A_836, %min3A_844 : vector<16xi32>
    %shift_right_arithmetic3A_846 = arith.constant 2 : i32
    %shift_right_arithmetic3A_847 = vector.broadcast %shift_right_arithmetic3A_846 : i32 to vector<16xi32>
    %shift_right_arithmetic3A_848 = arith.shrsi %min3A_845, %shift_right_arithmetic3A_847 : vector<16xi32>
    %add3A_849 = arith.addi %sub3A_842, %shift_right_arithmetic3A_848 : vector<16xi32>
    %min3A_850 = arith.constant 8 : i32
    %min3A_851 = vector.broadcast %min3A_850 : i32 to vector<16xi32>
    %min3A_852 = arith.minsi %get3A_836, %min3A_851 : vector<16xi32>
    %shift_right_arithmetic3A_853 = arith.constant 3 : i32
    %shift_right_arithmetic3A_854 = vector.broadcast %shift_right_arithmetic3A_853 : i32 to vector<16xi32>
    %shift_right_arithmetic3A_855 = arith.shrsi %min3A_852, %shift_right_arithmetic3A_854 : vector<16xi32>
    %add3A_856 = arith.addi %add3A_849, %shift_right_arithmetic3A_855 : vector<16xi32>
    %mul3A_857 = arith.constant 256 : i32
    %mul3A_858 = vector.broadcast %mul3A_857 : i32 to vector<16xi32>
    %mul3A_859 = arith.muli %add3A_856, %mul3A_858 : vector<16xi32>
    %swap3A_860 = arith.constant 496 : index
    %swap3A_861 = tpu.vector_load %arg7[%swap3A_860] {strides = array<i32>} : memref<512xi32, #tpu.memory_space<vmem>>, vector<16xi32>,
    tpu.vector_store %arg7[%swap3A_860], %mul3A_859 {strides = array<i32>} : memref<512xi32, #tpu.memory_space<vmem>>, vector<16xi32>,
    %iota3A = tpu.iota {dimensions = array<i32: 0>} : vector<16xi32>
    %parallel_loop3A = arith.constant 0 : i32
    %parallel_loop3A_862 = arith.constant 128 : i32
    %parallel_loop3A_863 = arith.constant 1 : i32
    scf.for %parallel_loop3A_911 = %parallel_loop3A to %parallel_loop3A_862 step %parallel_loop3A_863  : i32 {
      %parallel_loop3A_912 = arith.constant 0 : i32
      %parallel_loop3A_913 = arith.addi %parallel_loop3A_912, %parallel_loop3A_911 : i32
      %parallel_loop3A_914 = vector.broadcast %parallel_loop3A_913 : i32 to vector<16xi32>
      %parallel_loop3A_915 = tpu.vector_load_idx %arg7[%parallel_loop3A_914] : memref<512xi32, #tpu.memory_space<vmem>>[vector<16xi32>], vector<16xi32>,
      %parallel_loop3A_916 = arith.addi %parallel_loop3A_915, %iota3A : vector<16xi32>
      %parallel_loop3A_917 = vector.broadcast %parallel_loop3A_911 : i32 to vector<16xi32>
      %parallel_loop3A_918 = arith.constant 0 : i32
      %parallel_loop3A_919 = vector.broadcast %parallel_loop3A_918 : i32 to vector<16xi32>
      %parallel_loop3A_920 = arith.addi %parallel_loop3A_916, %parallel_loop3A_919 : vector<16xi32>
      %parallel_loop3A_921 = tpu.vector_load_idx %arg6[%parallel_loop3A_920] : memref<1024xf32, #tpu.memory_space<vmem>>[vector<16xi32>], vector<16xf32>,
      %parallel_loop3A_922 = arith.constant 0 : i32
      %parallel_loop3A_923 = vector.broadcast %parallel_loop3A_922 : i32 to vector<16xi32>
      %parallel_loop3A_924 = arith.addi %iota3A, %parallel_loop3A_923 : vector<16xi32>
      tpu.vector_store_idx %arg8[%parallel_loop3A_917, %parallel_loop3A_924], %parallel_loop3A_921 : memref<128x256xf32, #tpu.memory_space<vmem>>[vector<16xi32>, vector<16xi32>], vector<16xf32>,
      %parallel_loop3A_925 = arith.constant 16 : i32
      %parallel_loop3A_926 = vector.broadcast %parallel_loop3A_925 : i32 to vector<16xi32>
      %parallel_loop3A_927 = arith.addi %parallel_loop3A_916, %parallel_loop3A_926 : vector<16xi32>
      %parallel_loop3A_928 = tpu.vector_load_idx %arg6[%parallel_loop3A_927] : memref<1024xf32, #tpu.memory_space<vmem>>[vector<16xi32>], vector<16xf32>,
      %parallel_loop3A_929 = arith.constant 16 : i32
      %parallel_loop3A_930 = vector.broadcast %parallel_loop3A_929 : i32 to vector<16xi32>
      %parallel_loop3A_931 = arith.addi %iota3A, %parallel_loop3A_930 : vector<16xi32>
      tpu.vector_store_idx %arg8[%parallel_loop3A_917, %parallel_loop3A_931], %parallel_loop3A_928 : memref<128x256xf32, #tpu.memory_space<vmem>>[vector<16xi32>, vector<16xi32>], vector<16xf32>,
      %parallel_loop3A_932 = arith.constant 32 : i32
      %parallel_loop3A_933 = vector.broadcast %parallel_loop3A_932 : i32 to vector<16xi32>
      %parallel_loop3A_934 = arith.addi %parallel_loop3A_916, %parallel_loop3A_933 : vector<16xi32>
      %parallel_loop3A_935 = tpu.vector_load_idx %arg6[%parallel_loop3A_934] : memref<1024xf32, #tpu.memory_space<vmem>>[vector<16xi32>], vector<16xf32>,
      %parallel_loop3A_936 = arith.constant 32 : i32
      %parallel_loop3A_937 = vector.broadcast %parallel_loop3A_936 : i32 to vector<16xi32>
      %parallel_loop3A_938 = arith.addi %iota3A, %parallel_loop3A_937 : vector<16xi32>
      tpu.vector_store_idx %arg8[%parallel_loop3A_917, %parallel_loop3A_938], %parallel_loop3A_935 : memref<128x256xf32, #tpu.memory_space<vmem>>[vector<16xi32>, vector<16xi32>], vector<16xf32>,
      %parallel_loop3A_939 = arith.constant 48 : i32
      %parallel_loop3A_940 = vector.broadcast %parallel_loop3A_939 : i32 to vector<16xi32>
      %parallel_loop3A_941 = arith.addi %parallel_loop3A_916, %parallel_loop3A_940 : vector<16xi32>
      %parallel_loop3A_942 = tpu.vector_load_idx %arg6[%parallel_loop3A_941] : memref<1024xf32, #tpu.memory_space<vmem>>[vector<16xi32>], vector<16xf32>,
      %parallel_loop3A_943 = arith.constant 48 : i32
      %parallel_loop3A_944 = vector.broadcast %parallel_loop3A_943 : i32 to vector<16xi32>
      %parallel_loop3A_945 = arith.addi %iota3A, %parallel_loop3A_944 : vector<16xi32>
      tpu.vector_store_idx %arg8[%parallel_loop3A_917, %parallel_loop3A_945], %parallel_loop3A_942 : memref<128x256xf32, #tpu.memory_space<vmem>>[vector<16xi32>, vector<16xi32>], vector<16xf32>,
      %parallel_loop3A_946 = arith.constant 64 : i32
      %parallel_loop3A_947 = vector.broadcast %parallel_loop3A_946 : i32 to vector<16xi32>
      %parallel_loop3A_948 = arith.addi %parallel_loop3A_916, %parallel_loop3A_947 : vector<16xi32>
      %parallel_loop3A_949 = tpu.vector_load_idx %arg6[%parallel_loop3A_948] : memref<1024xf32, #tpu.memory_space<vmem>>[vector<16xi32>], vector<16xf32>,
      %parallel_loop3A_950 = arith.constant 64 : i32
      %parallel_loop3A_951 = vector.broadcast %parallel_loop3A_950 : i32 to vector<16xi32>
      %parallel_loop3A_952 = arith.addi %iota3A, %parallel_loop3A_951 : vector<16xi32>
      tpu.vector_store_idx %arg8[%parallel_loop3A_917, %parallel_loop3A_952], %parallel_loop3A_949 : memref<128x256xf32, #tpu.memory_space<vmem>>[vector<16xi32>, vector<16xi32>], vector<16xf32>,
      %parallel_loop3A_953 = arith.constant 80 : i32
      %parallel_loop3A_954 = vector.broadcast %parallel_loop3A_953 : i32 to vector<16xi32>
      %parallel_loop3A_955 = arith.addi %parallel_loop3A_916, %parallel_loop3A_954 : vector<16xi32>
      %parallel_loop3A_956 = tpu.vector_load_idx %arg6[%parallel_loop3A_955] : memref<1024xf32, #tpu.memory_space<vmem>>[vector<16xi32>], vector<16xf32>,
      %parallel_loop3A_957 = arith.constant 80 : i32
      %parallel_loop3A_958 = vector.broadcast %parallel_loop3A_957 : i32 to vector<16xi32>
      %parallel_loop3A_959 = arith.addi %iota3A, %parallel_loop3A_958 : vector<16xi32>
      tpu.vector_store_idx %arg8[%parallel_loop3A_917, %parallel_loop3A_959], %parallel_loop3A_956 : memref<128x256xf32, #tpu.memory_space<vmem>>[vector<16xi32>, vector<16xi32>], vector<16xf32>,
      %parallel_loop3A_960 = arith.constant 96 : i32
      %parallel_loop3A_961 = vector.broadcast %parallel_loop3A_960 : i32 to vector<16xi32>
      %parallel_loop3A_962 = arith.addi %parallel_loop3A_916, %parallel_loop3A_961 : vector<16xi32>
      %parallel_loop3A_963 = tpu.vector_load_idx %arg6[%parallel_loop3A_962] : memref<1024xf32, #tpu.memory_space<vmem>>[vector<16xi32>], vector<16xf32>,
      %parallel_loop3A_964 = arith.constant 96 : i32
      %parallel_loop3A_965 = vector.broadcast %parallel_loop3A_964 : i32 to vector<16xi32>
      %parallel_loop3A_966 = arith.addi %iota3A, %parallel_loop3A_965 : vector<16xi32>
      tpu.vector_store_idx %arg8[%parallel_loop3A_917, %parallel_loop3A_966], %parallel_loop3A_963 : memref<128x256xf32, #tpu.memory_space<vmem>>[vector<16xi32>, vector<16xi32>], vector<16xf32>,
      %parallel_loop3A_967 = arith.constant 112 : i32
      %parallel_loop3A_968 = vector.broadcast %parallel_loop3A_967 : i32 to vector<16xi32>
      %parallel_loop3A_969 = arith.addi %parallel_loop3A_916, %parallel_loop3A_968 : vector<16xi32>
      %parallel_loop3A_970 = tpu.vector_load_idx %arg6[%parallel_loop3A_969] : memref<1024xf32, #tpu.memory_space<vmem>>[vector<16xi32>], vector<16xf32>,
      %parallel_loop3A_971 = arith.constant 112 : i32
      %parallel_loop3A_972 = vector.broadcast %parallel_loop3A_971 : i32 to vector<16xi32>
      %parallel_loop3A_973 = arith.addi %iota3A, %parallel_loop3A_972 : vector<16xi32>
      tpu.vector_store_idx %arg8[%parallel_loop3A_917, %parallel_loop3A_973], %parallel_loop3A_970 : memref<128x256xf32, #tpu.memory_space<vmem>>[vector<16xi32>, vector<16xi32>], vector<16xf32>,
      %parallel_loop3A_974 = arith.constant 128 : i32
      %parallel_loop3A_975 = vector.broadcast %parallel_loop3A_974 : i32 to vector<16xi32>
      %parallel_loop3A_976 = arith.addi %parallel_loop3A_916, %parallel_loop3A_975 : vector<16xi32>
      %parallel_loop3A_977 = tpu.vector_load_idx %arg6[%parallel_loop3A_976] : memref<1024xf32, #tpu.memory_space<vmem>>[vector<16xi32>], vector<16xf32>,
      %parallel_loop3A_978 = arith.constant 128 : i32
      %parallel_loop3A_979 = vector.broadcast %parallel_loop3A_978 : i32 to vector<16xi32>
      %parallel_loop3A_980 = arith.addi %iota3A, %parallel_loop3A_979 : vector<16xi32>
      tpu.vector_store_idx %arg8[%parallel_loop3A_917, %parallel_loop3A_980], %parallel_loop3A_977 : memref<128x256xf32, #tpu.memory_space<vmem>>[vector<16xi32>, vector<16xi32>], vector<16xf32>,
      %parallel_loop3A_981 = arith.constant 144 : i32
      %parallel_loop3A_982 = vector.broadcast %parallel_loop3A_981 : i32 to vector<16xi32>
      %parallel_loop3A_983 = arith.addi %parallel_loop3A_916, %parallel_loop3A_982 : vector<16xi32>
      %parallel_loop3A_984 = tpu.vector_load_idx %arg6[%parallel_loop3A_983] : memref<1024xf32, #tpu.memory_space<vmem>>[vector<16xi32>], vector<16xf32>,
      %parallel_loop3A_985 = arith.constant 144 : i32
      %parallel_loop3A_986 = vector.broadcast %parallel_loop3A_985 : i32 to vector<16xi32>
      %parallel_loop3A_987 = arith.addi %iota3A, %parallel_loop3A_986 : vector<16xi32>
      tpu.vector_store_idx %arg8[%parallel_loop3A_917, %parallel_loop3A_987], %parallel_loop3A_984 : memref<128x256xf32, #tpu.memory_space<vmem>>[vector<16xi32>, vector<16xi32>], vector<16xf32>,
      %parallel_loop3A_988 = arith.constant 160 : i32
      %parallel_loop3A_989 = vector.broadcast %parallel_loop3A_988 : i32 to vector<16xi32>
      %parallel_loop3A_990 = arith.addi %parallel_loop3A_916, %parallel_loop3A_989 : vector<16xi32>
      %parallel_loop3A_991 = tpu.vector_load_idx %arg6[%parallel_loop3A_990] : memref<1024xf32, #tpu.memory_space<vmem>>[vector<16xi32>], vector<16xf32>,
      %parallel_loop3A_992 = arith.constant 160 : i32
      %parallel_loop3A_993 = vector.broadcast %parallel_loop3A_992 : i32 to vector<16xi32>
      %parallel_loop3A_994 = arith.addi %iota3A, %parallel_loop3A_993 : vector<16xi32>
      tpu.vector_store_idx %arg8[%parallel_loop3A_917, %parallel_loop3A_994], %parallel_loop3A_991 : memref<128x256xf32, #tpu.memory_space<vmem>>[vector<16xi32>, vector<16xi32>], vector<16xf32>,
      %parallel_loop3A_995 = arith.constant 176 : i32
      %parallel_loop3A_996 = vector.broadcast %parallel_loop3A_995 : i32 to vector<16xi32>
      %parallel_loop3A_997 = arith.addi %parallel_loop3A_916, %parallel_loop3A_996 : vector<16xi32>
      %parallel_loop3A_998 = tpu.vector_load_idx %arg6[%parallel_loop3A_997] : memref<1024xf32, #tpu.memory_space<vmem>>[vector<16xi32>], vector<16xf32>,
      %parallel_loop3A_999 = arith.constant 176 : i32
      %parallel_loop3A_1000 = vector.broadcast %parallel_loop3A_999 : i32 to vector<16xi32>
      %parallel_loop3A_1001 = arith.addi %iota3A, %parallel_loop3A_1000 : vector<16xi32>
      tpu.vector_store_idx %arg8[%parallel_loop3A_917, %parallel_loop3A_1001], %parallel_loop3A_998 : memref<128x256xf32, #tpu.memory_space<vmem>>[vector<16xi32>, vector<16xi32>], vector<16xf32>,
      %parallel_loop3A_1002 = arith.constant 192 : i32
      %parallel_loop3A_1003 = vector.broadcast %parallel_loop3A_1002 : i32 to vector<16xi32>
      %parallel_loop3A_1004 = arith.addi %parallel_loop3A_916, %parallel_loop3A_1003 : vector<16xi32>
      %parallel_loop3A_1005 = tpu.vector_load_idx %arg6[%parallel_loop3A_1004] : memref<1024xf32, #tpu.memory_space<vmem>>[vector<16xi32>], vector<16xf32>,
      %parallel_loop3A_1006 = arith.constant 192 : i32
      %parallel_loop3A_1007 = vector.broadcast %parallel_loop3A_1006 : i32 to vector<16xi32>
      %parallel_loop3A_1008 = arith.addi %iota3A, %parallel_loop3A_1007 : vector<16xi32>
      tpu.vector_store_idx %arg8[%parallel_loop3A_917, %parallel_loop3A_1008], %parallel_loop3A_1005 : memref<128x256xf32, #tpu.memory_space<vmem>>[vector<16xi32>, vector<16xi32>], vector<16xf32>,
      %parallel_loop3A_1009 = arith.constant 208 : i32
      %parallel_loop3A_1010 = vector.broadcast %parallel_loop3A_1009 : i32 to vector<16xi32>
      %parallel_loop3A_1011 = arith.addi %parallel_loop3A_916, %parallel_loop3A_1010 : vector<16xi32>
      %parallel_loop3A_1012 = tpu.vector_load_idx %arg6[%parallel_loop3A_1011] : memref<1024xf32, #tpu.memory_space<vmem>>[vector<16xi32>], vector<16xf32>,
      %parallel_loop3A_1013 = arith.constant 208 : i32
      %parallel_loop3A_1014 = vector.broadcast %parallel_loop3A_1013 : i32 to vector<16xi32>
      %parallel_loop3A_1015 = arith.addi %iota3A, %parallel_loop3A_1014 : vector<16xi32>
      tpu.vector_store_idx %arg8[%parallel_loop3A_917, %parallel_loop3A_1015], %parallel_loop3A_1012 : memref<128x256xf32, #tpu.memory_space<vmem>>[vector<16xi32>, vector<16xi32>], vector<16xf32>,
      %parallel_loop3A_1016 = arith.constant 224 : i32
      %parallel_loop3A_1017 = vector.broadcast %parallel_loop3A_1016 : i32 to vector<16xi32>
      %parallel_loop3A_1018 = arith.addi %parallel_loop3A_916, %parallel_loop3A_1017 : vector<16xi32>
      %parallel_loop3A_1019 = tpu.vector_load_idx %arg6[%parallel_loop3A_1018] : memref<1024xf32, #tpu.memory_space<vmem>>[vector<16xi32>], vector<16xf32>,
      %parallel_loop3A_1020 = arith.constant 224 : i32
      %parallel_loop3A_1021 = vector.broadcast %parallel_loop3A_1020 : i32 to vector<16xi32>
      %parallel_loop3A_1022 = arith.addi %iota3A, %parallel_loop3A_1021 : vector<16xi32>
      tpu.vector_store_idx %arg8[%parallel_loop3A_917, %parallel_loop3A_1022], %parallel_loop3A_1019 : memref<128x256xf32, #tpu.memory_space<vmem>>[vector<16xi32>, vector<16xi32>], vector<16xf32>,
      %parallel_loop3A_1023 = arith.constant 240 : i32
      %parallel_loop3A_1024 = vector.broadcast %parallel_loop3A_1023 : i32 to vector<16xi32>
      %parallel_loop3A_1025 = arith.addi %parallel_loop3A_916, %parallel_loop3A_1024 : vector<16xi32>
      %parallel_loop3A_1026 = tpu.vector_load_idx %arg6[%parallel_loop3A_1025] : memref<1024xf32, #tpu.memory_space<vmem>>[vector<16xi32>], vector<16xf32>,
      %parallel_loop3A_1027 = arith.constant 240 : i32
      %parallel_loop3A_1028 = vector.broadcast %parallel_loop3A_1027 : i32 to vector<16xi32>
      %parallel_loop3A_1029 = arith.addi %iota3A, %parallel_loop3A_1028 : vector<16xi32>
      tpu.vector_store_idx %arg8[%parallel_loop3A_917, %parallel_loop3A_1029], %parallel_loop3A_1026 : memref<128x256xf32, #tpu.memory_space<vmem>>[vector<16xi32>, vector<16xi32>], vector<16xf32>,
    } {sc.loop_unroll_factor = 2 : i64, sc.parallel_access}
    %add3A_864 = arith.constant 0 : i32
    %add3A_865 = arith.addi %multiple_of3A, %add3A_864 : i32
    %dma_start3A = arith.constant 0 : i32
    %dma_start3A_866 = tpu.memref_slice %arg4[%add3A_865, %dma_start3A] : memref<16384x256xf32, #tpu.memory_space<hbm>> -> memref<128x256xf32, #tpu.memory_space<hbm>>
    %dma_start3A_867 = arith.constant 0 : i32
    %dma_start3A_868 = tpu.memref_slice %arg4[%add3A_865, %dma_start3A_867] : memref<16384x256xf32, #tpu.memory_space<hbm>> -> memref<128x256xf32, #tpu.memory_space<hbm>>
    tpu.enqueue_dma source(%arg8 : memref<128x256xf32, #tpu.memory_space<vmem>>) target(%dma_start3A_868 : memref<128x256xf32, #tpu.memory_space<hbm>>) target_semaphore(%arg10 : memref<!tpu.dma_semaphore, #tpu.memory_space<semaphore_mem>>)
    %parallel_loop3A_869 = arith.constant 0 : i32
    %parallel_loop3A_870 = arith.constant 128 : i32
    %parallel_loop3A_871 = arith.constant 1 : i32
    scf.for %parallel_loop3A_911 = %parallel_loop3A_869 to %parallel_loop3A_870 step %parallel_loop3A_871  : i32 {
      %parallel_loop3A_912 = arith.constant 128 : i32
      %parallel_loop3A_913 = arith.addi %parallel_loop3A_912, %parallel_loop3A_911 : i32
      %parallel_loop3A_914 = vector.broadcast %parallel_loop3A_913 : i32 to vector<16xi32>
      %parallel_loop3A_915 = tpu.vector_load_idx %arg7[%parallel_loop3A_914] : memref<512xi32, #tpu.memory_space<vmem>>[vector<16xi32>], vector<16xi32>,
      %parallel_loop3A_916 = arith.addi %parallel_loop3A_915, %iota3A : vector<16xi32>
      %parallel_loop3A_917 = vector.broadcast %parallel_loop3A_911 : i32 to vector<16xi32>
      %parallel_loop3A_918 = arith.constant 0 : i32
      %parallel_loop3A_919 = vector.broadcast %parallel_loop3A_918 : i32 to vector<16xi32>
      %parallel_loop3A_920 = arith.addi %parallel_loop3A_916, %parallel_loop3A_919 : vector<16xi32>
      %parallel_loop3A_921 = tpu.vector_load_idx %arg6[%parallel_loop3A_920] : memref<1024xf32, #tpu.memory_space<vmem>>[vector<16xi32>], vector<16xf32>,
      %parallel_loop3A_922 = arith.constant 0 : i32
      %parallel_loop3A_923 = vector.broadcast %parallel_loop3A_922 : i32 to vector<16xi32>
      %parallel_loop3A_924 = arith.addi %iota3A, %parallel_loop3A_923 : vector<16xi32>
      tpu.vector_store_idx %arg9[%parallel_loop3A_917, %parallel_loop3A_924], %parallel_loop3A_921 : memref<128x256xf32, #tpu.memory_space<vmem>>[vector<16xi32>, vector<16xi32>], vector<16xf32>,
      %parallel_loop3A_925 = arith.constant 16 : i32
      %parallel_loop3A_926 = vector.broadcast %parallel_loop3A_925 : i32 to vector<16xi32>
      %parallel_loop3A_927 = arith.addi %parallel_loop3A_916, %parallel_loop3A_926 : vector<16xi32>
      %parallel_loop3A_928 = tpu.vector_load_idx %arg6[%parallel_loop3A_927] : memref<1024xf32, #tpu.memory_space<vmem>>[vector<16xi32>], vector<16xf32>,
      %parallel_loop3A_929 = arith.constant 16 : i32
      %parallel_loop3A_930 = vector.broadcast %parallel_loop3A_929 : i32 to vector<16xi32>
      %parallel_loop3A_931 = arith.addi %iota3A, %parallel_loop3A_930 : vector<16xi32>
      tpu.vector_store_idx %arg9[%parallel_loop3A_917, %parallel_loop3A_931], %parallel_loop3A_928 : memref<128x256xf32, #tpu.memory_space<vmem>>[vector<16xi32>, vector<16xi32>], vector<16xf32>,
      %parallel_loop3A_932 = arith.constant 32 : i32
      %parallel_loop3A_933 = vector.broadcast %parallel_loop3A_932 : i32 to vector<16xi32>
      %parallel_loop3A_934 = arith.addi %parallel_loop3A_916, %parallel_loop3A_933 : vector<16xi32>
      %parallel_loop3A_935 = tpu.vector_load_idx %arg6[%parallel_loop3A_934] : memref<1024xf32, #tpu.memory_space<vmem>>[vector<16xi32>], vector<16xf32>,
      %parallel_loop3A_936 = arith.constant 32 : i32
      %parallel_loop3A_937 = vector.broadcast %parallel_loop3A_936 : i32 to vector<16xi32>
      %parallel_loop3A_938 = arith.addi %iota3A, %parallel_loop3A_937 : vector<16xi32>
      tpu.vector_store_idx %arg9[%parallel_loop3A_917, %parallel_loop3A_938], %parallel_loop3A_935 : memref<128x256xf32, #tpu.memory_space<vmem>>[vector<16xi32>, vector<16xi32>], vector<16xf32>,
      %parallel_loop3A_939 = arith.constant 48 : i32
      %parallel_loop3A_940 = vector.broadcast %parallel_loop3A_939 : i32 to vector<16xi32>
      %parallel_loop3A_941 = arith.addi %parallel_loop3A_916, %parallel_loop3A_940 : vector<16xi32>
      %parallel_loop3A_942 = tpu.vector_load_idx %arg6[%parallel_loop3A_941] : memref<1024xf32, #tpu.memory_space<vmem>>[vector<16xi32>], vector<16xf32>,
      %parallel_loop3A_943 = arith.constant 48 : i32
      %parallel_loop3A_944 = vector.broadcast %parallel_loop3A_943 : i32 to vector<16xi32>
      %parallel_loop3A_945 = arith.addi %iota3A, %parallel_loop3A_944 : vector<16xi32>
      tpu.vector_store_idx %arg9[%parallel_loop3A_917, %parallel_loop3A_945], %parallel_loop3A_942 : memref<128x256xf32, #tpu.memory_space<vmem>>[vector<16xi32>, vector<16xi32>], vector<16xf32>,
      %parallel_loop3A_946 = arith.constant 64 : i32
      %parallel_loop3A_947 = vector.broadcast %parallel_loop3A_946 : i32 to vector<16xi32>
      %parallel_loop3A_948 = arith.addi %parallel_loop3A_916, %parallel_loop3A_947 : vector<16xi32>
      %parallel_loop3A_949 = tpu.vector_load_idx %arg6[%parallel_loop3A_948] : memref<1024xf32, #tpu.memory_space<vmem>>[vector<16xi32>], vector<16xf32>,
      %parallel_loop3A_950 = arith.constant 64 : i32
      %parallel_loop3A_951 = vector.broadcast %parallel_loop3A_950 : i32 to vector<16xi32>
      %parallel_loop3A_952 = arith.addi %iota3A, %parallel_loop3A_951 : vector<16xi32>
      tpu.vector_store_idx %arg9[%parallel_loop3A_917, %parallel_loop3A_952], %parallel_loop3A_949 : memref<128x256xf32, #tpu.memory_space<vmem>>[vector<16xi32>, vector<16xi32>], vector<16xf32>,
      %parallel_loop3A_953 = arith.constant 80 : i32
      %parallel_loop3A_954 = vector.broadcast %parallel_loop3A_953 : i32 to vector<16xi32>
      %parallel_loop3A_955 = arith.addi %parallel_loop3A_916, %parallel_loop3A_954 : vector<16xi32>
      %parallel_loop3A_956 = tpu.vector_load_idx %arg6[%parallel_loop3A_955] : memref<1024xf32, #tpu.memory_space<vmem>>[vector<16xi32>], vector<16xf32>,
      %parallel_loop3A_957 = arith.constant 80 : i32
      %parallel_loop3A_958 = vector.broadcast %parallel_loop3A_957 : i32 to vector<16xi32>
      %parallel_loop3A_959 = arith.addi %iota3A, %parallel_loop3A_958 : vector<16xi32>
      tpu.vector_store_idx %arg9[%parallel_loop3A_917, %parallel_loop3A_959], %parallel_loop3A_956 : memref<128x256xf32, #tpu.memory_space<vmem>>[vector<16xi32>, vector<16xi32>], vector<16xf32>,
      %parallel_loop3A_960 = arith.constant 96 : i32
      %parallel_loop3A_961 = vector.broadcast %parallel_loop3A_960 : i32 to vector<16xi32>
      %parallel_loop3A_962 = arith.addi %parallel_loop3A_916, %parallel_loop3A_961 : vector<16xi32>
      %parallel_loop3A_963 = tpu.vector_load_idx %arg6[%parallel_loop3A_962] : memref<1024xf32, #tpu.memory_space<vmem>>[vector<16xi32>], vector<16xf32>,
      %parallel_loop3A_964 = arith.constant 96 : i32
      %parallel_loop3A_965 = vector.broadcast %parallel_loop3A_964 : i32 to vector<16xi32>
      %parallel_loop3A_966 = arith.addi %iota3A, %parallel_loop3A_965 : vector<16xi32>
      tpu.vector_store_idx %arg9[%parallel_loop3A_917, %parallel_loop3A_966], %parallel_loop3A_963 : memref<128x256xf32, #tpu.memory_space<vmem>>[vector<16xi32>, vector<16xi32>], vector<16xf32>,
      %parallel_loop3A_967 = arith.constant 112 : i32
      %parallel_loop3A_968 = vector.broadcast %parallel_loop3A_967 : i32 to vector<16xi32>
      %parallel_loop3A_969 = arith.addi %parallel_loop3A_916, %parallel_loop3A_968 : vector<16xi32>
      %parallel_loop3A_970 = tpu.vector_load_idx %arg6[%parallel_loop3A_969] : memref<1024xf32, #tpu.memory_space<vmem>>[vector<16xi32>], vector<16xf32>,
      %parallel_loop3A_971 = arith.constant 112 : i32
      %parallel_loop3A_972 = vector.broadcast %parallel_loop3A_971 : i32 to vector<16xi32>
      %parallel_loop3A_973 = arith.addi %iota3A, %parallel_loop3A_972 : vector<16xi32>
      tpu.vector_store_idx %arg9[%parallel_loop3A_917, %parallel_loop3A_973], %parallel_loop3A_970 : memref<128x256xf32, #tpu.memory_space<vmem>>[vector<16xi32>, vector<16xi32>], vector<16xf32>,
      %parallel_loop3A_974 = arith.constant 128 : i32
      %parallel_loop3A_975 = vector.broadcast %parallel_loop3A_974 : i32 to vector<16xi32>
      %parallel_loop3A_976 = arith.addi %parallel_loop3A_916, %parallel_loop3A_975 : vector<16xi32>
      %parallel_loop3A_977 = tpu.vector_load_idx %arg6[%parallel_loop3A_976] : memref<1024xf32, #tpu.memory_space<vmem>>[vector<16xi32>], vector<16xf32>,
      %parallel_loop3A_978 = arith.constant 128 : i32
      %parallel_loop3A_979 = vector.broadcast %parallel_loop3A_978 : i32 to vector<16xi32>
      %parallel_loop3A_980 = arith.addi %iota3A, %parallel_loop3A_979 : vector<16xi32>
      tpu.vector_store_idx %arg9[%parallel_loop3A_917, %parallel_loop3A_980], %parallel_loop3A_977 : memref<128x256xf32, #tpu.memory_space<vmem>>[vector<16xi32>, vector<16xi32>], vector<16xf32>,
      %parallel_loop3A_981 = arith.constant 144 : i32
      %parallel_loop3A_982 = vector.broadcast %parallel_loop3A_981 : i32 to vector<16xi32>
      %parallel_loop3A_983 = arith.addi %parallel_loop3A_916, %parallel_loop3A_982 : vector<16xi32>
      %parallel_loop3A_984 = tpu.vector_load_idx %arg6[%parallel_loop3A_983] : memref<1024xf32, #tpu.memory_space<vmem>>[vector<16xi32>], vector<16xf32>,
      %parallel_loop3A_985 = arith.constant 144 : i32
      %parallel_loop3A_986 = vector.broadcast %parallel_loop3A_985 : i32 to vector<16xi32>
      %parallel_loop3A_987 = arith.addi %iota3A, %parallel_loop3A_986 : vector<16xi32>
      tpu.vector_store_idx %arg9[%parallel_loop3A_917, %parallel_loop3A_987], %parallel_loop3A_984 : memref<128x256xf32, #tpu.memory_space<vmem>>[vector<16xi32>, vector<16xi32>], vector<16xf32>,
      %parallel_loop3A_988 = arith.constant 160 : i32
      %parallel_loop3A_989 = vector.broadcast %parallel_loop3A_988 : i32 to vector<16xi32>
      %parallel_loop3A_990 = arith.addi %parallel_loop3A_916, %parallel_loop3A_989 : vector<16xi32>
      %parallel_loop3A_991 = tpu.vector_load_idx %arg6[%parallel_loop3A_990] : memref<1024xf32, #tpu.memory_space<vmem>>[vector<16xi32>], vector<16xf32>,
      %parallel_loop3A_992 = arith.constant 160 : i32
      %parallel_loop3A_993 = vector.broadcast %parallel_loop3A_992 : i32 to vector<16xi32>
      %parallel_loop3A_994 = arith.addi %iota3A, %parallel_loop3A_993 : vector<16xi32>
      tpu.vector_store_idx %arg9[%parallel_loop3A_917, %parallel_loop3A_994], %parallel_loop3A_991 : memref<128x256xf32, #tpu.memory_space<vmem>>[vector<16xi32>, vector<16xi32>], vector<16xf32>,
      %parallel_loop3A_995 = arith.constant 176 : i32
      %parallel_loop3A_996 = vector.broadcast %parallel_loop3A_995 : i32 to vector<16xi32>
      %parallel_loop3A_997 = arith.addi %parallel_loop3A_916, %parallel_loop3A_996 : vector<16xi32>
      %parallel_loop3A_998 = tpu.vector_load_idx %arg6[%parallel_loop3A_997] : memref<1024xf32, #tpu.memory_space<vmem>>[vector<16xi32>], vector<16xf32>,
      %parallel_loop3A_999 = arith.constant 176 : i32
      %parallel_loop3A_1000 = vector.broadcast %parallel_loop3A_999 : i32 to vector<16xi32>
      %parallel_loop3A_1001 = arith.addi %iota3A, %parallel_loop3A_1000 : vector<16xi32>
      tpu.vector_store_idx %arg9[%parallel_loop3A_917, %parallel_loop3A_1001], %parallel_loop3A_998 : memref<128x256xf32, #tpu.memory_space<vmem>>[vector<16xi32>, vector<16xi32>], vector<16xf32>,
      %parallel_loop3A_1002 = arith.constant 192 : i32
      %parallel_loop3A_1003 = vector.broadcast %parallel_loop3A_1002 : i32 to vector<16xi32>
      %parallel_loop3A_1004 = arith.addi %parallel_loop3A_916, %parallel_loop3A_1003 : vector<16xi32>
      %parallel_loop3A_1005 = tpu.vector_load_idx %arg6[%parallel_loop3A_1004] : memref<1024xf32, #tpu.memory_space<vmem>>[vector<16xi32>], vector<16xf32>,
      %parallel_loop3A_1006 = arith.constant 192 : i32
      %parallel_loop3A_1007 = vector.broadcast %parallel_loop3A_1006 : i32 to vector<16xi32>
      %parallel_loop3A_1008 = arith.addi %iota3A, %parallel_loop3A_1007 : vector<16xi32>
      tpu.vector_store_idx %arg9[%parallel_loop3A_917, %parallel_loop3A_1008], %parallel_loop3A_1005 : memref<128x256xf32, #tpu.memory_space<vmem>>[vector<16xi32>, vector<16xi32>], vector<16xf32>,
      %parallel_loop3A_1009 = arith.constant 208 : i32
      %parallel_loop3A_1010 = vector.broadcast %parallel_loop3A_1009 : i32 to vector<16xi32>
      %parallel_loop3A_1011 = arith.addi %parallel_loop3A_916, %parallel_loop3A_1010 : vector<16xi32>
      %parallel_loop3A_1012 = tpu.vector_load_idx %arg6[%parallel_loop3A_1011] : memref<1024xf32, #tpu.memory_space<vmem>>[vector<16xi32>], vector<16xf32>,
      %parallel_loop3A_1013 = arith.constant 208 : i32
      %parallel_loop3A_1014 = vector.broadcast %parallel_loop3A_1013 : i32 to vector<16xi32>
      %parallel_loop3A_1015 = arith.addi %iota3A, %parallel_loop3A_1014 : vector<16xi32>
      tpu.vector_store_idx %arg9[%parallel_loop3A_917, %parallel_loop3A_1015], %parallel_loop3A_1012 : memref<128x256xf32, #tpu.memory_space<vmem>>[vector<16xi32>, vector<16xi32>], vector<16xf32>,
      %parallel_loop3A_1016 = arith.constant 224 : i32
      %parallel_loop3A_1017 = vector.broadcast %parallel_loop3A_1016 : i32 to vector<16xi32>
      %parallel_loop3A_1018 = arith.addi %parallel_loop3A_916, %parallel_loop3A_1017 : vector<16xi32>
      %parallel_loop3A_1019 = tpu.vector_load_idx %arg6[%parallel_loop3A_1018] : memref<1024xf32, #tpu.memory_space<vmem>>[vector<16xi32>], vector<16xf32>,
      %parallel_loop3A_1020 = arith.constant 224 : i32
      %parallel_loop3A_1021 = vector.broadcast %parallel_loop3A_1020 : i32 to vector<16xi32>
      %parallel_loop3A_1022 = arith.addi %iota3A, %parallel_loop3A_1021 : vector<16xi32>
      tpu.vector_store_idx %arg9[%parallel_loop3A_917, %parallel_loop3A_1022], %parallel_loop3A_1019 : memref<128x256xf32, #tpu.memory_space<vmem>>[vector<16xi32>, vector<16xi32>], vector<16xf32>,
      %parallel_loop3A_1023 = arith.constant 240 : i32
      %parallel_loop3A_1024 = vector.broadcast %parallel_loop3A_1023 : i32 to vector<16xi32>
      %parallel_loop3A_1025 = arith.addi %parallel_loop3A_916, %parallel_loop3A_1024 : vector<16xi32>
      %parallel_loop3A_1026 = tpu.vector_load_idx %arg6[%parallel_loop3A_1025] : memref<1024xf32, #tpu.memory_space<vmem>>[vector<16xi32>], vector<16xf32>,
      %parallel_loop3A_1027 = arith.constant 240 : i32
      %parallel_loop3A_1028 = vector.broadcast %parallel_loop3A_1027 : i32 to vector<16xi32>
      %parallel_loop3A_1029 = arith.addi %iota3A, %parallel_loop3A_1028 : vector<16xi32>
      tpu.vector_store_idx %arg9[%parallel_loop3A_917, %parallel_loop3A_1029], %parallel_loop3A_1026 : memref<128x256xf32, #tpu.memory_space<vmem>>[vector<16xi32>, vector<16xi32>], vector<16xf32>,
    } {sc.loop_unroll_factor = 2 : i64, sc.parallel_access}
    %add3A_872 = arith.constant 128 : i32
    %add3A_873 = arith.addi %multiple_of3A, %add3A_872 : i32
    %dma_start3A_874 = arith.constant 0 : i32
    %dma_start3A_875 = tpu.memref_slice %arg4[%add3A_873, %dma_start3A_874] : memref<16384x256xf32, #tpu.memory_space<hbm>> -> memref<128x256xf32, #tpu.memory_space<hbm>>
    %dma_start3A_876 = arith.constant 0 : i32
    %dma_start3A_877 = tpu.memref_slice %arg4[%add3A_873, %dma_start3A_876] : memref<16384x256xf32, #tpu.memory_space<hbm>> -> memref<128x256xf32, #tpu.memory_space<hbm>>
    tpu.enqueue_dma source(%arg9 : memref<128x256xf32, #tpu.memory_space<vmem>>) target(%dma_start3A_877 : memref<128x256xf32, #tpu.memory_space<hbm>>) target_semaphore(%arg11 : memref<!tpu.dma_semaphore, #tpu.memory_space<semaphore_mem>>)
    %dma_wait3A = arith.constant 0 : i32
    %dma_wait3A_878 = tpu.memref_slice %arg4[%add3A_865, %dma_wait3A] : memref<16384x256xf32, #tpu.memory_space<hbm>> -> memref<128x256xf32, #tpu.memory_space<hbm>>
    %dma_wait3A_879 = arith.constant 0 : i32
    %dma_wait3A_880 = tpu.memref_slice %arg4[%add3A_865, %dma_wait3A_879] : memref<16384x256xf32, #tpu.memory_space<hbm>> -> memref<128x256xf32, #tpu.memory_space<hbm>>
    tpu.wait_dma2 semaphore(%arg10 : memref<!tpu.dma_semaphore, #tpu.memory_space<semaphore_mem>>) src(%arg8 : memref<128x256xf32, #tpu.memory_space<vmem>>) dst(%dma_wait3A_880 : memref<128x256xf32, #tpu.memory_space<hbm>>)
    %parallel_loop3A_881 = arith.constant 0 : i32
    %parallel_loop3A_882 = arith.constant 128 : i32
    %parallel_loop3A_883 = arith.constant 1 : i32
    scf.for %parallel_loop3A_911 = %parallel_loop3A_881 to %parallel_loop3A_882 step %parallel_loop3A_883  : i32 {
      %parallel_loop3A_912 = arith.constant 256 : i32
      %parallel_loop3A_913 = arith.addi %parallel_loop3A_912, %parallel_loop3A_911 : i32
      %parallel_loop3A_914 = vector.broadcast %parallel_loop3A_913 : i32 to vector<16xi32>
      %parallel_loop3A_915 = tpu.vector_load_idx %arg7[%parallel_loop3A_914] : memref<512xi32, #tpu.memory_space<vmem>>[vector<16xi32>], vector<16xi32>,
      %parallel_loop3A_916 = arith.addi %parallel_loop3A_915, %iota3A : vector<16xi32>
      %parallel_loop3A_917 = vector.broadcast %parallel_loop3A_911 : i32 to vector<16xi32>
      %parallel_loop3A_918 = arith.constant 0 : i32
      %parallel_loop3A_919 = vector.broadcast %parallel_loop3A_918 : i32 to vector<16xi32>
      %parallel_loop3A_920 = arith.addi %parallel_loop3A_916, %parallel_loop3A_919 : vector<16xi32>
      %parallel_loop3A_921 = tpu.vector_load_idx %arg6[%parallel_loop3A_920] : memref<1024xf32, #tpu.memory_space<vmem>>[vector<16xi32>], vector<16xf32>,
      %parallel_loop3A_922 = arith.constant 0 : i32
      %parallel_loop3A_923 = vector.broadcast %parallel_loop3A_922 : i32 to vector<16xi32>
      %parallel_loop3A_924 = arith.addi %iota3A, %parallel_loop3A_923 : vector<16xi32>
      tpu.vector_store_idx %arg8[%parallel_loop3A_917, %parallel_loop3A_924], %parallel_loop3A_921 : memref<128x256xf32, #tpu.memory_space<vmem>>[vector<16xi32>, vector<16xi32>], vector<16xf32>,
      %parallel_loop3A_925 = arith.constant 16 : i32
      %parallel_loop3A_926 = vector.broadcast %parallel_loop3A_925 : i32 to vector<16xi32>
      %parallel_loop3A_927 = arith.addi %parallel_loop3A_916, %parallel_loop3A_926 : vector<16xi32>
      %parallel_loop3A_928 = tpu.vector_load_idx %arg6[%parallel_loop3A_927] : memref<1024xf32, #tpu.memory_space<vmem>>[vector<16xi32>], vector<16xf32>,
      %parallel_loop3A_929 = arith.constant 16 : i32
      %parallel_loop3A_930 = vector.broadcast %parallel_loop3A_929 : i32 to vector<16xi32>
      %parallel_loop3A_931 = arith.addi %iota3A, %parallel_loop3A_930 : vector<16xi32>
      tpu.vector_store_idx %arg8[%parallel_loop3A_917, %parallel_loop3A_931], %parallel_loop3A_928 : memref<128x256xf32, #tpu.memory_space<vmem>>[vector<16xi32>, vector<16xi32>], vector<16xf32>,
      %parallel_loop3A_932 = arith.constant 32 : i32
      %parallel_loop3A_933 = vector.broadcast %parallel_loop3A_932 : i32 to vector<16xi32>
      %parallel_loop3A_934 = arith.addi %parallel_loop3A_916, %parallel_loop3A_933 : vector<16xi32>
      %parallel_loop3A_935 = tpu.vector_load_idx %arg6[%parallel_loop3A_934] : memref<1024xf32, #tpu.memory_space<vmem>>[vector<16xi32>], vector<16xf32>,
      %parallel_loop3A_936 = arith.constant 32 : i32
      %parallel_loop3A_937 = vector.broadcast %parallel_loop3A_936 : i32 to vector<16xi32>
      %parallel_loop3A_938 = arith.addi %iota3A, %parallel_loop3A_937 : vector<16xi32>
      tpu.vector_store_idx %arg8[%parallel_loop3A_917, %parallel_loop3A_938], %parallel_loop3A_935 : memref<128x256xf32, #tpu.memory_space<vmem>>[vector<16xi32>, vector<16xi32>], vector<16xf32>,
      %parallel_loop3A_939 = arith.constant 48 : i32
      %parallel_loop3A_940 = vector.broadcast %parallel_loop3A_939 : i32 to vector<16xi32>
      %parallel_loop3A_941 = arith.addi %parallel_loop3A_916, %parallel_loop3A_940 : vector<16xi32>
      %parallel_loop3A_942 = tpu.vector_load_idx %arg6[%parallel_loop3A_941] : memref<1024xf32, #tpu.memory_space<vmem>>[vector<16xi32>], vector<16xf32>,
      %parallel_loop3A_943 = arith.constant 48 : i32
      %parallel_loop3A_944 = vector.broadcast %parallel_loop3A_943 : i32 to vector<16xi32>
      %parallel_loop3A_945 = arith.addi %iota3A, %parallel_loop3A_944 : vector<16xi32>
      tpu.vector_store_idx %arg8[%parallel_loop3A_917, %parallel_loop3A_945], %parallel_loop3A_942 : memref<128x256xf32, #tpu.memory_space<vmem>>[vector<16xi32>, vector<16xi32>], vector<16xf32>,
      %parallel_loop3A_946 = arith.constant 64 : i32
      %parallel_loop3A_947 = vector.broadcast %parallel_loop3A_946 : i32 to vector<16xi32>
      %parallel_loop3A_948 = arith.addi %parallel_loop3A_916, %parallel_loop3A_947 : vector<16xi32>
      %parallel_loop3A_949 = tpu.vector_load_idx %arg6[%parallel_loop3A_948] : memref<1024xf32, #tpu.memory_space<vmem>>[vector<16xi32>], vector<16xf32>,
      %parallel_loop3A_950 = arith.constant 64 : i32
      %parallel_loop3A_951 = vector.broadcast %parallel_loop3A_950 : i32 to vector<16xi32>
      %parallel_loop3A_952 = arith.addi %iota3A, %parallel_loop3A_951 : vector<16xi32>
      tpu.vector_store_idx %arg8[%parallel_loop3A_917, %parallel_loop3A_952], %parallel_loop3A_949 : memref<128x256xf32, #tpu.memory_space<vmem>>[vector<16xi32>, vector<16xi32>], vector<16xf32>,
      %parallel_loop3A_953 = arith.constant 80 : i32
      %parallel_loop3A_954 = vector.broadcast %parallel_loop3A_953 : i32 to vector<16xi32>
      %parallel_loop3A_955 = arith.addi %parallel_loop3A_916, %parallel_loop3A_954 : vector<16xi32>
      %parallel_loop3A_956 = tpu.vector_load_idx %arg6[%parallel_loop3A_955] : memref<1024xf32, #tpu.memory_space<vmem>>[vector<16xi32>], vector<16xf32>,
      %parallel_loop3A_957 = arith.constant 80 : i32
      %parallel_loop3A_958 = vector.broadcast %parallel_loop3A_957 : i32 to vector<16xi32>
      %parallel_loop3A_959 = arith.addi %iota3A, %parallel_loop3A_958 : vector<16xi32>
      tpu.vector_store_idx %arg8[%parallel_loop3A_917, %parallel_loop3A_959], %parallel_loop3A_956 : memref<128x256xf32, #tpu.memory_space<vmem>>[vector<16xi32>, vector<16xi32>], vector<16xf32>,
      %parallel_loop3A_960 = arith.constant 96 : i32
      %parallel_loop3A_961 = vector.broadcast %parallel_loop3A_960 : i32 to vector<16xi32>
      %parallel_loop3A_962 = arith.addi %parallel_loop3A_916, %parallel_loop3A_961 : vector<16xi32>
      %parallel_loop3A_963 = tpu.vector_load_idx %arg6[%parallel_loop3A_962] : memref<1024xf32, #tpu.memory_space<vmem>>[vector<16xi32>], vector<16xf32>,
      %parallel_loop3A_964 = arith.constant 96 : i32
      %parallel_loop3A_965 = vector.broadcast %parallel_loop3A_964 : i32 to vector<16xi32>
      %parallel_loop3A_966 = arith.addi %iota3A, %parallel_loop3A_965 : vector<16xi32>
      tpu.vector_store_idx %arg8[%parallel_loop3A_917, %parallel_loop3A_966], %parallel_loop3A_963 : memref<128x256xf32, #tpu.memory_space<vmem>>[vector<16xi32>, vector<16xi32>], vector<16xf32>,
      %parallel_loop3A_967 = arith.constant 112 : i32
      %parallel_loop3A_968 = vector.broadcast %parallel_loop3A_967 : i32 to vector<16xi32>
      %parallel_loop3A_969 = arith.addi %parallel_loop3A_916, %parallel_loop3A_968 : vector<16xi32>
      %parallel_loop3A_970 = tpu.vector_load_idx %arg6[%parallel_loop3A_969] : memref<1024xf32, #tpu.memory_space<vmem>>[vector<16xi32>], vector<16xf32>,
      %parallel_loop3A_971 = arith.constant 112 : i32
      %parallel_loop3A_972 = vector.broadcast %parallel_loop3A_971 : i32 to vector<16xi32>
      %parallel_loop3A_973 = arith.addi %iota3A, %parallel_loop3A_972 : vector<16xi32>
      tpu.vector_store_idx %arg8[%parallel_loop3A_917, %parallel_loop3A_973], %parallel_loop3A_970 : memref<128x256xf32, #tpu.memory_space<vmem>>[vector<16xi32>, vector<16xi32>], vector<16xf32>,
      %parallel_loop3A_974 = arith.constant 128 : i32
      %parallel_loop3A_975 = vector.broadcast %parallel_loop3A_974 : i32 to vector<16xi32>
      %parallel_loop3A_976 = arith.addi %parallel_loop3A_916, %parallel_loop3A_975 : vector<16xi32>
      %parallel_loop3A_977 = tpu.vector_load_idx %arg6[%parallel_loop3A_976] : memref<1024xf32, #tpu.memory_space<vmem>>[vector<16xi32>], vector<16xf32>,
      %parallel_loop3A_978 = arith.constant 128 : i32
      %parallel_loop3A_979 = vector.broadcast %parallel_loop3A_978 : i32 to vector<16xi32>
      %parallel_loop3A_980 = arith.addi %iota3A, %parallel_loop3A_979 : vector<16xi32>
      tpu.vector_store_idx %arg8[%parallel_loop3A_917, %parallel_loop3A_980], %parallel_loop3A_977 : memref<128x256xf32, #tpu.memory_space<vmem>>[vector<16xi32>, vector<16xi32>], vector<16xf32>,
      %parallel_loop3A_981 = arith.constant 144 : i32
      %parallel_loop3A_982 = vector.broadcast %parallel_loop3A_981 : i32 to vector<16xi32>
      %parallel_loop3A_983 = arith.addi %parallel_loop3A_916, %parallel_loop3A_982 : vector<16xi32>
      %parallel_loop3A_984 = tpu.vector_load_idx %arg6[%parallel_loop3A_983] : memref<1024xf32, #tpu.memory_space<vmem>>[vector<16xi32>], vector<16xf32>,
      %parallel_loop3A_985 = arith.constant 144 : i32
      %parallel_loop3A_986 = vector.broadcast %parallel_loop3A_985 : i32 to vector<16xi32>
      %parallel_loop3A_987 = arith.addi %iota3A, %parallel_loop3A_986 : vector<16xi32>
      tpu.vector_store_idx %arg8[%parallel_loop3A_917, %parallel_loop3A_987], %parallel_loop3A_984 : memref<128x256xf32, #tpu.memory_space<vmem>>[vector<16xi32>, vector<16xi32>], vector<16xf32>,
      %parallel_loop3A_988 = arith.constant 160 : i32
      %parallel_loop3A_989 = vector.broadcast %parallel_loop3A_988 : i32 to vector<16xi32>
      %parallel_loop3A_990 = arith.addi %parallel_loop3A_916, %parallel_loop3A_989 : vector<16xi32>
      %parallel_loop3A_991 = tpu.vector_load_idx %arg6[%parallel_loop3A_990] : memref<1024xf32, #tpu.memory_space<vmem>>[vector<16xi32>], vector<16xf32>,
      %parallel_loop3A_992 = arith.constant 160 : i32
      %parallel_loop3A_993 = vector.broadcast %parallel_loop3A_992 : i32 to vector<16xi32>
      %parallel_loop3A_994 = arith.addi %iota3A, %parallel_loop3A_993 : vector<16xi32>
      tpu.vector_store_idx %arg8[%parallel_loop3A_917, %parallel_loop3A_994], %parallel_loop3A_991 : memref<128x256xf32, #tpu.memory_space<vmem>>[vector<16xi32>, vector<16xi32>], vector<16xf32>,
      %parallel_loop3A_995 = arith.constant 176 : i32
      %parallel_loop3A_996 = vector.broadcast %parallel_loop3A_995 : i32 to vector<16xi32>
      %parallel_loop3A_997 = arith.addi %parallel_loop3A_916, %parallel_loop3A_996 : vector<16xi32>
      %parallel_loop3A_998 = tpu.vector_load_idx %arg6[%parallel_loop3A_997] : memref<1024xf32, #tpu.memory_space<vmem>>[vector<16xi32>], vector<16xf32>,
      %parallel_loop3A_999 = arith.constant 176 : i32
      %parallel_loop3A_1000 = vector.broadcast %parallel_loop3A_999 : i32 to vector<16xi32>
      %parallel_loop3A_1001 = arith.addi %iota3A, %parallel_loop3A_1000 : vector<16xi32>
      tpu.vector_store_idx %arg8[%parallel_loop3A_917, %parallel_loop3A_1001], %parallel_loop3A_998 : memref<128x256xf32, #tpu.memory_space<vmem>>[vector<16xi32>, vector<16xi32>], vector<16xf32>,
      %parallel_loop3A_1002 = arith.constant 192 : i32
      %parallel_loop3A_1003 = vector.broadcast %parallel_loop3A_1002 : i32 to vector<16xi32>
      %parallel_loop3A_1004 = arith.addi %parallel_loop3A_916, %parallel_loop3A_1003 : vector<16xi32>
      %parallel_loop3A_1005 = tpu.vector_load_idx %arg6[%parallel_loop3A_1004] : memref<1024xf32, #tpu.memory_space<vmem>>[vector<16xi32>], vector<16xf32>,
      %parallel_loop3A_1006 = arith.constant 192 : i32
      %parallel_loop3A_1007 = vector.broadcast %parallel_loop3A_1006 : i32 to vector<16xi32>
      %parallel_loop3A_1008 = arith.addi %iota3A, %parallel_loop3A_1007 : vector<16xi32>
      tpu.vector_store_idx %arg8[%parallel_loop3A_917, %parallel_loop3A_1008], %parallel_loop3A_1005 : memref<128x256xf32, #tpu.memory_space<vmem>>[vector<16xi32>, vector<16xi32>], vector<16xf32>,
      %parallel_loop3A_1009 = arith.constant 208 : i32
      %parallel_loop3A_1010 = vector.broadcast %parallel_loop3A_1009 : i32 to vector<16xi32>
      %parallel_loop3A_1011 = arith.addi %parallel_loop3A_916, %parallel_loop3A_1010 : vector<16xi32>
      %parallel_loop3A_1012 = tpu.vector_load_idx %arg6[%parallel_loop3A_1011] : memref<1024xf32, #tpu.memory_space<vmem>>[vector<16xi32>], vector<16xf32>,
      %parallel_loop3A_1013 = arith.constant 208 : i32
      %parallel_loop3A_1014 = vector.broadcast %parallel_loop3A_1013 : i32 to vector<16xi32>
      %parallel_loop3A_1015 = arith.addi %iota3A, %parallel_loop3A_1014 : vector<16xi32>
      tpu.vector_store_idx %arg8[%parallel_loop3A_917, %parallel_loop3A_1015], %parallel_loop3A_1012 : memref<128x256xf32, #tpu.memory_space<vmem>>[vector<16xi32>, vector<16xi32>], vector<16xf32>,
      %parallel_loop3A_1016 = arith.constant 224 : i32
      %parallel_loop3A_1017 = vector.broadcast %parallel_loop3A_1016 : i32 to vector<16xi32>
      %parallel_loop3A_1018 = arith.addi %parallel_loop3A_916, %parallel_loop3A_1017 : vector<16xi32>
      %parallel_loop3A_1019 = tpu.vector_load_idx %arg6[%parallel_loop3A_1018] : memref<1024xf32, #tpu.memory_space<vmem>>[vector<16xi32>], vector<16xf32>,
      %parallel_loop3A_1020 = arith.constant 224 : i32
      %parallel_loop3A_1021 = vector.broadcast %parallel_loop3A_1020 : i32 to vector<16xi32>
      %parallel_loop3A_1022 = arith.addi %iota3A, %parallel_loop3A_1021 : vector<16xi32>
      tpu.vector_store_idx %arg8[%parallel_loop3A_917, %parallel_loop3A_1022], %parallel_loop3A_1019 : memref<128x256xf32, #tpu.memory_space<vmem>>[vector<16xi32>, vector<16xi32>], vector<16xf32>,
      %parallel_loop3A_1023 = arith.constant 240 : i32
      %parallel_loop3A_1024 = vector.broadcast %parallel_loop3A_1023 : i32 to vector<16xi32>
      %parallel_loop3A_1025 = arith.addi %parallel_loop3A_916, %parallel_loop3A_1024 : vector<16xi32>
      %parallel_loop3A_1026 = tpu.vector_load_idx %arg6[%parallel_loop3A_1025] : memref<1024xf32, #tpu.memory_space<vmem>>[vector<16xi32>], vector<16xf32>,
      %parallel_loop3A_1027 = arith.constant 240 : i32
      %parallel_loop3A_1028 = vector.broadcast %parallel_loop3A_1027 : i32 to vector<16xi32>
      %parallel_loop3A_1029 = arith.addi %iota3A, %parallel_loop3A_1028 : vector<16xi32>
      tpu.vector_store_idx %arg8[%parallel_loop3A_917, %parallel_loop3A_1029], %parallel_loop3A_1026 : memref<128x256xf32, #tpu.memory_space<vmem>>[vector<16xi32>, vector<16xi32>], vector<16xf32>,
    } {sc.loop_unroll_factor = 2 : i64, sc.parallel_access}
    %add3A_884 = arith.constant 256 : i32
    %add3A_885 = arith.addi %multiple_of3A, %add3A_884 : i32
    %dma_start3A_886 = arith.constant 0 : i32
    %dma_start3A_887 = tpu.memref_slice %arg4[%add3A_885, %dma_start3A_886] : memref<16384x256xf32, #tpu.memory_space<hbm>> -> memref<128x256xf32, #tpu.memory_space<hbm>>
    %dma_start3A_888 = arith.constant 0 : i32
    %dma_start3A_889 = tpu.memref_slice %arg4[%add3A_885, %dma_start3A_888] : memref<16384x256xf32, #tpu.memory_space<hbm>> -> memref<128x256xf32, #tpu.memory_space<hbm>>
    tpu.enqueue_dma source(%arg8 : memref<128x256xf32, #tpu.memory_space<vmem>>) target(%dma_start3A_889 : memref<128x256xf32, #tpu.memory_space<hbm>>) target_semaphore(%arg10 : memref<!tpu.dma_semaphore, #tpu.memory_space<semaphore_mem>>)
    %dma_wait3A_890 = arith.constant 0 : i32
    %dma_wait3A_891 = tpu.memref_slice %arg4[%add3A_873, %dma_wait3A_890] : memref<16384x256xf32, #tpu.memory_space<hbm>> -> memref<128x256xf32, #tpu.memory_space<hbm>>
    %dma_wait3A_892 = arith.constant 0 : i32
    %dma_wait3A_893 = tpu.memref_slice %arg4[%add3A_873, %dma_wait3A_892] : memref<16384x256xf32, #tpu.memory_space<hbm>> -> memref<128x256xf32, #tpu.memory_space<hbm>>
    tpu.wait_dma2 semaphore(%arg11 : memref<!tpu.dma_semaphore, #tpu.memory_space<semaphore_mem>>) src(%arg9 : memref<128x256xf32, #tpu.memory_space<vmem>>) dst(%dma_wait3A_893 : memref<128x256xf32, #tpu.memory_space<hbm>>)
    %parallel_loop3A_894 = arith.constant 0 : i32
    %parallel_loop3A_895 = arith.constant 128 : i32
    %parallel_loop3A_896 = arith.constant 1 : i32
    scf.for %parallel_loop3A_911 = %parallel_loop3A_894 to %parallel_loop3A_895 step %parallel_loop3A_896  : i32 {
      %parallel_loop3A_912 = arith.constant 384 : i32
      %parallel_loop3A_913 = arith.addi %parallel_loop3A_912, %parallel_loop3A_911 : i32
      %parallel_loop3A_914 = vector.broadcast %parallel_loop3A_913 : i32 to vector<16xi32>
      %parallel_loop3A_915 = tpu.vector_load_idx %arg7[%parallel_loop3A_914] : memref<512xi32, #tpu.memory_space<vmem>>[vector<16xi32>], vector<16xi32>,
      %parallel_loop3A_916 = arith.addi %parallel_loop3A_915, %iota3A : vector<16xi32>
      %parallel_loop3A_917 = vector.broadcast %parallel_loop3A_911 : i32 to vector<16xi32>
      %parallel_loop3A_918 = arith.constant 0 : i32
      %parallel_loop3A_919 = vector.broadcast %parallel_loop3A_918 : i32 to vector<16xi32>
      %parallel_loop3A_920 = arith.addi %parallel_loop3A_916, %parallel_loop3A_919 : vector<16xi32>
      %parallel_loop3A_921 = tpu.vector_load_idx %arg6[%parallel_loop3A_920] : memref<1024xf32, #tpu.memory_space<vmem>>[vector<16xi32>], vector<16xf32>,
      %parallel_loop3A_922 = arith.constant 0 : i32
      %parallel_loop3A_923 = vector.broadcast %parallel_loop3A_922 : i32 to vector<16xi32>
      %parallel_loop3A_924 = arith.addi %iota3A, %parallel_loop3A_923 : vector<16xi32>
      tpu.vector_store_idx %arg9[%parallel_loop3A_917, %parallel_loop3A_924], %parallel_loop3A_921 : memref<128x256xf32, #tpu.memory_space<vmem>>[vector<16xi32>, vector<16xi32>], vector<16xf32>,
      %parallel_loop3A_925 = arith.constant 16 : i32
      %parallel_loop3A_926 = vector.broadcast %parallel_loop3A_925 : i32 to vector<16xi32>
      %parallel_loop3A_927 = arith.addi %parallel_loop3A_916, %parallel_loop3A_926 : vector<16xi32>
      %parallel_loop3A_928 = tpu.vector_load_idx %arg6[%parallel_loop3A_927] : memref<1024xf32, #tpu.memory_space<vmem>>[vector<16xi32>], vector<16xf32>,
      %parallel_loop3A_929 = arith.constant 16 : i32
      %parallel_loop3A_930 = vector.broadcast %parallel_loop3A_929 : i32 to vector<16xi32>
      %parallel_loop3A_931 = arith.addi %iota3A, %parallel_loop3A_930 : vector<16xi32>
      tpu.vector_store_idx %arg9[%parallel_loop3A_917, %parallel_loop3A_931], %parallel_loop3A_928 : memref<128x256xf32, #tpu.memory_space<vmem>>[vector<16xi32>, vector<16xi32>], vector<16xf32>,
      %parallel_loop3A_932 = arith.constant 32 : i32
      %parallel_loop3A_933 = vector.broadcast %parallel_loop3A_932 : i32 to vector<16xi32>
      %parallel_loop3A_934 = arith.addi %parallel_loop3A_916, %parallel_loop3A_933 : vector<16xi32>
      %parallel_loop3A_935 = tpu.vector_load_idx %arg6[%parallel_loop3A_934] : memref<1024xf32, #tpu.memory_space<vmem>>[vector<16xi32>], vector<16xf32>,
      %parallel_loop3A_936 = arith.constant 32 : i32
      %parallel_loop3A_937 = vector.broadcast %parallel_loop3A_936 : i32 to vector<16xi32>
      %parallel_loop3A_938 = arith.addi %iota3A, %parallel_loop3A_937 : vector<16xi32>
      tpu.vector_store_idx %arg9[%parallel_loop3A_917, %parallel_loop3A_938], %parallel_loop3A_935 : memref<128x256xf32, #tpu.memory_space<vmem>>[vector<16xi32>, vector<16xi32>], vector<16xf32>,
      %parallel_loop3A_939 = arith.constant 48 : i32
      %parallel_loop3A_940 = vector.broadcast %parallel_loop3A_939 : i32 to vector<16xi32>
      %parallel_loop3A_941 = arith.addi %parallel_loop3A_916, %parallel_loop3A_940 : vector<16xi32>
      %parallel_loop3A_942 = tpu.vector_load_idx %arg6[%parallel_loop3A_941] : memref<1024xf32, #tpu.memory_space<vmem>>[vector<16xi32>], vector<16xf32>,
      %parallel_loop3A_943 = arith.constant 48 : i32
      %parallel_loop3A_944 = vector.broadcast %parallel_loop3A_943 : i32 to vector<16xi32>
      %parallel_loop3A_945 = arith.addi %iota3A, %parallel_loop3A_944 : vector<16xi32>
      tpu.vector_store_idx %arg9[%parallel_loop3A_917, %parallel_loop3A_945], %parallel_loop3A_942 : memref<128x256xf32, #tpu.memory_space<vmem>>[vector<16xi32>, vector<16xi32>], vector<16xf32>,
      %parallel_loop3A_946 = arith.constant 64 : i32
      %parallel_loop3A_947 = vector.broadcast %parallel_loop3A_946 : i32 to vector<16xi32>
      %parallel_loop3A_948 = arith.addi %parallel_loop3A_916, %parallel_loop3A_947 : vector<16xi32>
      %parallel_loop3A_949 = tpu.vector_load_idx %arg6[%parallel_loop3A_948] : memref<1024xf32, #tpu.memory_space<vmem>>[vector<16xi32>], vector<16xf32>,
      %parallel_loop3A_950 = arith.constant 64 : i32
      %parallel_loop3A_951 = vector.broadcast %parallel_loop3A_950 : i32 to vector<16xi32>
      %parallel_loop3A_952 = arith.addi %iota3A, %parallel_loop3A_951 : vector<16xi32>
      tpu.vector_store_idx %arg9[%parallel_loop3A_917, %parallel_loop3A_952], %parallel_loop3A_949 : memref<128x256xf32, #tpu.memory_space<vmem>>[vector<16xi32>, vector<16xi32>], vector<16xf32>,
      %parallel_loop3A_953 = arith.constant 80 : i32
      %parallel_loop3A_954 = vector.broadcast %parallel_loop3A_953 : i32 to vector<16xi32>
      %parallel_loop3A_955 = arith.addi %parallel_loop3A_916, %parallel_loop3A_954 : vector<16xi32>
      %parallel_loop3A_956 = tpu.vector_load_idx %arg6[%parallel_loop3A_955] : memref<1024xf32, #tpu.memory_space<vmem>>[vector<16xi32>], vector<16xf32>,
      %parallel_loop3A_957 = arith.constant 80 : i32
      %parallel_loop3A_958 = vector.broadcast %parallel_loop3A_957 : i32 to vector<16xi32>
      %parallel_loop3A_959 = arith.addi %iota3A, %parallel_loop3A_958 : vector<16xi32>
      tpu.vector_store_idx %arg9[%parallel_loop3A_917, %parallel_loop3A_959], %parallel_loop3A_956 : memref<128x256xf32, #tpu.memory_space<vmem>>[vector<16xi32>, vector<16xi32>], vector<16xf32>,
      %parallel_loop3A_960 = arith.constant 96 : i32
      %parallel_loop3A_961 = vector.broadcast %parallel_loop3A_960 : i32 to vector<16xi32>
      %parallel_loop3A_962 = arith.addi %parallel_loop3A_916, %parallel_loop3A_961 : vector<16xi32>
      %parallel_loop3A_963 = tpu.vector_load_idx %arg6[%parallel_loop3A_962] : memref<1024xf32, #tpu.memory_space<vmem>>[vector<16xi32>], vector<16xf32>,
      %parallel_loop3A_964 = arith.constant 96 : i32
      %parallel_loop3A_965 = vector.broadcast %parallel_loop3A_964 : i32 to vector<16xi32>
      %parallel_loop3A_966 = arith.addi %iota3A, %parallel_loop3A_965 : vector<16xi32>
      tpu.vector_store_idx %arg9[%parallel_loop3A_917, %parallel_loop3A_966], %parallel_loop3A_963 : memref<128x256xf32, #tpu.memory_space<vmem>>[vector<16xi32>, vector<16xi32>], vector<16xf32>,
      %parallel_loop3A_967 = arith.constant 112 : i32
      %parallel_loop3A_968 = vector.broadcast %parallel_loop3A_967 : i32 to vector<16xi32>
      %parallel_loop3A_969 = arith.addi %parallel_loop3A_916, %parallel_loop3A_968 : vector<16xi32>
      %parallel_loop3A_970 = tpu.vector_load_idx %arg6[%parallel_loop3A_969] : memref<1024xf32, #tpu.memory_space<vmem>>[vector<16xi32>], vector<16xf32>,
      %parallel_loop3A_971 = arith.constant 112 : i32
      %parallel_loop3A_972 = vector.broadcast %parallel_loop3A_971 : i32 to vector<16xi32>
      %parallel_loop3A_973 = arith.addi %iota3A, %parallel_loop3A_972 : vector<16xi32>
      tpu.vector_store_idx %arg9[%parallel_loop3A_917, %parallel_loop3A_973], %parallel_loop3A_970 : memref<128x256xf32, #tpu.memory_space<vmem>>[vector<16xi32>, vector<16xi32>], vector<16xf32>,
      %parallel_loop3A_974 = arith.constant 128 : i32
      %parallel_loop3A_975 = vector.broadcast %parallel_loop3A_974 : i32 to vector<16xi32>
      %parallel_loop3A_976 = arith.addi %parallel_loop3A_916, %parallel_loop3A_975 : vector<16xi32>
      %parallel_loop3A_977 = tpu.vector_load_idx %arg6[%parallel_loop3A_976] : memref<1024xf32, #tpu.memory_space<vmem>>[vector<16xi32>], vector<16xf32>,
      %parallel_loop3A_978 = arith.constant 128 : i32
      %parallel_loop3A_979 = vector.broadcast %parallel_loop3A_978 : i32 to vector<16xi32>
      %parallel_loop3A_980 = arith.addi %iota3A, %parallel_loop3A_979 : vector<16xi32>
      tpu.vector_store_idx %arg9[%parallel_loop3A_917, %parallel_loop3A_980], %parallel_loop3A_977 : memref<128x256xf32, #tpu.memory_space<vmem>>[vector<16xi32>, vector<16xi32>], vector<16xf32>,
      %parallel_loop3A_981 = arith.constant 144 : i32
      %parallel_loop3A_982 = vector.broadcast %parallel_loop3A_981 : i32 to vector<16xi32>
      %parallel_loop3A_983 = arith.addi %parallel_loop3A_916, %parallel_loop3A_982 : vector<16xi32>
      %parallel_loop3A_984 = tpu.vector_load_idx %arg6[%parallel_loop3A_983] : memref<1024xf32, #tpu.memory_space<vmem>>[vector<16xi32>], vector<16xf32>,
      %parallel_loop3A_985 = arith.constant 144 : i32
      %parallel_loop3A_986 = vector.broadcast %parallel_loop3A_985 : i32 to vector<16xi32>
      %parallel_loop3A_987 = arith.addi %iota3A, %parallel_loop3A_986 : vector<16xi32>
      tpu.vector_store_idx %arg9[%parallel_loop3A_917, %parallel_loop3A_987], %parallel_loop3A_984 : memref<128x256xf32, #tpu.memory_space<vmem>>[vector<16xi32>, vector<16xi32>], vector<16xf32>,
      %parallel_loop3A_988 = arith.constant 160 : i32
      %parallel_loop3A_989 = vector.broadcast %parallel_loop3A_988 : i32 to vector<16xi32>
      %parallel_loop3A_990 = arith.addi %parallel_loop3A_916, %parallel_loop3A_989 : vector<16xi32>
      %parallel_loop3A_991 = tpu.vector_load_idx %arg6[%parallel_loop3A_990] : memref<1024xf32, #tpu.memory_space<vmem>>[vector<16xi32>], vector<16xf32>,
      %parallel_loop3A_992 = arith.constant 160 : i32
      %parallel_loop3A_993 = vector.broadcast %parallel_loop3A_992 : i32 to vector<16xi32>
      %parallel_loop3A_994 = arith.addi %iota3A, %parallel_loop3A_993 : vector<16xi32>
      tpu.vector_store_idx %arg9[%parallel_loop3A_917, %parallel_loop3A_994], %parallel_loop3A_991 : memref<128x256xf32, #tpu.memory_space<vmem>>[vector<16xi32>, vector<16xi32>], vector<16xf32>,
      %parallel_loop3A_995 = arith.constant 176 : i32
      %parallel_loop3A_996 = vector.broadcast %parallel_loop3A_995 : i32 to vector<16xi32>
      %parallel_loop3A_997 = arith.addi %parallel_loop3A_916, %parallel_loop3A_996 : vector<16xi32>
      %parallel_loop3A_998 = tpu.vector_load_idx %arg6[%parallel_loop3A_997] : memref<1024xf32, #tpu.memory_space<vmem>>[vector<16xi32>], vector<16xf32>,
      %parallel_loop3A_999 = arith.constant 176 : i32
      %parallel_loop3A_1000 = vector.broadcast %parallel_loop3A_999 : i32 to vector<16xi32>
      %parallel_loop3A_1001 = arith.addi %iota3A, %parallel_loop3A_1000 : vector<16xi32>
      tpu.vector_store_idx %arg9[%parallel_loop3A_917, %parallel_loop3A_1001], %parallel_loop3A_998 : memref<128x256xf32, #tpu.memory_space<vmem>>[vector<16xi32>, vector<16xi32>], vector<16xf32>,
      %parallel_loop3A_1002 = arith.constant 192 : i32
      %parallel_loop3A_1003 = vector.broadcast %parallel_loop3A_1002 : i32 to vector<16xi32>
      %parallel_loop3A_1004 = arith.addi %parallel_loop3A_916, %parallel_loop3A_1003 : vector<16xi32>
      %parallel_loop3A_1005 = tpu.vector_load_idx %arg6[%parallel_loop3A_1004] : memref<1024xf32, #tpu.memory_space<vmem>>[vector<16xi32>], vector<16xf32>,
      %parallel_loop3A_1006 = arith.constant 192 : i32
      %parallel_loop3A_1007 = vector.broadcast %parallel_loop3A_1006 : i32 to vector<16xi32>
      %parallel_loop3A_1008 = arith.addi %iota3A, %parallel_loop3A_1007 : vector<16xi32>
      tpu.vector_store_idx %arg9[%parallel_loop3A_917, %parallel_loop3A_1008], %parallel_loop3A_1005 : memref<128x256xf32, #tpu.memory_space<vmem>>[vector<16xi32>, vector<16xi32>], vector<16xf32>,
      %parallel_loop3A_1009 = arith.constant 208 : i32
      %parallel_loop3A_1010 = vector.broadcast %parallel_loop3A_1009 : i32 to vector<16xi32>
      %parallel_loop3A_1011 = arith.addi %parallel_loop3A_916, %parallel_loop3A_1010 : vector<16xi32>
      %parallel_loop3A_1012 = tpu.vector_load_idx %arg6[%parallel_loop3A_1011] : memref<1024xf32, #tpu.memory_space<vmem>>[vector<16xi32>], vector<16xf32>,
      %parallel_loop3A_1013 = arith.constant 208 : i32
      %parallel_loop3A_1014 = vector.broadcast %parallel_loop3A_1013 : i32 to vector<16xi32>
      %parallel_loop3A_1015 = arith.addi %iota3A, %parallel_loop3A_1014 : vector<16xi32>
      tpu.vector_store_idx %arg9[%parallel_loop3A_917, %parallel_loop3A_1015], %parallel_loop3A_1012 : memref<128x256xf32, #tpu.memory_space<vmem>>[vector<16xi32>, vector<16xi32>], vector<16xf32>,
      %parallel_loop3A_1016 = arith.constant 224 : i32
      %parallel_loop3A_1017 = vector.broadcast %parallel_loop3A_1016 : i32 to vector<16xi32>
      %parallel_loop3A_1018 = arith.addi %parallel_loop3A_916, %parallel_loop3A_1017 : vector<16xi32>
      %parallel_loop3A_1019 = tpu.vector_load_idx %arg6[%parallel_loop3A_1018] : memref<1024xf32, #tpu.memory_space<vmem>>[vector<16xi32>], vector<16xf32>,
      %parallel_loop3A_1020 = arith.constant 224 : i32
      %parallel_loop3A_1021 = vector.broadcast %parallel_loop3A_1020 : i32 to vector<16xi32>
      %parallel_loop3A_1022 = arith.addi %iota3A, %parallel_loop3A_1021 : vector<16xi32>
      tpu.vector_store_idx %arg9[%parallel_loop3A_917, %parallel_loop3A_1022], %parallel_loop3A_1019 : memref<128x256xf32, #tpu.memory_space<vmem>>[vector<16xi32>, vector<16xi32>], vector<16xf32>,
      %parallel_loop3A_1023 = arith.constant 240 : i32
      %parallel_loop3A_1024 = vector.broadcast %parallel_loop3A_1023 : i32 to vector<16xi32>
      %parallel_loop3A_1025 = arith.addi %parallel_loop3A_916, %parallel_loop3A_1024 : vector<16xi32>
      %parallel_loop3A_1026 = tpu.vector_load_idx %arg6[%parallel_loop3A_1025] : memref<1024xf32, #tpu.memory_space<vmem>>[vector<16xi32>], vector<16xf32>,
      %parallel_loop3A_1027 = arith.constant 240 : i32
      %parallel_loop3A_1028 = vector.broadcast %parallel_loop3A_1027 : i32 to vector<16xi32>
      %parallel_loop3A_1029 = arith.addi %iota3A, %parallel_loop3A_1028 : vector<16xi32>
      tpu.vector_store_idx %arg9[%parallel_loop3A_917, %parallel_loop3A_1029], %parallel_loop3A_1026 : memref<128x256xf32, #tpu.memory_space<vmem>>[vector<16xi32>, vector<16xi32>], vector<16xf32>,
    } {sc.loop_unroll_factor = 2 : i64, sc.parallel_access}
    %add3A_897 = arith.constant 384 : i32
    %add3A_898 = arith.addi %multiple_of3A, %add3A_897 : i32
    %dma_start3A_899 = arith.constant 0 : i32
    %dma_start3A_900 = tpu.memref_slice %arg4[%add3A_898, %dma_start3A_899] : memref<16384x256xf32, #tpu.memory_space<hbm>> -> memref<128x256xf32, #tpu.memory_space<hbm>>
    %dma_start3A_901 = arith.constant 0 : i32
    %dma_start3A_902 = tpu.memref_slice %arg4[%add3A_898, %dma_start3A_901] : memref<16384x256xf32, #tpu.memory_space<hbm>> -> memref<128x256xf32, #tpu.memory_space<hbm>>
    tpu.enqueue_dma source(%arg9 : memref<128x256xf32, #tpu.memory_space<vmem>>) target(%dma_start3A_902 : memref<128x256xf32, #tpu.memory_space<hbm>>) target_semaphore(%arg11 : memref<!tpu.dma_semaphore, #tpu.memory_space<semaphore_mem>>)
    %dma_wait3A_903 = arith.constant 0 : i32
    %dma_wait3A_904 = tpu.memref_slice %arg4[%add3A_885, %dma_wait3A_903] : memref<16384x256xf32, #tpu.memory_space<hbm>> -> memref<128x256xf32, #tpu.memory_space<hbm>>
    %dma_wait3A_905 = arith.constant 0 : i32
    %dma_wait3A_906 = tpu.memref_slice %arg4[%add3A_885, %dma_wait3A_905] : memref<16384x256xf32, #tpu.memory_space<hbm>> -> memref<128x256xf32, #tpu.memory_space<hbm>>
    tpu.wait_dma2 semaphore(%arg10 : memref<!tpu.dma_semaphore, #tpu.memory_space<semaphore_mem>>) src(%arg8 : memref<128x256xf32, #tpu.memory_space<vmem>>) dst(%dma_wait3A_906 : memref<128x256xf32, #tpu.memory_space<hbm>>)
    %dma_wait3A_907 = arith.constant 0 : i32
    %dma_wait3A_908 = tpu.memref_slice %arg4[%add3A_898, %dma_wait3A_907] : memref<16384x256xf32, #tpu.memory_space<hbm>> -> memref<128x256xf32, #tpu.memory_space<hbm>>
    %dma_wait3A_909 = arith.constant 0 : i32
    %dma_wait3A_910 = tpu.memref_slice %arg4[%add3A_898, %dma_wait3A_909] : memref<16384x256xf32, #tpu.memory_space<hbm>> -> memref<128x256xf32, #tpu.memory_space<hbm>>
    tpu.wait_dma2 semaphore(%arg11 : memref<!tpu.dma_semaphore, #tpu.memory_space<semaphore_mem>>) src(%arg9 : memref<128x256xf32, #tpu.memory_space<vmem>>) dst(%dma_wait3A_910 : memref<128x256xf32, #tpu.memory_space<hbm>>)
    return
  }
}

</mosaic_0001>

<sc_bundles>
// kernel: kernel.3.cloned.1.call-start
scs
__scs_entry_jumppad:
0x0: {  	(pc) =	sbr.rel $0x88, $3  }
0x1: {  	(tag) =	ssettag $0x0;
	lr =	simm.s32 $0x1  }
0x2: {  	[smem:$0x3F9D] =	sst lr;
	_ =	strace $0xD0000000  }
0x3: {  	_ = 	snop  }
0x4: {  	_ = 	snop  }
0x5: {  	_ = 	snop  }
0x6: {  	_ = 	snop  }
0x7: {  	_ = 	snop  }
__scs_overlays_trampoline_lowered:
0x8: {  	[smem:$0x3FAC] =	sst s0  }
0x9: {  	[smem:$0x3FAD] =	sst s1  }
0xa: {  	[smem:$0x3FAE] =	sst s2  }
0xb: {  	[smem:$0x3FAF] =	sst s3  }
0xc: {  	[smem:$0x3FB0] =	sst s4  }
0xd: {  	[smem:$0x3FB1] =	sst s5  }
0xe: {  	[smem:$0x3FB2] =	sst s6  }
0xf: {  	[smem:$0x3FB3] =	sst s7  }
0x10: {  	[smem:$0x3FB4] =	sst s8  }
0x11: {  	[smem:$0x3FB5] =	sst s9;
	s0 =	simm.s32 @!p0 $0x0  }
0x12: {  	s1 =	sld [smem:$0x3F9B];
	s0 =	simm.s32 @p0 $0x1  }
0x13: {  	[smem:$0x3FB6] =	sst s0;
	s0 =	simm.s32 @!p1 $0x0  }
0x14: {  	s2 =	sld [smem:$0x3F9A];
	s0 =	simm.s32 @p1 $0x1  }
0x15: {  	[smem:$0x3FB7] =	sst s0;
	s0 =	simm.s32 @!p2 $0x0  }
0x16: {  	s3 =	sld [smem:$0x3FDB];
	s0 =	simm.s32 @p2 $0x1  }
0x17: {  	s4 =	simm.s32 $0x1BF5;
	[smem:$0x3FB9] =	sst s0  }
0x18: {  	s0 =	sld [smem:$0x3F9C];
	_ =	swait.ge [sflag:s4], $0x0  }
0x19: {  	s7 =	sld [smem:$0x3F9D]  }
0x1a: {  	s8 =	sadd.s32 $0xFFFFE003, lr  }
0x1b: {  	s9 =	sadd.s32 $0xFFFFFEF7, lr;
	s5 =	simm.s32 $0xFFFFFFFF;
	p2 =	slt.u32 s8, $0xFFFFF086  }
0x1c: {  	p1 =	slt.u32 s9, $0xF7A;
	s5 =	simm.s32 @!p2 $0x0  }
0x1d: {  	s5 =	simm.s32 @p1 $0x1;
	p0 =	seq.s32 s7, s2  }
0x1e: {  	s7 =	smul.u32 @!p0 $0xF7A, s2;
	p2 =	seq.s32 @!p0 s5, $0x0  }
0x1f: {  	s9 =	smul.u32 $0xF7A, s1;
	s8 =	simm.s32 @!p0 $0x1BF5;
	p2 =	por !p2, p0  }
0x20: {  	[sflag:s8] =	ssyncset.s32 @!p0 $0xFFFFF086;
	s6 =	sadd.s32 @!p0 s3, s7;
	s7 =	simm.s32 @!p0 $0x108  }
0x21: {  	s3 =	sadd.s32 s3, s9;
	s6 =	sadd.s32 @!p0 $0x88, s6;
	s7 =	simm.s32 @p2 $0x1082  }
0x22: {  	[simem:s7], [sflag:s8] =	dma.local @!p0 [hbm:s6], $0xF7A  }
0x23: {  	s9 =	sor.u32 $0xD0000000, s2;
	s6 =	simm.s32 $0x108;
	_ =	swait.ge @!p0 [sflag:s8], $0x0  }
0x24: {  	s3 =	sadd.s32 $0x88, s3;
	s6 =	simm.s32 @!p1 $0x1082;
	[sflag:s4] =	ssyncset.s32 $0xFFFFF086  }
0x25: {  	[simem:s6], [sflag:s4] =	dma.local [hbm:s3], $0xF7A  }
0x26: {  	[smem:$0x3F9D] =	sst s1;
	(tag) =	ssettag s2;
	_ =	strace s9  }
0x27: {  	s1 =	sld [smem:$0x3FAD]  }
0x28: {  	s2 =	sld [smem:$0x3FAE]  }
0x29: {  	s4 =	sld [smem:$0x3FB0]  }
0x2a: {  	p0 =	seq.s32 s5, $0x0;
	s5 =	sld [smem:$0x3FB1]  }
0x2b: {  	s6 =	sld [smem:$0x3FB2]  }
0x2c: {  	s7 =	sld [smem:$0x3FB3]  }
0x2d: {  	s3 =	simm.s32 $0x108;
	s8 =	sld [smem:$0x3FB4]  }
0x2e: {  	s3 =	simm.s32 @!p0 $0x1082;
	s9 =	sld [smem:$0x3FB5]  }
0x2f: {  	lr =	sadd.s32 s0, s3;
	s0 =	sld [smem:$0x3FAC]  }
0x30: {  	s3 =	sld [smem:$0x3FAF]  }
0x31: {  	[smem:$0x3FB8] =	sst s10  }
0x32: {  	s10 =	sld [smem:$0x3FB6];
	_ =	sdelay $0x3  }
0x33: {  	p0 =	seq.s32 s10, $0x1;
	s10 =	sld [smem:$0x3FB8];
	_ =	sdelay $0x3  }
0x34: {  	[smem:$0x3FB8] =	sst s10  }
0x35: {  	s10 =	sld [smem:$0x3FB7];
	_ =	sdelay $0x3  }
0x36: {  	p1 =	seq.s32 s10, $0x1;
	s10 =	sld [smem:$0x3FB8];
	_ =	sdelay $0x3  }
0x37: {  	[smem:$0x3FB8] =	sst s10  }
0x38: {  	s10 =	sld [smem:$0x3FB9]  }
0x39: {  	_ = 	snop;
	(pc) =	sbr.ind lr, $3  }
0x3a: {  	_ = 	snop  }
0x3b: {  	_ = 	snop  }
0x3c: {  	p2 =	seq.s32 s10, $0x1;
	s10 =	sld [smem:$0x3FB8]  }
0x3d: {  	_ =	shalt  }
0x3e: {  	_ =	shalt  }
0x3f: {  	_ =	shalt  }
0x40: {  	_ =	shalt  }
0x41: {  	_ =	shalt  }
0x42: {  	_ =	shalt  }
0x43: {  	_ =	shalt  }
0x44: {  	_ =	shalt  }
0x45: {  	_ =	shalt  }
0x46: {  	_ =	shalt  }
0x47: {  	_ =	shalt  }
0x48: {  	_ =	shalt  }
0x49: {  	_ =	shalt  }
0x4a: {  	_ =	shalt  }
0x4b: {  	_ =	shalt  }
0x4c: {  	_ =	shalt  }
0x4d: {  	_ =	shalt  }
0x4e: {  	_ =	shalt  }
0x4f: {  	_ =	shalt  }
0x50: {  	_ =	shalt  }
0x51: {  	_ =	shalt  }
0x52: {  	_ =	shalt  }
0x53: {  	_ =	shalt  }
0x54: {  	_ =	shalt  }
0x55: {  	_ =	shalt  }
0x56: {  	_ =	shalt  }
0x57: {  	_ =	shalt  }
0x58: {  	_ =	shalt  }
0x59: {  	_ =	shalt  }
0x5a: {  	_ =	shalt  }
0x5b: {  	_ =	shalt  }
0x5c: {  	_ =	shalt  }
0x5d: {  	_ =	shalt  }
0x5e: {  	_ =	shalt  }
0x5f: {  	_ =	shalt  }
0x60: {  	_ =	shalt  }
0x61: {  	_ =	shalt  }
0x62: {  	_ =	shalt  }
0x63: {  	_ =	shalt  }
0x64: {  	_ =	shalt  }
0x65: {  	_ =	shalt  }
0x66: {  	_ =	shalt  }
0x67: {  	_ =	shalt  }
0x68: {  	_ =	shalt  }
0x69: {  	_ =	shalt  }
0x6a: {  	_ =	shalt  }
0x6b: {  	_ =	shalt  }
0x6c: {  	_ =	shalt  }
0x6d: {  	_ =	shalt  }
0x6e: {  	_ =	shalt  }
0x6f: {  	_ =	shalt  }
0x70: {  	_ =	shalt  }
0x71: {  	_ =	shalt  }
0x72: {  	_ =	shalt  }
0x73: {  	_ =	shalt  }
0x74: {  	_ =	shalt  }
0x75: {  	_ =	shalt  }
0x76: {  	_ =	shalt  }
0x77: {  	_ =	shalt  }
0x78: {  	_ =	shalt  }
0x79: {  	_ =	shalt  }
0x7a: {  	_ =	shalt  }
0x7b: {  	_ =	shalt  }
0x7c: {  	_ =	shalt  }
0x7d: {  	_ =	shalt  }
0x7e: {  	_ =	shalt  }
0x7f: {  	_ =	shalt  }
0x80: {  	_ =	shalt  }
0x81: {  	_ =	shalt  }
0x82: {  	_ =	shalt  }
0x83: {  	_ =	shalt  }
0x84: {  	_ =	shalt  }
0x85: {  	_ =	shalt  }
0x86: {  	_ =	shalt  }
0x87: {  	_ =	shalt  }
.Lfunc_end0:
.L_simem_size_0:
called_computation_lowered:
.L_overlay_start_0:
0x88: {  	s2 =	sld [smem:$0x3FD9]  }
0x89: {  	s3 =	sld [smem:$0x3FFE];
	_ =	sdelay $0x1  }
0x8a: {  	s1 =	srdreg.scid  }
0x8b: {  	s0 =	sand.u32 $0x1, s1  }
0x8c: {  	s17 =	sshll.u32 s0, $0xA;
	s2 =	sadd.s32 s3, s2  }
0x8d: {  	s2 =	sadd.s32 s2, s17  }
0x8e: {  	[smem:$0x3FC4] =	sst s2  }
0x8f: {  	_ = 	snop  }
0x90: {  	s2 =	sld [smem:$0x3FC9]  }
0x91: {  	s18 =	sld [smem:$0x3FD0];
	(tm) =	ssettm $0x1  }
0x92: {  	s4 =	sld [smem:$0x3FFB];
	_ =	sdelay $0x3  }
0x93: {  	_ =	strace s4  }
0x94: {  	s4 =	sld [smem:$0x3FFC];
	_ =	sdelay $0x3  }
0x95: {  	_ =	strace s4  }
0x96: {  	s4 =	sld [smem:$0x3FFD];
	_ =	sdelay $0x3  }
0x97: {  	_ =	strace s4  }
0x98: {  	_ =	strace $0x8FFFFFFF  }
0x99: {  	s19 =	sld [smem:$0x3FDB];
	_ =	sdelay $0x1  }
0x9a: {  	s5 =	simm.s32 $_scs_section_size  }
0x9b: {  	s6 =	simm.s32 $_size__tile_overlayer_lowered;
	s7 =	simm.s32 $_tile_overlayer_lowered  }
0x9c: {  	s22 =	simm.s32 $0x1BFF;
	s21 =	sshll.u32 s7, $0x1;
	s4 =	sadd.s32 s5, s19  }
0x9d: {  	s8 =	simm.s32 $0x0;
	s20 =	sshll.u32 s6, $0x1;
	s6 =	sadd.s32 s21, s4  }
0x9e: {  	[timem:s8], [sflag:s22] =	dma.local [hbm:s6], s20  }
0x9f: {  	_ =	swait.ge [sflag:s22], s20  }
0xa0: {  	s5 =	ssub.s32 $0x0, s20;
	[sflag:s22] =	ssyncset.done $0x0  }
0xa1: {  	[sflag:s22] =	ssyncadd.s32 s5;
	_ =	sdelay $0x1  }
0xa2: {  	s23 =	simm.s32 $0x1B8B  }
0xa3: {  	_ =	swait.ge [sflag:s23], $0x1  }
0xa4: {  	[sflag:s23] =	ssyncset.done $0x0  }
0xa5: {  	s25 =	simm.s32 $0x1B8E;
	s24 =	sld [smem:$0x3FFE];
	[sflag:s23] =	ssyncadd.s32 $0xFFFFFFFF  }
0xa6: {  	s26 =	simm.s32 $execute0_lowered;
	[smem:$0x3FD2] =	sst s25  }
0xa7: {  	s6 =	sshll.u32 s26, $0x1;
	_ =	strace $0x80000046;
	[dreg:$0x1] =	wrdreg $0xFFFFFFFF  }
0xa8: {  	s28 =	simm.s32 $_size_execute0_lowered;
	s4 =	sadd.s32 s4, s6;
	[dreg:$0x0] =	wrdreg $0x0  }
0xa9: {  	s6 =	sshll.u32 s28, $0x1;
	[dreg:$0x2] =	wrdreg s4  }
0xaa: {  	[dreg:$0x3] =	wrdreg s6  }
0xab: {  	[dreg:$0x4] =	wrdreg $0xC0  }
0xac: {  	_ =	task [dreg:s8], $0x5FFFF  }
0xad: {  	[dreg:$0x1] =	wrdreg $0xFFFFFFFF  }
0xae: {  	[dreg:$0x0] =	wrdreg $0x60  }
0xaf: {  	[dreg:$0x2] =	wrdreg s2  }
0xb0: {  	[dreg:$0x3] =	wrdreg s24  }
0xb1: {  	[dreg:$0x4] =	wrdreg s18  }
0xb2: {  	[dreg:$0x5] =	wrdreg $0x9  }
0xb3: {  	_ =	task.clear_ibuf [dreg:s8], $0x6FFFF;
	_ =	strace $0x90000046  }
0xb4: {  	s29 =	simm.s32 $0x9;
	_ =	strace $0x80000048  }
0xb5: {  	_ =	swait.ge [sflag:s29], $0x1  }
0xb6: {  	[sflag:s29] =	ssyncadd.s32 $0xFFFFFFFF  }
0xb7: {  	_ =	strace $0x90000048  }
0xb8: {  	_ =	sfence  }
0xb9: {  	s30 =	sld [smem:$0x0];
	_ =	sdelay $0x2  }
0xba: {  	s31 =	sshll.u32 s1, $0xD;
	s1 =	sshrl.u32 s1, $0x2  }
0xbb: {  	s3 =	sand.u32 $0x4000, s31;
	s1 =	sadd.s32 s1, s30  }
0xbc: {  	s0 =	sor.u32 s3, s0;
	s1 =	sshll.u32 s1, $0x11  }
0xbd: {  	s0 =	sor.u32 s1, s0  }
0xbe: {  	s0 =	sadd.s32 $0x8F2B, s0  }
0xbf: {  	[sflag:s0] =	ssyncadd.remote.s32 $0x1  }
0xc0: {  	_ =	sfence.sel $0xFFFF  }
0xc1: {  	[dreg:$0x0] =	wrdreg $0xFFFFFFFF;
	(pc) =	sbr.abs _section_cstart, $3  }
0xc2: {  	[dreg:$0x1] =	wrdreg $0xFFFFFFFF  }
0xc3: {  	_ =	task.clear_ibuf [dreg:s8], $0x2FFFF;
	_ =	strace $0x9FFFFFFF  }
0xc4: {  	(tm) =	ssettm $0x7FFFFFFF  }
0xc5: {  	_ =	shalt  }
tec
execute0_lowered:
.L_overlay_start_1:
0x0: {  	(tag) =	ssettag $0x1  }
0x1: {  	s4 =	rddreg [dreg:$0x0]  }
0x2: {  	s3 =	rddreg [dreg:$0x1]  }
0x3: {  	s5 =	rddreg [dreg:$0x2]  }
0x4: {  	s0 =	rddreg [dreg:$0x3];
	s2 =	simm.s32 $0x0;
	s6 =	srdreg.scid  }
0x5: {  	s1 =	stileid.u32;
	v0 =	vlaneseq.u32;
	s11 =	simm.s32 $0x3;
	s12 =	simm.s32 $0x600  }
0x6: {  	s13 =	simm.s32 $0x800;
	s14 =	simm.s32 $0x8800;
	s15 =	simm.s32 $0x1;
	v1 =	vor.u32 $0x10, v0;
	v2 =	vor.u32 $0x20, v0  }
0x7: {  	s16 =	simm.s32 $0x2;
	s17 =	simm.s32 $0x0;
	s6 =	sand.u32 $0x1, s6;
	v3 =	vor.u32 $0x30, v0;
	v4 =	vor.u32 $0x40, v0;
	v5 =	vor.u32 $0x50, v0  }
0x8: {  	[smem:$0x7FF] =	sst s2;
	s7 =	sshll.u32 s1, $0xA;
	v6 =	vor.u32 $0x60, v0;
	v7 =	vor.u32 $0x70, v0;
	v8 =	vor.u32 $0x80, v0;
	s8 =	sshll.u32 s6, $0x9  }
0x9: {  	s3 =	sadd.s32 $0x400, s3;
	v9 =	vor.u32 $0x400, v0;
	v10 =	vor.u32 $0x90, v0;
	v11 =	vor.u32 $0x410, v0;
	s6 =	ssub.s32 $0x2, s6;
	s7 =	sor.u32 s8, s7  }
0xa: {  	v12 =	vor.u32 $0xA0, v0;
	v13 =	vor.u32 $0x420, v0;
	v14 =	vor.u32 $0xB0, v0;
	_ =	strace $0x80000047;
	s31 =	sshrl.u32 s6, $0x1;
	s9 =	sshrl.u32 s7, $0x3  }
0xb: {  	v15 =	vor.u32 $0x430, v0;
	v16 =	vor.u32 $0xC0, v0;
	v17 =	vor.u32 $0x440, v0;
	s7 =	sshll.u32 s7, $0x5;
	s10 =	ssub.s32 s6, s31;
	s4 =	sadd.s32 s4, s9  }
0xc: {  	v18 =	vor.u32 $0xD0, v0;
	v19 =	vor.u32 $0x450, v0;
	v20 =	vor.u32 $0xE0, v0;
	s5 =	sadd.s32 s5, s7;
	s9 =	smax.u32 s10, $0x1;
	s10 =	simm.s32 $0x200  }
0xd: {  	v21 =	vor.u32 $0x460, v0;
	v22 =	vor.u32 $0xF0, v0;
	v23 =	vor.u32 $0x470, v0;
	s6 =	sadd.s32 $0x1000, s5;
	s7 =	sadd.s32 $0x2000, s5;
	s8 =	sadd.s32 $0x3000, s5  }
.LBB2_1:
0xe: {  	[tilespmem:s10], [sflag:$0x3] =	stream.linear.gather [hbm4b:s3+s2], $0x400, $0x38;
	[tilespmem:$0x10800] =	vst v63  }
0xf: {  	_ =	swait.ge [sflag:s11], $0x400  }
0x10: {  	[sflag:s11] =	ssyncset.done $0x0  }
0x11: {  	[sflag:s11] =	ssyncadd.s32 $0xFFFFFC00  }
0x12: {  	[tilespmem:s2], [sflag:$0x3] =	stream.linear.gather [hbm4b:s4+s2], $0x200, $0x38;
	[tilespmem:$0x10800] =	vst v63  }
0x13: {  	_ =	swait.ge [sflag:s11], $0x200  }
0x14: {  	[sflag:s11] =	ssyncset.done $0x0  }
0x15: {  	[sflag:s11] =	ssyncadd.s32 $0xFFFFFE00  }
0x16: {  	v24 =	vld [tilespmem:$0x0]  }
0x17: {  	v25 =	vld [tilespmem:$0x10]  }
0x18: {  	v28 =	vld [tilespmem:$0x20]  }
0x19: {  	v29 =	vld [tilespmem:$0x30]  }
0x1a: {  	v30 =	vld [tilespmem:$0x40]  }
0x1b: {  	vm0 =	vlt.s32 v24, $0x2;
	vm1 =	vlt.s32 v24, $0x4  }
0x1c: {  	vm6 =	vlt.s32 v24, $0x8;
	vm7 =	vlt.s32 v25, $0x2;
	vm8 =	vlt.s32 v25, $0x4  }
0x1d: {  	vm9 =	vlt.s32 v25, $0x8;
	vm10 =	vlt.s32 v28, $0x2;
	vm11 =	vlt.s32 v28, $0x4  }
0x1e: {  	v31 =	vld [tilespmem:$0x50];
	vm12 =	vlt.s32 v28, $0x8;
	vm13 =	vlt.s32 v29, $0x2;
	vm14 =	vlt.s32 v29, $0x4  }
0x1f: {  	vm15 =	vlt.s32 v29, $0x8;
	vm4 =	vlt.s32 v30, $0x2;
	vm5 =	vlt.s32 v30, $0x4  }
0x20: {  	v26 =	vnsel vm0, $0x2, v24;
	v27 =	vnsel vm1, $0x4, v24;
	v24 =	vnsel vm6, $0x8, v24  }
0x21: {  	vm6 =	vlt.s32 v30, $0x8;
	v26 =	vadd.s32 $0xFFFFFFFF, v26;
	v27 =	vshrl.u32 v27, $0x2  }
0x22: {  	v32 =	vld [tilespmem:$0x60];
	v24 =	vshrl.u32 v24, $0x3;
	v26 =	vadd.s32 v27, v26;
	v27 =	vnsel vm8, $0x4, v25  }
0x23: {  	vm8 =	vlt.s32 v31, $0x4;
	v24 =	vadd.s32 v24, v26;
	v26 =	vnsel vm7, $0x2, v25  }
0x24: {  	v27 =	vshrl.u32 v27, $0x2;
	v25 =	vnsel vm9, $0x8, v25;
	vm7 =	vlt.s32 v31, $0x2  }
0x25: {  	vm9 =	vlt.s32 v31, $0x8;
	v24 =	vshll.u32 v24, $0x8;
	v26 =	vadd.s32 $0xFFFFFFFF, v26  }
0x26: {  	v33 =	vld [tilespmem:$0x70];
	v25 =	vshrl.u32 v25, $0x3;
	v26 =	vadd.s32 v27, v26;
	v27 =	vnsel vm11, $0x4, v28  }
0x27: {  	vm11 =	vlt.s32 v32, $0x4;
	v25 =	vadd.s32 v25, v26;
	v26 =	vnsel vm10, $0x2, v28  }
0x28: {  	v37 =	vld [tilespmem:$0xB0];
	v27 =	vshrl.u32 v27, $0x2;
	v28 =	vnsel vm12, $0x8, v28;
	vm10 =	vlt.s32 v32, $0x2  }
0x29: {  	vm12 =	vlt.s32 v32, $0x8;
	v25 =	vshll.u32 v25, $0x8;
	v26 =	vadd.s32 $0xFFFFFFFF, v26  }
0x2a: {  	v26 =	vadd.s32 v27, v26;
	v27 =	vshrl.u32 v28, $0x3;
	v28 =	vnsel vm14, $0x4, v29  }
0x2b: {  	v34 =	vld [tilespmem:$0x80];
	vm14 =	vlt.s32 v33, $0x4;
	v26 =	vadd.s32 v27, v26;
	v27 =	vnsel vm13, $0x2, v29  }
0x2c: {  	v28 =	vshrl.u32 v28, $0x2;
	v29 =	vnsel vm15, $0x8, v29;
	vm13 =	vlt.s32 v33, $0x2  }
0x2d: {  	v38 =	vld [tilespmem:$0xC0];
	v50 =	vnsel vm14, $0x4, v33;
	vm15 =	vlt.s32 v33, $0x8;
	vm14 =	vlt.s32 v37, $0x4  }
0x2e: {  	v26 =	vshll.u32 v26, $0x8;
	v27 =	vadd.s32 $0xFFFFFFFF, v27;
	v62 =	vnsel vm14, $0x4, v37  }
0x2f: {  	v27 =	vadd.s32 v28, v27;
	v28 =	vshrl.u32 v29, $0x3;
	v29 =	vnsel vm5, $0x4, v30  }
0x30: {  	vm5 =	vlt.s32 v34, $0x4;
	v27 =	vadd.s32 v28, v27;
	v28 =	vnsel vm4, $0x2, v30  }
0x31: {  	v35 =	vld [tilespmem:$0x90];
	v29 =	vshrl.u32 v29, $0x2;
	v30 =	vnsel vm6, $0x8, v30;
	vm4 =	vlt.s32 v34, $0x2  }
0x32: {  	v53 =	vnsel vm5, $0x4, v34;
	vm6 =	vlt.s32 v34, $0x8;
	vm5 =	vlt.s32 v38, $0x4  }
0x33: {  	v27 =	vshll.u32 v27, $0x8;
	v28 =	vadd.s32 $0xFFFFFFFF, v28;
	v52 =	vnsel vm4, $0x2, v34  }
0x34: {  	v34 =	vnsel vm6, $0x8, v34;
	vm4 =	vlt.s32 v38, $0x2;
	v41 =	vnsel vm5, $0x4, v38  }
0x35: {  	v39 =	vld [tilespmem:$0xD0];
	vm6 =	vlt.s32 v38, $0x8;
	v28 =	vadd.s32 v29, v28;
	v29 =	vshrl.u32 v30, $0x3  }
0x36: {  	v30 =	vnsel vm8, $0x4, v31;
	v54 =	vshrl.u32 v34, $0x3;
	vm8 =	vlt.s32 v35, $0x4  }
0x37: {  	v40 =	vnsel vm4, $0x2, v38;
	v38 =	vnsel vm6, $0x8, v38;
	v28 =	vadd.s32 v29, v28  }
0x38: {  	v29 =	vnsel vm7, $0x2, v31;
	v30 =	vshrl.u32 v30, $0x2;
	v31 =	vnsel vm9, $0x8, v31  }
0x39: {  	v36 =	vld [tilespmem:$0xA0];
	vm7 =	vlt.s32 v35, $0x2;
	v56 =	vnsel vm8, $0x4, v35;
	vm9 =	vlt.s32 v35, $0x8  }
0x3a: {  	v42 =	vshrl.u32 v38, $0x3;
	vm8 =	vlt.s32 v39, $0x4;
	v28 =	vshll.u32 v28, $0x8  }
0x3b: {  	v29 =	vadd.s32 $0xFFFFFFFF, v29;
	v55 =	vnsel vm7, $0x2, v35;
	v34 =	vshrl.u32 v56, $0x2  }
0x3c: {  	v35 =	vnsel vm9, $0x8, v35;
	vm7 =	vlt.s32 v39, $0x2;
	v44 =	vnsel vm8, $0x4, v39  }
0x3d: {  	vm9 =	vlt.s32 v39, $0x8;
	v29 =	vadd.s32 v30, v29;
	v30 =	vshrl.u32 v31, $0x3  }
0x3e: {  	v31 =	vnsel vm11, $0x4, v32;
	v57 =	vshrl.u32 v35, $0x3;
	vm11 =	vlt.s32 v36, $0x4  }
0x3f: {  	v43 =	vnsel vm7, $0x2, v39;
	v38 =	vshrl.u32 v44, $0x2;
	v39 =	vnsel vm9, $0x8, v39  }
0x40: {  	v29 =	vadd.s32 v30, v29;
	v30 =	vnsel vm10, $0x2, v32;
	v31 =	vshrl.u32 v31, $0x2  }
0x41: {  	v32 =	vnsel vm12, $0x8, v32;
	vm10 =	vlt.s32 v36, $0x2;
	v59 =	vnsel vm11, $0x4, v36  }
0x42: {  	vm12 =	vlt.s32 v36, $0x8;
	v45 =	vshrl.u32 v39, $0x3;
	v29 =	vshll.u32 v29, $0x8  }
0x43: {  	v30 =	vadd.s32 $0xFFFFFFFF, v30;
	v58 =	vnsel vm10, $0x2, v36;
	v35 =	vshrl.u32 v59, $0x2  }
0x44: {  	v36 =	vnsel vm12, $0x8, v36;
	v30 =	vadd.s32 v31, v30;
	v31 =	vshrl.u32 v32, $0x3  }
0x45: {  	v32 =	vshrl.u32 v50, $0x2;
	v60 =	vshrl.u32 v36, $0x3;
	v36 =	vshrl.u32 v62, $0x2  }
0x46: {  	v30 =	vadd.s32 v31, v30;
	v31 =	vnsel vm13, $0x2, v33;
	v33 =	vnsel vm15, $0x8, v33  }
0x47: {  	vm13 =	vlt.s32 v37, $0x2;
	vm15 =	vlt.s32 v37, $0x8;
	v30 =	vshll.u32 v30, $0x8  }
0x48: {  	v31 =	vadd.s32 $0xFFFFFFFF, v31;
	v51 =	vshrl.u32 v33, $0x3;
	v33 =	vshrl.u32 v53, $0x2  }
0x49: {  	v61 =	vnsel vm13, $0x2, v37;
	v37 =	vnsel vm15, $0x8, v37;
	v31 =	vadd.s32 v32, v31  }
0x4a: {  	v32 =	vadd.s32 $0xFFFFFFFF, v52;
	v63 =	vshrl.u32 v37, $0x3;
	v37 =	vshrl.u32 v41, $0x2  }
0x4b: {  	v31 =	vadd.s32 v51, v31;
	v32 =	vadd.s32 v33, v32;
	v33 =	vadd.s32 $0xFFFFFFFF, v55  }
0x4c: {  	v41 =	vld [tilespmem:$0xF0];
	v31 =	vshll.u32 v31, $0x8;
	v32 =	vadd.s32 v54, v32;
	v33 =	vadd.s32 v34, v33  }
0x4d: {  	v34 =	vadd.s32 $0xFFFFFFFF, v58;
	v32 =	vshll.u32 v32, $0x8;
	v33 =	vadd.s32 v57, v33  }
0x4e: {  	v34 =	vadd.s32 v35, v34;
	v35 =	vadd.s32 $0xFFFFFFFF, v61;
	v33 =	vshll.u32 v33, $0x8  }
0x4f: {  	v34 =	vadd.s32 v60, v34;
	v35 =	vadd.s32 v36, v35;
	v36 =	vadd.s32 $0xFFFFFFFF, v40  }
0x50: {  	v40 =	vld [tilespmem:$0xE0];
	v34 =	vshll.u32 v34, $0x8;
	v35 =	vadd.s32 v63, v35;
	v36 =	vadd.s32 v37, v36  }
0x51: {  	v37 =	vadd.s32 $0xFFFFFFFF, v43;
	vm13 =	vlt.s32 v41, $0x2;
	vm14 =	vlt.s32 v41, $0x4  }
0x52: {  	vm15 =	vlt.s32 v41, $0x8;
	v43 =	vld [tilespmem:$0x110];
	v35 =	vshll.u32 v35, $0x8;
	v36 =	vadd.s32 v42, v36  }
0x53: {  	v44 =	vld [tilespmem:$0x120];
	v37 =	vadd.s32 v38, v37;
	v49 =	vnsel vm13, $0x2, v41;
	v50 =	vnsel vm14, $0x4, v41  }
0x54: {  	v41 =	vnsel vm15, $0x8, v41;
	v36 =	vshll.u32 v36, $0x8;
	v37 =	vadd.s32 v45, v37  }
0x55: {  	v51 =	vshrl.u32 v41, $0x3;
	v37 =	vshll.u32 v37, $0x8;
	vm10 =	vlt.s32 v40, $0x2  }
0x56: {  	v42 =	vld [tilespmem:$0x100];
	vm11 =	vlt.s32 v40, $0x4;
	vm12 =	vlt.s32 v40, $0x8;
	v46 =	vnsel vm10, $0x2, v40  }
0x57: {  	v47 =	vnsel vm11, $0x4, v40;
	v40 =	vnsel vm12, $0x8, v40;
	vm7 =	vlt.s32 v43, $0x2  }
0x58: {  	vm8 =	vlt.s32 v43, $0x4;
	vm9 =	vlt.s32 v43, $0x8;
	vm10 =	vlt.s32 v44, $0x2  }
0x59: {  	vm11 =	vlt.s32 v44, $0x4;
	vm12 =	vlt.s32 v44, $0x8;
	v38 =	vadd.s32 $0xFFFFFFFF, v46  }
0x5a: {  	v39 =	vshrl.u32 v47, $0x2;
	v48 =	vshrl.u32 v40, $0x3;
	v40 =	vshrl.u32 v50, $0x2  }
0x5b: {  	v45 =	vld [tilespmem:$0x130];
	vm4 =	vlt.s32 v42, $0x2;
	vm5 =	vlt.s32 v42, $0x4;
	vm6 =	vlt.s32 v42, $0x8  }
0x5c: {  	v55 =	vnsel vm7, $0x2, v43;
	v56 =	vnsel vm8, $0x4, v43;
	v43 =	vnsel vm9, $0x8, v43  }
0x5d: {  	v58 =	vnsel vm10, $0x2, v44;
	v59 =	vnsel vm11, $0x4, v44;
	v44 =	vnsel vm12, $0x8, v44  }
0x5e: {  	v38 =	vadd.s32 v39, v38;
	v39 =	vadd.s32 $0xFFFFFFFF, v49;
	v52 =	vnsel vm4, $0x2, v42  }
0x5f: {  	v53 =	vnsel vm5, $0x4, v42;
	v42 =	vnsel vm6, $0x8, v42;
	v57 =	vshrl.u32 v43, $0x3  }
0x60: {  	v43 =	vshrl.u32 v59, $0x2;
	v60 =	vshrl.u32 v44, $0x3;
	vm13 =	vlt.s32 v45, $0x2  }
0x61: {  	vm14 =	vlt.s32 v45, $0x4;
	vm15 =	vlt.s32 v45, $0x8;
	v38 =	vadd.s32 v48, v38  }
0x62: {  	v39 =	vadd.s32 v40, v39;
	v40 =	vadd.s32 $0xFFFFFFFF, v52;
	v41 =	vshrl.u32 v53, $0x2  }
0x63: {  	v54 =	vshrl.u32 v42, $0x3;
	v42 =	vshrl.u32 v56, $0x2;
	v61 =	vnsel vm13, $0x2, v45  }
0x64: {  	v46 =	vld [tilespmem:$0x140];
	v62 =	vnsel vm14, $0x4, v45;
	v45 =	vnsel vm15, $0x8, v45;
	v38 =	vshll.u32 v38, $0x8  }
0x65: {  	v47 =	vld [tilespmem:$0x150];
	v39 =	vadd.s32 v51, v39;
	v40 =	vadd.s32 v41, v40;
	v41 =	vadd.s32 $0xFFFFFFFF, v55  }
0x66: {  	v44 =	vshrl.u32 v62, $0x2;
	v63 =	vshrl.u32 v45, $0x3;
	v39 =	vshll.u32 v39, $0x8  }
0x67: {  	v40 =	vadd.s32 v54, v40;
	v41 =	vadd.s32 v42, v41;
	v42 =	vadd.s32 $0xFFFFFFFF, v58  }
0x68: {  	v40 =	vshll.u32 v40, $0x8;
	v41 =	vadd.s32 v57, v41;
	v42 =	vadd.s32 v43, v42  }
0x69: {  	v43 =	vadd.s32 $0xFFFFFFFF, v61;
	vm4 =	vlt.s32 v46, $0x2;
	vm5 =	vlt.s32 v46, $0x4  }
0x6a: {  	vm6 =	vlt.s32 v46, $0x8;
	vm7 =	vlt.s32 v47, $0x2;
	vm8 =	vlt.s32 v47, $0x4  }
0x6b: {  	vm9 =	vlt.s32 v47, $0x8;
	v41 =	vshll.u32 v41, $0x8;
	v42 =	vadd.s32 v60, v42  }
0x6c: {  	v43 =	vadd.s32 v44, v43;
	v48 =	vnsel vm4, $0x2, v46;
	v49 =	vnsel vm5, $0x4, v46  }
0x6d: {  	v46 =	vnsel vm6, $0x8, v46;
	v51 =	vnsel vm7, $0x2, v47;
	v52 =	vnsel vm8, $0x4, v47  }
0x6e: {  	v47 =	vnsel vm9, $0x8, v47;
	v42 =	vshll.u32 v42, $0x8;
	v44 =	vadd.s32 $0xFFFFFFFF, v48;
	v48 =	vld [tilespmem:$0x160]  }
0x6f: {  	v43 =	vadd.s32 v63, v43;
	v45 =	vshrl.u32 v49, $0x2;
	v50 =	vshrl.u32 v46, $0x3;
	v49 =	vld [tilespmem:$0x170]  }
0x70: {  	v46 =	vshrl.u32 v52, $0x2;
	v44 =	vadd.s32 v45, v44;
	v45 =	vadd.s32 $0xFFFFFFFF, v51  }
0x71: {  	v53 =	vshrl.u32 v47, $0x3;
	v44 =	vadd.s32 v50, v44;
	v45 =	vadd.s32 v46, v45  }
0x72: {  	v43 =	vshll.u32 v43, $0x8;
	v51 =	vld [tilespmem:$0x190];
	v44 =	vshll.u32 v44, $0x8;
	v45 =	vadd.s32 v53, v45  }
0x73: {  	v52 =	vld [tilespmem:$0x1A0];
	v45 =	vshll.u32 v45, $0x8;
	vm10 =	vlt.s32 v48, $0x2;
	vm11 =	vlt.s32 v48, $0x4  }
0x74: {  	v63 =	vld [tilespmem:$0x1B0];
	vm12 =	vlt.s32 v48, $0x8;
	vm13 =	vlt.s32 v49, $0x2;
	vm14 =	vlt.s32 v49, $0x4  }
0x75: {  	vm15 =	vlt.s32 v49, $0x8;
	v54 =	vnsel vm10, $0x2, v48;
	v55 =	vnsel vm11, $0x4, v48  }
0x76: {  	[tilespmem:$0x610] =	vst v25;
	v48 =	vnsel vm12, $0x8, v48;
	v57 =	vnsel vm13, $0x2, v49;
	v58 =	vnsel vm14, $0x4, v49  }
0x77: {  	[tilespmem:$0x620] =	vst v26;
	v50 =	vld [tilespmem:$0x180];
	v49 =	vnsel vm15, $0x8, v49;
	vm7 =	vlt.s32 v51, $0x2;
	vm8 =	vlt.s32 v51, $0x4  }
0x78: {  	[tilespmem:$0x630] =	vst v27;
	vm9 =	vlt.s32 v51, $0x8;
	vm10 =	vlt.s32 v52, $0x2;
	vm11 =	vlt.s32 v52, $0x4  }
0x79: {  	[tilespmem:$0x670] =	vst v31;
	v31 =	vld [tilespmem:$0x1D0];
	vm12 =	vlt.s32 v52, $0x8;
	vm13 =	vlt.s32 v63, $0x2;
	vm14 =	vlt.s32 v63, $0x4  }
0x7a: {  	[tilespmem:$0x6F0] =	vst v39;
	v39 =	vld [tilespmem:$0x1E0];
	vm15 =	vlt.s32 v63, $0x8;
	v46 =	vadd.s32 $0xFFFFFFFF, v54;
	v47 =	vshrl.u32 v55, $0x2  }
0x7b: {  	[tilespmem:$0x730] =	vst v43;
	v43 =	vld [tilespmem:$0x1F0];
	v56 =	vshrl.u32 v48, $0x3;
	v48 =	vshrl.u32 v58, $0x2;
	v59 =	vshrl.u32 v49, $0x3  }
0x7c: {  	[tilespmem:$0x640] =	vst v28;
	vm4 =	vlt.s32 v50, $0x2;
	vm5 =	vlt.s32 v50, $0x4;
	vm6 =	vlt.s32 v50, $0x8  }
0x7d: {  	[tilespmem:$0x650] =	vst v29;
	v29 =	vld [tilespmem:$0x1C0];
	v25 =	vnsel vm7, $0x2, v51;
	v26 =	vnsel vm8, $0x4, v51;
	v27 =	vnsel vm9, $0x8, v51  }
0x7e: {  	[tilespmem:$0x660] =	vst v30;
	v28 =	vnsel vm12, $0x8, v52;
	v30 =	vnsel vm15, $0x8, v63;
	vm7 =	vlt.s32 v31, $0x2  }
0x7f: {  	vm8 =	vlt.s32 v31, $0x4;
	vm9 =	vlt.s32 v31, $0x8;
	vm12 =	vlt.s32 v39, $0x8  }
0x80: {  	vm15 =	vlt.s32 v43, $0x8;
	v46 =	vadd.s32 v47, v46;
	v47 =	vadd.s32 $0xFFFFFFFF, v57  }
0x81: {  	v60 =	vnsel vm4, $0x2, v50;
	v61 =	vnsel vm5, $0x4, v50;
	v50 =	vnsel vm6, $0x8, v50  }
0x82: {  	v25 =	vadd.s32 $0xFFFFFFFF, v25;
	v26 =	vshrl.u32 v26, $0x2;
	vm4 =	vlt.s32 v29, $0x2  }
0x83: {  	[tilespmem:$0x680] =	vst v32;
	vm5 =	vlt.s32 v29, $0x4;
	vm6 =	vlt.s32 v29, $0x8;
	v32 =	vnsel vm12, $0x8, v39  }
0x84: {  	v46 =	vadd.s32 v56, v46;
	v47 =	vadd.s32 v48, v47;
	v48 =	vadd.s32 $0xFFFFFFFF, v60  }
0x85: {  	v49 =	vshrl.u32 v61, $0x2;
	v62 =	vshrl.u32 v50, $0x3;
	v25 =	vadd.s32 v26, v25  }
0x86: {  	v26 =	vshrl.u32 v27, $0x3;
	v27 =	vnsel vm11, $0x4, v52;
	vm11 =	vlt.s32 v39, $0x4  }
0x87: {  	[tilespmem:$0x600] =	vst v24;
	v46 =	vshll.u32 v46, $0x8;
	v47 =	vadd.s32 v59, v47;
	v24 =	vadd.s32 v49, v48  }
0x88: {  	v25 =	vadd.s32 v26, v25;
	v26 =	vnsel vm10, $0x2, v52;
	v27 =	vshrl.u32 v27, $0x2  }
0x89: {  	[tilespmem:$0x690] =	vst v33;
	vm10 =	vlt.s32 v39, $0x2;
	v47 =	vshll.u32 v47, $0x8;
	v24 =	vadd.s32 v62, v24  }
0x8a: {  	[tilespmem:$0x6A0] =	vst v34;
	v25 =	vshll.u32 v25, $0x8;
	v26 =	vadd.s32 $0xFFFFFFFF, v26;
	v24 =	vshll.u32 v24, $0x8  }
0x8b: {  	[tilespmem:$0x6B0] =	vst v35;
	v26 =	vadd.s32 v27, v26;
	v27 =	vshrl.u32 v28, $0x3;
	v28 =	vnsel vm14, $0x4, v63  }
0x8c: {  	[tilespmem:$0x6C0] =	vst v36;
	vm14 =	vlt.s32 v43, $0x4;
	v26 =	vadd.s32 v27, v26;
	v27 =	vnsel vm13, $0x2, v63  }
0x8d: {  	[tilespmem:$0x6D0] =	vst v37;
	v28 =	vshrl.u32 v28, $0x2;
	vm13 =	vlt.s32 v43, $0x2;
	v27 =	vadd.s32 $0xFFFFFFFF, v27  }
0x8e: {  	[tilespmem:$0x790] =	vst v25;
	v26 =	vshll.u32 v26, $0x8;
	v25 =	vnsel vm13, $0x2, v43;
	v27 =	vadd.s32 v28, v27  }
0x8f: {  	[tilespmem:$0x6E0] =	vst v38;
	v28 =	vshrl.u32 v30, $0x3;
	v30 =	vnsel vm5, $0x4, v29;
	v25 =	vadd.s32 $0xFFFFFFFF, v25  }
0x90: {  	[tilespmem:$0x7A0] =	vst v26;
	v26 =	vnsel vm14, $0x4, v43;
	v27 =	vadd.s32 v28, v27;
	v28 =	vnsel vm4, $0x2, v29  }
0x91: {  	[tilespmem:$0x700] =	vst v40;
	v30 =	vshrl.u32 v30, $0x2;
	v29 =	vnsel vm6, $0x8, v29;
	v28 =	vadd.s32 $0xFFFFFFFF, v28  }
0x92: {  	[tilespmem:$0x710] =	vst v41;
	v26 =	vshrl.u32 v26, $0x2;
	v29 =	vshrl.u32 v29, $0x3;
	v28 =	vadd.s32 v30, v28  }
0x93: {  	[tilespmem:$0x720] =	vst v42;
	v30 =	vnsel vm8, $0x4, v31;
	v28 =	vadd.s32 v29, v28;
	v29 =	vnsel vm7, $0x2, v31  }
0x94: {  	[tilespmem:$0x740] =	vst v44;
	v30 =	vshrl.u32 v30, $0x2;
	v31 =	vnsel vm9, $0x8, v31;
	v29 =	vadd.s32 $0xFFFFFFFF, v29  }
0x95: {  	[tilespmem:$0x750] =	vst v45;
	v27 =	vshll.u32 v27, $0x8;
	v29 =	vadd.s32 v30, v29;
	v30 =	vshrl.u32 v31, $0x3  }
0x96: {  	[tilespmem:$0x760] =	vst v46;
	v31 =	vnsel vm11, $0x4, v39;
	v29 =	vadd.s32 v30, v29;
	v30 =	vnsel vm10, $0x2, v39  }
0x97: {  	[tilespmem:$0x780] =	vst v24;
	v25 =	vadd.s32 v26, v25;
	v31 =	vshrl.u32 v31, $0x2;
	v30 =	vadd.s32 $0xFFFFFFFF, v30  }
0x98: {  	[tilespmem:$0x7B0] =	vst v27;
	v27 =	vnsel vm15, $0x8, v43;
	v24 =	vadd.s32 v31, v30;
	v30 =	vshrl.u32 v32, $0x3  }
0x99: {  	s18 =	simm.s32 $0x1;
	[tilespmem:$0x770] =	vst v47;
	v28 =	vshll.u32 v28, $0x8;
	v24 =	vadd.s32 v30, v24;
	v30 =	vmov s2  }
0x9a: {  	v26 =	vshrl.u32 v27, $0x3;
	v27 =	vmov s18;
	[tilespmem:$0x7C0] =	vst v28;
	v29 =	vshll.u32 v29, $0x8  }
0x9b: {  	v25 =	vadd.s32 v26, v25;
	[tilespmem:$0x7D0] =	vst v29;
	v24 =	vshll.u32 v24, $0x8  }
0x9c: {  	[tilespmem:$0x7E0] =	vst v24;
	v24 =	vshll.u32 v25, $0x8  }
0x9d: {  	[tilespmem:$0x7F0] =	vst v24  }
0x9e: {  	v36 =	vld.idx.msk [tilespmem:v30+s12+$0x0], $0xffff  }
0x9f: {  	v29 =	vld.idx.msk [tilespmem:v27+s12+$0x0], $0xffff;
	_ =	sdelay $0x3  }
0xa0: {  	v24 =	vadd.s32 v0, v36  }
0xa1: {  	v28 =	vshll.u32 v30, $0x7;
	v26 =	vadd.s32 v0, v29  }
0xa2: {  	v25 =	vshll.u32 v30, $0x8;
	v28 =	vand.u32 $0x300, v28  }
0xa3: {  	v25 =	vand.u32 $0x7800, v25;
	v30 =	vshll.u32 v27, $0x8;
	v27 =	vshll.u32 v27, $0x7  }
0xa4: {  	v34 =	vor.u32 v28, v25;
	v25 =	vand.u32 $0x7800, v30;
	v27 =	vand.u32 $0x380, v27  }
0xa5: {  	v28 =	vor.u32 v0, v34;
	v33 =	vor.u32 v27, v25;
	v24 =	vld.idx.msk [tilespmem:v24+s10+$0x0], $0xffff  }
0xa6: {  	v27 =	vor.u32 v0, v33;
	v25 =	vadd.s32 v1, v36;
	v26 =	vld.idx.msk [tilespmem:v26+s10+$0x0], $0xffff  }
0xa7: {  	v30 =	vadd.s32 v1, v29;
	_ =	sdelay $0x2  }
0xa8: {  	[tilespmem:v28+s13+$0x0] =	vst.idx.msk $0xffff, v24  }
0xa9: {  	[tilespmem:v27+s13+$0x0] =	vst.idx.msk $0xffff, v26;
	v24 =	vld.idx.msk [tilespmem:v25+s10+$0x0], $0xffff;
	v25 =	vor.u32 v1, v34  }
0xaa: {  	v26 =	vadd.s32 v2, v36;
	v27 =	vld.idx.msk [tilespmem:v30+s10+$0x0], $0xffff;
	v28 =	vor.u32 v1, v33  }
0xab: {  	v30 =	vadd.s32 v2, v29;
	_ =	sdelay $0x2  }
0xac: {  	s26 =	simm.s32 $0x2;
	[tilespmem:v25+s13+$0x0] =	vst.idx.msk $0xffff, v24  }
0xad: {  	v31 =	vor.u32 v2, v34;
	[tilespmem:v28+s13+$0x0] =	vst.idx.msk $0xffff, v27;
	v25 =	vmov s26;
	v26 =	vld.idx.msk [tilespmem:v26+s10+$0x0], $0xffff  }
0xae: {  	v27 =	vadd.s32 v3, v36;
	v28 =	vld.idx.msk [tilespmem:v30+s10+$0x0], $0xffff;
	v30 =	vor.u32 v2, v33  }
0xaf: {  	v44 =	vadd.s32 v3, v29;
	_ =	sdelay $0x1  }
0xb0: {  	s28 =	simm.s32 $0x3  }
0xb1: {  	v24 =	vld.idx.msk [tilespmem:v25+s12+$0x0], $0xffff;
	[tilespmem:v31+s13+$0x0] =	vst.idx.msk $0xffff, v26;
	v26 =	vmov s28  }
0xb2: {  	v45 =	vor.u32 v3, v34;
	[tilespmem:v30+s13+$0x0] =	vst.idx.msk $0xffff, v28;
	v31 =	vld.idx.msk [tilespmem:v27+s10+$0x0], $0xffff  }
0xb3: {  	v46 =	vor.u32 v3, v33;
	v28 =	vadd.s32 v4, v36;
	v30 =	vld.idx.msk [tilespmem:v44+s10+$0x0], $0xffff  }
0xb4: {  	v47 =	vadd.s32 v4, v29;
	_ =	sdelay $0x1  }
0xb5: {  	v27 =	vld.idx.msk [tilespmem:v26+s12+$0x0], $0xffff  }
0xb6: {  	v48 =	vadd.s32 v0, v24;
	[tilespmem:v45+s13+$0x0] =	vst.idx.msk $0xffff, v31  }
0xb7: {  	v49 =	vor.u32 v4, v34;
	v50 =	vor.u32 v4, v33;
	[tilespmem:v46+s13+$0x0] =	vst.idx.msk $0xffff, v30;
	v28 =	vld.idx.msk [tilespmem:v28+s10+$0x0], $0xffff  }
0xb8: {  	v30 =	vadd.s32 v5, v36;
	v31 =	vshll.u32 v25, $0x8;
	v25 =	vshll.u32 v25, $0x7;
	v32 =	vld.idx.msk [tilespmem:v47+s10+$0x0], $0xffff  }
0xb9: {  	v51 =	vadd.s32 v5, v29;
	v31 =	vand.u32 $0x7800, v31;
	v25 =	vand.u32 $0x300, v25  }
0xba: {  	v25 =	vor.u32 v25, v31;
	v31 =	vadd.s32 v0, v27  }
0xbb: {  	v38 =	vld.idx.msk [tilespmem:v48+s10+$0x0], $0xffff;
	v52 =	vor.u32 v0, v25  }
0xbc: {  	v53 =	vshll.u32 v26, $0x8;
	v26 =	vshll.u32 v26, $0x7;
	[tilespmem:v49+s13+$0x0] =	vst.idx.msk $0xffff, v28;
	v28 =	vadd.s32 v1, v24  }
0xbd: {  	v54 =	vor.u32 v5, v34;
	v55 =	vand.u32 $0x7800, v53;
	v26 =	vand.u32 $0x380, v26;
	[tilespmem:v50+s13+$0x0] =	vst.idx.msk $0xffff, v32;
	v30 =	vld.idx.msk [tilespmem:v30+s10+$0x0], $0xffff  }
0xbe: {  	v57 =	vor.u32 v5, v33;
	v56 =	vadd.s32 v6, v36;
	v26 =	vor.u32 v26, v55;
	v37 =	vld.idx.msk [tilespmem:v51+s10+$0x0], $0xffff  }
0xbf: {  	v59 =	vadd.s32 v6, v29;
	v58 =	vor.u32 v0, v26;
	v31 =	vld.idx.msk [tilespmem:v31+s10+$0x0], $0xffff  }
0xc0: {  	v60 =	vadd.s32 v1, v27;
	[tilespmem:v52+s13+$0x0] =	vst.idx.msk $0xffff, v38  }
0xc1: {  	v61 =	vor.u32 v1, v25;
	v28 =	vld.idx.msk [tilespmem:v28+s10+$0x0], $0xffff  }
0xc2: {  	[tilespmem:v54+s13+$0x0] =	vst.idx.msk $0xffff, v30;
	v30 =	vadd.s32 v2, v24  }
0xc3: {  	v62 =	vor.u32 v6, v34;
	[tilespmem:v57+s13+$0x0] =	vst.idx.msk $0xffff, v37;
	v35 =	vld.idx.msk [tilespmem:v56+s10+$0x0], $0xffff  }
0xc4: {  	v63 =	vadd.s32 v7, v36;
	v45 =	vor.u32 v6, v33;
	[tilespmem:v58+s13+$0x0] =	vst.idx.msk $0xffff, v31;
	v31 =	vld.idx.msk [tilespmem:v59+s10+$0x0], $0xffff  }
0xc5: {  	v47 =	vadd.s32 v7, v29;
	v46 =	vor.u32 v1, v26;
	v38 =	vld.idx.msk [tilespmem:v60+s10+$0x0], $0xffff  }
0xc6: {  	[tilespmem:v61+s13+$0x0] =	vst.idx.msk $0xffff, v28;
	v28 =	vadd.s32 v2, v27  }
0xc7: {  	v48 =	vor.u32 v2, v25;
	v30 =	vld.idx.msk [tilespmem:v30+s10+$0x0], $0xffff  }
0xc8: {  	s29 =	simm.s32 $0x4;
	v49 =	vadd.s32 v3, v24;
	[tilespmem:v62+s13+$0x0] =	vst.idx.msk $0xffff, v35  }
0xc9: {  	v50 =	vmov s29;
	v51 =	vor.u32 v7, v34;
	v32 =	vld.idx.msk [tilespmem:v63+s10+$0x0], $0xffff;
	[tilespmem:v45+s13+$0x0] =	vst.idx.msk $0xffff, v31  }
0xca: {  	v52 =	vor.u32 v7, v33;
	v31 =	vadd.s32 v8, v36;
	[tilespmem:v46+s13+$0x0] =	vst.idx.msk $0xffff, v38;
	v37 =	vld.idx.msk [tilespmem:v47+s10+$0x0], $0xffff  }
0xcb: {  	v53 =	vor.u32 v2, v26;
	v54 =	vadd.s32 v8, v29;
	v39 =	vld.idx.msk [tilespmem:v28+s10+$0x0], $0xffff  }
0xcc: {  	[tilespmem:v48+s13+$0x0] =	vst.idx.msk $0xffff, v30;
	v30 =	vadd.s32 v3, v27  }
0xcd: {  	v55 =	vor.u32 v3, v25;
	v35 =	vld.idx.msk [tilespmem:v49+s10+$0x0], $0xffff  }
0xce: {  	s30 =	simm.s32 $0x5;
	v56 =	vadd.s32 v4, v24;
	v28 =	vld.idx.msk [tilespmem:v50+s12+$0x0], $0xffff;
	[tilespmem:v51+s13+$0x0] =	vst.idx.msk $0xffff, v32  }
0xcf: {  	v57 =	vor.u32 v9, v34;
	v31 =	vld.idx.msk [tilespmem:v31+s10+$0x0], $0xffff;
	[tilespmem:v52+s13+$0x0] =	vst.idx.msk $0xffff, v37;
	v37 =	vmov s30  }
0xd0: {  	v58 =	vadd.s32 v10, v36;
	v60 =	vor.u32 v9, v33;
	[tilespmem:v53+s13+$0x0] =	vst.idx.msk $0xffff, v39;
	v59 =	vld.idx.msk [tilespmem:v54+s10+$0x0], $0xffff  }
0xd1: {  	v61 =	vor.u32 v3, v26;
	v62 =	vadd.s32 v10, v29;
	v30 =	vld.idx.msk [tilespmem:v30+s10+$0x0], $0xffff  }
0xd2: {  	v63 =	vadd.s32 v4, v27;
	[tilespmem:v55+s13+$0x0] =	vst.idx.msk $0xffff, v35  }
0xd3: {  	v41 =	vshll.u32 v50, $0x7;
	v51 =	vshll.u32 v50, $0x8;
	v52 =	vadd.s32 v0, v28;
	v32 =	vld.idx.msk [tilespmem:v56+s10+$0x0], $0xffff  }
0xd4: {  	v41 =	vand.u32 $0x300, v41;
	v40 =	vand.u32 $0x7800, v51;
	v53 =	vor.u32 v4, v25;
	[tilespmem:v57+s13+$0x0] =	vst.idx.msk $0xffff, v31;
	v31 =	vld.idx.msk [tilespmem:v37+s12+$0x0], $0xffff  }
0xd5: {  	v54 =	vadd.s32 v5, v24;
	v55 =	vor.u32 v11, v34;
	v38 =	vld.idx.msk [tilespmem:v58+s10+$0x0], $0xffff;
	[tilespmem:v60+s13+$0x0] =	vst.idx.msk $0xffff, v59  }
0xd6: {  	v56 =	vadd.s32 v12, v36;
	v57 =	vor.u32 v11, v33;
	[tilespmem:v61+s13+$0x0] =	vst.idx.msk $0xffff, v30;
	v42 =	vld.idx.msk [tilespmem:v62+s10+$0x0], $0xffff  }
0xd7: {  	s31 =	simm.s32 $0x6;
	v30 =	vor.u32 v41, v40;
	v40 =	vor.u32 v4, v26;
	v41 =	vadd.s32 v12, v29;
	v35 =	vld.idx.msk [tilespmem:v63+s10+$0x0], $0xffff  }
0xd8: {  	v51 =	vmov s31;
	v58 =	vld.idx.msk [tilespmem:v52+s10+$0x0], $0xffff;
	v59 =	vor.u32 v0, v30  }
0xd9: {  	v44 =	vor.u32 v13, v33;
	v60 =	vadd.s32 v5, v27;
	[tilespmem:v53+s13+$0x0] =	vst.idx.msk $0xffff, v32  }
0xda: {  	v62 =	vor.u32 v5, v25;
	v61 =	vadd.s32 v0, v31;
	v43 =	vld.idx.msk [tilespmem:v54+s10+$0x0], $0xffff;
	[tilespmem:v55+s13+$0x0] =	vst.idx.msk $0xffff, v38  }
0xdb: {  	v63 =	vadd.s32 v1, v28;
	v54 =	vor.u32 v13, v34;
	v39 =	vld.idx.msk [tilespmem:v56+s10+$0x0], $0xffff;
	[tilespmem:v57+s13+$0x0] =	vst.idx.msk $0xffff, v42  }
0xdc: {  	v55 =	vadd.s32 v6, v24;
	v57 =	vshll.u32 v37, $0x8;
	v37 =	vshll.u32 v37, $0x7;
	[tilespmem:v40+s13+$0x0] =	vst.idx.msk $0xffff, v35;
	v40 =	vld.idx.msk [tilespmem:v41+s10+$0x0], $0xffff  }
0xdd: {  	v56 =	vadd.s32 v14, v36;
	[tilespmem:v59+s13+$0x0] =	vst.idx.msk $0xffff, v58;
	v58 =	vand.u32 $0x7800, v57;
	v37 =	vand.u32 $0x380, v37;
	v35 =	vld.idx.msk [tilespmem:v51+s12+$0x0], $0xffff  }
0xde: {  	v46 =	vadd.s32 v14, v29;
	v59 =	vor.u32 v5, v26;
	v41 =	vld.idx.msk [tilespmem:v60+s10+$0x0], $0xffff;
	v32 =	vor.u32 v37, v58  }
0xdf: {  	v60 =	vadd.s32 v6, v27;
	v45 =	vld.idx.msk [tilespmem:v61+s10+$0x0], $0xffff;
	[tilespmem:v62+s13+$0x0] =	vst.idx.msk $0xffff, v43;
	v43 =	vor.u32 v0, v32  }
0xe0: {  	v38 =	vld.idx.msk [tilespmem:v63+s10+$0x0], $0xffff;
	v61 =	vor.u32 v1, v30;
	v62 =	vadd.s32 v1, v31  }
0xe1: {  	v57 =	vadd.s32 v2, v28;
	v58 =	vor.u32 v6, v25;
	v63 =	vld.idx.msk [tilespmem:v55+s10+$0x0], $0xffff;
	[tilespmem:v54+s13+$0x0] =	vst.idx.msk $0xffff, v39  }
0xe2: {  	v53 =	vadd.s32 v7, v24;
	v54 =	vor.u32 v15, v34;
	v42 =	vld.idx.msk [tilespmem:v56+s10+$0x0], $0xffff;
	[tilespmem:v44+s13+$0x0] =	vst.idx.msk $0xffff, v40  }
0xe3: {  	[tilespmem:v59+s13+$0x0] =	vst.idx.msk $0xffff, v41;
	v59 =	vadd.s32 v16, v36;
	v40 =	vld.idx.msk [tilespmem:v46+s10+$0x0], $0xffff;
	v41 =	vor.u32 v15, v33  }
0xe4: {  	v44 =	vor.u32 v6, v26;
	[tilespmem:v43+s13+$0x0] =	vst.idx.msk $0xffff, v45;
	v43 =	vld.idx.msk [tilespmem:v60+s10+$0x0], $0xffff;
	v60 =	vadd.s32 v16, v29  }
0xe5: {  	[tilespmem:v61+s13+$0x0] =	vst.idx.msk $0xffff, v38;
	v61 =	vor.u32 v1, v32;
	v38 =	vld.idx.msk [tilespmem:v62+s10+$0x0], $0xffff;
	v62 =	vadd.s32 v7, v27  }
0xe6: {  	v48 =	vor.u32 v2, v30;
	v49 =	vadd.s32 v2, v31;
	v47 =	vld.idx.msk [tilespmem:v57+s10+$0x0], $0xffff;
	[tilespmem:v58+s13+$0x0] =	vst.idx.msk $0xffff, v63  }
0xe7: {  	v50 =	vld.idx.msk [tilespmem:v53+s10+$0x0], $0xffff;
	[tilespmem:v54+s13+$0x0] =	vst.idx.msk $0xffff, v42;
	v42 =	vadd.s32 v3, v28  }
0xe8: {  	v63 =	vor.u32 v7, v25;
	v57 =	vadd.s32 v0, v35;
	v37 =	vld.idx.msk [tilespmem:v59+s10+$0x0], $0xffff;
	[tilespmem:v41+s13+$0x0] =	vst.idx.msk $0xffff, v40  }
0xe9: {  	v55 =	vadd.s32 v8, v24;
	v56 =	vor.u32 v17, v34;
	[tilespmem:v44+s13+$0x0] =	vst.idx.msk $0xffff, v43;
	v60 =	vld.idx.msk [tilespmem:v60+s10+$0x0], $0xffff  }
0xea: {  	v40 =	vadd.s32 v18, v36;
	[tilespmem:v61+s13+$0x0] =	vst.idx.msk $0xffff, v38;
	v61 =	vld.idx.msk [tilespmem:v62+s10+$0x0], $0xffff;
	v62 =	vor.u32 v17, v33  }
0xeb: {  	v58 =	vor.u32 v7, v26;
	v59 =	vadd.s32 v18, v29;
	[tilespmem:v48+s13+$0x0] =	vst.idx.msk $0xffff, v47;
	v49 =	vld.idx.msk [tilespmem:v49+s10+$0x0], $0xffff  }
0xec: {  	v53 =	vor.u32 v2, v32;
	v54 =	vadd.s32 v3, v31;
	v48 =	vld.idx.msk [tilespmem:v42+s10+$0x0], $0xffff;
	v42 =	vadd.s32 v8, v27  }
0xed: {  	v47 =	vor.u32 v9, v25;
	v52 =	vld.idx.msk [tilespmem:v57+s10+$0x0], $0xffff;
	[tilespmem:v63+s13+$0x0] =	vst.idx.msk $0xffff, v50;
	v50 =	vor.u32 v3, v30  }
0xee: {  	v41 =	vshll.u32 v51, $0x8;
	v63 =	vshll.u32 v51, $0x7;
	v51 =	vadd.s32 v4, v28;
	v44 =	vld.idx.msk [tilespmem:v55+s10+$0x0], $0xffff;
	[tilespmem:v56+s13+$0x0] =	vst.idx.msk $0xffff, v37  }
0xef: {  	v46 =	vor.u32 v19, v34;
	v45 =	vld.idx.msk [tilespmem:v40+s10+$0x0], $0xffff;
	v40 =	vadd.s32 v10, v24;
	[tilespmem:v62+s13+$0x0] =	vst.idx.msk $0xffff, v60  }
0xf0: {  	s19 =	simm.s32 $0x7;
	s18 =	simm.s32 $0x8;
	v38 =	vand.u32 $0x300, v63;
	v37 =	vand.u32 $0x7800, v41;
	v41 =	vadd.s32 v20, v36;
	[tilespmem:v58+s13+$0x0] =	vst.idx.msk $0xffff, v61;
	v43 =	vld.idx.msk [tilespmem:v59+s10+$0x0], $0xffff  }
.LBB2_2:
0xf1: {  	p0 =	slt.u32 s18, $0x7E;
	v38 =	vor.u32 v38, v37;
	v39 =	vmov s19;
	[tilespmem:v53+s13+$0x0] =	vst.idx.msk $0xffff, v49;
	v42 =	vld.idx.msk [tilespmem:v42+s10+$0x0], $0xffff;
	v49 =	vor.u32 v19, v33  }
0xf2: {  	v53 =	vadd.s32 v20, v29;
	[tilespmem:v50+s13+$0x0] =	vst.idx.msk $0xffff, v48;
	v48 =	vld.idx.msk [tilespmem:v54+s10+$0x0], $0xffff;
	v50 =	vor.u32 v9, v26  }
0xf3: {  	v54 =	vor.u32 v3, v32;
	v51 =	vld.idx.msk [tilespmem:v51+s10+$0x0], $0xffff;
	[tilespmem:v47+s13+$0x0] =	vst.idx.msk $0xffff, v44;
	v44 =	vadd.s32 v10, v27  }
0xf4: {  	v55 =	vadd.s32 v4, v31;
	v47 =	vor.u32 v4, v30;
	v40 =	vld.idx.msk [tilespmem:v40+s10+$0x0], $0xffff;
	[tilespmem:v46+s13+$0x0] =	vst.idx.msk $0xffff, v45  }
0xf5: {  	v37 =	vmovc v24;
	v24 =	vmov v28;
	v45 =	vor.u32 v0, v38;
	v46 =	vadd.s32 v5, v28;
	v41 =	vld.idx.msk [tilespmem:v41+s10+$0x0], $0xffff  }
0xf6: {  	v57 =	vor.u32 v11, v25;
	v28 =	vmov v35;
	v56 =	vld.idx.msk [tilespmem:v39+s12+$0x0], $0xffff;
	[tilespmem:v49+s13+$0x0] =	vst.idx.msk $0xffff, v43  }
0xf7: {  	v35 =	vadd.s32 v12, v37;
	[tilespmem:v50+s13+$0x0] =	vst.idx.msk $0xffff, v42;
	v42 =	vor.u32 v21, v34;
	v43 =	vld.idx.msk [tilespmem:v53+s10+$0x0], $0xffff  }
0xf8: {  	v36 =	vadd.s32 v22, v36;
	[tilespmem:v54+s13+$0x0] =	vst.idx.msk $0xffff, v48;
	v44 =	vld.idx.msk [tilespmem:v44+s10+$0x0], $0xffff;
	v48 =	vor.u32 v21, v33  }
0xf9: {  	v49 =	vor.u32 v11, v26;
	v50 =	vadd.s32 v22, v29;
	[tilespmem:v47+s13+$0x0] =	vst.idx.msk $0xffff, v51;
	v47 =	vld.idx.msk [tilespmem:v55+s10+$0x0], $0xffff  }
0xfa: {  	v51 =	vadd.s32 v12, v27;
	[tilespmem:v45+s13+$0x0] =	vst.idx.msk $0xffff, v52;
	v45 =	vld.idx.msk [tilespmem:v46+s10+$0x0], $0xffff;
	v46 =	vor.u32 v4, v32  }
0xfb: {  	v53 =	vadd.s32 v5, v31;
	v29 =	vmov v27;
	v52 =	vor.u32 v5, v30;
	[tilespmem:v57+s13+$0x0] =	vst.idx.msk $0xffff, v40  }
0xfc: {  	v34 =	vor.u32 v23, v34;
	v27 =	vadd.s32 v0, v56;
	v35 =	vld.idx.msk [tilespmem:v35+s10+$0x0], $0xffff;
	[tilespmem:v42+s13+$0x0] =	vst.idx.msk $0xffff, v41  }
0xfd: {  	v40 =	vadd.s32 v1, v28;
	v41 =	vor.u32 v13, v25;
	v36 =	vld.idx.msk [tilespmem:v36+s10+$0x0], $0xffff;
	[tilespmem:v48+s13+$0x0] =	vst.idx.msk $0xffff, v43  }
0xfe: {  	v42 =	vadd.s32 v6, v24;
	v43 =	vmov s18;
	v48 =	vadd.s32 v14, v37;
	[tilespmem:v49+s13+$0x0] =	vst.idx.msk $0xffff, v44;
	v44 =	vld.idx.msk [tilespmem:v50+s10+$0x0], $0xffff  }
0xff: {  	v33 =	vor.u32 v23, v33;
	v49 =	vshll.u32 v39, $0x8;
	v39 =	vshll.u32 v39, $0x7;
	[tilespmem:v46+s13+$0x0] =	vst.idx.msk $0xffff, v47;
	v46 =	vld.idx.msk [tilespmem:v51+s10+$0x0], $0xffff  }
0x100: {  	v47 =	vand.u32 $0x7800, v49;
	v39 =	vand.u32 $0x380, v39;
	v49 =	vor.u32 v13, v26;
	[tilespmem:v52+s13+$0x0] =	vst.idx.msk $0xffff, v45;
	v45 =	vld.idx.msk [tilespmem:v53+s10+$0x0], $0xffff  }
0x101: {  	v50 =	vadd.s32 v14, v29;
	v39 =	vor.u32 v39, v47;
	v47 =	vor.u32 v5, v32;
	v27 =	vld.idx.msk [tilespmem:v27+s10+$0x0], $0xffff  }
0x102: {  	v52 =	vadd.s32 v6, v31;
	v51 =	vor.u32 v0, v39;
	v40 =	vld.idx.msk [tilespmem:v40+s10+$0x0], $0xffff;
	[tilespmem:v41+s13+$0x0] =	vst.idx.msk $0xffff, v35  }
0x103: {  	v53 =	vadd.s32 v1, v56;
	v41 =	vor.u32 v1, v38;
	v42 =	vld.idx.msk [tilespmem:v42+s10+$0x0], $0xffff;
	[tilespmem:v34+s13+$0x0] =	vst.idx.msk $0xffff, v36  }
0x104: {  	v54 =	vor.u32 v6, v30;
	v36 =	vadd.s32 v2, v28;
	v48 =	vld.idx.msk [tilespmem:v48+s10+$0x0], $0xffff;
	[tilespmem:v33+s13+$0x0] =	vst.idx.msk $0xffff, v44  }
0x105: {  	v33 =	vadd.s32 v7, v24;
	v44 =	vor.u32 v15, v25;
	v35 =	vld.idx.msk [tilespmem:v43+s12+$0x0], $0xffff;
	[tilespmem:v49+s13+$0x0] =	vst.idx.msk $0xffff, v46  }
0x106: {  	v34 =	vmov v25;
	v25 =	vmov v30;
	[tilespmem:v47+s13+$0x0] =	vst.idx.msk $0xffff, v45;
	v45 =	vadd.s32 v16, v37;
	v46 =	vld.idx.msk [tilespmem:v50+s10+$0x0], $0xffff  }
0x107: {  	v30 =	vmov v38;
	v49 =	vor.u32 v15, v26;
	[tilespmem:v51+s13+$0x0] =	vst.idx.msk $0xffff, v27;
	v47 =	vld.idx.msk [tilespmem:v52+s10+$0x0], $0xffff;
	v27 =	vmov v31  }
0x108: {  	[tilespmem:v41+s13+$0x0] =	vst.idx.msk $0xffff, v40;
	v38 =	vld.idx.msk [tilespmem:v53+s10+$0x0], $0xffff;
	v40 =	vor.u32 v6, v32;
	v41 =	vadd.s32 v16, v29  }
0x109: {  	v50 =	vor.u32 v1, v39;
	v36 =	vld.idx.msk [tilespmem:v36+s10+$0x0], $0xffff;
	[tilespmem:v54+s13+$0x0] =	vst.idx.msk $0xffff, v42;
	v42 =	vadd.s32 v7, v27  }
0x10a: {  	v51 =	vor.u32 v2, v30;
	v52 =	vadd.s32 v2, v56;
	v54 =	vld.idx.msk [tilespmem:v33+s10+$0x0], $0xffff;
	[tilespmem:v44+s13+$0x0] =	vst.idx.msk $0xffff, v48  }
0x10b: {  	v55 =	vor.u32 v7, v25;
	v31 =	vmovc v56;
	v44 =	vadd.s32 v3, v28;
	v33 =	vmov v26;
	v45 =	vld.idx.msk [tilespmem:v45+s10+$0x0], $0xffff  }
0x10c: {  	v57 =	vor.u32 v17, v34;
	v56 =	vadd.s32 v8, v24;
	v26 =	vmov v32;
	[tilespmem:v49+s13+$0x0] =	vst.idx.msk $0xffff, v46  }
0x10d: {  	v58 =	vshll.u32 v43, $0x8;
	v32 =	vmov v39;
	[tilespmem:v40+s13+$0x0] =	vst.idx.msk $0xffff, v47;
	v40 =	vadd.s32 v18, v37;
	v41 =	vld.idx.msk [tilespmem:v41+s10+$0x0], $0xffff  }
0x10e: {  	v39 =	vadd.s32 v0, v35;
	[tilespmem:v50+s13+$0x0] =	vst.idx.msk $0xffff, v38;
	v59 =	vld.idx.msk [tilespmem:v42+s10+$0x0], $0xffff;
	v38 =	vor.u32 v17, v33  }
0x10f: {  	v61 =	vadd.s32 v18, v29;
	v60 =	vor.u32 v7, v26;
	[tilespmem:v51+s13+$0x0] =	vst.idx.msk $0xffff, v36;
	v49 =	vld.idx.msk [tilespmem:v52+s10+$0x0], $0xffff  }
.Ltmp0:
0x110: {  	v53 =	vor.u32 v2, v32;
	v42 =	vadd.s32 v8, v27;
	v48 =	vld.idx.msk [tilespmem:v44+s10+$0x0], $0xffff;
	[tilespmem:v55+s13+$0x0] =	vst.idx.msk $0xffff, v54;
	(pc) =	sbr.rel @p0 .LBB2_2-.Ltmp0, $4  }
0x111: {  	v50 =	vor.u32 v3, v30;
	v54 =	vadd.s32 v3, v31;
	v44 =	vld.idx.msk [tilespmem:v56+s10+$0x0], $0xffff;
	[tilespmem:v57+s13+$0x0] =	vst.idx.msk $0xffff, v45  }
0x112: {  	v43 =	vshll.u32 v43, $0x7;
	v47 =	vor.u32 v9, v25;
	v51 =	vadd.s32 v4, v28;
	v36 =	vmovc v37;
	v45 =	vld.idx.msk [tilespmem:v40+s10+$0x0], $0xffff  }
0x113: {  	v46 =	vor.u32 v19, v34;
	v40 =	vadd.s32 v10, v24;
	v52 =	vld.idx.msk [tilespmem:v39+s10+$0x0], $0xffff;
	[tilespmem:v38+s13+$0x0] =	vst.idx.msk $0xffff, v41  }
0x114: {  	s19 =	sadd.s32 $0x1, s18;
	s18 =	sadd.s32 $0x2, s18;
	v37 =	vand.u32 $0x7800, v58;
	v38 =	vand.u32 $0x300, v43;
	v41 =	vadd.s32 v20, v36;
	[tilespmem:v60+s13+$0x0] =	vst.idx.msk $0xffff, v59;
	v43 =	vld.idx.msk [tilespmem:v61+s10+$0x0], $0xffff  }
0x115: {  	v55 =	vmov s19;
	_ =	sdelay $0x4  }
0x116: {  	v39 =	vld.idx.msk [tilespmem:v55+s12+$0x0], $0xffff;
	_ =	sdelay $0x4  }
0x117: {  	v56 =	vadd.s32 v0, v39;
	_ =	sdelay $0x1  }
0x118: {  	v57 =	vshll.u32 v55, $0x8;
	v55 =	vshll.u32 v55, $0x7  }
0x119: {  	v38 =	vor.u32 v38, v37;
	v61 =	vand.u32 $0x7800, v57;
	v55 =	vand.u32 $0x380, v55  }
0x11a: {  	v62 =	vor.u32 v0, v38;
	v37 =	vor.u32 v55, v61  }
0x11b: {  	v63 =	vadd.s32 v1, v35;
	v58 =	vor.u32 v0, v37;
	v56 =	vld.idx.msk [tilespmem:v56+s10+$0x0], $0xffff  }
0x11c: {  	v59 =	vadd.s32 v1, v39;
	_ =	sdelay $0x2  }
0x11d: {  	[tilespmem:v62+s13+$0x0] =	vst.idx.msk $0xffff, v52  }
0x11e: {  	v52 =	vld.idx.msk [tilespmem:v63+s10+$0x0], $0xffff;
	v55 =	vor.u32 v1, v38;
	[tilespmem:v58+s13+$0x0] =	vst.idx.msk $0xffff, v56  }
0x11f: {  	v60 =	vadd.s32 v2, v35;
	v62 =	vor.u32 v1, v37;
	v61 =	vld.idx.msk [tilespmem:v59+s10+$0x0], $0xffff  }
0x120: {  	v63 =	vadd.s32 v2, v39;
	_ =	sdelay $0x2  }
0x121: {  	[tilespmem:v55+s13+$0x0] =	vst.idx.msk $0xffff, v52  }
0x122: {  	v52 =	vld.idx.msk [tilespmem:v60+s10+$0x0], $0xffff;
	v60 =	vor.u32 v2, v38;
	[tilespmem:v62+s13+$0x0] =	vst.idx.msk $0xffff, v61  }
0x123: {  	v61 =	vadd.s32 v3, v35;
	v62 =	vor.u32 v2, v37;
	v57 =	vld.idx.msk [tilespmem:v63+s10+$0x0], $0xffff  }
0x124: {  	v63 =	vadd.s32 v3, v39  }
0x125: {  	[tilespmem:v53+s13+$0x0] =	vst.idx.msk $0xffff, v49  }
0x126: {  	v53 =	vor.u32 v3, v32;
	v49 =	vld.idx.msk [tilespmem:v54+s10+$0x0], $0xffff  }
0x127: {  	[tilespmem:v60+s13+$0x0] =	vst.idx.msk $0xffff, v52  }
0x128: {  	v52 =	vadd.s32 v4, v31;
	v60 =	vor.u32 v3, v38;
	v54 =	vld.idx.msk [tilespmem:v61+s10+$0x0], $0xffff;
	[tilespmem:v62+s13+$0x0] =	vst.idx.msk $0xffff, v57  }
0x129: {  	[tilespmem:v50+s13+$0x0] =	vst.idx.msk $0xffff, v48;
	v61 =	vadd.s32 v4, v35;
	v62 =	vor.u32 v3, v37;
	v57 =	vld.idx.msk [tilespmem:v63+s10+$0x0], $0xffff  }
0x12a: {  	v50 =	vor.u32 v4, v30;
	v48 =	vld.idx.msk [tilespmem:v51+s10+$0x0], $0xffff;
	v63 =	vadd.s32 v4, v39  }
0x12b: {  	[tilespmem:v53+s13+$0x0] =	vst.idx.msk $0xffff, v49;
	v49 =	vadd.s32 v5, v28;
	_ =	sdelay $0x1  }
0x12c: {  	v51 =	vld.idx.msk [tilespmem:v52+s10+$0x0], $0xffff;
	v52 =	vor.u32 v4, v32;
	[tilespmem:v60+s13+$0x0] =	vst.idx.msk $0xffff, v54  }
0x12d: {  	v53 =	vadd.s32 v5, v31;
	v60 =	vor.u32 v4, v38;
	v54 =	vld.idx.msk [tilespmem:v61+s10+$0x0], $0xffff;
	[tilespmem:v62+s13+$0x0] =	vst.idx.msk $0xffff, v57  }
0x12e: {  	[tilespmem:v50+s13+$0x0] =	vst.idx.msk $0xffff, v48;
	v61 =	vadd.s32 v5, v35;
	v62 =	vor.u32 v4, v37;
	v57 =	vld.idx.msk [tilespmem:v63+s10+$0x0], $0xffff  }
0x12f: {  	v48 =	vld.idx.msk [tilespmem:v49+s10+$0x0], $0xffff;
	v49 =	vor.u32 v5, v30;
	v63 =	vadd.s32 v5, v39  }
0x130: {  	v50 =	vadd.s32 v6, v28  }
0x131: {  	[tilespmem:v52+s13+$0x0] =	vst.idx.msk $0xffff, v51  }
0x132: {  	v52 =	vor.u32 v5, v32;
	v51 =	vld.idx.msk [tilespmem:v53+s10+$0x0], $0xffff;
	[tilespmem:v60+s13+$0x0] =	vst.idx.msk $0xffff, v54  }
0x133: {  	v55 =	vor.u32 v5, v38;
	v53 =	vadd.s32 v6, v31;
	v54 =	vld.idx.msk [tilespmem:v61+s10+$0x0], $0xffff;
	[tilespmem:v62+s13+$0x0] =	vst.idx.msk $0xffff, v57  }
0x134: {  	[tilespmem:v49+s13+$0x0] =	vst.idx.msk $0xffff, v48;
	v60 =	vadd.s32 v6, v35;
	v62 =	vor.u32 v5, v37;
	v61 =	vld.idx.msk [tilespmem:v63+s10+$0x0], $0xffff  }
0x135: {  	[tilespmem:v47+s13+$0x0] =	vst.idx.msk $0xffff, v44;
	v49 =	vor.u32 v6, v30;
	v48 =	vld.idx.msk [tilespmem:v50+s10+$0x0], $0xffff;
	v58 =	vadd.s32 v6, v39  }
0x136: {  	v42 =	vld.idx.msk [tilespmem:v42+s10+$0x0], $0xffff;
	[tilespmem:v46+s13+$0x0] =	vst.idx.msk $0xffff, v45;
	v59 =	vor.u32 v9, v26  }
0x137: {  	[tilespmem:v52+s13+$0x0] =	vst.idx.msk $0xffff, v51;
	v63 =	vor.u32 v19, v33  }
0x138: {  	v50 =	vadd.s32 v7, v28;
	v52 =	vor.u32 v6, v32;
	v51 =	vld.idx.msk [tilespmem:v53+s10+$0x0], $0xffff;
	[tilespmem:v55+s13+$0x0] =	vst.idx.msk $0xffff, v54  }
0x139: {  	v53 =	vadd.s32 v7, v31;
	v44 =	vld.idx.msk [tilespmem:v60+s10+$0x0], $0xffff;
	v60 =	vor.u32 v6, v38;
	[tilespmem:v62+s13+$0x0] =	vst.idx.msk $0xffff, v61  }
0x13a: {  	v47 =	vor.u32 v6, v37;
	[tilespmem:v49+s13+$0x0] =	vst.idx.msk $0xffff, v48;
	v61 =	vadd.s32 v7, v35;
	v45 =	vld.idx.msk [tilespmem:v58+s10+$0x0], $0xffff  }
0x13b: {  	v40 =	vld.idx.msk [tilespmem:v40+s10+$0x0], $0xffff;
	[tilespmem:v59+s13+$0x0] =	vst.idx.msk $0xffff, v42;
	v42 =	vadd.s32 v7, v39;
	v62 =	vor.u32 v11, v25  }
0x13c: {  	v41 =	vld.idx.msk [tilespmem:v41+s10+$0x0], $0xffff;
	v56 =	vor.u32 v21, v34;
	[tilespmem:v63+s13+$0x0] =	vst.idx.msk $0xffff, v43;
	v63 =	vadd.s32 v20, v29  }
0x13d: {  	v49 =	vld.idx.msk [tilespmem:v50+s10+$0x0], $0xffff;
	v50 =	vor.u32 v7, v30;
	v59 =	vadd.s32 v10, v27;
	[tilespmem:v52+s13+$0x0] =	vst.idx.msk $0xffff, v51  }
0x13e: {  	v51 =	vadd.s32 v8, v28;
	v52 =	vld.idx.msk [tilespmem:v53+s10+$0x0], $0xffff;
	v53 =	vor.u32 v7, v32;
	[tilespmem:v60+s13+$0x0] =	vst.idx.msk $0xffff, v44  }
0x13f: {  	v60 =	vadd.s32 v8, v31;
	v43 =	vld.idx.msk [tilespmem:v61+s10+$0x0], $0xffff;
	v61 =	vor.u32 v7, v38;
	[tilespmem:v47+s13+$0x0] =	vst.idx.msk $0xffff, v45  }
0x140: {  	[tilespmem:v62+s13+$0x0] =	vst.idx.msk $0xffff, v40;
	v62 =	vadd.s32 v8, v35;
	v45 =	vor.u32 v7, v37;
	v42 =	vld.idx.msk [tilespmem:v42+s10+$0x0], $0xffff  }
0x141: {  	[tilespmem:v56+s13+$0x0] =	vst.idx.msk $0xffff, v41;
	v41 =	vadd.s32 v8, v39;
	v46 =	vld.idx.msk [tilespmem:v63+s10+$0x0], $0xffff;
	v63 =	vor.u32 v21, v33  }
0x142: {  	v56 =	vor.u32 v11, v26;
	[tilespmem:v50+s13+$0x0] =	vst.idx.msk $0xffff, v49;
	v48 =	vld.idx.msk [tilespmem:v59+s10+$0x0], $0xffff;
	v55 =	vadd.s32 v12, v24  }
0x143: {  	v36 =	vadd.s32 v22, v36;
	v49 =	vld.idx.msk [tilespmem:v51+s10+$0x0], $0xffff;
	[tilespmem:v53+s13+$0x0] =	vst.idx.msk $0xffff, v52;
	v58 =	vor.u32 v9, v30  }
0x144: {  	v59 =	vadd.s32 v10, v28;
	v44 =	vld.idx.msk [tilespmem:v60+s10+$0x0], $0xffff;
	v60 =	vor.u32 v9, v32;
	[tilespmem:v61+s13+$0x0] =	vst.idx.msk $0xffff, v43  }
0x145: {  	v61 =	vadd.s32 v10, v31;
	v40 =	vld.idx.msk [tilespmem:v62+s10+$0x0], $0xffff;
	v62 =	vor.u32 v9, v38;
	[tilespmem:v45+s13+$0x0] =	vst.idx.msk $0xffff, v42  }
0x146: {  	[tilespmem:v63+s13+$0x0] =	vst.idx.msk $0xffff, v46;
	v63 =	vadd.s32 v10, v35;
	v45 =	vor.u32 v9, v37;
	v41 =	vld.idx.msk [tilespmem:v41+s10+$0x0], $0xffff  }
0x147: {  	[tilespmem:v56+s13+$0x0] =	vst.idx.msk $0xffff, v48;
	v56 =	vadd.s32 v10, v39;
	v47 =	vor.u32 v13, v25;
	v46 =	vld.idx.msk [tilespmem:v55+s10+$0x0], $0xffff  }
0x148: {  	v36 =	vld.idx.msk [tilespmem:v36+s10+$0x0], $0xffff;
	v57 =	vor.u32 v23, v34;
	v29 =	vadd.s32 v22, v29;
	[tilespmem:v58+s13+$0x0] =	vst.idx.msk $0xffff, v49  }
0x149: {  	v58 =	vadd.s32 v12, v27;
	v50 =	vld.idx.msk [tilespmem:v59+s10+$0x0], $0xffff;
	v59 =	vor.u32 v11, v30;
	[tilespmem:v60+s13+$0x0] =	vst.idx.msk $0xffff, v44  }
0x14a: {  	v60 =	vadd.s32 v12, v28;
	v43 =	vld.idx.msk [tilespmem:v61+s10+$0x0], $0xffff;
	v61 =	vor.u32 v11, v32;
	[tilespmem:v62+s13+$0x0] =	vst.idx.msk $0xffff, v40  }
0x14b: {  	v62 =	vadd.s32 v12, v31;
	v42 =	vld.idx.msk [tilespmem:v63+s10+$0x0], $0xffff;
	v63 =	vor.u32 v11, v38;
	[tilespmem:v45+s13+$0x0] =	vst.idx.msk $0xffff, v41  }
0x14c: {  	v55 =	vadd.s32 v12, v35;
	[tilespmem:v47+s13+$0x0] =	vst.idx.msk $0xffff, v46;
	v46 =	vor.u32 v11, v37;
	v45 =	vld.idx.msk [tilespmem:v56+s10+$0x0], $0xffff  }
0x14d: {  	v34 =	vadd.s32 v12, v39;
	[tilespmem:v57+s13+$0x0] =	vst.idx.msk $0xffff, v36;
	v33 =	vor.u32 v23, v33;
	v29 =	vld.idx.msk [tilespmem:v29+s10+$0x0], $0xffff  }
0x14e: {  	v36 =	vadd.s32 v14, v24;
	v57 =	vor.u32 v13, v26;
	[tilespmem:v59+s13+$0x0] =	vst.idx.msk $0xffff, v50;
	v56 =	vld.idx.msk [tilespmem:v58+s10+$0x0], $0xffff  }
0x14f: {  	v59 =	vor.u32 v13, v30;
	v58 =	vadd.s32 v14, v27;
	v44 =	vld.idx.msk [tilespmem:v60+s10+$0x0], $0xffff;
	[tilespmem:v61+s13+$0x0] =	vst.idx.msk $0xffff, v43  }
0x150: {  	v60 =	vadd.s32 v14, v28;
	v61 =	vor.u32 v13, v32;
	v40 =	vld.idx.msk [tilespmem:v62+s10+$0x0], $0xffff;
	[tilespmem:v63+s13+$0x0] =	vst.idx.msk $0xffff, v42  }
0x151: {  	v62 =	vadd.s32 v14, v31;
	v63 =	vor.u32 v13, v38;
	v41 =	vld.idx.msk [tilespmem:v55+s10+$0x0], $0xffff;
	[tilespmem:v46+s13+$0x0] =	vst.idx.msk $0xffff, v45  }
0x152: {  	[tilespmem:v33+s13+$0x0] =	vst.idx.msk $0xffff, v29;
	v29 =	vadd.s32 v14, v35;
	v33 =	vld.idx.msk [tilespmem:v34+s10+$0x0], $0xffff;
	v34 =	vor.u32 v13, v37  }
0x153: {  	v36 =	vld.idx.msk [tilespmem:v36+s10+$0x0], $0xffff;
	v45 =	vor.u32 v15, v25;
	[tilespmem:v57+s13+$0x0] =	vst.idx.msk $0xffff, v56;
	v46 =	vadd.s32 v14, v39  }
0x154: {  	v56 =	vadd.s32 v16, v24;
	v57 =	vor.u32 v15, v26;
	[tilespmem:v59+s13+$0x0] =	vst.idx.msk $0xffff, v44;
	v48 =	vld.idx.msk [tilespmem:v58+s10+$0x0], $0xffff  }
0x155: {  	v59 =	vor.u32 v15, v30;
	v58 =	vadd.s32 v16, v27;
	v43 =	vld.idx.msk [tilespmem:v60+s10+$0x0], $0xffff;
	[tilespmem:v61+s13+$0x0] =	vst.idx.msk $0xffff, v40  }
0x156: {  	v60 =	vadd.s32 v16, v28;
	v61 =	vor.u32 v15, v32;
	v42 =	vld.idx.msk [tilespmem:v62+s10+$0x0], $0xffff;
	[tilespmem:v63+s13+$0x0] =	vst.idx.msk $0xffff, v41  }
0x157: {  	v62 =	vadd.s32 v16, v31;
	v63 =	vor.u32 v15, v38;
	v29 =	vld.idx.msk [tilespmem:v29+s10+$0x0], $0xffff;
	[tilespmem:v34+s13+$0x0] =	vst.idx.msk $0xffff, v33  }
0x158: {  	v55 =	vadd.s32 v16, v35;
	[tilespmem:v45+s13+$0x0] =	vst.idx.msk $0xffff, v36;
	v36 =	vor.u32 v15, v37;
	v34 =	vld.idx.msk [tilespmem:v46+s10+$0x0], $0xffff  }
0x159: {  	v45 =	vld.idx.msk [tilespmem:v56+s10+$0x0], $0xffff;
	[tilespmem:v57+s13+$0x0] =	vst.idx.msk $0xffff, v48;
	v56 =	vadd.s32 v16, v39;
	v46 =	vor.u32 v17, v25  }
0x15a: {  	v57 =	vadd.s32 v18, v24;
	[tilespmem:v59+s13+$0x0] =	vst.idx.msk $0xffff, v43;
	v44 =	vld.idx.msk [tilespmem:v58+s10+$0x0], $0xffff;
	v58 =	vor.u32 v17, v26  }
0x15b: {  	v59 =	vadd.s32 v18, v27;
	v40 =	vld.idx.msk [tilespmem:v60+s10+$0x0], $0xffff;
	v60 =	vor.u32 v17, v30;
	[tilespmem:v61+s13+$0x0] =	vst.idx.msk $0xffff, v42  }
0x15c: {  	v61 =	vadd.s32 v18, v28;
	v41 =	vld.idx.msk [tilespmem:v62+s10+$0x0], $0xffff;
	v62 =	vor.u32 v17, v32;
	[tilespmem:v63+s13+$0x0] =	vst.idx.msk $0xffff, v29  }
0x15d: {  	v29 =	vadd.s32 v18, v31;
	v63 =	vor.u32 v17, v38;
	v33 =	vld.idx.msk [tilespmem:v55+s10+$0x0], $0xffff;
	[tilespmem:v36+s13+$0x0] =	vst.idx.msk $0xffff, v34  }
0x15e: {  	v55 =	vadd.s32 v18, v35;
	[tilespmem:v46+s13+$0x0] =	vst.idx.msk $0xffff, v45;
	v45 =	vor.u32 v17, v37;
	v36 =	vld.idx.msk [tilespmem:v56+s10+$0x0], $0xffff  }
0x15f: {  	v47 =	vor.u32 v19, v25;
	[tilespmem:v58+s13+$0x0] =	vst.idx.msk $0xffff, v44;
	v46 =	vld.idx.msk [tilespmem:v57+s10+$0x0], $0xffff;
	v56 =	vadd.s32 v18, v39  }
0x160: {  	v58 =	vor.u32 v19, v26;
	[tilespmem:v60+s13+$0x0] =	vst.idx.msk $0xffff, v40;
	v57 =	vadd.s32 v20, v24;
	v43 =	vld.idx.msk [tilespmem:v59+s10+$0x0], $0xffff  }
0x161: {  	v50 =	vor.u32 v19, v30;
	v59 =	vadd.s32 v20, v27;
	v42 =	vld.idx.msk [tilespmem:v61+s10+$0x0], $0xffff;
	[tilespmem:v62+s13+$0x0] =	vst.idx.msk $0xffff, v41  }
0x162: {  	v60 =	vadd.s32 v20, v28;
	v61 =	vor.u32 v19, v32;
	v29 =	vld.idx.msk [tilespmem:v29+s10+$0x0], $0xffff;
	[tilespmem:v63+s13+$0x0] =	vst.idx.msk $0xffff, v33  }
0x163: {  	v62 =	vadd.s32 v20, v31;
	v63 =	vor.u32 v19, v38;
	v34 =	vld.idx.msk [tilespmem:v55+s10+$0x0], $0xffff;
	[tilespmem:v45+s13+$0x0] =	vst.idx.msk $0xffff, v36  }
0x164: {  	v55 =	vadd.s32 v20, v35;
	[tilespmem:v47+s13+$0x0] =	vst.idx.msk $0xffff, v46;
	v44 =	vld.idx.msk [tilespmem:v56+s10+$0x0], $0xffff;
	v56 =	vor.u32 v19, v37  }
0x165: {  	[tilespmem:v58+s13+$0x0] =	vst.idx.msk $0xffff, v43;
	v58 =	vadd.s32 v20, v39;
	v46 =	vld.idx.msk [tilespmem:v57+s10+$0x0], $0xffff;
	v57 =	vor.u32 v21, v25  }
0x166: {  	v24 =	vadd.s32 v22, v24;
	[tilespmem:v50+s13+$0x0] =	vst.idx.msk $0xffff, v42;
	v40 =	vld.idx.msk [tilespmem:v59+s10+$0x0], $0xffff;
	v59 =	vor.u32 v21, v26  }
0x167: {  	v27 =	vadd.s32 v22, v27;
	v41 =	vld.idx.msk [tilespmem:v60+s10+$0x0], $0xffff;
	[tilespmem:v61+s13+$0x0] =	vst.idx.msk $0xffff, v29;
	v29 =	vor.u32 v21, v30  }
0x168: {  	v28 =	vadd.s32 v22, v28;
	v60 =	vor.u32 v21, v32;
	v33 =	vld.idx.msk [tilespmem:v62+s10+$0x0], $0xffff;
	[tilespmem:v63+s13+$0x0] =	vst.idx.msk $0xffff, v34  }
0x169: {  	v31 =	vadd.s32 v22, v31;
	v61 =	vor.u32 v21, v38;
	v34 =	vld.idx.msk [tilespmem:v55+s10+$0x0], $0xffff;
	[tilespmem:v56+s13+$0x0] =	vst.idx.msk $0xffff, v44  }
0x16a: {  	v49 =	vor.u32 v21, v37;
	v63 =	vadd.s32 v22, v35;
	[tilespmem:v57+s13+$0x0] =	vst.idx.msk $0xffff, v46;
	v62 =	vld.idx.msk [tilespmem:v58+s10+$0x0], $0xffff  }
0x16b: {  	v39 =	vadd.s32 v22, v39;
	v25 =	vor.u32 v23, v25;
	[tilespmem:v59+s13+$0x0] =	vst.idx.msk $0xffff, v40;
	v24 =	vld.idx.msk [tilespmem:v24+s10+$0x0], $0xffff  }
0x16c: {  	v26 =	vor.u32 v23, v26;
	v27 =	vld.idx.msk [tilespmem:v27+s10+$0x0], $0xffff;
	[tilespmem:v29+s13+$0x0] =	vst.idx.msk $0xffff, v41  }
0x16d: {  	v29 =	vor.u32 v23, v30;
	v28 =	vld.idx.msk [tilespmem:v28+s10+$0x0], $0xffff;
	[tilespmem:v60+s13+$0x0] =	vst.idx.msk $0xffff, v33  }
0x16e: {  	s18 =	simm.s32 $0x80;
	v30 =	vld.idx.msk [tilespmem:v31+s10+$0x0], $0xffff;
	v31 =	vor.u32 v23, v32;
	[tilespmem:v61+s13+$0x0] =	vst.idx.msk $0xffff, v34  }
0x16f: {  	v52 =	vmov s18;
	v50 =	vor.u32 v23, v38;
	v51 =	vld.idx.msk [tilespmem:v63+s10+$0x0], $0xffff;
	[tilespmem:v49+s13+$0x0] =	vst.idx.msk $0xffff, v62  }
0x170: {  	v34 =	vand.u32 $0xFFFFFFFE, v52;
	[tilespmem:v25+s13+$0x0] =	vst.idx.msk $0xffff, v24;
	v25 =	vor.u32 v23, v37;
	v24 =	vld.idx.msk [tilespmem:v39+s10+$0x0], $0xffff  }
0x171: {  	[tilespmem:v26+s13+$0x0] =	vst.idx.msk $0xffff, v27;
	v26 =	vbroadcast v34, $0x0  }
0x172: {  	[tilespmem:v29+s13+$0x0] =	vst.idx.msk $0xffff, v28  }
0x173: {  	[tilespmem:v31+s13+$0x0] =	vst.idx.msk $0xffff, v30  }
0x174: {  	[tilespmem:v50+s13+$0x0] =	vst.idx.msk $0xffff, v51  }
0x175: {  	[tilespmem:v25+s13+$0x0] =	vst.idx.msk $0xffff, v24  }
0x176: {  	[hbm4b:s5+s2] =	stream.linear.scatter [tilespmem:s13], [sflag:$0x1], $0x8000, $0x38;
	[tilespmem:$0x10800] =	vst v63  }
0x177: {  	v37 =	vld.idx.msk [tilespmem:v26+s12+$0x0], $0xffff;
	_ =	sdelay $0x2  }
0x178: {  	s31 =	simm.s32 $0x81  }
0x179: {  	v24 =	vmov s31  }
0x17a: {  	s19 =	simm.s32 $0x0;
	v25 =	vadd.s32 v0, v37  }
0x17b: {  	v26 =	vmov s19  }
0x17c: {  	v27 =	vshll.u32 v26, $0x8;
	v26 =	vshll.u32 v26, $0x7  }
0x17d: {  	v27 =	vand.u32 $0x7800, v27;
	v26 =	vand.u32 $0x300, v26  }
0x17e: {  	v36 =	vor.u32 v26, v27;
	v39 =	vld.idx.msk [tilespmem:v24+s12+$0x0], $0xffff  }
0x17f: {  	v24 =	vld.idx.msk [tilespmem:v25+s10+$0x0], $0xffff;
	v25 =	vor.u32 v0, v36  }
0x180: {  	v26 =	vadd.s32 v1, v37;
	_ =	sdelay $0x3  }
0x181: {  	s20 =	simm.s32 $0x1;
	v27 =	vadd.s32 v0, v39;
	[tilespmem:v25+s14+$0x0] =	vst.idx.msk $0xffff, v24  }
0x182: {  	v24 =	vmov s20;
	v25 =	vld.idx.msk [tilespmem:v26+s10+$0x0], $0xffff;
	v26 =	vor.u32 v1, v36  }
0x183: {  	v29 =	vadd.s32 v2, v37;
	v28 =	vshll.u32 v24, $0x8;
	v24 =	vshll.u32 v24, $0x7  }
0x184: {  	v28 =	vand.u32 $0x7800, v28;
	v24 =	vand.u32 $0x380, v24  }
0x185: {  	v38 =	vor.u32 v24, v28  }
0x186: {  	v24 =	vld.idx.msk [tilespmem:v27+s10+$0x0], $0xffff;
	v27 =	vor.u32 v0, v38  }
0x187: {  	v28 =	vadd.s32 v1, v39;
	[tilespmem:v26+s14+$0x0] =	vst.idx.msk $0xffff, v25  }
0x188: {  	s21 =	simm.s32 $0x82;
	v26 =	vor.u32 v2, v36;
	v25 =	vld.idx.msk [tilespmem:v29+s10+$0x0], $0xffff  }
0x189: {  	v30 =	vmov s21;
	v29 =	vadd.s32 v3, v37  }
0x18a: {  	v30 =	vand.u32 $0xFFFFFFFE, v30  }
0x18b: {  	[tilespmem:v27+s14+$0x0] =	vst.idx.msk $0xffff, v24;
	v24 =	vbroadcast v30, $0x0  }
0x18c: {  	v27 =	vld.idx.msk [tilespmem:v28+s10+$0x0], $0xffff;
	v28 =	vor.u32 v1, v38  }
0x18d: {  	s22 =	simm.s32 $0x83;
	v30 =	vadd.s32 v2, v39;
	[tilespmem:v26+s14+$0x0] =	vst.idx.msk $0xffff, v25  }
0x18e: {  	v25 =	vmov s22;
	v26 =	vld.idx.msk [tilespmem:v29+s10+$0x0], $0xffff;
	v29 =	vor.u32 v3, v36  }
0x18f: {  	v31 =	vadd.s32 v4, v37;
	_ =	sdelay $0x1  }
0x190: {  	[tilespmem:v28+s14+$0x0] =	vst.idx.msk $0xffff, v27;
	v27 =	vld.idx.msk [tilespmem:v24+s12+$0x0], $0xffff  }
0x191: {  	v28 =	vld.idx.msk [tilespmem:v30+s10+$0x0], $0xffff;
	v30 =	vor.u32 v2, v38  }
0x192: {  	v53 =	vadd.s32 v3, v39;
	v24 =	vld.idx.msk [tilespmem:v25+s12+$0x0], $0xffff;
	[tilespmem:v29+s14+$0x0] =	vst.idx.msk $0xffff, v26  }
0x193: {  	v29 =	vor.u32 v4, v36;
	v26 =	vld.idx.msk [tilespmem:v31+s10+$0x0], $0xffff  }
0x194: {  	s23 =	simm.s32 $0x2;
	s24 =	simm.s32 $0x3;
	v31 =	vadd.s32 v5, v37  }
0x195: {  	v58 =	vmov s24;
	v25 =	vmov s23;
	v55 =	vadd.s32 v0, v27  }
0x196: {  	v56 =	vor.u32 v3, v38;
	v54 =	vshll.u32 v25, $0x8;
	v25 =	vshll.u32 v25, $0x7;
	[tilespmem:v30+s14+$0x0] =	vst.idx.msk $0xffff, v28  }
0x197: {  	v25 =	vand.u32 $0x300, v25;
	v28 =	vand.u32 $0x7800, v54;
	v30 =	vld.idx.msk [tilespmem:v53+s10+$0x0], $0xffff;
	v57 =	vadd.s32 v0, v24  }
0x198: {  	v59 =	vshll.u32 v58, $0x8;
	v25 =	vor.u32 v25, v28;
	v28 =	vadd.s32 v4, v39;
	[tilespmem:v29+s14+$0x0] =	vst.idx.msk $0xffff, v26  }
0x199: {  	v60 =	vor.u32 v5, v36;
	v62 =	vadd.s32 v6, v37;
	v26 =	vshll.u32 v58, $0x7;
	v31 =	vld.idx.msk [tilespmem:v31+s10+$0x0], $0xffff  }
0x19a: {  	v61 =	vor.u32 v0, v25;
	v29 =	vand.u32 $0x7800, v59;
	v26 =	vand.u32 $0x380, v26;
	v34 =	vld.idx.msk [tilespmem:v55+s10+$0x0], $0xffff  }
0x19b: {  	v26 =	vor.u32 v26, v29;
	v29 =	vadd.s32 v1, v27  }
0x19c: {  	[tilespmem:v56+s14+$0x0] =	vst.idx.msk $0xffff, v30;
	v30 =	vld.idx.msk [tilespmem:v57+s10+$0x0], $0xffff;
	v63 =	vor.u32 v0, v26  }
0x19d: {  	v45 =	vor.u32 v4, v38;
	v46 =	vadd.s32 v1, v24;
	v28 =	vld.idx.msk [tilespmem:v28+s10+$0x0], $0xffff  }
0x19e: {  	v47 =	vadd.s32 v5, v39;
	[tilespmem:v60+s14+$0x0] =	vst.idx.msk $0xffff, v31  }
0x19f: {  	v48 =	vor.u32 v6, v36;
	[tilespmem:v61+s14+$0x0] =	vst.idx.msk $0xffff, v34;
	v31 =	vld.idx.msk [tilespmem:v62+s10+$0x0], $0xffff  }
0x1a0: {  	v50 =	vadd.s32 v7, v37;
	v49 =	vor.u32 v1, v25;
	v29 =	vld.idx.msk [tilespmem:v29+s10+$0x0], $0xffff  }
0x1a1: {  	[tilespmem:v63+s14+$0x0] =	vst.idx.msk $0xffff, v30;
	v30 =	vadd.s32 v2, v27  }
0x1a2: {  	v51 =	vor.u32 v1, v26;
	[tilespmem:v45+s14+$0x0] =	vst.idx.msk $0xffff, v28;
	v28 =	vld.idx.msk [tilespmem:v46+s10+$0x0], $0xffff  }
0x1a3: {  	v52 =	vor.u32 v5, v38;
	v53 =	vadd.s32 v2, v24;
	v33 =	vld.idx.msk [tilespmem:v47+s10+$0x0], $0xffff  }
0x1a4: {  	v54 =	vadd.s32 v6, v39;
	[tilespmem:v48+s14+$0x0] =	vst.idx.msk $0xffff, v31  }
0x1a5: {  	[tilespmem:v49+s14+$0x0] =	vst.idx.msk $0xffff, v29;
	v31 =	vor.u32 v7, v36;
	v29 =	vld.idx.msk [tilespmem:v50+s10+$0x0], $0xffff  }
0x1a6: {  	v55 =	vor.u32 v2, v25;
	v56 =	vadd.s32 v8, v37;
	v30 =	vld.idx.msk [tilespmem:v30+s10+$0x0], $0xffff  }
0x1a7: {  	s25 =	simm.s32 $0x84;
	s26 =	simm.s32 $0x85;
	v57 =	vadd.s32 v3, v27;
	[tilespmem:v51+s14+$0x0] =	vst.idx.msk $0xffff, v28  }
0x1a8: {  	v59 =	vmov s25;
	v58 =	vor.u32 v2, v26;
	v60 =	vmov s26;
	[tilespmem:v52+s14+$0x0] =	vst.idx.msk $0xffff, v33;
	v28 =	vld.idx.msk [tilespmem:v53+s10+$0x0], $0xffff  }
0x1a9: {  	v62 =	vor.u32 v6, v38;
	v63 =	vadd.s32 v3, v24;
	v33 =	vand.u32 $0xFFFFFFFE, v59;
	v61 =	vld.idx.msk [tilespmem:v54+s10+$0x0], $0xffff  }
0x1aa: {  	v48 =	vadd.s32 v7, v39;
	v33 =	vbroadcast v33, $0x0;
	[tilespmem:v31+s14+$0x0] =	vst.idx.msk $0xffff, v29  }
0x1ab: {  	[tilespmem:v55+s14+$0x0] =	vst.idx.msk $0xffff, v30;
	v31 =	vor.u32 v9, v36;
	v30 =	vld.idx.msk [tilespmem:v56+s10+$0x0], $0xffff  }
0x1ac: {  	v34 =	vld.idx.msk [tilespmem:v57+s10+$0x0], $0xffff  }
0x1ad: {  	s28 =	simm.s32 $0x4;
	v49 =	vor.u32 v3, v25;
	v50 =	vadd.s32 v10, v37;
	[tilespmem:v58+s14+$0x0] =	vst.idx.msk $0xffff, v28;
	v28 =	vld.idx.msk [tilespmem:v60+s12+$0x0], $0xffff  }
0x1ae: {  	v43 =	vor.u32 v9, v38;
	v51 =	vadd.s32 v4, v27;
	v29 =	vmov s28;
	[tilespmem:v62+s14+$0x0] =	vst.idx.msk $0xffff, v61;
	v41 =	vld.idx.msk [tilespmem:v63+s10+$0x0], $0xffff  }
0x1af: {  	v55 =	vor.u32 v7, v38;
	v52 =	vshll.u32 v29, $0x8;
	v53 =	vshll.u32 v29, $0x7;
	v54 =	vld.idx.msk [tilespmem:v48+s10+$0x0], $0xffff  }
0x1b0: {  	v56 =	vor.u32 v3, v26;
	v29 =	vld.idx.msk [tilespmem:v33+s12+$0x0], $0xffff;
	[tilespmem:v31+s14+$0x0] =	vst.idx.msk $0xffff, v30;
	v30 =	vadd.s32 v8, v39  }
0x1b1: {  	v59 =	vor.u32 v11, v36;
	v57 =	vadd.s32 v4, v24;
	v60 =	vor.u32 v4, v25  }
0x1b2: {  	s29 =	simm.s32 $0x5;
	v61 =	vadd.s32 v12, v37;
	[tilespmem:v49+s14+$0x0] =	vst.idx.msk $0xffff, v34;
	v32 =	vld.idx.msk [tilespmem:v50+s10+$0x0], $0xffff;
	v58 =	vadd.s32 v0, v28  }
0x1b3: {  	v62 =	vmov s29;
	v63 =	vadd.s32 v5, v27;
	v33 =	vand.u32 $0x300, v53;
	v40 =	vld.idx.msk [tilespmem:v51+s10+$0x0], $0xffff  }
0x1b4: {  	v53 =	vshll.u32 v62, $0x7;
	v31 =	vand.u32 $0x7800, v52;
	v52 =	vshll.u32 v62, $0x8;
	[tilespmem:v55+s14+$0x0] =	vst.idx.msk $0xffff, v54  }
0x1b5: {  	[tilespmem:v56+s14+$0x0] =	vst.idx.msk $0xffff, v41;
	v54 =	vadd.s32 v0, v29;
	v55 =	vand.u32 $0x380, v53;
	v46 =	vld.idx.msk [tilespmem:v30+s10+$0x0], $0xffff;
	v30 =	vand.u32 $0x7800, v52  }
0x1b6: {  	v44 =	vadd.s32 v10, v39;
	v45 =	vor.u32 v4, v26;
	v42 =	vld.idx.msk [tilespmem:v57+s10+$0x0], $0xffff;
	v30 =	vor.u32 v55, v30  }
0x1b7: {  	v35 =	vadd.s32 v5, v24;
	v34 =	vld.idx.msk [tilespmem:v58+s10+$0x0], $0xffff;
	[tilespmem:v59+s14+$0x0] =	vst.idx.msk $0xffff, v32;
	v32 =	vor.u32 v0, v30  }
0x1b8: {  	v57 =	vadd.s32 v1, v28;
	[tilespmem:v60+s14+$0x0] =	vst.idx.msk $0xffff, v40;
	v58 =	vor.u32 v13, v36;
	v56 =	vld.idx.msk [tilespmem:v61+s10+$0x0], $0xffff  }
0x1b9: {  	v31 =	vor.u32 v33, v31;
	v60 =	vor.u32 v5, v25;
	v59 =	vld.idx.msk [tilespmem:v63+s10+$0x0], $0xffff;
	v61 =	vadd.s32 v14, v37  }
0x1ba: {  	v62 =	vor.u32 v0, v31;
	v63 =	vadd.s32 v6, v27;
	v41 =	vld.idx.msk [tilespmem:v54+s10+$0x0], $0xffff;
	[tilespmem:v43+s14+$0x0] =	vst.idx.msk $0xffff, v46  }
0x1bb: {  	v53 =	vadd.s32 v1, v29;
	[tilespmem:v45+s14+$0x0] =	vst.idx.msk $0xffff, v42;
	v43 =	vld.idx.msk [tilespmem:v44+s10+$0x0], $0xffff;
	v44 =	vor.u32 v11, v38  }
0x1bc: {  	v54 =	vor.u32 v5, v26;
	[tilespmem:v32+s14+$0x0] =	vst.idx.msk $0xffff, v34;
	v32 =	vld.idx.msk [tilespmem:v35+s10+$0x0], $0xffff  }
0x1bd: {  	v55 =	vadd.s32 v12, v39;
	[tilespmem:v58+s14+$0x0] =	vst.idx.msk $0xffff, v56;
	v56 =	vor.u32 v1, v30;
	v35 =	vld.idx.msk [tilespmem:v57+s10+$0x0], $0xffff  }
0x1be: {  	[tilespmem:v60+s14+$0x0] =	vst.idx.msk $0xffff, v59;
	v58 =	vadd.s32 v2, v28;
	v59 =	vor.u32 v15, v36;
	v33 =	vld.idx.msk [tilespmem:v61+s10+$0x0], $0xffff  }
0x1bf: {  	[tilespmem:v62+s14+$0x0] =	vst.idx.msk $0xffff, v41;
	v60 =	vld.idx.msk [tilespmem:v63+s10+$0x0], $0xffff;
	v61 =	vor.u32 v6, v25;
	v62 =	vadd.s32 v16, v37  }
0x1c0: {  	v57 =	vor.u32 v1, v31;
	v63 =	vadd.s32 v7, v27;
	v42 =	vld.idx.msk [tilespmem:v53+s10+$0x0], $0xffff;
	[tilespmem:v44+s14+$0x0] =	vst.idx.msk $0xffff, v43  }
0x1c1: {  	v47 =	vor.u32 v7, v25;
	v53 =	vadd.s32 v2, v29;
	[tilespmem:v54+s14+$0x0] =	vst.idx.msk $0xffff, v32  }
0x1c2: {  	v49 =	vor.u32 v19, v36;
	v54 =	vld.idx.msk [tilespmem:v55+s10+$0x0], $0xffff;
	v55 =	vor.u32 v13, v38;
	[tilespmem:v56+s14+$0x0] =	vst.idx.msk $0xffff, v35  }
0x1c3: {  	[tilespmem:v59+s14+$0x0] =	vst.idx.msk $0xffff, v33;
	v59 =	vor.u32 v2, v30;
	v56 =	vld.idx.msk [tilespmem:v58+s10+$0x0], $0xffff;
	v58 =	vadd.s32 v6, v24  }
0x1c4: {  	[tilespmem:v61+s14+$0x0] =	vst.idx.msk $0xffff, v60;
	v61 =	vadd.s32 v14, v39;
	v60 =	vld.idx.msk [tilespmem:v62+s10+$0x0], $0xffff;
	v62 =	vor.u32 v17, v36  }
0x1c5: {  	v51 =	vadd.s32 v8, v27;
	[tilespmem:v57+s14+$0x0] =	vst.idx.msk $0xffff, v42;
	v42 =	vld.idx.msk [tilespmem:v63+s10+$0x0], $0xffff;
	v63 =	vadd.s32 v18, v37  }
0x1c6: {  	s30 =	simm.s32 $0x86;
	v50 =	vor.u32 v2, v31;
	v52 =	vor.u32 v15, v38;
	v40 =	vor.u32 v6, v26;
	v43 =	vld.idx.msk [tilespmem:v53+s10+$0x0], $0xffff  }
0x1c7: {  	s20 =	simm.s32 $0x87;
	v46 =	vor.u32 v9, v25;
	v34 =	vadd.s32 v3, v29;
	v57 =	vmov s30;
	[tilespmem:v55+s14+$0x0] =	vst.idx.msk $0xffff, v54  }
0x1c8: {  	v35 =	vadd.s32 v7, v24;
	v32 =	vand.u32 $0xFFFFFFFE, v57;
	v44 =	vld.idx.msk [tilespmem:v58+s10+$0x0], $0xffff;
	v58 =	vmov s20;
	[tilespmem:v59+s14+$0x0] =	vst.idx.msk $0xffff, v56  }
0x1c9: {  	s18 =	simm.s32 $0x6;
	v57 =	vor.u32 v3, v31;
	v45 =	vld.idx.msk [tilespmem:v61+s10+$0x0], $0xffff;
	v61 =	vadd.s32 v3, v28;
	[tilespmem:v62+s14+$0x0] =	vst.idx.msk $0xffff, v60  }
0x1ca: {  	v53 =	vor.u32 v21, v36;
	v59 =	vmov s18;
	v60 =	vbroadcast v32, $0x0;
	[tilespmem:v47+s14+$0x0] =	vst.idx.msk $0xffff, v42;
	v63 =	vld.idx.msk [tilespmem:v63+s10+$0x0], $0xffff  }
0x1cb: {  	v54 =	vadd.s32 v20, v39;
	v62 =	vshll.u32 v59, $0x8;
	v33 =	vshll.u32 v59, $0x7;
	[tilespmem:v50+s14+$0x0] =	vst.idx.msk $0xffff, v43;
	v43 =	vld.idx.msk [tilespmem:v51+s10+$0x0], $0xffff  }
0x1cc: {  	v47 =	vadd.s32 v20, v37;
	v32 =	vand.u32 $0x7800, v62;
	v33 =	vand.u32 $0x300, v33;
	v48 =	vld.idx.msk [tilespmem:v34+s10+$0x0], $0xffff  }
0x1cd: {  	v55 =	vor.u32 v19, v38;
	v59 =	vadd.s32 v4, v29;
	v32 =	vor.u32 v33, v32;
	v33 =	vld.idx.msk [tilespmem:v58+s12+$0x0], $0xffff  }
0x1ce: {  	v62 =	vor.u32 v3, v30;
	v58 =	vadd.s32 v10, v27;
	[tilespmem:v40+s14+$0x0] =	vst.idx.msk $0xffff, v44;
	v44 =	vld.idx.msk [tilespmem:v61+s10+$0x0], $0xffff  }
0x1cf: {  	v56 =	vor.u32 v4, v31;
	v61 =	vadd.s32 v16, v39;
	v35 =	vld.idx.msk [tilespmem:v35+s10+$0x0], $0xffff;
	[tilespmem:v49+s14+$0x0] =	vst.idx.msk $0xffff, v63  }
0x1d0: {  	v34 =	vld.idx.msk [tilespmem:v60+s12+$0x0], $0xffff;
	v63 =	vadd.s32 v4, v28;
	v60 =	vor.u32 v7, v26;
	[tilespmem:v46+s14+$0x0] =	vst.idx.msk $0xffff, v43  }
0x1d1: {  	v51 =	vor.u32 v11, v25;
	v43 =	vadd.s32 v8, v24;
	v46 =	vld.idx.msk [tilespmem:v47+s10+$0x0], $0xffff;
	[tilespmem:v57+s14+$0x0] =	vst.idx.msk $0xffff, v48  }
0x1d2: {  	[tilespmem:v52+s14+$0x0] =	vst.idx.msk $0xffff, v45;
	v49 =	vadd.s32 v18, v39;
	v40 =	vld.idx.msk [tilespmem:v59+s10+$0x0], $0xffff;
	v50 =	vadd.s32 v0, v33  }
0x1d3: {  	s31 =	simm.s32 $0x7;
	v47 =	vor.u32 v17, v38;
	v48 =	vld.idx.msk [tilespmem:v58+s10+$0x0], $0xffff;
	[tilespmem:v62+s14+$0x0] =	vst.idx.msk $0xffff, v44;
	v62 =	vadd.s32 v5, v29  }
0x1d4: {  	v57 =	vadd.s32 v12, v27;
	v59 =	vor.u32 v4, v30;
	v44 =	vld.idx.msk [tilespmem:v61+s10+$0x0], $0xffff;
	v61 =	vmov s31  }
0x1d5: {  	v41 =	vld.idx.msk [tilespmem:v63+s10+$0x0], $0xffff;
	[tilespmem:v60+s14+$0x0] =	vst.idx.msk $0xffff, v35;
	v63 =	vadd.s32 v0, v34;
	v60 =	vshll.u32 v61, $0x8;
	v45 =	vshll.u32 v61, $0x7  }
0x1d6: {  	v58 =	vor.u32 v9, v26;
	v43 =	vld.idx.msk [tilespmem:v43+s10+$0x0], $0xffff;
	v35 =	vand.u32 $0x7800, v60;
	v45 =	vand.u32 $0x380, v45  }
0x1d7: {  	v35 =	vor.u32 v45, v35;
	v45 =	vadd.s32 v10, v24;
	[tilespmem:v56+s14+$0x0] =	vst.idx.msk $0xffff, v40;
	v50 =	vld.idx.msk [tilespmem:v50+s10+$0x0], $0xffff  }
0x1d8: {  	[tilespmem:v51+s14+$0x0] =	vst.idx.msk $0xffff, v48;
	v48 =	vor.u32 v0, v35;
	v51 =	vadd.s32 v5, v28;
	v52 =	vld.idx.msk [tilespmem:v62+s10+$0x0], $0xffff  }
0x1d9: {  	v37 =	vadd.s32 v22, v37;
	[tilespmem:v47+s14+$0x0] =	vst.idx.msk $0xffff, v44;
	v44 =	vor.u32 v5, v31;
	v56 =	vld.idx.msk [tilespmem:v57+s10+$0x0], $0xffff  }
0x1da: {  	[tilespmem:v53+s14+$0x0] =	vst.idx.msk $0xffff, v46;
	v46 =	vadd.s32 v1, v33;
	v53 =	vor.u32 v13, v25;
	v42 =	vld.idx.msk [tilespmem:v63+s10+$0x0], $0xffff  }
0x1db: {  	v60 =	vadd.s32 v6, v29;
	v57 =	vor.u32 v0, v32;
	v61 =	vld.idx.msk [tilespmem:v49+s10+$0x0], $0xffff;
	[tilespmem:v58+s14+$0x0] =	vst.idx.msk $0xffff, v43  }
0x1dc: {  	v39 =	vadd.s32 v22, v39;
	v47 =	vadd.s32 v14, v27;
	[tilespmem:v59+s14+$0x0] =	vst.idx.msk $0xffff, v41;
	v45 =	vld.idx.msk [tilespmem:v45+s10+$0x0], $0xffff  }
0x1dd: {  	v62 =	vadd.s32 v1, v34;
	v63 =	vor.u32 v11, v26;
	[tilespmem:v48+s14+$0x0] =	vst.idx.msk $0xffff, v50;
	v48 =	vld.idx.msk [tilespmem:v51+s10+$0x0], $0xffff  }
0x1de: {  	v40 =	vadd.s32 v3, v34;
	v50 =	vor.u32 v5, v30;
	[tilespmem:v44+s14+$0x0] =	vst.idx.msk $0xffff, v52;
	v44 =	vld.idx.msk [tilespmem:v37+s10+$0x0], $0xffff  }
0x1df: {  	v51 =	vadd.s32 v12, v24;
	v46 =	vld.idx.msk [tilespmem:v46+s10+$0x0], $0xffff;
	[tilespmem:v53+s14+$0x0] =	vst.idx.msk $0xffff, v56;
	v53 =	vor.u32 v1, v35  }
0x1e0: {  	v41 =	vor.u32 v6, v31;
	v52 =	vadd.s32 v2, v33;
	[tilespmem:v57+s14+$0x0] =	vst.idx.msk $0xffff, v42;
	v56 =	vld.idx.msk [tilespmem:v60+s10+$0x0], $0xffff  }
0x1e1: {  	v57 =	vor.u32 v15, v25;
	[tilespmem:v55+s14+$0x0] =	vst.idx.msk $0xffff, v61;
	v55 =	vadd.s32 v7, v29;
	v47 =	vld.idx.msk [tilespmem:v47+s10+$0x0], $0xffff  }
0x1e2: {  	v59 =	vadd.s32 v16, v27;
	v43 =	vor.u32 v1, v32;
	v58 =	vld.idx.msk [tilespmem:v62+s10+$0x0], $0xffff;
	[tilespmem:v63+s14+$0x0] =	vst.idx.msk $0xffff, v45  }
0x1e3: {  	v60 =	vor.u32 v21, v38;
	v61 =	vadd.s32 v2, v34;
	v54 =	vld.idx.msk [tilespmem:v54+s10+$0x0], $0xffff;
	[tilespmem:v50+s14+$0x0] =	vst.idx.msk $0xffff, v48  }
0x1e4: {  	v49 =	vadd.s32 v6, v28;
	v63 =	vor.u32 v13, v26;
	v62 =	vld.idx.msk [tilespmem:v51+s10+$0x0], $0xffff;
	[tilespmem:v53+s14+$0x0] =	vst.idx.msk $0xffff, v46  }
0x1e5: {  	v37 =	vor.u32 v23, v38;
	v42 =	vor.u32 v23, v36;
	[tilespmem:v41+s14+$0x0] =	vst.idx.msk $0xffff, v56;
	v50 =	vld.idx.msk [tilespmem:v52+s10+$0x0], $0xffff  }
0x1e6: {  	v36 =	vor.u32 v19, v25;
	v38 =	vadd.s32 v18, v27;
	[tilespmem:v57+s14+$0x0] =	vst.idx.msk $0xffff, v47;
	v46 =	vld.idx.msk [tilespmem:v55+s10+$0x0], $0xffff  }
0x1e7: {  	v45 =	vadd.s32 v14, v24;
	v52 =	vor.u32 v2, v35;
	[tilespmem:v43+s14+$0x0] =	vst.idx.msk $0xffff, v58;
	v41 =	vld.idx.msk [tilespmem:v59+s10+$0x0], $0xffff  }
0x1e8: {  	v48 =	vadd.s32 v8, v29;
	v43 =	vor.u32 v17, v25;
	[tilespmem:v60+s14+$0x0] =	vst.idx.msk $0xffff, v54;
	v51 =	vld.idx.msk [tilespmem:v61+s10+$0x0], $0xffff  }
0x1e9: {  	v53 =	vor.u32 v2, v32;
	v47 =	vor.u32 v7, v31;
	v39 =	vld.idx.msk [tilespmem:v39+s10+$0x0], $0xffff;
	[tilespmem:v63+s14+$0x0] =	vst.idx.msk $0xffff, v62  }
.LBB2_4:
0x1ea: {  	s20 =	sadd.s32 $0x82, s18;
	v49 =	vld.idx.msk [tilespmem:v49+s10+$0x0], $0xffff;
	v54 =	vadd.s32 v7, v28;
	v55 =	vor.u32 v15, v26  }
0x1eb: {  	s21 =	sadd.s32 $0x83, s18;
	[tilespmem:v42+s14+$0x0] =	vst.idx.msk $0xffff, v44;
	v42 =	vmovc v25;
	v25 =	vmovc v31;
	v31 =	vmov v32;
	v44 =	vmov v29;
	v29 =	vmov v34;
	s19 =	smov.u32 s18;
	s18 =	sadd.s32 $0x2, s18  }
0x1ec: {  	v32 =	vmov s20;
	v34 =	vmov s21;
	p0 =	slt.u32 s18, $0x7E;
	[tilespmem:v52+s14+$0x0] =	vst.idx.msk $0xffff, v50;
	v50 =	vor.u32 v6, v30;
	v52 =	vld.idx.msk [tilespmem:v45+s10+$0x0], $0xffff;
	v45 =	vmovc v26;
	v26 =	vmovc v30  }
0x1ed: {  	v57 =	vadd.s32 v3, v33;
	v56 =	vmov s18;
	v30 =	vmovc v35;
	v32 =	vand.u32 $0xFFFFFFFE, v32;
	[tilespmem:v43+s14+$0x0] =	vst.idx.msk $0xffff, v41  }
0x1ee: {  	v41 =	vshll.u32 v56, $0x7;
	v35 =	vbroadcast v32, $0x0;
	v32 =	vshll.u32 v56, $0x8;
	[tilespmem:v47+s14+$0x0] =	vst.idx.msk $0xffff, v46;
	v38 =	vld.idx.msk [tilespmem:v38+s10+$0x0], $0xffff  }
0x1ef: {  	v41 =	vand.u32 $0x300, v41;
	v46 =	vadd.s32 v20, v27;
	v32 =	vand.u32 $0x7800, v32;
	[tilespmem:v53+s14+$0x0] =	vst.idx.msk $0xffff, v51;
	v43 =	vld.idx.msk [tilespmem:v48+s10+$0x0], $0xffff  }
0x1f0: {  	v32 =	vor.u32 v41, v32;
	v40 =	vld.idx.msk [tilespmem:v40+s10+$0x0], $0xffff;
	v41 =	vor.u32 v9, v25;
	[tilespmem:v37+s14+$0x0] =	vst.idx.msk $0xffff, v39  }
0x1f1: {  	v47 =	vadd.s32 v10, v44;
	v39 =	vor.u32 v3, v31;
	v37 =	vld.idx.msk [tilespmem:v34+s12+$0x0], $0xffff;
	[tilespmem:v50+s14+$0x0] =	vst.idx.msk $0xffff, v49  }
0x1f2: {  	v48 =	vadd.s32 v4, v29;
	v50 =	vadd.s32 v16, v24;
	v49 =	vld.idx.msk [tilespmem:v57+s10+$0x0], $0xffff;
	[tilespmem:v55+s14+$0x0] =	vst.idx.msk $0xffff, v52  }
0x1f3: {  	v51 =	vor.u32 v3, v30;
	v53 =	vor.u32 v21, v42;
	v52 =	vld.idx.msk [tilespmem:v54+s10+$0x0], $0xffff;
	v54 =	vadd.s32 v20, v24  }
0x1f4: {  	v55 =	vor.u32 v7, v26;
	v34 =	vld.idx.msk [tilespmem:v35+s12+$0x0], $0xffff;
	v35 =	vadd.s32 v4, v33;
	[tilespmem:v36+s14+$0x0] =	vst.idx.msk $0xffff, v38  }
0x1f5: {  	v36 =	vadd.s32 v8, v28;
	[tilespmem:v41+s14+$0x0] =	vst.idx.msk $0xffff, v43;
	v38 =	vld.idx.msk [tilespmem:v46+s10+$0x0], $0xffff;
	v41 =	vor.u32 v17, v45  }
0x1f6: {  	v43 =	vadd.s32 v18, v24;
	v46 =	vor.u32 v19, v45;
	[tilespmem:v39+s14+$0x0] =	vst.idx.msk $0xffff, v40;
	v39 =	vld.idx.msk [tilespmem:v47+s10+$0x0], $0xffff  }
0x1f7: {  	v56 =	vor.u32 v11, v25;
	v57 =	vor.u32 v9, v26;
	v47 =	vadd.s32 v0, v37;
	v48 =	vld.idx.msk [tilespmem:v48+s10+$0x0], $0xffff  }
0x1f8: {  	s19 =	sadd.s32 $0x3, s19;
	v58 =	vor.u32 v4, v31;
	[tilespmem:v51+s14+$0x0] =	vst.idx.msk $0xffff, v49;
	v49 =	vadd.s32 v12, v44;
	v50 =	vld.idx.msk [tilespmem:v50+s10+$0x0], $0xffff  }
0x1f9: {  	v60 =	vor.u32 v4, v30;
	v40 =	vmov s19;
	v51 =	vadd.s32 v5, v29;
	v59 =	vld.idx.msk [tilespmem:v35+s10+$0x0], $0xffff;
	[tilespmem:v55+s14+$0x0] =	vst.idx.msk $0xffff, v52  }
0x1fa: {  	v52 =	vadd.s32 v0, v34;
	v35 =	vshll.u32 v40, $0x8;
	v55 =	vshll.u32 v40, $0x7;
	v36 =	vld.idx.msk [tilespmem:v36+s10+$0x0], $0xffff  }
0x1fb: {  	v40 =	vadd.s32 v3, v34;
	v35 =	vand.u32 $0x7800, v35;
	v55 =	vand.u32 $0x380, v55;
	[tilespmem:v53+s14+$0x0] =	vst.idx.msk $0xffff, v38  }
0x1fc: {  	v35 =	vor.u32 v55, v35;
	v38 =	vld.idx.msk [tilespmem:v47+s10+$0x0], $0xffff;
	[tilespmem:v56+s14+$0x0] =	vst.idx.msk $0xffff, v39;
	v39 =	vadd.s32 v10, v28  }
0x1fd: {  	v47 =	vor.u32 v0, v35;
	[tilespmem:v58+s14+$0x0] =	vst.idx.msk $0xffff, v48;
	v48 =	vadd.s32 v5, v33;
	v49 =	vld.idx.msk [tilespmem:v49+s10+$0x0], $0xffff  }
0x1fe: {  	v53 =	vadd.s32 v1, v37;
	v55 =	vor.u32 v13, v25;
	v51 =	vld.idx.msk [tilespmem:v51+s10+$0x0], $0xffff;
	[tilespmem:v41+s14+$0x0] =	vst.idx.msk $0xffff, v50  }
0x1ff: {  	v50 =	vor.u32 v5, v31;
	v41 =	vld.idx.msk [tilespmem:v52+s10+$0x0], $0xffff;
	[tilespmem:v60+s14+$0x0] =	vst.idx.msk $0xffff, v59;
	v52 =	vadd.s32 v14, v44  }
0x200: {  	v56 =	vor.u32 v0, v32;
	v58 =	vadd.s32 v6, v29;
	[tilespmem:v57+s14+$0x0] =	vst.idx.msk $0xffff, v36;
	v36 =	vld.idx.msk [tilespmem:v43+s10+$0x0], $0xffff  }
0x201: {  	v43 =	vadd.s32 v1, v34;
	v57 =	vadd.s32 v22, v24;
	v24 =	vmovc v28;
	v28 =	vmov v33;
	v39 =	vld.idx.msk [tilespmem:v39+s10+$0x0], $0xffff  }
0x202: {  	[tilespmem:v47+s14+$0x0] =	vst.idx.msk $0xffff, v38;
	v33 =	vld.idx.msk [tilespmem:v48+s10+$0x0], $0xffff;
	v38 =	vor.u32 v11, v26;
	v48 =	vor.u32 v21, v45  }
0x203: {  	v47 =	vld.idx.msk [tilespmem:v53+s10+$0x0], $0xffff;
	v53 =	vor.u32 v5, v30;
	[tilespmem:v55+s14+$0x0] =	vst.idx.msk $0xffff, v49;
	v49 =	vadd.s32 v12, v24  }
0x204: {  	v55 =	vor.u32 v1, v35;
	[tilespmem:v50+s14+$0x0] =	vst.idx.msk $0xffff, v51;
	v51 =	vld.idx.msk [tilespmem:v52+s10+$0x0], $0xffff;
	v50 =	vadd.s32 v22, v27  }
0x205: {  	v52 =	vor.u32 v15, v25;
	[tilespmem:v56+s14+$0x0] =	vst.idx.msk $0xffff, v41;
	v41 =	vadd.s32 v2, v37;
	v56 =	vld.idx.msk [tilespmem:v58+s10+$0x0], $0xffff  }
0x206: {  	v59 =	vadd.s32 v16, v44;
	v58 =	vor.u32 v6, v31;
	v43 =	vld.idx.msk [tilespmem:v43+s10+$0x0], $0xffff;
	[tilespmem:v46+s14+$0x0] =	vst.idx.msk $0xffff, v36  }
0x207: {  	v36 =	vor.u32 v1, v32;
	v46 =	vadd.s32 v7, v29;
	[tilespmem:v38+s14+$0x0] =	vst.idx.msk $0xffff, v39;
	v39 =	vld.idx.msk [tilespmem:v54+s10+$0x0], $0xffff  }
0x208: {  	v27 =	vmov v44;
	v38 =	vadd.s32 v2, v34;
	[tilespmem:v53+s14+$0x0] =	vst.idx.msk $0xffff, v33;
	v54 =	vld.idx.msk [tilespmem:v49+s10+$0x0], $0xffff;
	v33 =	vmov v37  }
0x209: {  	v42 =	vor.u32 v23, v42;
	[tilespmem:v55+s14+$0x0] =	vst.idx.msk $0xffff, v47;
	v55 =	vor.u32 v13, v26;
	v44 =	vld.idx.msk [tilespmem:v50+s10+$0x0], $0xffff  }
.Ltmp1:
0x20a: {  	v49 =	vadd.s32 v6, v28;
	v37 =	vor.u32 v23, v45;
	v50 =	vld.idx.msk [tilespmem:v41+s10+$0x0], $0xffff;
	[tilespmem:v52+s14+$0x0] =	vst.idx.msk $0xffff, v51;
	(pc) =	sbr.rel @p0 .LBB2_4-.Ltmp1, $4  }
0x20b: {  	v45 =	vadd.s32 v14, v24;
	v52 =	vor.u32 v2, v35;
	[tilespmem:v58+s14+$0x0] =	vst.idx.msk $0xffff, v56;
	v41 =	vld.idx.msk [tilespmem:v59+s10+$0x0], $0xffff  }
0x20c: {  	[tilespmem:v36+s14+$0x0] =	vst.idx.msk $0xffff, v43;
	v46 =	vld.idx.msk [tilespmem:v46+s10+$0x0], $0xffff;
	v43 =	vor.u32 v17, v25;
	v36 =	vor.u32 v19, v25  }
0x20d: {  	v47 =	vor.u32 v7, v31;
	v51 =	vld.idx.msk [tilespmem:v38+s10+$0x0], $0xffff;
	v38 =	vadd.s32 v18, v27;
	[tilespmem:v48+s14+$0x0] =	vst.idx.msk $0xffff, v39  }
0x20e: {  	v53 =	vor.u32 v2, v32;
	v48 =	vadd.s32 v8, v29;
	[tilespmem:v55+s14+$0x0] =	vst.idx.msk $0xffff, v54;
	v39 =	vld.idx.msk [tilespmem:v57+s10+$0x0], $0xffff  }
0x20f: {  	_ = 	snop  }
0x210: {  	v54 =	vadd.s32 v3, v33;
	_ =	sdelay $0x2  }
0x211: {  	[tilespmem:v53+s14+$0x0] =	vst.idx.msk $0xffff, v51  }
0x212: {  	[tilespmem:v52+s14+$0x0] =	vst.idx.msk $0xffff, v50;
	v63 =	vor.u32 v3, v32;
	v40 =	vld.idx.msk [tilespmem:v40+s10+$0x0], $0xffff  }
0x213: {  	v57 =	vadd.s32 v4, v34;
	v58 =	vor.u32 v3, v35;
	v52 =	vld.idx.msk [tilespmem:v54+s10+$0x0], $0xffff  }
0x214: {  	v59 =	vadd.s32 v4, v33;
	_ =	sdelay $0x2  }
0x215: {  	[tilespmem:v63+s14+$0x0] =	vst.idx.msk $0xffff, v40  }
0x216: {  	v60 =	vor.u32 v4, v32;
	v40 =	vld.idx.msk [tilespmem:v57+s10+$0x0], $0xffff;
	[tilespmem:v58+s14+$0x0] =	vst.idx.msk $0xffff, v52  }
0x217: {  	v61 =	vadd.s32 v5, v34;
	v62 =	vor.u32 v4, v35;
	v52 =	vld.idx.msk [tilespmem:v59+s10+$0x0], $0xffff  }
0x218: {  	v63 =	vadd.s32 v5, v33;
	_ =	sdelay $0x2  }
0x219: {  	[tilespmem:v60+s14+$0x0] =	vst.idx.msk $0xffff, v40  }
0x21a: {  	v57 =	vor.u32 v5, v32;
	v40 =	vld.idx.msk [tilespmem:v61+s10+$0x0], $0xffff;
	[tilespmem:v62+s14+$0x0] =	vst.idx.msk $0xffff, v52  }
0x21b: {  	v58 =	vadd.s32 v6, v34;
	v59 =	vor.u32 v5, v35;
	v52 =	vld.idx.msk [tilespmem:v63+s10+$0x0], $0xffff  }
0x21c: {  	v60 =	vadd.s32 v6, v33;
	_ =	sdelay $0x2  }
0x21d: {  	v49 =	vld.idx.msk [tilespmem:v49+s10+$0x0], $0xffff;
	v55 =	vor.u32 v6, v30;
	[tilespmem:v57+s14+$0x0] =	vst.idx.msk $0xffff, v40  }
0x21e: {  	v61 =	vadd.s32 v7, v28;
	v62 =	vor.u32 v6, v32;
	v50 =	vld.idx.msk [tilespmem:v58+s10+$0x0], $0xffff;
	[tilespmem:v59+s14+$0x0] =	vst.idx.msk $0xffff, v52  }
0x21f: {  	v63 =	vadd.s32 v7, v34;
	v53 =	vld.idx.msk [tilespmem:v60+s10+$0x0], $0xffff;
	v60 =	vor.u32 v6, v35  }
0x220: {  	v56 =	vadd.s32 v7, v33;
	_ =	sdelay $0x1  }
0x221: {  	[tilespmem:v55+s14+$0x0] =	vst.idx.msk $0xffff, v49  }
0x222: {  	v49 =	vor.u32 v7, v30;
	v40 =	vld.idx.msk [tilespmem:v61+s10+$0x0], $0xffff;
	[tilespmem:v62+s14+$0x0] =	vst.idx.msk $0xffff, v50  }
0x223: {  	v61 =	vor.u32 v7, v32;
	v50 =	vadd.s32 v8, v28;
	v51 =	vld.idx.msk [tilespmem:v63+s10+$0x0], $0xffff;
	[tilespmem:v60+s14+$0x0] =	vst.idx.msk $0xffff, v53  }
0x224: {  	v62 =	vadd.s32 v8, v34;
	v63 =	vor.u32 v7, v35;
	v54 =	vld.idx.msk [tilespmem:v56+s10+$0x0], $0xffff  }
0x225: {  	v60 =	vadd.s32 v8, v33  }
0x226: {  	[tilespmem:v47+s14+$0x0] =	vst.idx.msk $0xffff, v46  }
0x227: {  	v47 =	vor.u32 v9, v31;
	v46 =	vld.idx.msk [tilespmem:v48+s10+$0x0], $0xffff;
	[tilespmem:v49+s14+$0x0] =	vst.idx.msk $0xffff, v40  }
0x228: {  	v48 =	vor.u32 v9, v30;
	v40 =	vadd.s32 v10, v29;
	v49 =	vld.idx.msk [tilespmem:v50+s10+$0x0], $0xffff;
	[tilespmem:v61+s14+$0x0] =	vst.idx.msk $0xffff, v51  }
0x229: {  	v61 =	vadd.s32 v10, v28;
	v51 =	vld.idx.msk [tilespmem:v62+s10+$0x0], $0xffff;
	v62 =	vor.u32 v9, v32;
	[tilespmem:v63+s14+$0x0] =	vst.idx.msk $0xffff, v54  }
0x22a: {  	v53 =	vadd.s32 v10, v34;
	v63 =	vor.u32 v9, v35;
	v55 =	vld.idx.msk [tilespmem:v60+s10+$0x0], $0xffff  }
0x22b: {  	v60 =	vadd.s32 v10, v33  }
0x22c: {  	[tilespmem:v47+s14+$0x0] =	vst.idx.msk $0xffff, v46  }
0x22d: {  	v46 =	vor.u32 v11, v31;
	v40 =	vld.idx.msk [tilespmem:v40+s10+$0x0], $0xffff;
	[tilespmem:v48+s14+$0x0] =	vst.idx.msk $0xffff, v49  }
0x22e: {  	v47 =	vadd.s32 v12, v29;
	v48 =	vld.idx.msk [tilespmem:v61+s10+$0x0], $0xffff;
	v61 =	vor.u32 v11, v30;
	[tilespmem:v62+s14+$0x0] =	vst.idx.msk $0xffff, v51  }
0x22f: {  	v52 =	vor.u32 v11, v32;
	v62 =	vadd.s32 v12, v28;
	v51 =	vld.idx.msk [tilespmem:v53+s10+$0x0], $0xffff;
	[tilespmem:v63+s14+$0x0] =	vst.idx.msk $0xffff, v55  }
0x230: {  	v63 =	vadd.s32 v12, v34;
	v55 =	vor.u32 v11, v35;
	v54 =	vld.idx.msk [tilespmem:v60+s10+$0x0], $0xffff  }
0x231: {  	v60 =	vadd.s32 v12, v33  }
0x232: {  	[tilespmem:v46+s14+$0x0] =	vst.idx.msk $0xffff, v40  }
0x233: {  	v46 =	vor.u32 v13, v31;
	v40 =	vld.idx.msk [tilespmem:v47+s10+$0x0], $0xffff;
	[tilespmem:v61+s14+$0x0] =	vst.idx.msk $0xffff, v48  }
0x234: {  	v61 =	vadd.s32 v14, v29;
	v48 =	vld.idx.msk [tilespmem:v62+s10+$0x0], $0xffff;
	v62 =	vor.u32 v13, v30;
	[tilespmem:v52+s14+$0x0] =	vst.idx.msk $0xffff, v51  }
0x235: {  	v50 =	vadd.s32 v14, v28;
	v51 =	vld.idx.msk [tilespmem:v63+s10+$0x0], $0xffff;
	v63 =	vor.u32 v13, v32;
	[tilespmem:v55+s14+$0x0] =	vst.idx.msk $0xffff, v54  }
0x236: {  	v57 =	vadd.s32 v14, v34;
	v58 =	vor.u32 v13, v35;
	v54 =	vld.idx.msk [tilespmem:v60+s10+$0x0], $0xffff  }
0x237: {  	[tilespmem:v42+s14+$0x0] =	vst.idx.msk $0xffff, v44;
	v59 =	vadd.s32 v14, v33  }
0x238: {  	v45 =	vld.idx.msk [tilespmem:v45+s10+$0x0], $0xffff;
	[tilespmem:v46+s14+$0x0] =	vst.idx.msk $0xffff, v40;
	v60 =	vor.u32 v15, v26  }
0x239: {  	v47 =	vor.u32 v15, v31;
	v40 =	vadd.s32 v16, v24;
	v46 =	vld.idx.msk [tilespmem:v61+s10+$0x0], $0xffff;
	[tilespmem:v62+s14+$0x0] =	vst.idx.msk $0xffff, v48  }
0x23a: {  	v61 =	vadd.s32 v16, v29;
	v62 =	vor.u32 v15, v30;
	v50 =	vld.idx.msk [tilespmem:v50+s10+$0x0], $0xffff;
	[tilespmem:v63+s14+$0x0] =	vst.idx.msk $0xffff, v51  }
0x23b: {  	v56 =	vor.u32 v15, v32;
	v63 =	vadd.s32 v16, v28;
	v52 =	vld.idx.msk [tilespmem:v57+s10+$0x0], $0xffff;
	[tilespmem:v58+s14+$0x0] =	vst.idx.msk $0xffff, v54  }
0x23c: {  	[tilespmem:v43+s14+$0x0] =	vst.idx.msk $0xffff, v41;
	v57 =	vadd.s32 v16, v34;
	v58 =	vor.u32 v15, v35;
	v42 =	vld.idx.msk [tilespmem:v59+s10+$0x0], $0xffff  }
0x23d: {  	[tilespmem:v60+s14+$0x0] =	vst.idx.msk $0xffff, v45;
	v59 =	vadd.s32 v16, v33  }
0x23e: {  	v60 =	vor.u32 v17, v26;
	v40 =	vld.idx.msk [tilespmem:v40+s10+$0x0], $0xffff;
	[tilespmem:v47+s14+$0x0] =	vst.idx.msk $0xffff, v46  }
0x23f: {  	v46 =	vadd.s32 v18, v24;
	v47 =	vld.idx.msk [tilespmem:v61+s10+$0x0], $0xffff;
	v61 =	vor.u32 v17, v31;
	[tilespmem:v62+s14+$0x0] =	vst.idx.msk $0xffff, v50  }
0x240: {  	v49 =	vadd.s32 v18, v29;
	v62 =	vor.u32 v17, v30;
	v51 =	vld.idx.msk [tilespmem:v63+s10+$0x0], $0xffff;
	[tilespmem:v56+s14+$0x0] =	vst.idx.msk $0xffff, v52  }
0x241: {  	v63 =	vor.u32 v17, v32;
	v52 =	vadd.s32 v18, v28;
	v41 =	vld.idx.msk [tilespmem:v57+s10+$0x0], $0xffff;
	[tilespmem:v58+s14+$0x0] =	vst.idx.msk $0xffff, v42  }
0x242: {  	[tilespmem:v37+s14+$0x0] =	vst.idx.msk $0xffff, v39;
	v56 =	vadd.s32 v18, v34;
	v57 =	vor.u32 v17, v35;
	v42 =	vld.idx.msk [tilespmem:v59+s10+$0x0], $0xffff  }
0x243: {  	v38 =	vld.idx.msk [tilespmem:v38+s10+$0x0], $0xffff;
	[tilespmem:v60+s14+$0x0] =	vst.idx.msk $0xffff, v40;
	v58 =	vadd.s32 v18, v33  }
0x244: {  	v60 =	vor.u32 v19, v26;
	v59 =	vadd.s32 v20, v27;
	v45 =	vld.idx.msk [tilespmem:v46+s10+$0x0], $0xffff;
	[tilespmem:v61+s14+$0x0] =	vst.idx.msk $0xffff, v47  }
0x245: {  	v46 =	vadd.s32 v20, v24;
	v61 =	vor.u32 v19, v31;
	v48 =	vld.idx.msk [tilespmem:v49+s10+$0x0], $0xffff;
	[tilespmem:v62+s14+$0x0] =	vst.idx.msk $0xffff, v51  }
0x246: {  	v49 =	vadd.s32 v20, v29;
	v62 =	vor.u32 v19, v30;
	v51 =	vld.idx.msk [tilespmem:v52+s10+$0x0], $0xffff;
	[tilespmem:v63+s14+$0x0] =	vst.idx.msk $0xffff, v41  }
0x247: {  	v41 =	vadd.s32 v20, v28;
	v63 =	vor.u32 v19, v32;
	v37 =	vld.idx.msk [tilespmem:v56+s10+$0x0], $0xffff;
	[tilespmem:v57+s14+$0x0] =	vst.idx.msk $0xffff, v42  }
0x248: {  	[tilespmem:v36+s14+$0x0] =	vst.idx.msk $0xffff, v38;
	v55 =	vadd.s32 v20, v34;
	v56 =	vor.u32 v19, v35;
	v39 =	vld.idx.msk [tilespmem:v58+s10+$0x0], $0xffff  }
0x249: {  	v57 =	vor.u32 v21, v25;
	[tilespmem:v60+s14+$0x0] =	vst.idx.msk $0xffff, v45;
	v58 =	vld.idx.msk [tilespmem:v59+s10+$0x0], $0xffff;
	v59 =	vadd.s32 v20, v33  }
0x24a: {  	v27 =	vadd.s32 v22, v27;
	v60 =	vor.u32 v21, v26;
	v45 =	vld.idx.msk [tilespmem:v46+s10+$0x0], $0xffff;
	[tilespmem:v61+s14+$0x0] =	vst.idx.msk $0xffff, v48  }
0x24b: {  	v24 =	vadd.s32 v22, v24;
	v61 =	vor.u32 v21, v31;
	v47 =	vld.idx.msk [tilespmem:v49+s10+$0x0], $0xffff;
	[tilespmem:v62+s14+$0x0] =	vst.idx.msk $0xffff, v51  }
0x24c: {  	v29 =	vadd.s32 v22, v29;
	v62 =	vor.u32 v21, v30;
	v41 =	vld.idx.msk [tilespmem:v41+s10+$0x0], $0xffff;
	[tilespmem:v63+s14+$0x0] =	vst.idx.msk $0xffff, v37  }
0x24d: {  	v28 =	vadd.s32 v22, v28;
	v63 =	vor.u32 v21, v32;
	v36 =	vld.idx.msk [tilespmem:v55+s10+$0x0], $0xffff;
	[tilespmem:v56+s14+$0x0] =	vst.idx.msk $0xffff, v39  }
0x24e: {  	v50 =	vadd.s32 v22, v34;
	v49 =	vor.u32 v21, v35;
	[tilespmem:v57+s14+$0x0] =	vst.idx.msk $0xffff, v58;
	v39 =	vld.idx.msk [tilespmem:v59+s10+$0x0], $0xffff  }
0x24f: {  	v25 =	vor.u32 v23, v25;
	v51 =	vadd.s32 v22, v33;
	[tilespmem:v60+s14+$0x0] =	vst.idx.msk $0xffff, v45;
	v27 =	vld.idx.msk [tilespmem:v27+s10+$0x0], $0xffff  }
0x250: {  	v26 =	vor.u32 v23, v26;
	v24 =	vld.idx.msk [tilespmem:v24+s10+$0x0], $0xffff;
	[tilespmem:v61+s14+$0x0] =	vst.idx.msk $0xffff, v47  }
0x251: {  	v31 =	vor.u32 v23, v31;
	v29 =	vld.idx.msk [tilespmem:v29+s10+$0x0], $0xffff;
	[tilespmem:v62+s14+$0x0] =	vst.idx.msk $0xffff, v41  }
0x252: {  	v30 =	vor.u32 v23, v30;
	v28 =	vld.idx.msk [tilespmem:v28+s10+$0x0], $0xffff;
	[tilespmem:v63+s14+$0x0] =	vst.idx.msk $0xffff, v36  }
0x253: {  	v52 =	vor.u32 v23, v32;
	v34 =	vld.idx.msk [tilespmem:v50+s10+$0x0], $0xffff;
	[tilespmem:v49+s14+$0x0] =	vst.idx.msk $0xffff, v39  }
0x254: {  	[tilespmem:v25+s14+$0x0] =	vst.idx.msk $0xffff, v27;
	v25 =	vor.u32 v23, v35;
	v27 =	vld.idx.msk [tilespmem:v51+s10+$0x0], $0xffff  }
0x255: {  	s18 =	simm.s32 $0x100;
	[tilespmem:v26+s14+$0x0] =	vst.idx.msk $0xffff, v24  }
0x256: {  	v24 =	vmov s18;
	[tilespmem:v31+s14+$0x0] =	vst.idx.msk $0xffff, v29  }
0x257: {  	v24 =	vand.u32 $0xFFFFFFFE, v24;
	[tilespmem:v30+s14+$0x0] =	vst.idx.msk $0xffff, v28  }
0x258: {  	v24 =	vbroadcast v24, $0x0;
	[tilespmem:v52+s14+$0x0] =	vst.idx.msk $0xffff, v34  }
0x259: {  	[tilespmem:v25+s14+$0x0] =	vst.idx.msk $0xffff, v27  }
0x25a: {  	[hbm4b:s6+s2] =	stream.linear.scatter [tilespmem:s14], [sflag:$0x2], $0x8000, $0x38;
	[tilespmem:$0x10800] =	vst v63  }
0x25b: {  	_ =	swait.ge [sflag:s15], $0x8000  }
0x25c: {  	[sflag:s15] =	ssyncset.done $0x0  }
0x25d: {  	[sflag:s15] =	ssyncadd.s32 $0xFFFF8000  }
0x25e: {  	v37 =	vld.idx.msk [tilespmem:v24+s12+$0x0], $0xffff;
	_ =	sdelay $0x2  }
0x25f: {  	s19 =	simm.s32 $0x101  }
0x260: {  	v24 =	vmov s19  }
0x261: {  	s20 =	simm.s32 $0x0;
	v25 =	vadd.s32 v0, v37  }
0x262: {  	v26 =	vmov s20  }
0x263: {  	v27 =	vshll.u32 v26, $0x8;
	v26 =	vshll.u32 v26, $0x7  }
0x264: {  	v27 =	vand.u32 $0x7800, v27;
	v26 =	vand.u32 $0x300, v26  }
0x265: {  	v36 =	vor.u32 v26, v27;
	v39 =	vld.idx.msk [tilespmem:v24+s12+$0x0], $0xffff  }
0x266: {  	v24 =	vld.idx.msk [tilespmem:v25+s10+$0x0], $0xffff;
	v25 =	vor.u32 v0, v36  }
0x267: {  	v26 =	vadd.s32 v1, v37;
	_ =	sdelay $0x3  }
0x268: {  	s21 =	simm.s32 $0x1;
	v27 =	vadd.s32 v0, v39;
	[tilespmem:v25+s13+$0x0] =	vst.idx.msk $0xffff, v24  }
0x269: {  	v24 =	vmov s21;
	v25 =	vld.idx.msk [tilespmem:v26+s10+$0x0], $0xffff;
	v26 =	vor.u32 v1, v36  }
0x26a: {  	v29 =	vadd.s32 v2, v37;
	v28 =	vshll.u32 v24, $0x8;
	v24 =	vshll.u32 v24, $0x7  }
0x26b: {  	v28 =	vand.u32 $0x7800, v28;
	v24 =	vand.u32 $0x380, v24  }
0x26c: {  	v38 =	vor.u32 v24, v28  }
0x26d: {  	v24 =	vld.idx.msk [tilespmem:v27+s10+$0x0], $0xffff;
	v27 =	vor.u32 v0, v38  }
0x26e: {  	v28 =	vadd.s32 v1, v39;
	[tilespmem:v26+s13+$0x0] =	vst.idx.msk $0xffff, v25  }
0x26f: {  	s22 =	simm.s32 $0x102;
	v26 =	vor.u32 v2, v36;
	v25 =	vld.idx.msk [tilespmem:v29+s10+$0x0], $0xffff  }
0x270: {  	v30 =	vmov s22;
	v29 =	vadd.s32 v3, v37  }
0x271: {  	v30 =	vand.u32 $0xFFFFFFFE, v30  }
0x272: {  	[tilespmem:v27+s13+$0x0] =	vst.idx.msk $0xffff, v24;
	v24 =	vbroadcast v30, $0x0  }
0x273: {  	v27 =	vld.idx.msk [tilespmem:v28+s10+$0x0], $0xffff;
	v28 =	vor.u32 v1, v38  }
0x274: {  	s23 =	simm.s32 $0x103;
	v30 =	vadd.s32 v2, v39;
	[tilespmem:v26+s13+$0x0] =	vst.idx.msk $0xffff, v25  }
0x275: {  	v25 =	vmov s23;
	v26 =	vld.idx.msk [tilespmem:v29+s10+$0x0], $0xffff;
	v29 =	vor.u32 v3, v36  }
0x276: {  	v31 =	vadd.s32 v4, v37;
	_ =	sdelay $0x1  }
0x277: {  	[tilespmem:v28+s13+$0x0] =	vst.idx.msk $0xffff, v27;
	v27 =	vld.idx.msk [tilespmem:v24+s12+$0x0], $0xffff  }
0x278: {  	v28 =	vld.idx.msk [tilespmem:v30+s10+$0x0], $0xffff;
	v30 =	vor.u32 v2, v38  }
0x279: {  	v53 =	vadd.s32 v3, v39;
	v24 =	vld.idx.msk [tilespmem:v25+s12+$0x0], $0xffff;
	[tilespmem:v29+s13+$0x0] =	vst.idx.msk $0xffff, v26  }
0x27a: {  	v29 =	vor.u32 v4, v36;
	v26 =	vld.idx.msk [tilespmem:v31+s10+$0x0], $0xffff  }
0x27b: {  	s24 =	simm.s32 $0x2;
	s25 =	simm.s32 $0x3;
	v31 =	vadd.s32 v5, v37  }
0x27c: {  	v58 =	vmov s25;
	v25 =	vmov s24;
	v55 =	vadd.s32 v0, v27  }
0x27d: {  	v56 =	vor.u32 v3, v38;
	v54 =	vshll.u32 v25, $0x8;
	v25 =	vshll.u32 v25, $0x7;
	[tilespmem:v30+s13+$0x0] =	vst.idx.msk $0xffff, v28  }
0x27e: {  	v25 =	vand.u32 $0x300, v25;
	v28 =	vand.u32 $0x7800, v54;
	v30 =	vld.idx.msk [tilespmem:v53+s10+$0x0], $0xffff;
	v57 =	vadd.s32 v0, v24  }
0x27f: {  	v59 =	vshll.u32 v58, $0x8;
	v25 =	vor.u32 v25, v28;
	v28 =	vadd.s32 v4, v39;
	[tilespmem:v29+s13+$0x0] =	vst.idx.msk $0xffff, v26  }
0x280: {  	v60 =	vor.u32 v5, v36;
	v62 =	vadd.s32 v6, v37;
	v26 =	vshll.u32 v58, $0x7;
	v31 =	vld.idx.msk [tilespmem:v31+s10+$0x0], $0xffff  }
0x281: {  	v61 =	vor.u32 v0, v25;
	v29 =	vand.u32 $0x7800, v59;
	v26 =	vand.u32 $0x380, v26;
	v34 =	vld.idx.msk [tilespmem:v55+s10+$0x0], $0xffff  }
0x282: {  	v26 =	vor.u32 v26, v29;
	v29 =	vadd.s32 v1, v27  }
0x283: {  	[tilespmem:v56+s13+$0x0] =	vst.idx.msk $0xffff, v30;
	v30 =	vld.idx.msk [tilespmem:v57+s10+$0x0], $0xffff;
	v63 =	vor.u32 v0, v26  }
0x284: {  	v45 =	vor.u32 v4, v38;
	v46 =	vadd.s32 v1, v24;
	v28 =	vld.idx.msk [tilespmem:v28+s10+$0x0], $0xffff  }
0x285: {  	v47 =	vadd.s32 v5, v39;
	[tilespmem:v60+s13+$0x0] =	vst.idx.msk $0xffff, v31  }
0x286: {  	v48 =	vor.u32 v6, v36;
	[tilespmem:v61+s13+$0x0] =	vst.idx.msk $0xffff, v34;
	v31 =	vld.idx.msk [tilespmem:v62+s10+$0x0], $0xffff  }
0x287: {  	v50 =	vadd.s32 v7, v37;
	v49 =	vor.u32 v1, v25;
	v29 =	vld.idx.msk [tilespmem:v29+s10+$0x0], $0xffff  }
0x288: {  	[tilespmem:v63+s13+$0x0] =	vst.idx.msk $0xffff, v30;
	v30 =	vadd.s32 v2, v27  }
0x289: {  	v51 =	vor.u32 v1, v26;
	[tilespmem:v45+s13+$0x0] =	vst.idx.msk $0xffff, v28;
	v28 =	vld.idx.msk [tilespmem:v46+s10+$0x0], $0xffff  }
0x28a: {  	v52 =	vor.u32 v5, v38;
	v53 =	vadd.s32 v2, v24;
	v33 =	vld.idx.msk [tilespmem:v47+s10+$0x0], $0xffff  }
0x28b: {  	v54 =	vadd.s32 v6, v39;
	[tilespmem:v48+s13+$0x0] =	vst.idx.msk $0xffff, v31  }
0x28c: {  	[tilespmem:v49+s13+$0x0] =	vst.idx.msk $0xffff, v29;
	v31 =	vor.u32 v7, v36;
	v29 =	vld.idx.msk [tilespmem:v50+s10+$0x0], $0xffff  }
0x28d: {  	v55 =	vor.u32 v2, v25;
	v56 =	vadd.s32 v8, v37;
	v30 =	vld.idx.msk [tilespmem:v30+s10+$0x0], $0xffff  }
0x28e: {  	s26 =	simm.s32 $0x104;
	s19 =	simm.s32 $0x105;
	v57 =	vadd.s32 v3, v27;
	[tilespmem:v51+s13+$0x0] =	vst.idx.msk $0xffff, v28  }
0x28f: {  	v59 =	vmov s26;
	v58 =	vor.u32 v2, v26;
	v60 =	vmov s19;
	[tilespmem:v52+s13+$0x0] =	vst.idx.msk $0xffff, v33;
	v28 =	vld.idx.msk [tilespmem:v53+s10+$0x0], $0xffff  }
0x290: {  	v62 =	vor.u32 v6, v38;
	v63 =	vadd.s32 v3, v24;
	v33 =	vand.u32 $0xFFFFFFFE, v59;
	v61 =	vld.idx.msk [tilespmem:v54+s10+$0x0], $0xffff  }
0x291: {  	v48 =	vadd.s32 v7, v39;
	v33 =	vbroadcast v33, $0x0;
	[tilespmem:v31+s13+$0x0] =	vst.idx.msk $0xffff, v29  }
0x292: {  	[tilespmem:v55+s13+$0x0] =	vst.idx.msk $0xffff, v30;
	v31 =	vor.u32 v9, v36;
	v30 =	vld.idx.msk [tilespmem:v56+s10+$0x0], $0xffff  }
0x293: {  	v34 =	vld.idx.msk [tilespmem:v57+s10+$0x0], $0xffff  }
0x294: {  	s28 =	simm.s32 $0x4;
	v49 =	vor.u32 v3, v25;
	v50 =	vadd.s32 v10, v37;
	[tilespmem:v58+s13+$0x0] =	vst.idx.msk $0xffff, v28;
	v28 =	vld.idx.msk [tilespmem:v60+s12+$0x0], $0xffff  }
0x295: {  	v43 =	vor.u32 v9, v38;
	v51 =	vadd.s32 v4, v27;
	v29 =	vmov s28;
	[tilespmem:v62+s13+$0x0] =	vst.idx.msk $0xffff, v61;
	v41 =	vld.idx.msk [tilespmem:v63+s10+$0x0], $0xffff  }
0x296: {  	v55 =	vor.u32 v7, v38;
	v52 =	vshll.u32 v29, $0x8;
	v53 =	vshll.u32 v29, $0x7;
	v54 =	vld.idx.msk [tilespmem:v48+s10+$0x0], $0xffff  }
0x297: {  	v56 =	vor.u32 v3, v26;
	v29 =	vld.idx.msk [tilespmem:v33+s12+$0x0], $0xffff;
	[tilespmem:v31+s13+$0x0] =	vst.idx.msk $0xffff, v30;
	v30 =	vadd.s32 v8, v39  }
0x298: {  	v59 =	vor.u32 v11, v36;
	v57 =	vadd.s32 v4, v24;
	v60 =	vor.u32 v4, v25  }
0x299: {  	s29 =	simm.s32 $0x5;
	v61 =	vadd.s32 v12, v37;
	[tilespmem:v49+s13+$0x0] =	vst.idx.msk $0xffff, v34;
	v32 =	vld.idx.msk [tilespmem:v50+s10+$0x0], $0xffff;
	v58 =	vadd.s32 v0, v28  }
0x29a: {  	v62 =	vmov s29;
	v63 =	vadd.s32 v5, v27;
	v33 =	vand.u32 $0x300, v53;
	v40 =	vld.idx.msk [tilespmem:v51+s10+$0x0], $0xffff  }
0x29b: {  	v53 =	vshll.u32 v62, $0x7;
	v31 =	vand.u32 $0x7800, v52;
	v52 =	vshll.u32 v62, $0x8;
	[tilespmem:v55+s13+$0x0] =	vst.idx.msk $0xffff, v54  }
0x29c: {  	[tilespmem:v56+s13+$0x0] =	vst.idx.msk $0xffff, v41;
	v54 =	vadd.s32 v0, v29;
	v55 =	vand.u32 $0x380, v53;
	v46 =	vld.idx.msk [tilespmem:v30+s10+$0x0], $0xffff;
	v30 =	vand.u32 $0x7800, v52  }
0x29d: {  	v44 =	vadd.s32 v10, v39;
	v45 =	vor.u32 v4, v26;
	v42 =	vld.idx.msk [tilespmem:v57+s10+$0x0], $0xffff;
	v30 =	vor.u32 v55, v30  }
0x29e: {  	v35 =	vadd.s32 v5, v24;
	v34 =	vld.idx.msk [tilespmem:v58+s10+$0x0], $0xffff;
	[tilespmem:v59+s13+$0x0] =	vst.idx.msk $0xffff, v32;
	v32 =	vor.u32 v0, v30  }
0x29f: {  	v57 =	vadd.s32 v1, v28;
	[tilespmem:v60+s13+$0x0] =	vst.idx.msk $0xffff, v40;
	v58 =	vor.u32 v13, v36;
	v56 =	vld.idx.msk [tilespmem:v61+s10+$0x0], $0xffff  }
0x2a0: {  	v31 =	vor.u32 v33, v31;
	v60 =	vor.u32 v5, v25;
	v59 =	vld.idx.msk [tilespmem:v63+s10+$0x0], $0xffff;
	v61 =	vadd.s32 v14, v37  }
0x2a1: {  	v62 =	vor.u32 v0, v31;
	v63 =	vadd.s32 v6, v27;
	v41 =	vld.idx.msk [tilespmem:v54+s10+$0x0], $0xffff;
	[tilespmem:v43+s13+$0x0] =	vst.idx.msk $0xffff, v46  }
0x2a2: {  	v53 =	vadd.s32 v1, v29;
	[tilespmem:v45+s13+$0x0] =	vst.idx.msk $0xffff, v42;
	v43 =	vld.idx.msk [tilespmem:v44+s10+$0x0], $0xffff;
	v44 =	vor.u32 v11, v38  }
0x2a3: {  	v54 =	vor.u32 v5, v26;
	[tilespmem:v32+s13+$0x0] =	vst.idx.msk $0xffff, v34;
	v32 =	vld.idx.msk [tilespmem:v35+s10+$0x0], $0xffff  }
0x2a4: {  	v55 =	vadd.s32 v12, v39;
	[tilespmem:v58+s13+$0x0] =	vst.idx.msk $0xffff, v56;
	v56 =	vor.u32 v1, v30;
	v35 =	vld.idx.msk [tilespmem:v57+s10+$0x0], $0xffff  }
0x2a5: {  	[tilespmem:v60+s13+$0x0] =	vst.idx.msk $0xffff, v59;
	v58 =	vadd.s32 v2, v28;
	v59 =	vor.u32 v15, v36;
	v33 =	vld.idx.msk [tilespmem:v61+s10+$0x0], $0xffff  }
0x2a6: {  	[tilespmem:v62+s13+$0x0] =	vst.idx.msk $0xffff, v41;
	v60 =	vld.idx.msk [tilespmem:v63+s10+$0x0], $0xffff;
	v61 =	vor.u32 v6, v25;
	v62 =	vadd.s32 v16, v37  }
0x2a7: {  	v57 =	vor.u32 v1, v31;
	v63 =	vadd.s32 v7, v27;
	v42 =	vld.idx.msk [tilespmem:v53+s10+$0x0], $0xffff;
	[tilespmem:v44+s13+$0x0] =	vst.idx.msk $0xffff, v43  }
0x2a8: {  	v47 =	vor.u32 v7, v25;
	v53 =	vadd.s32 v2, v29;
	[tilespmem:v54+s13+$0x0] =	vst.idx.msk $0xffff, v32  }
0x2a9: {  	v49 =	vor.u32 v19, v36;
	v54 =	vld.idx.msk [tilespmem:v55+s10+$0x0], $0xffff;
	v55 =	vor.u32 v13, v38;
	[tilespmem:v56+s13+$0x0] =	vst.idx.msk $0xffff, v35  }
0x2aa: {  	[tilespmem:v59+s13+$0x0] =	vst.idx.msk $0xffff, v33;
	v59 =	vor.u32 v2, v30;
	v56 =	vld.idx.msk [tilespmem:v58+s10+$0x0], $0xffff;
	v58 =	vadd.s32 v6, v24  }
0x2ab: {  	[tilespmem:v61+s13+$0x0] =	vst.idx.msk $0xffff, v60;
	v61 =	vadd.s32 v14, v39;
	v60 =	vld.idx.msk [tilespmem:v62+s10+$0x0], $0xffff;
	v62 =	vor.u32 v17, v36  }
0x2ac: {  	v51 =	vadd.s32 v8, v27;
	[tilespmem:v57+s13+$0x0] =	vst.idx.msk $0xffff, v42;
	v42 =	vld.idx.msk [tilespmem:v63+s10+$0x0], $0xffff;
	v63 =	vadd.s32 v18, v37  }
0x2ad: {  	s30 =	simm.s32 $0x106;
	v50 =	vor.u32 v2, v31;
	v52 =	vor.u32 v15, v38;
	v40 =	vor.u32 v6, v26;
	v43 =	vld.idx.msk [tilespmem:v53+s10+$0x0], $0xffff  }
0x2ae: {  	s20 =	simm.s32 $0x107;
	v46 =	vor.u32 v9, v25;
	v34 =	vadd.s32 v3, v29;
	v57 =	vmov s30;
	[tilespmem:v55+s13+$0x0] =	vst.idx.msk $0xffff, v54  }
0x2af: {  	v35 =	vadd.s32 v7, v24;
	v32 =	vand.u32 $0xFFFFFFFE, v57;
	v44 =	vld.idx.msk [tilespmem:v58+s10+$0x0], $0xffff;
	v58 =	vmov s20;
	[tilespmem:v59+s13+$0x0] =	vst.idx.msk $0xffff, v56  }
0x2b0: {  	s18 =	simm.s32 $0x6;
	v57 =	vor.u32 v3, v31;
	v45 =	vld.idx.msk [tilespmem:v61+s10+$0x0], $0xffff;
	v61 =	vadd.s32 v3, v28;
	[tilespmem:v62+s13+$0x0] =	vst.idx.msk $0xffff, v60  }
0x2b1: {  	v53 =	vor.u32 v21, v36;
	v59 =	vmov s18;
	v60 =	vbroadcast v32, $0x0;
	[tilespmem:v47+s13+$0x0] =	vst.idx.msk $0xffff, v42;
	v63 =	vld.idx.msk [tilespmem:v63+s10+$0x0], $0xffff  }
0x2b2: {  	v54 =	vadd.s32 v20, v39;
	v62 =	vshll.u32 v59, $0x8;
	v33 =	vshll.u32 v59, $0x7;
	[tilespmem:v50+s13+$0x0] =	vst.idx.msk $0xffff, v43;
	v43 =	vld.idx.msk [tilespmem:v51+s10+$0x0], $0xffff  }
0x2b3: {  	v47 =	vadd.s32 v20, v37;
	v32 =	vand.u32 $0x7800, v62;
	v33 =	vand.u32 $0x300, v33;
	v48 =	vld.idx.msk [tilespmem:v34+s10+$0x0], $0xffff  }
0x2b4: {  	v55 =	vor.u32 v19, v38;
	v59 =	vadd.s32 v4, v29;
	v32 =	vor.u32 v33, v32;
	v33 =	vld.idx.msk [tilespmem:v58+s12+$0x0], $0xffff  }
0x2b5: {  	v62 =	vor.u32 v3, v30;
	v58 =	vadd.s32 v10, v27;
	[tilespmem:v40+s13+$0x0] =	vst.idx.msk $0xffff, v44;
	v44 =	vld.idx.msk [tilespmem:v61+s10+$0x0], $0xffff  }
0x2b6: {  	v56 =	vor.u32 v4, v31;
	v61 =	vadd.s32 v16, v39;
	v35 =	vld.idx.msk [tilespmem:v35+s10+$0x0], $0xffff;
	[tilespmem:v49+s13+$0x0] =	vst.idx.msk $0xffff, v63  }
0x2b7: {  	v34 =	vld.idx.msk [tilespmem:v60+s12+$0x0], $0xffff;
	v63 =	vadd.s32 v4, v28;
	v60 =	vor.u32 v7, v26;
	[tilespmem:v46+s13+$0x0] =	vst.idx.msk $0xffff, v43  }
0x2b8: {  	v51 =	vor.u32 v11, v25;
	v43 =	vadd.s32 v8, v24;
	v46 =	vld.idx.msk [tilespmem:v47+s10+$0x0], $0xffff;
	[tilespmem:v57+s13+$0x0] =	vst.idx.msk $0xffff, v48  }
0x2b9: {  	[tilespmem:v52+s13+$0x0] =	vst.idx.msk $0xffff, v45;
	v49 =	vadd.s32 v18, v39;
	v40 =	vld.idx.msk [tilespmem:v59+s10+$0x0], $0xffff;
	v50 =	vadd.s32 v0, v33  }
0x2ba: {  	s31 =	simm.s32 $0x7;
	v47 =	vor.u32 v17, v38;
	v48 =	vld.idx.msk [tilespmem:v58+s10+$0x0], $0xffff;
	[tilespmem:v62+s13+$0x0] =	vst.idx.msk $0xffff, v44;
	v62 =	vadd.s32 v5, v29  }
0x2bb: {  	v57 =	vadd.s32 v12, v27;
	v59 =	vor.u32 v4, v30;
	v44 =	vld.idx.msk [tilespmem:v61+s10+$0x0], $0xffff;
	v61 =	vmov s31  }
0x2bc: {  	v41 =	vld.idx.msk [tilespmem:v63+s10+$0x0], $0xffff;
	[tilespmem:v60+s13+$0x0] =	vst.idx.msk $0xffff, v35;
	v63 =	vadd.s32 v0, v34;
	v60 =	vshll.u32 v61, $0x8;
	v45 =	vshll.u32 v61, $0x7  }
0x2bd: {  	v58 =	vor.u32 v9, v26;
	v43 =	vld.idx.msk [tilespmem:v43+s10+$0x0], $0xffff;
	v35 =	vand.u32 $0x7800, v60;
	v45 =	vand.u32 $0x380, v45  }
0x2be: {  	v35 =	vor.u32 v45, v35;
	v45 =	vadd.s32 v10, v24;
	[tilespmem:v56+s13+$0x0] =	vst.idx.msk $0xffff, v40;
	v50 =	vld.idx.msk [tilespmem:v50+s10+$0x0], $0xffff  }
0x2bf: {  	[tilespmem:v51+s13+$0x0] =	vst.idx.msk $0xffff, v48;
	v48 =	vor.u32 v0, v35;
	v51 =	vadd.s32 v5, v28;
	v52 =	vld.idx.msk [tilespmem:v62+s10+$0x0], $0xffff  }
0x2c0: {  	v37 =	vadd.s32 v22, v37;
	[tilespmem:v47+s13+$0x0] =	vst.idx.msk $0xffff, v44;
	v44 =	vor.u32 v5, v31;
	v56 =	vld.idx.msk [tilespmem:v57+s10+$0x0], $0xffff  }
0x2c1: {  	[tilespmem:v53+s13+$0x0] =	vst.idx.msk $0xffff, v46;
	v46 =	vadd.s32 v1, v33;
	v53 =	vor.u32 v13, v25;
	v42 =	vld.idx.msk [tilespmem:v63+s10+$0x0], $0xffff  }
0x2c2: {  	v60 =	vadd.s32 v6, v29;
	v57 =	vor.u32 v0, v32;
	v61 =	vld.idx.msk [tilespmem:v49+s10+$0x0], $0xffff;
	[tilespmem:v58+s13+$0x0] =	vst.idx.msk $0xffff, v43  }
0x2c3: {  	v39 =	vadd.s32 v22, v39;
	v47 =	vadd.s32 v14, v27;
	[tilespmem:v59+s13+$0x0] =	vst.idx.msk $0xffff, v41;
	v45 =	vld.idx.msk [tilespmem:v45+s10+$0x0], $0xffff  }
0x2c4: {  	v62 =	vadd.s32 v1, v34;
	v63 =	vor.u32 v11, v26;
	[tilespmem:v48+s13+$0x0] =	vst.idx.msk $0xffff, v50;
	v48 =	vld.idx.msk [tilespmem:v51+s10+$0x0], $0xffff  }
0x2c5: {  	v40 =	vadd.s32 v3, v34;
	v50 =	vor.u32 v5, v30;
	[tilespmem:v44+s13+$0x0] =	vst.idx.msk $0xffff, v52;
	v44 =	vld.idx.msk [tilespmem:v37+s10+$0x0], $0xffff  }
0x2c6: {  	v51 =	vadd.s32 v12, v24;
	v46 =	vld.idx.msk [tilespmem:v46+s10+$0x0], $0xffff;
	[tilespmem:v53+s13+$0x0] =	vst.idx.msk $0xffff, v56;
	v53 =	vor.u32 v1, v35  }
0x2c7: {  	v41 =	vor.u32 v6, v31;
	v52 =	vadd.s32 v2, v33;
	[tilespmem:v57+s13+$0x0] =	vst.idx.msk $0xffff, v42;
	v56 =	vld.idx.msk [tilespmem:v60+s10+$0x0], $0xffff  }
0x2c8: {  	v57 =	vor.u32 v15, v25;
	[tilespmem:v55+s13+$0x0] =	vst.idx.msk $0xffff, v61;
	v55 =	vadd.s32 v7, v29;
	v47 =	vld.idx.msk [tilespmem:v47+s10+$0x0], $0xffff  }
0x2c9: {  	v59 =	vadd.s32 v16, v27;
	v43 =	vor.u32 v1, v32;
	v58 =	vld.idx.msk [tilespmem:v62+s10+$0x0], $0xffff;
	[tilespmem:v63+s13+$0x0] =	vst.idx.msk $0xffff, v45  }
0x2ca: {  	v60 =	vor.u32 v21, v38;
	v61 =	vadd.s32 v2, v34;
	v54 =	vld.idx.msk [tilespmem:v54+s10+$0x0], $0xffff;
	[tilespmem:v50+s13+$0x0] =	vst.idx.msk $0xffff, v48  }
0x2cb: {  	v49 =	vadd.s32 v6, v28;
	v63 =	vor.u32 v13, v26;
	v62 =	vld.idx.msk [tilespmem:v51+s10+$0x0], $0xffff;
	[tilespmem:v53+s13+$0x0] =	vst.idx.msk $0xffff, v46  }
0x2cc: {  	v37 =	vor.u32 v23, v38;
	v42 =	vor.u32 v23, v36;
	[tilespmem:v41+s13+$0x0] =	vst.idx.msk $0xffff, v56;
	v50 =	vld.idx.msk [tilespmem:v52+s10+$0x0], $0xffff  }
0x2cd: {  	v36 =	vor.u32 v19, v25;
	v38 =	vadd.s32 v18, v27;
	[tilespmem:v57+s13+$0x0] =	vst.idx.msk $0xffff, v47;
	v46 =	vld.idx.msk [tilespmem:v55+s10+$0x0], $0xffff  }
0x2ce: {  	v45 =	vadd.s32 v14, v24;
	v52 =	vor.u32 v2, v35;
	[tilespmem:v43+s13+$0x0] =	vst.idx.msk $0xffff, v58;
	v41 =	vld.idx.msk [tilespmem:v59+s10+$0x0], $0xffff  }
0x2cf: {  	v48 =	vadd.s32 v8, v29;
	v43 =	vor.u32 v17, v25;
	[tilespmem:v60+s13+$0x0] =	vst.idx.msk $0xffff, v54;
	v51 =	vld.idx.msk [tilespmem:v61+s10+$0x0], $0xffff  }
0x2d0: {  	v53 =	vor.u32 v2, v32;
	v47 =	vor.u32 v7, v31;
	v39 =	vld.idx.msk [tilespmem:v39+s10+$0x0], $0xffff;
	[tilespmem:v63+s13+$0x0] =	vst.idx.msk $0xffff, v62  }
.LBB2_6:
0x2d1: {  	s20 =	sadd.s32 $0x102, s18;
	v49 =	vld.idx.msk [tilespmem:v49+s10+$0x0], $0xffff;
	v54 =	vadd.s32 v7, v28;
	v55 =	vor.u32 v15, v26  }
0x2d2: {  	s21 =	sadd.s32 $0x103, s18;
	[tilespmem:v42+s13+$0x0] =	vst.idx.msk $0xffff, v44;
	v42 =	vmovc v25;
	v25 =	vmovc v31;
	v31 =	vmov v32;
	v44 =	vmov v29;
	v29 =	vmov v34;
	s19 =	smov.u32 s18;
	s18 =	sadd.s32 $0x2, s18  }
0x2d3: {  	v32 =	vmov s20;
	v34 =	vmov s21;
	p0 =	slt.u32 s18, $0x7E;
	[tilespmem:v52+s13+$0x0] =	vst.idx.msk $0xffff, v50;
	v50 =	vor.u32 v6, v30;
	v52 =	vld.idx.msk [tilespmem:v45+s10+$0x0], $0xffff;
	v45 =	vmovc v26;
	v26 =	vmovc v30  }
0x2d4: {  	v57 =	vadd.s32 v3, v33;
	v56 =	vmov s18;
	v30 =	vmovc v35;
	v32 =	vand.u32 $0xFFFFFFFE, v32;
	[tilespmem:v43+s13+$0x0] =	vst.idx.msk $0xffff, v41  }
0x2d5: {  	v41 =	vshll.u32 v56, $0x7;
	v35 =	vbroadcast v32, $0x0;
	v32 =	vshll.u32 v56, $0x8;
	[tilespmem:v47+s13+$0x0] =	vst.idx.msk $0xffff, v46;
	v38 =	vld.idx.msk [tilespmem:v38+s10+$0x0], $0xffff  }
0x2d6: {  	v41 =	vand.u32 $0x300, v41;
	v46 =	vadd.s32 v20, v27;
	v32 =	vand.u32 $0x7800, v32;
	[tilespmem:v53+s13+$0x0] =	vst.idx.msk $0xffff, v51;
	v43 =	vld.idx.msk [tilespmem:v48+s10+$0x0], $0xffff  }
0x2d7: {  	v32 =	vor.u32 v41, v32;
	v40 =	vld.idx.msk [tilespmem:v40+s10+$0x0], $0xffff;
	v41 =	vor.u32 v9, v25;
	[tilespmem:v37+s13+$0x0] =	vst.idx.msk $0xffff, v39  }
0x2d8: {  	v47 =	vadd.s32 v10, v44;
	v39 =	vor.u32 v3, v31;
	v37 =	vld.idx.msk [tilespmem:v34+s12+$0x0], $0xffff;
	[tilespmem:v50+s13+$0x0] =	vst.idx.msk $0xffff, v49  }
0x2d9: {  	v48 =	vadd.s32 v4, v29;
	v50 =	vadd.s32 v16, v24;
	v49 =	vld.idx.msk [tilespmem:v57+s10+$0x0], $0xffff;
	[tilespmem:v55+s13+$0x0] =	vst.idx.msk $0xffff, v52  }
0x2da: {  	v51 =	vor.u32 v3, v30;
	v53 =	vor.u32 v21, v42;
	v52 =	vld.idx.msk [tilespmem:v54+s10+$0x0], $0xffff;
	v54 =	vadd.s32 v20, v24  }
0x2db: {  	v55 =	vor.u32 v7, v26;
	v34 =	vld.idx.msk [tilespmem:v35+s12+$0x0], $0xffff;
	v35 =	vadd.s32 v4, v33;
	[tilespmem:v36+s13+$0x0] =	vst.idx.msk $0xffff, v38  }
0x2dc: {  	v36 =	vadd.s32 v8, v28;
	[tilespmem:v41+s13+$0x0] =	vst.idx.msk $0xffff, v43;
	v38 =	vld.idx.msk [tilespmem:v46+s10+$0x0], $0xffff;
	v41 =	vor.u32 v17, v45  }
0x2dd: {  	v43 =	vadd.s32 v18, v24;
	v46 =	vor.u32 v19, v45;
	[tilespmem:v39+s13+$0x0] =	vst.idx.msk $0xffff, v40;
	v39 =	vld.idx.msk [tilespmem:v47+s10+$0x0], $0xffff  }
0x2de: {  	v56 =	vor.u32 v11, v25;
	v57 =	vor.u32 v9, v26;
	v47 =	vadd.s32 v0, v37;
	v48 =	vld.idx.msk [tilespmem:v48+s10+$0x0], $0xffff  }
0x2df: {  	s19 =	sadd.s32 $0x3, s19;
	v58 =	vor.u32 v4, v31;
	[tilespmem:v51+s13+$0x0] =	vst.idx.msk $0xffff, v49;
	v49 =	vadd.s32 v12, v44;
	v50 =	vld.idx.msk [tilespmem:v50+s10+$0x0], $0xffff  }
0x2e0: {  	v60 =	vor.u32 v4, v30;
	v40 =	vmov s19;
	v51 =	vadd.s32 v5, v29;
	v59 =	vld.idx.msk [tilespmem:v35+s10+$0x0], $0xffff;
	[tilespmem:v55+s13+$0x0] =	vst.idx.msk $0xffff, v52  }
0x2e1: {  	v52 =	vadd.s32 v0, v34;
	v35 =	vshll.u32 v40, $0x8;
	v55 =	vshll.u32 v40, $0x7;
	v36 =	vld.idx.msk [tilespmem:v36+s10+$0x0], $0xffff  }
0x2e2: {  	v40 =	vadd.s32 v3, v34;
	v35 =	vand.u32 $0x7800, v35;
	v55 =	vand.u32 $0x380, v55;
	[tilespmem:v53+s13+$0x0] =	vst.idx.msk $0xffff, v38  }
0x2e3: {  	v35 =	vor.u32 v55, v35;
	v38 =	vld.idx.msk [tilespmem:v47+s10+$0x0], $0xffff;
	[tilespmem:v56+s13+$0x0] =	vst.idx.msk $0xffff, v39;
	v39 =	vadd.s32 v10, v28  }
0x2e4: {  	v47 =	vor.u32 v0, v35;
	[tilespmem:v58+s13+$0x0] =	vst.idx.msk $0xffff, v48;
	v48 =	vadd.s32 v5, v33;
	v49 =	vld.idx.msk [tilespmem:v49+s10+$0x0], $0xffff  }
0x2e5: {  	v53 =	vadd.s32 v1, v37;
	v55 =	vor.u32 v13, v25;
	v51 =	vld.idx.msk [tilespmem:v51+s10+$0x0], $0xffff;
	[tilespmem:v41+s13+$0x0] =	vst.idx.msk $0xffff, v50  }
0x2e6: {  	v50 =	vor.u32 v5, v31;
	v41 =	vld.idx.msk [tilespmem:v52+s10+$0x0], $0xffff;
	[tilespmem:v60+s13+$0x0] =	vst.idx.msk $0xffff, v59;
	v52 =	vadd.s32 v14, v44  }
0x2e7: {  	v56 =	vor.u32 v0, v32;
	v58 =	vadd.s32 v6, v29;
	[tilespmem:v57+s13+$0x0] =	vst.idx.msk $0xffff, v36;
	v36 =	vld.idx.msk [tilespmem:v43+s10+$0x0], $0xffff  }
0x2e8: {  	v43 =	vadd.s32 v1, v34;
	v57 =	vadd.s32 v22, v24;
	v24 =	vmovc v28;
	v28 =	vmov v33;
	v39 =	vld.idx.msk [tilespmem:v39+s10+$0x0], $0xffff  }
0x2e9: {  	[tilespmem:v47+s13+$0x0] =	vst.idx.msk $0xffff, v38;
	v33 =	vld.idx.msk [tilespmem:v48+s10+$0x0], $0xffff;
	v38 =	vor.u32 v11, v26;
	v48 =	vor.u32 v21, v45  }
0x2ea: {  	v47 =	vld.idx.msk [tilespmem:v53+s10+$0x0], $0xffff;
	v53 =	vor.u32 v5, v30;
	[tilespmem:v55+s13+$0x0] =	vst.idx.msk $0xffff, v49;
	v49 =	vadd.s32 v12, v24  }
0x2eb: {  	v55 =	vor.u32 v1, v35;
	[tilespmem:v50+s13+$0x0] =	vst.idx.msk $0xffff, v51;
	v51 =	vld.idx.msk [tilespmem:v52+s10+$0x0], $0xffff;
	v50 =	vadd.s32 v22, v27  }
0x2ec: {  	v52 =	vor.u32 v15, v25;
	[tilespmem:v56+s13+$0x0] =	vst.idx.msk $0xffff, v41;
	v41 =	vadd.s32 v2, v37;
	v56 =	vld.idx.msk [tilespmem:v58+s10+$0x0], $0xffff  }
0x2ed: {  	v59 =	vadd.s32 v16, v44;
	v58 =	vor.u32 v6, v31;
	v43 =	vld.idx.msk [tilespmem:v43+s10+$0x0], $0xffff;
	[tilespmem:v46+s13+$0x0] =	vst.idx.msk $0xffff, v36  }
0x2ee: {  	v36 =	vor.u32 v1, v32;
	v46 =	vadd.s32 v7, v29;
	[tilespmem:v38+s13+$0x0] =	vst.idx.msk $0xffff, v39;
	v39 =	vld.idx.msk [tilespmem:v54+s10+$0x0], $0xffff  }
0x2ef: {  	v27 =	vmov v44;
	v38 =	vadd.s32 v2, v34;
	[tilespmem:v53+s13+$0x0] =	vst.idx.msk $0xffff, v33;
	v54 =	vld.idx.msk [tilespmem:v49+s10+$0x0], $0xffff;
	v33 =	vmov v37  }
0x2f0: {  	v42 =	vor.u32 v23, v42;
	[tilespmem:v55+s13+$0x0] =	vst.idx.msk $0xffff, v47;
	v55 =	vor.u32 v13, v26;
	v44 =	vld.idx.msk [tilespmem:v50+s10+$0x0], $0xffff  }
.Ltmp2:
0x2f1: {  	v49 =	vadd.s32 v6, v28;
	v37 =	vor.u32 v23, v45;
	v50 =	vld.idx.msk [tilespmem:v41+s10+$0x0], $0xffff;
	[tilespmem:v52+s13+$0x0] =	vst.idx.msk $0xffff, v51;
	(pc) =	sbr.rel @p0 .LBB2_6-.Ltmp2, $4  }
0x2f2: {  	v45 =	vadd.s32 v14, v24;
	v52 =	vor.u32 v2, v35;
	[tilespmem:v58+s13+$0x0] =	vst.idx.msk $0xffff, v56;
	v41 =	vld.idx.msk [tilespmem:v59+s10+$0x0], $0xffff  }
0x2f3: {  	[tilespmem:v36+s13+$0x0] =	vst.idx.msk $0xffff, v43;
	v46 =	vld.idx.msk [tilespmem:v46+s10+$0x0], $0xffff;
	v43 =	vor.u32 v17, v25;
	v36 =	vor.u32 v19, v25  }
0x2f4: {  	v47 =	vor.u32 v7, v31;
	v51 =	vld.idx.msk [tilespmem:v38+s10+$0x0], $0xffff;
	v38 =	vadd.s32 v18, v27;
	[tilespmem:v48+s13+$0x0] =	vst.idx.msk $0xffff, v39  }
0x2f5: {  	v53 =	vor.u32 v2, v32;
	v48 =	vadd.s32 v8, v29;
	[tilespmem:v55+s13+$0x0] =	vst.idx.msk $0xffff, v54;
	v39 =	vld.idx.msk [tilespmem:v57+s10+$0x0], $0xffff  }
0x2f6: {  	_ = 	snop  }
0x2f7: {  	v54 =	vadd.s32 v3, v33;
	_ =	sdelay $0x2  }
0x2f8: {  	[tilespmem:v53+s13+$0x0] =	vst.idx.msk $0xffff, v51  }
0x2f9: {  	[tilespmem:v52+s13+$0x0] =	vst.idx.msk $0xffff, v50;
	v63 =	vor.u32 v3, v32;
	v40 =	vld.idx.msk [tilespmem:v40+s10+$0x0], $0xffff  }
0x2fa: {  	v57 =	vadd.s32 v4, v34;
	v58 =	vor.u32 v3, v35;
	v52 =	vld.idx.msk [tilespmem:v54+s10+$0x0], $0xffff  }
0x2fb: {  	v59 =	vadd.s32 v4, v33;
	_ =	sdelay $0x2  }
0x2fc: {  	[tilespmem:v63+s13+$0x0] =	vst.idx.msk $0xffff, v40  }
0x2fd: {  	v60 =	vor.u32 v4, v32;
	v40 =	vld.idx.msk [tilespmem:v57+s10+$0x0], $0xffff;
	[tilespmem:v58+s13+$0x0] =	vst.idx.msk $0xffff, v52  }
0x2fe: {  	v61 =	vadd.s32 v5, v34;
	v62 =	vor.u32 v4, v35;
	v52 =	vld.idx.msk [tilespmem:v59+s10+$0x0], $0xffff  }
0x2ff: {  	v63 =	vadd.s32 v5, v33;
	_ =	sdelay $0x2  }
0x300: {  	[tilespmem:v60+s13+$0x0] =	vst.idx.msk $0xffff, v40  }
0x301: {  	v57 =	vor.u32 v5, v32;
	v40 =	vld.idx.msk [tilespmem:v61+s10+$0x0], $0xffff;
	[tilespmem:v62+s13+$0x0] =	vst.idx.msk $0xffff, v52  }
0x302: {  	v58 =	vadd.s32 v6, v34;
	v59 =	vor.u32 v5, v35;
	v52 =	vld.idx.msk [tilespmem:v63+s10+$0x0], $0xffff  }
0x303: {  	v60 =	vadd.s32 v6, v33;
	_ =	sdelay $0x2  }
0x304: {  	v49 =	vld.idx.msk [tilespmem:v49+s10+$0x0], $0xffff;
	v55 =	vor.u32 v6, v30;
	[tilespmem:v57+s13+$0x0] =	vst.idx.msk $0xffff, v40  }
0x305: {  	v61 =	vadd.s32 v7, v28;
	v62 =	vor.u32 v6, v32;
	v50 =	vld.idx.msk [tilespmem:v58+s10+$0x0], $0xffff;
	[tilespmem:v59+s13+$0x0] =	vst.idx.msk $0xffff, v52  }
0x306: {  	v63 =	vadd.s32 v7, v34;
	v53 =	vld.idx.msk [tilespmem:v60+s10+$0x0], $0xffff;
	v60 =	vor.u32 v6, v35  }
0x307: {  	v56 =	vadd.s32 v7, v33;
	_ =	sdelay $0x1  }
0x308: {  	[tilespmem:v55+s13+$0x0] =	vst.idx.msk $0xffff, v49  }
0x309: {  	v49 =	vor.u32 v7, v30;
	v40 =	vld.idx.msk [tilespmem:v61+s10+$0x0], $0xffff;
	[tilespmem:v62+s13+$0x0] =	vst.idx.msk $0xffff, v50  }
0x30a: {  	v61 =	vor.u32 v7, v32;
	v50 =	vadd.s32 v8, v28;
	v51 =	vld.idx.msk [tilespmem:v63+s10+$0x0], $0xffff;
	[tilespmem:v60+s13+$0x0] =	vst.idx.msk $0xffff, v53  }
0x30b: {  	v62 =	vadd.s32 v8, v34;
	v63 =	vor.u32 v7, v35;
	v54 =	vld.idx.msk [tilespmem:v56+s10+$0x0], $0xffff  }
0x30c: {  	v60 =	vadd.s32 v8, v33  }
0x30d: {  	[tilespmem:v47+s13+$0x0] =	vst.idx.msk $0xffff, v46  }
0x30e: {  	v47 =	vor.u32 v9, v31;
	v46 =	vld.idx.msk [tilespmem:v48+s10+$0x0], $0xffff;
	[tilespmem:v49+s13+$0x0] =	vst.idx.msk $0xffff, v40  }
0x30f: {  	v48 =	vor.u32 v9, v30;
	v40 =	vadd.s32 v10, v29;
	v49 =	vld.idx.msk [tilespmem:v50+s10+$0x0], $0xffff;
	[tilespmem:v61+s13+$0x0] =	vst.idx.msk $0xffff, v51  }
0x310: {  	v61 =	vadd.s32 v10, v28;
	v51 =	vld.idx.msk [tilespmem:v62+s10+$0x0], $0xffff;
	v62 =	vor.u32 v9, v32;
	[tilespmem:v63+s13+$0x0] =	vst.idx.msk $0xffff, v54  }
0x311: {  	v53 =	vadd.s32 v10, v34;
	v63 =	vor.u32 v9, v35;
	v55 =	vld.idx.msk [tilespmem:v60+s10+$0x0], $0xffff  }
0x312: {  	v60 =	vadd.s32 v10, v33  }
0x313: {  	[tilespmem:v47+s13+$0x0] =	vst.idx.msk $0xffff, v46  }
0x314: {  	v46 =	vor.u32 v11, v31;
	v40 =	vld.idx.msk [tilespmem:v40+s10+$0x0], $0xffff;
	[tilespmem:v48+s13+$0x0] =	vst.idx.msk $0xffff, v49  }
0x315: {  	v47 =	vadd.s32 v12, v29;
	v48 =	vld.idx.msk [tilespmem:v61+s10+$0x0], $0xffff;
	v61 =	vor.u32 v11, v30;
	[tilespmem:v62+s13+$0x0] =	vst.idx.msk $0xffff, v51  }
0x316: {  	v52 =	vor.u32 v11, v32;
	v62 =	vadd.s32 v12, v28;
	v51 =	vld.idx.msk [tilespmem:v53+s10+$0x0], $0xffff;
	[tilespmem:v63+s13+$0x0] =	vst.idx.msk $0xffff, v55  }
0x317: {  	v63 =	vadd.s32 v12, v34;
	v55 =	vor.u32 v11, v35;
	v54 =	vld.idx.msk [tilespmem:v60+s10+$0x0], $0xffff  }
0x318: {  	v60 =	vadd.s32 v12, v33  }
0x319: {  	[tilespmem:v46+s13+$0x0] =	vst.idx.msk $0xffff, v40  }
0x31a: {  	v46 =	vor.u32 v13, v31;
	v40 =	vld.idx.msk [tilespmem:v47+s10+$0x0], $0xffff;
	[tilespmem:v61+s13+$0x0] =	vst.idx.msk $0xffff, v48  }
0x31b: {  	v61 =	vadd.s32 v14, v29;
	v48 =	vld.idx.msk [tilespmem:v62+s10+$0x0], $0xffff;
	v62 =	vor.u32 v13, v30;
	[tilespmem:v52+s13+$0x0] =	vst.idx.msk $0xffff, v51  }
0x31c: {  	v50 =	vadd.s32 v14, v28;
	v51 =	vld.idx.msk [tilespmem:v63+s10+$0x0], $0xffff;
	v63 =	vor.u32 v13, v32;
	[tilespmem:v55+s13+$0x0] =	vst.idx.msk $0xffff, v54  }
0x31d: {  	v57 =	vadd.s32 v14, v34;
	v58 =	vor.u32 v13, v35;
	v54 =	vld.idx.msk [tilespmem:v60+s10+$0x0], $0xffff  }
0x31e: {  	[tilespmem:v42+s13+$0x0] =	vst.idx.msk $0xffff, v44;
	v59 =	vadd.s32 v14, v33  }
0x31f: {  	v45 =	vld.idx.msk [tilespmem:v45+s10+$0x0], $0xffff;
	[tilespmem:v46+s13+$0x0] =	vst.idx.msk $0xffff, v40;
	v60 =	vor.u32 v15, v26  }
0x320: {  	v47 =	vor.u32 v15, v31;
	v40 =	vadd.s32 v16, v24;
	v46 =	vld.idx.msk [tilespmem:v61+s10+$0x0], $0xffff;
	[tilespmem:v62+s13+$0x0] =	vst.idx.msk $0xffff, v48  }
0x321: {  	v61 =	vadd.s32 v16, v29;
	v62 =	vor.u32 v15, v30;
	v50 =	vld.idx.msk [tilespmem:v50+s10+$0x0], $0xffff;
	[tilespmem:v63+s13+$0x0] =	vst.idx.msk $0xffff, v51  }
0x322: {  	v56 =	vor.u32 v15, v32;
	v63 =	vadd.s32 v16, v28;
	v52 =	vld.idx.msk [tilespmem:v57+s10+$0x0], $0xffff;
	[tilespmem:v58+s13+$0x0] =	vst.idx.msk $0xffff, v54  }
0x323: {  	[tilespmem:v43+s13+$0x0] =	vst.idx.msk $0xffff, v41;
	v57 =	vadd.s32 v16, v34;
	v58 =	vor.u32 v15, v35;
	v42 =	vld.idx.msk [tilespmem:v59+s10+$0x0], $0xffff  }
0x324: {  	[tilespmem:v60+s13+$0x0] =	vst.idx.msk $0xffff, v45;
	v59 =	vadd.s32 v16, v33  }
0x325: {  	v60 =	vor.u32 v17, v26;
	v40 =	vld.idx.msk [tilespmem:v40+s10+$0x0], $0xffff;
	[tilespmem:v47+s13+$0x0] =	vst.idx.msk $0xffff, v46  }
0x326: {  	v46 =	vadd.s32 v18, v24;
	v47 =	vld.idx.msk [tilespmem:v61+s10+$0x0], $0xffff;
	v61 =	vor.u32 v17, v31;
	[tilespmem:v62+s13+$0x0] =	vst.idx.msk $0xffff, v50  }
0x327: {  	v49 =	vadd.s32 v18, v29;
	v62 =	vor.u32 v17, v30;
	v51 =	vld.idx.msk [tilespmem:v63+s10+$0x0], $0xffff;
	[tilespmem:v56+s13+$0x0] =	vst.idx.msk $0xffff, v52  }
0x328: {  	v63 =	vor.u32 v17, v32;
	v52 =	vadd.s32 v18, v28;
	v41 =	vld.idx.msk [tilespmem:v57+s10+$0x0], $0xffff;
	[tilespmem:v58+s13+$0x0] =	vst.idx.msk $0xffff, v42  }
0x329: {  	[tilespmem:v37+s13+$0x0] =	vst.idx.msk $0xffff, v39;
	v56 =	vadd.s32 v18, v34;
	v57 =	vor.u32 v17, v35;
	v42 =	vld.idx.msk [tilespmem:v59+s10+$0x0], $0xffff  }
0x32a: {  	v38 =	vld.idx.msk [tilespmem:v38+s10+$0x0], $0xffff;
	[tilespmem:v60+s13+$0x0] =	vst.idx.msk $0xffff, v40;
	v58 =	vadd.s32 v18, v33  }
0x32b: {  	v60 =	vor.u32 v19, v26;
	v59 =	vadd.s32 v20, v27;
	v45 =	vld.idx.msk [tilespmem:v46+s10+$0x0], $0xffff;
	[tilespmem:v61+s13+$0x0] =	vst.idx.msk $0xffff, v47  }
0x32c: {  	v46 =	vadd.s32 v20, v24;
	v61 =	vor.u32 v19, v31;
	v48 =	vld.idx.msk [tilespmem:v49+s10+$0x0], $0xffff;
	[tilespmem:v62+s13+$0x0] =	vst.idx.msk $0xffff, v51  }
0x32d: {  	v49 =	vadd.s32 v20, v29;
	v62 =	vor.u32 v19, v30;
	v51 =	vld.idx.msk [tilespmem:v52+s10+$0x0], $0xffff;
	[tilespmem:v63+s13+$0x0] =	vst.idx.msk $0xffff, v41  }
0x32e: {  	v41 =	vadd.s32 v20, v28;
	v63 =	vor.u32 v19, v32;
	v37 =	vld.idx.msk [tilespmem:v56+s10+$0x0], $0xffff;
	[tilespmem:v57+s13+$0x0] =	vst.idx.msk $0xffff, v42  }
0x32f: {  	[tilespmem:v36+s13+$0x0] =	vst.idx.msk $0xffff, v38;
	v55 =	vadd.s32 v20, v34;
	v56 =	vor.u32 v19, v35;
	v39 =	vld.idx.msk [tilespmem:v58+s10+$0x0], $0xffff  }
0x330: {  	v57 =	vor.u32 v21, v25;
	[tilespmem:v60+s13+$0x0] =	vst.idx.msk $0xffff, v45;
	v58 =	vld.idx.msk [tilespmem:v59+s10+$0x0], $0xffff;
	v59 =	vadd.s32 v20, v33  }
0x331: {  	v27 =	vadd.s32 v22, v27;
	v60 =	vor.u32 v21, v26;
	v45 =	vld.idx.msk [tilespmem:v46+s10+$0x0], $0xffff;
	[tilespmem:v61+s13+$0x0] =	vst.idx.msk $0xffff, v48  }
0x332: {  	v24 =	vadd.s32 v22, v24;
	v61 =	vor.u32 v21, v31;
	v47 =	vld.idx.msk [tilespmem:v49+s10+$0x0], $0xffff;
	[tilespmem:v62+s13+$0x0] =	vst.idx.msk $0xffff, v51  }
0x333: {  	v29 =	vadd.s32 v22, v29;
	v62 =	vor.u32 v21, v30;
	v41 =	vld.idx.msk [tilespmem:v41+s10+$0x0], $0xffff;
	[tilespmem:v63+s13+$0x0] =	vst.idx.msk $0xffff, v37  }
0x334: {  	v28 =	vadd.s32 v22, v28;
	v63 =	vor.u32 v21, v32;
	v36 =	vld.idx.msk [tilespmem:v55+s10+$0x0], $0xffff;
	[tilespmem:v56+s13+$0x0] =	vst.idx.msk $0xffff, v39  }
0x335: {  	v50 =	vadd.s32 v22, v34;
	v49 =	vor.u32 v21, v35;
	[tilespmem:v57+s13+$0x0] =	vst.idx.msk $0xffff, v58;
	v39 =	vld.idx.msk [tilespmem:v59+s10+$0x0], $0xffff  }
0x336: {  	v25 =	vor.u32 v23, v25;
	v51 =	vadd.s32 v22, v33;
	[tilespmem:v60+s13+$0x0] =	vst.idx.msk $0xffff, v45;
	v27 =	vld.idx.msk [tilespmem:v27+s10+$0x0], $0xffff  }
0x337: {  	v26 =	vor.u32 v23, v26;
	v24 =	vld.idx.msk [tilespmem:v24+s10+$0x0], $0xffff;
	[tilespmem:v61+s13+$0x0] =	vst.idx.msk $0xffff, v47  }
0x338: {  	v31 =	vor.u32 v23, v31;
	v29 =	vld.idx.msk [tilespmem:v29+s10+$0x0], $0xffff;
	[tilespmem:v62+s13+$0x0] =	vst.idx.msk $0xffff, v41  }
0x339: {  	v30 =	vor.u32 v23, v30;
	v28 =	vld.idx.msk [tilespmem:v28+s10+$0x0], $0xffff;
	[tilespmem:v63+s13+$0x0] =	vst.idx.msk $0xffff, v36  }
0x33a: {  	v52 =	vor.u32 v23, v32;
	v34 =	vld.idx.msk [tilespmem:v50+s10+$0x0], $0xffff;
	[tilespmem:v49+s13+$0x0] =	vst.idx.msk $0xffff, v39  }
0x33b: {  	[tilespmem:v25+s13+$0x0] =	vst.idx.msk $0xffff, v27;
	v25 =	vor.u32 v23, v35;
	v27 =	vld.idx.msk [tilespmem:v51+s10+$0x0], $0xffff  }
0x33c: {  	s18 =	simm.s32 $0x180;
	[tilespmem:v26+s13+$0x0] =	vst.idx.msk $0xffff, v24  }
0x33d: {  	v24 =	vmov s18;
	[tilespmem:v31+s13+$0x0] =	vst.idx.msk $0xffff, v29  }
0x33e: {  	v24 =	vand.u32 $0xFFFFFFFE, v24;
	[tilespmem:v30+s13+$0x0] =	vst.idx.msk $0xffff, v28  }
0x33f: {  	v24 =	vbroadcast v24, $0x0;
	[tilespmem:v52+s13+$0x0] =	vst.idx.msk $0xffff, v34  }
0x340: {  	[tilespmem:v25+s13+$0x0] =	vst.idx.msk $0xffff, v27  }
0x341: {  	[hbm4b:s7+s2] =	stream.linear.scatter [tilespmem:s13], [sflag:$0x1], $0x8000, $0x38;
	[tilespmem:$0x10800] =	vst v63  }
0x342: {  	_ =	swait.ge [sflag:s16], $0x8000  }
0x343: {  	[sflag:s16] =	ssyncset.done $0x0  }
0x344: {  	[sflag:s16] =	ssyncadd.s32 $0xFFFF8000  }
0x345: {  	v37 =	vld.idx.msk [tilespmem:v24+s12+$0x0], $0xffff;
	_ =	sdelay $0x2  }
0x346: {  	s19 =	simm.s32 $0x181  }
0x347: {  	v24 =	vmov s19  }
0x348: {  	s20 =	simm.s32 $0x0;
	v25 =	vadd.s32 v0, v37  }
0x349: {  	v26 =	vmov s20  }
0x34a: {  	v27 =	vshll.u32 v26, $0x8;
	v26 =	vshll.u32 v26, $0x7  }
0x34b: {  	v27 =	vand.u32 $0x7800, v27;
	v26 =	vand.u32 $0x300, v26  }
0x34c: {  	v36 =	vor.u32 v26, v27;
	v39 =	vld.idx.msk [tilespmem:v24+s12+$0x0], $0xffff  }
0x34d: {  	v24 =	vld.idx.msk [tilespmem:v25+s10+$0x0], $0xffff;
	v25 =	vor.u32 v0, v36  }
0x34e: {  	v26 =	vadd.s32 v1, v37;
	_ =	sdelay $0x3  }
0x34f: {  	s21 =	simm.s32 $0x1;
	v27 =	vadd.s32 v0, v39;
	[tilespmem:v25+s14+$0x0] =	vst.idx.msk $0xffff, v24  }
0x350: {  	v24 =	vmov s21;
	v25 =	vld.idx.msk [tilespmem:v26+s10+$0x0], $0xffff;
	v26 =	vor.u32 v1, v36  }
0x351: {  	v29 =	vadd.s32 v2, v37;
	v28 =	vshll.u32 v24, $0x8;
	v24 =	vshll.u32 v24, $0x7  }
0x352: {  	v28 =	vand.u32 $0x7800, v28;
	v24 =	vand.u32 $0x380, v24  }
0x353: {  	v38 =	vor.u32 v24, v28  }
0x354: {  	v24 =	vld.idx.msk [tilespmem:v27+s10+$0x0], $0xffff;
	v27 =	vor.u32 v0, v38  }
0x355: {  	v28 =	vadd.s32 v1, v39;
	[tilespmem:v26+s14+$0x0] =	vst.idx.msk $0xffff, v25  }
0x356: {  	s22 =	simm.s32 $0x182;
	v26 =	vor.u32 v2, v36;
	v25 =	vld.idx.msk [tilespmem:v29+s10+$0x0], $0xffff  }
0x357: {  	v30 =	vmov s22;
	v29 =	vadd.s32 v3, v37  }
0x358: {  	v30 =	vand.u32 $0xFFFFFFFE, v30  }
0x359: {  	[tilespmem:v27+s14+$0x0] =	vst.idx.msk $0xffff, v24;
	v24 =	vbroadcast v30, $0x0  }
0x35a: {  	v27 =	vld.idx.msk [tilespmem:v28+s10+$0x0], $0xffff;
	v28 =	vor.u32 v1, v38  }
0x35b: {  	s23 =	simm.s32 $0x183;
	v30 =	vadd.s32 v2, v39;
	[tilespmem:v26+s14+$0x0] =	vst.idx.msk $0xffff, v25  }
0x35c: {  	v25 =	vmov s23;
	v26 =	vld.idx.msk [tilespmem:v29+s10+$0x0], $0xffff;
	v29 =	vor.u32 v3, v36  }
0x35d: {  	v31 =	vadd.s32 v4, v37;
	_ =	sdelay $0x1  }
0x35e: {  	[tilespmem:v28+s14+$0x0] =	vst.idx.msk $0xffff, v27;
	v27 =	vld.idx.msk [tilespmem:v24+s12+$0x0], $0xffff  }
0x35f: {  	v28 =	vld.idx.msk [tilespmem:v30+s10+$0x0], $0xffff;
	v30 =	vor.u32 v2, v38  }
0x360: {  	v53 =	vadd.s32 v3, v39;
	v24 =	vld.idx.msk [tilespmem:v25+s12+$0x0], $0xffff;
	[tilespmem:v29+s14+$0x0] =	vst.idx.msk $0xffff, v26  }
0x361: {  	v29 =	vor.u32 v4, v36;
	v26 =	vld.idx.msk [tilespmem:v31+s10+$0x0], $0xffff  }
0x362: {  	s24 =	simm.s32 $0x2;
	s25 =	simm.s32 $0x3;
	v31 =	vadd.s32 v5, v37  }
0x363: {  	v58 =	vmov s25;
	v25 =	vmov s24;
	v55 =	vadd.s32 v0, v27  }
0x364: {  	v56 =	vor.u32 v3, v38;
	v54 =	vshll.u32 v25, $0x8;
	v25 =	vshll.u32 v25, $0x7;
	[tilespmem:v30+s14+$0x0] =	vst.idx.msk $0xffff, v28  }
0x365: {  	v25 =	vand.u32 $0x300, v25;
	v28 =	vand.u32 $0x7800, v54;
	v30 =	vld.idx.msk [tilespmem:v53+s10+$0x0], $0xffff;
	v57 =	vadd.s32 v0, v24  }
0x366: {  	v59 =	vshll.u32 v58, $0x8;
	v25 =	vor.u32 v25, v28;
	v28 =	vadd.s32 v4, v39;
	[tilespmem:v29+s14+$0x0] =	vst.idx.msk $0xffff, v26  }
0x367: {  	v60 =	vor.u32 v5, v36;
	v62 =	vadd.s32 v6, v37;
	v26 =	vshll.u32 v58, $0x7;
	v31 =	vld.idx.msk [tilespmem:v31+s10+$0x0], $0xffff  }
0x368: {  	v61 =	vor.u32 v0, v25;
	v29 =	vand.u32 $0x7800, v59;
	v26 =	vand.u32 $0x380, v26;
	v34 =	vld.idx.msk [tilespmem:v55+s10+$0x0], $0xffff  }
0x369: {  	v26 =	vor.u32 v26, v29;
	v29 =	vadd.s32 v1, v27  }
0x36a: {  	[tilespmem:v56+s14+$0x0] =	vst.idx.msk $0xffff, v30;
	v30 =	vld.idx.msk [tilespmem:v57+s10+$0x0], $0xffff;
	v63 =	vor.u32 v0, v26  }
0x36b: {  	v45 =	vor.u32 v4, v38;
	v46 =	vadd.s32 v1, v24;
	v28 =	vld.idx.msk [tilespmem:v28+s10+$0x0], $0xffff  }
0x36c: {  	v47 =	vadd.s32 v5, v39;
	[tilespmem:v60+s14+$0x0] =	vst.idx.msk $0xffff, v31  }
0x36d: {  	v48 =	vor.u32 v6, v36;
	[tilespmem:v61+s14+$0x0] =	vst.idx.msk $0xffff, v34;
	v31 =	vld.idx.msk [tilespmem:v62+s10+$0x0], $0xffff  }
0x36e: {  	v50 =	vadd.s32 v7, v37;
	v49 =	vor.u32 v1, v25;
	v29 =	vld.idx.msk [tilespmem:v29+s10+$0x0], $0xffff  }
0x36f: {  	[tilespmem:v63+s14+$0x0] =	vst.idx.msk $0xffff, v30;
	v30 =	vadd.s32 v2, v27  }
0x370: {  	v51 =	vor.u32 v1, v26;
	[tilespmem:v45+s14+$0x0] =	vst.idx.msk $0xffff, v28;
	v28 =	vld.idx.msk [tilespmem:v46+s10+$0x0], $0xffff  }
0x371: {  	v52 =	vor.u32 v5, v38;
	v53 =	vadd.s32 v2, v24;
	v33 =	vld.idx.msk [tilespmem:v47+s10+$0x0], $0xffff  }
0x372: {  	v54 =	vadd.s32 v6, v39;
	[tilespmem:v48+s14+$0x0] =	vst.idx.msk $0xffff, v31  }
0x373: {  	[tilespmem:v49+s14+$0x0] =	vst.idx.msk $0xffff, v29;
	v31 =	vor.u32 v7, v36;
	v29 =	vld.idx.msk [tilespmem:v50+s10+$0x0], $0xffff  }
0x374: {  	v55 =	vor.u32 v2, v25;
	v56 =	vadd.s32 v8, v37;
	v30 =	vld.idx.msk [tilespmem:v30+s10+$0x0], $0xffff  }
0x375: {  	s26 =	simm.s32 $0x184;
	s19 =	simm.s32 $0x185;
	v57 =	vadd.s32 v3, v27;
	[tilespmem:v51+s14+$0x0] =	vst.idx.msk $0xffff, v28  }
0x376: {  	v59 =	vmov s26;
	v58 =	vor.u32 v2, v26;
	v60 =	vmov s19;
	[tilespmem:v52+s14+$0x0] =	vst.idx.msk $0xffff, v33;
	v28 =	vld.idx.msk [tilespmem:v53+s10+$0x0], $0xffff  }
0x377: {  	v62 =	vor.u32 v6, v38;
	v63 =	vadd.s32 v3, v24;
	v33 =	vand.u32 $0xFFFFFFFE, v59;
	v61 =	vld.idx.msk [tilespmem:v54+s10+$0x0], $0xffff  }
0x378: {  	v48 =	vadd.s32 v7, v39;
	v33 =	vbroadcast v33, $0x0;
	[tilespmem:v31+s14+$0x0] =	vst.idx.msk $0xffff, v29  }
0x379: {  	[tilespmem:v55+s14+$0x0] =	vst.idx.msk $0xffff, v30;
	v31 =	vor.u32 v9, v36;
	v30 =	vld.idx.msk [tilespmem:v56+s10+$0x0], $0xffff  }
0x37a: {  	v34 =	vld.idx.msk [tilespmem:v57+s10+$0x0], $0xffff  }
0x37b: {  	s28 =	simm.s32 $0x4;
	v49 =	vor.u32 v3, v25;
	v50 =	vadd.s32 v10, v37;
	[tilespmem:v58+s14+$0x0] =	vst.idx.msk $0xffff, v28;
	v28 =	vld.idx.msk [tilespmem:v60+s12+$0x0], $0xffff  }
0x37c: {  	v43 =	vor.u32 v9, v38;
	v51 =	vadd.s32 v4, v27;
	v29 =	vmov s28;
	[tilespmem:v62+s14+$0x0] =	vst.idx.msk $0xffff, v61;
	v41 =	vld.idx.msk [tilespmem:v63+s10+$0x0], $0xffff  }
0x37d: {  	v55 =	vor.u32 v7, v38;
	v52 =	vshll.u32 v29, $0x8;
	v53 =	vshll.u32 v29, $0x7;
	v54 =	vld.idx.msk [tilespmem:v48+s10+$0x0], $0xffff  }
0x37e: {  	v56 =	vor.u32 v3, v26;
	v29 =	vld.idx.msk [tilespmem:v33+s12+$0x0], $0xffff;
	[tilespmem:v31+s14+$0x0] =	vst.idx.msk $0xffff, v30;
	v30 =	vadd.s32 v8, v39  }
0x37f: {  	v59 =	vor.u32 v11, v36;
	v57 =	vadd.s32 v4, v24;
	v60 =	vor.u32 v4, v25  }
0x380: {  	s29 =	simm.s32 $0x5;
	v61 =	vadd.s32 v12, v37;
	[tilespmem:v49+s14+$0x0] =	vst.idx.msk $0xffff, v34;
	v32 =	vld.idx.msk [tilespmem:v50+s10+$0x0], $0xffff;
	v58 =	vadd.s32 v0, v28  }
0x381: {  	v62 =	vmov s29;
	v63 =	vadd.s32 v5, v27;
	v33 =	vand.u32 $0x300, v53;
	v40 =	vld.idx.msk [tilespmem:v51+s10+$0x0], $0xffff  }
0x382: {  	v53 =	vshll.u32 v62, $0x7;
	v31 =	vand.u32 $0x7800, v52;
	v52 =	vshll.u32 v62, $0x8;
	[tilespmem:v55+s14+$0x0] =	vst.idx.msk $0xffff, v54  }
0x383: {  	[tilespmem:v56+s14+$0x0] =	vst.idx.msk $0xffff, v41;
	v54 =	vadd.s32 v0, v29;
	v55 =	vand.u32 $0x380, v53;
	v46 =	vld.idx.msk [tilespmem:v30+s10+$0x0], $0xffff;
	v30 =	vand.u32 $0x7800, v52  }
0x384: {  	v44 =	vadd.s32 v10, v39;
	v45 =	vor.u32 v4, v26;
	v42 =	vld.idx.msk [tilespmem:v57+s10+$0x0], $0xffff;
	v30 =	vor.u32 v55, v30  }
0x385: {  	v35 =	vadd.s32 v5, v24;
	v34 =	vld.idx.msk [tilespmem:v58+s10+$0x0], $0xffff;
	[tilespmem:v59+s14+$0x0] =	vst.idx.msk $0xffff, v32;
	v32 =	vor.u32 v0, v30  }
0x386: {  	v57 =	vadd.s32 v1, v28;
	[tilespmem:v60+s14+$0x0] =	vst.idx.msk $0xffff, v40;
	v58 =	vor.u32 v13, v36;
	v56 =	vld.idx.msk [tilespmem:v61+s10+$0x0], $0xffff  }
0x387: {  	v31 =	vor.u32 v33, v31;
	v60 =	vor.u32 v5, v25;
	v59 =	vld.idx.msk [tilespmem:v63+s10+$0x0], $0xffff;
	v61 =	vadd.s32 v14, v37  }
0x388: {  	v62 =	vor.u32 v0, v31;
	v63 =	vadd.s32 v6, v27;
	v41 =	vld.idx.msk [tilespmem:v54+s10+$0x0], $0xffff;
	[tilespmem:v43+s14+$0x0] =	vst.idx.msk $0xffff, v46  }
0x389: {  	v53 =	vadd.s32 v1, v29;
	[tilespmem:v45+s14+$0x0] =	vst.idx.msk $0xffff, v42;
	v43 =	vld.idx.msk [tilespmem:v44+s10+$0x0], $0xffff;
	v44 =	vor.u32 v11, v38  }
0x38a: {  	v54 =	vor.u32 v5, v26;
	[tilespmem:v32+s14+$0x0] =	vst.idx.msk $0xffff, v34;
	v32 =	vld.idx.msk [tilespmem:v35+s10+$0x0], $0xffff  }
0x38b: {  	v55 =	vadd.s32 v12, v39;
	[tilespmem:v58+s14+$0x0] =	vst.idx.msk $0xffff, v56;
	v56 =	vor.u32 v1, v30;
	v35 =	vld.idx.msk [tilespmem:v57+s10+$0x0], $0xffff  }
0x38c: {  	[tilespmem:v60+s14+$0x0] =	vst.idx.msk $0xffff, v59;
	v58 =	vadd.s32 v2, v28;
	v59 =	vor.u32 v15, v36;
	v33 =	vld.idx.msk [tilespmem:v61+s10+$0x0], $0xffff  }
0x38d: {  	[tilespmem:v62+s14+$0x0] =	vst.idx.msk $0xffff, v41;
	v60 =	vld.idx.msk [tilespmem:v63+s10+$0x0], $0xffff;
	v61 =	vor.u32 v6, v25;
	v62 =	vadd.s32 v16, v37  }
0x38e: {  	v57 =	vor.u32 v1, v31;
	v63 =	vadd.s32 v7, v27;
	v42 =	vld.idx.msk [tilespmem:v53+s10+$0x0], $0xffff;
	[tilespmem:v44+s14+$0x0] =	vst.idx.msk $0xffff, v43  }
0x38f: {  	v47 =	vor.u32 v7, v25;
	v53 =	vadd.s32 v2, v29;
	[tilespmem:v54+s14+$0x0] =	vst.idx.msk $0xffff, v32  }
0x390: {  	v49 =	vor.u32 v19, v36;
	v54 =	vld.idx.msk [tilespmem:v55+s10+$0x0], $0xffff;
	v55 =	vor.u32 v13, v38;
	[tilespmem:v56+s14+$0x0] =	vst.idx.msk $0xffff, v35  }
0x391: {  	[tilespmem:v59+s14+$0x0] =	vst.idx.msk $0xffff, v33;
	v59 =	vor.u32 v2, v30;
	v56 =	vld.idx.msk [tilespmem:v58+s10+$0x0], $0xffff;
	v58 =	vadd.s32 v6, v24  }
0x392: {  	[tilespmem:v61+s14+$0x0] =	vst.idx.msk $0xffff, v60;
	v61 =	vadd.s32 v14, v39;
	v60 =	vld.idx.msk [tilespmem:v62+s10+$0x0], $0xffff;
	v62 =	vor.u32 v17, v36  }
0x393: {  	v51 =	vadd.s32 v8, v27;
	[tilespmem:v57+s14+$0x0] =	vst.idx.msk $0xffff, v42;
	v42 =	vld.idx.msk [tilespmem:v63+s10+$0x0], $0xffff;
	v63 =	vadd.s32 v18, v37  }
0x394: {  	s30 =	simm.s32 $0x186;
	v50 =	vor.u32 v2, v31;
	v52 =	vor.u32 v15, v38;
	v40 =	vor.u32 v6, v26;
	v43 =	vld.idx.msk [tilespmem:v53+s10+$0x0], $0xffff  }
0x395: {  	s20 =	simm.s32 $0x187;
	v46 =	vor.u32 v9, v25;
	v34 =	vadd.s32 v3, v29;
	v57 =	vmov s30;
	[tilespmem:v55+s14+$0x0] =	vst.idx.msk $0xffff, v54  }
0x396: {  	v35 =	vadd.s32 v7, v24;
	v32 =	vand.u32 $0xFFFFFFFE, v57;
	v44 =	vld.idx.msk [tilespmem:v58+s10+$0x0], $0xffff;
	v58 =	vmov s20;
	[tilespmem:v59+s14+$0x0] =	vst.idx.msk $0xffff, v56  }
0x397: {  	s18 =	simm.s32 $0x6;
	v57 =	vor.u32 v3, v31;
	v45 =	vld.idx.msk [tilespmem:v61+s10+$0x0], $0xffff;
	v61 =	vadd.s32 v3, v28;
	[tilespmem:v62+s14+$0x0] =	vst.idx.msk $0xffff, v60  }
0x398: {  	v53 =	vor.u32 v21, v36;
	v59 =	vmov s18;
	v60 =	vbroadcast v32, $0x0;
	[tilespmem:v47+s14+$0x0] =	vst.idx.msk $0xffff, v42;
	v63 =	vld.idx.msk [tilespmem:v63+s10+$0x0], $0xffff  }
0x399: {  	v54 =	vadd.s32 v20, v39;
	v62 =	vshll.u32 v59, $0x8;
	v33 =	vshll.u32 v59, $0x7;
	[tilespmem:v50+s14+$0x0] =	vst.idx.msk $0xffff, v43;
	v43 =	vld.idx.msk [tilespmem:v51+s10+$0x0], $0xffff  }
0x39a: {  	v47 =	vadd.s32 v20, v37;
	v32 =	vand.u32 $0x7800, v62;
	v33 =	vand.u32 $0x300, v33;
	v48 =	vld.idx.msk [tilespmem:v34+s10+$0x0], $0xffff  }
0x39b: {  	v55 =	vor.u32 v19, v38;
	v59 =	vadd.s32 v4, v29;
	v32 =	vor.u32 v33, v32;
	v33 =	vld.idx.msk [tilespmem:v58+s12+$0x0], $0xffff  }
0x39c: {  	v62 =	vor.u32 v3, v30;
	v58 =	vadd.s32 v10, v27;
	[tilespmem:v40+s14+$0x0] =	vst.idx.msk $0xffff, v44;
	v44 =	vld.idx.msk [tilespmem:v61+s10+$0x0], $0xffff  }
0x39d: {  	v56 =	vor.u32 v4, v31;
	v61 =	vadd.s32 v16, v39;
	v35 =	vld.idx.msk [tilespmem:v35+s10+$0x0], $0xffff;
	[tilespmem:v49+s14+$0x0] =	vst.idx.msk $0xffff, v63  }
0x39e: {  	v34 =	vld.idx.msk [tilespmem:v60+s12+$0x0], $0xffff;
	v63 =	vadd.s32 v4, v28;
	v60 =	vor.u32 v7, v26;
	[tilespmem:v46+s14+$0x0] =	vst.idx.msk $0xffff, v43  }
0x39f: {  	v51 =	vor.u32 v11, v25;
	v43 =	vadd.s32 v8, v24;
	v46 =	vld.idx.msk [tilespmem:v47+s10+$0x0], $0xffff;
	[tilespmem:v57+s14+$0x0] =	vst.idx.msk $0xffff, v48  }
0x3a0: {  	[tilespmem:v52+s14+$0x0] =	vst.idx.msk $0xffff, v45;
	v49 =	vadd.s32 v18, v39;
	v40 =	vld.idx.msk [tilespmem:v59+s10+$0x0], $0xffff;
	v50 =	vadd.s32 v0, v33  }
0x3a1: {  	s31 =	simm.s32 $0x7;
	v47 =	vor.u32 v17, v38;
	v48 =	vld.idx.msk [tilespmem:v58+s10+$0x0], $0xffff;
	[tilespmem:v62+s14+$0x0] =	vst.idx.msk $0xffff, v44;
	v62 =	vadd.s32 v5, v29  }
0x3a2: {  	v57 =	vadd.s32 v12, v27;
	v59 =	vor.u32 v4, v30;
	v44 =	vld.idx.msk [tilespmem:v61+s10+$0x0], $0xffff;
	v61 =	vmov s31  }
0x3a3: {  	v41 =	vld.idx.msk [tilespmem:v63+s10+$0x0], $0xffff;
	[tilespmem:v60+s14+$0x0] =	vst.idx.msk $0xffff, v35;
	v63 =	vadd.s32 v0, v34;
	v60 =	vshll.u32 v61, $0x8;
	v45 =	vshll.u32 v61, $0x7  }
0x3a4: {  	v58 =	vor.u32 v9, v26;
	v43 =	vld.idx.msk [tilespmem:v43+s10+$0x0], $0xffff;
	v35 =	vand.u32 $0x7800, v60;
	v45 =	vand.u32 $0x380, v45  }
0x3a5: {  	v35 =	vor.u32 v45, v35;
	v45 =	vadd.s32 v10, v24;
	[tilespmem:v56+s14+$0x0] =	vst.idx.msk $0xffff, v40;
	v50 =	vld.idx.msk [tilespmem:v50+s10+$0x0], $0xffff  }
0x3a6: {  	[tilespmem:v51+s14+$0x0] =	vst.idx.msk $0xffff, v48;
	v48 =	vor.u32 v0, v35;
	v51 =	vadd.s32 v5, v28;
	v52 =	vld.idx.msk [tilespmem:v62+s10+$0x0], $0xffff  }
0x3a7: {  	v37 =	vadd.s32 v22, v37;
	[tilespmem:v47+s14+$0x0] =	vst.idx.msk $0xffff, v44;
	v44 =	vor.u32 v5, v31;
	v56 =	vld.idx.msk [tilespmem:v57+s10+$0x0], $0xffff  }
0x3a8: {  	[tilespmem:v53+s14+$0x0] =	vst.idx.msk $0xffff, v46;
	v46 =	vadd.s32 v1, v33;
	v53 =	vor.u32 v13, v25;
	v42 =	vld.idx.msk [tilespmem:v63+s10+$0x0], $0xffff  }
0x3a9: {  	v60 =	vadd.s32 v6, v29;
	v57 =	vor.u32 v0, v32;
	v61 =	vld.idx.msk [tilespmem:v49+s10+$0x0], $0xffff;
	[tilespmem:v58+s14+$0x0] =	vst.idx.msk $0xffff, v43  }
0x3aa: {  	v39 =	vadd.s32 v22, v39;
	v47 =	vadd.s32 v14, v27;
	[tilespmem:v59+s14+$0x0] =	vst.idx.msk $0xffff, v41;
	v45 =	vld.idx.msk [tilespmem:v45+s10+$0x0], $0xffff  }
0x3ab: {  	v62 =	vadd.s32 v1, v34;
	v63 =	vor.u32 v11, v26;
	[tilespmem:v48+s14+$0x0] =	vst.idx.msk $0xffff, v50;
	v48 =	vld.idx.msk [tilespmem:v51+s10+$0x0], $0xffff  }
0x3ac: {  	v40 =	vadd.s32 v3, v34;
	v50 =	vor.u32 v5, v30;
	[tilespmem:v44+s14+$0x0] =	vst.idx.msk $0xffff, v52;
	v44 =	vld.idx.msk [tilespmem:v37+s10+$0x0], $0xffff  }
0x3ad: {  	v51 =	vadd.s32 v12, v24;
	v46 =	vld.idx.msk [tilespmem:v46+s10+$0x0], $0xffff;
	[tilespmem:v53+s14+$0x0] =	vst.idx.msk $0xffff, v56;
	v53 =	vor.u32 v1, v35  }
0x3ae: {  	v41 =	vor.u32 v6, v31;
	v52 =	vadd.s32 v2, v33;
	[tilespmem:v57+s14+$0x0] =	vst.idx.msk $0xffff, v42;
	v56 =	vld.idx.msk [tilespmem:v60+s10+$0x0], $0xffff  }
0x3af: {  	v57 =	vor.u32 v15, v25;
	[tilespmem:v55+s14+$0x0] =	vst.idx.msk $0xffff, v61;
	v55 =	vadd.s32 v7, v29;
	v47 =	vld.idx.msk [tilespmem:v47+s10+$0x0], $0xffff  }
0x3b0: {  	v59 =	vadd.s32 v16, v27;
	v43 =	vor.u32 v1, v32;
	v58 =	vld.idx.msk [tilespmem:v62+s10+$0x0], $0xffff;
	[tilespmem:v63+s14+$0x0] =	vst.idx.msk $0xffff, v45  }
0x3b1: {  	v60 =	vor.u32 v21, v38;
	v61 =	vadd.s32 v2, v34;
	v54 =	vld.idx.msk [tilespmem:v54+s10+$0x0], $0xffff;
	[tilespmem:v50+s14+$0x0] =	vst.idx.msk $0xffff, v48  }
0x3b2: {  	v49 =	vadd.s32 v6, v28;
	v63 =	vor.u32 v13, v26;
	v62 =	vld.idx.msk [tilespmem:v51+s10+$0x0], $0xffff;
	[tilespmem:v53+s14+$0x0] =	vst.idx.msk $0xffff, v46  }
0x3b3: {  	v37 =	vor.u32 v23, v38;
	v42 =	vor.u32 v23, v36;
	[tilespmem:v41+s14+$0x0] =	vst.idx.msk $0xffff, v56;
	v50 =	vld.idx.msk [tilespmem:v52+s10+$0x0], $0xffff  }
0x3b4: {  	v36 =	vor.u32 v19, v25;
	v38 =	vadd.s32 v18, v27;
	[tilespmem:v57+s14+$0x0] =	vst.idx.msk $0xffff, v47;
	v46 =	vld.idx.msk [tilespmem:v55+s10+$0x0], $0xffff  }
0x3b5: {  	v45 =	vadd.s32 v14, v24;
	v52 =	vor.u32 v2, v35;
	[tilespmem:v43+s14+$0x0] =	vst.idx.msk $0xffff, v58;
	v41 =	vld.idx.msk [tilespmem:v59+s10+$0x0], $0xffff  }
0x3b6: {  	v48 =	vadd.s32 v8, v29;
	v43 =	vor.u32 v17, v25;
	[tilespmem:v60+s14+$0x0] =	vst.idx.msk $0xffff, v54;
	v51 =	vld.idx.msk [tilespmem:v61+s10+$0x0], $0xffff  }
0x3b7: {  	v53 =	vor.u32 v2, v32;
	v47 =	vor.u32 v7, v31;
	v39 =	vld.idx.msk [tilespmem:v39+s10+$0x0], $0xffff;
	[tilespmem:v63+s14+$0x0] =	vst.idx.msk $0xffff, v62  }
.LBB2_8:
0x3b8: {  	s20 =	sadd.s32 $0x182, s18;
	v49 =	vld.idx.msk [tilespmem:v49+s10+$0x0], $0xffff;
	v54 =	vadd.s32 v7, v28;
	v55 =	vor.u32 v15, v26  }
0x3b9: {  	s21 =	sadd.s32 $0x183, s18;
	[tilespmem:v42+s14+$0x0] =	vst.idx.msk $0xffff, v44;
	v42 =	vmovc v25;
	v25 =	vmovc v31;
	v31 =	vmov v32;
	v44 =	vmov v29;
	v29 =	vmov v34;
	s19 =	smov.u32 s18;
	s18 =	sadd.s32 $0x2, s18  }
0x3ba: {  	v32 =	vmov s20;
	v34 =	vmov s21;
	p0 =	slt.u32 s18, $0x7E;
	[tilespmem:v52+s14+$0x0] =	vst.idx.msk $0xffff, v50;
	v50 =	vor.u32 v6, v30;
	v52 =	vld.idx.msk [tilespmem:v45+s10+$0x0], $0xffff;
	v45 =	vmovc v26;
	v26 =	vmovc v30  }
0x3bb: {  	v57 =	vadd.s32 v3, v33;
	v56 =	vmov s18;
	v30 =	vmovc v35;
	v32 =	vand.u32 $0xFFFFFFFE, v32;
	[tilespmem:v43+s14+$0x0] =	vst.idx.msk $0xffff, v41  }
0x3bc: {  	v41 =	vshll.u32 v56, $0x7;
	v35 =	vbroadcast v32, $0x0;
	v32 =	vshll.u32 v56, $0x8;
	[tilespmem:v47+s14+$0x0] =	vst.idx.msk $0xffff, v46;
	v38 =	vld.idx.msk [tilespmem:v38+s10+$0x0], $0xffff  }
0x3bd: {  	v41 =	vand.u32 $0x300, v41;
	v46 =	vadd.s32 v20, v27;
	v32 =	vand.u32 $0x7800, v32;
	[tilespmem:v53+s14+$0x0] =	vst.idx.msk $0xffff, v51;
	v43 =	vld.idx.msk [tilespmem:v48+s10+$0x0], $0xffff  }
0x3be: {  	v32 =	vor.u32 v41, v32;
	v40 =	vld.idx.msk [tilespmem:v40+s10+$0x0], $0xffff;
	v41 =	vor.u32 v9, v25;
	[tilespmem:v37+s14+$0x0] =	vst.idx.msk $0xffff, v39  }
0x3bf: {  	v47 =	vadd.s32 v10, v44;
	v39 =	vor.u32 v3, v31;
	v37 =	vld.idx.msk [tilespmem:v34+s12+$0x0], $0xffff;
	[tilespmem:v50+s14+$0x0] =	vst.idx.msk $0xffff, v49  }
0x3c0: {  	v48 =	vadd.s32 v4, v29;
	v50 =	vadd.s32 v16, v24;
	v49 =	vld.idx.msk [tilespmem:v57+s10+$0x0], $0xffff;
	[tilespmem:v55+s14+$0x0] =	vst.idx.msk $0xffff, v52  }
0x3c1: {  	v51 =	vor.u32 v3, v30;
	v53 =	vor.u32 v21, v42;
	v52 =	vld.idx.msk [tilespmem:v54+s10+$0x0], $0xffff;
	v54 =	vadd.s32 v20, v24  }
0x3c2: {  	v55 =	vor.u32 v7, v26;
	v34 =	vld.idx.msk [tilespmem:v35+s12+$0x0], $0xffff;
	v35 =	vadd.s32 v4, v33;
	[tilespmem:v36+s14+$0x0] =	vst.idx.msk $0xffff, v38  }
0x3c3: {  	v36 =	vadd.s32 v8, v28;
	[tilespmem:v41+s14+$0x0] =	vst.idx.msk $0xffff, v43;
	v38 =	vld.idx.msk [tilespmem:v46+s10+$0x0], $0xffff;
	v41 =	vor.u32 v17, v45  }
0x3c4: {  	v43 =	vadd.s32 v18, v24;
	v46 =	vor.u32 v19, v45;
	[tilespmem:v39+s14+$0x0] =	vst.idx.msk $0xffff, v40;
	v39 =	vld.idx.msk [tilespmem:v47+s10+$0x0], $0xffff  }
0x3c5: {  	v56 =	vor.u32 v11, v25;
	v57 =	vor.u32 v9, v26;
	v47 =	vadd.s32 v0, v37;
	v48 =	vld.idx.msk [tilespmem:v48+s10+$0x0], $0xffff  }
0x3c6: {  	s19 =	sadd.s32 $0x3, s19;
	v58 =	vor.u32 v4, v31;
	[tilespmem:v51+s14+$0x0] =	vst.idx.msk $0xffff, v49;
	v49 =	vadd.s32 v12, v44;
	v50 =	vld.idx.msk [tilespmem:v50+s10+$0x0], $0xffff  }
0x3c7: {  	v60 =	vor.u32 v4, v30;
	v40 =	vmov s19;
	v51 =	vadd.s32 v5, v29;
	v59 =	vld.idx.msk [tilespmem:v35+s10+$0x0], $0xffff;
	[tilespmem:v55+s14+$0x0] =	vst.idx.msk $0xffff, v52  }
0x3c8: {  	v52 =	vadd.s32 v0, v34;
	v35 =	vshll.u32 v40, $0x8;
	v55 =	vshll.u32 v40, $0x7;
	v36 =	vld.idx.msk [tilespmem:v36+s10+$0x0], $0xffff  }
0x3c9: {  	v40 =	vadd.s32 v3, v34;
	v35 =	vand.u32 $0x7800, v35;
	v55 =	vand.u32 $0x380, v55;
	[tilespmem:v53+s14+$0x0] =	vst.idx.msk $0xffff, v38  }
0x3ca: {  	v35 =	vor.u32 v55, v35;
	v38 =	vld.idx.msk [tilespmem:v47+s10+$0x0], $0xffff;
	[tilespmem:v56+s14+$0x0] =	vst.idx.msk $0xffff, v39;
	v39 =	vadd.s32 v10, v28  }
0x3cb: {  	v47 =	vor.u32 v0, v35;
	[tilespmem:v58+s14+$0x0] =	vst.idx.msk $0xffff, v48;
	v48 =	vadd.s32 v5, v33;
	v49 =	vld.idx.msk [tilespmem:v49+s10+$0x0], $0xffff  }
0x3cc: {  	v53 =	vadd.s32 v1, v37;
	v55 =	vor.u32 v13, v25;
	v51 =	vld.idx.msk [tilespmem:v51+s10+$0x0], $0xffff;
	[tilespmem:v41+s14+$0x0] =	vst.idx.msk $0xffff, v50  }
0x3cd: {  	v50 =	vor.u32 v5, v31;
	v41 =	vld.idx.msk [tilespmem:v52+s10+$0x0], $0xffff;
	[tilespmem:v60+s14+$0x0] =	vst.idx.msk $0xffff, v59;
	v52 =	vadd.s32 v14, v44  }
0x3ce: {  	v56 =	vor.u32 v0, v32;
	v58 =	vadd.s32 v6, v29;
	[tilespmem:v57+s14+$0x0] =	vst.idx.msk $0xffff, v36;
	v36 =	vld.idx.msk [tilespmem:v43+s10+$0x0], $0xffff  }
0x3cf: {  	v43 =	vadd.s32 v1, v34;
	v57 =	vadd.s32 v22, v24;
	v24 =	vmovc v28;
	v28 =	vmov v33;
	v39 =	vld.idx.msk [tilespmem:v39+s10+$0x0], $0xffff  }
0x3d0: {  	[tilespmem:v47+s14+$0x0] =	vst.idx.msk $0xffff, v38;
	v33 =	vld.idx.msk [tilespmem:v48+s10+$0x0], $0xffff;
	v38 =	vor.u32 v11, v26;
	v48 =	vor.u32 v21, v45  }
0x3d1: {  	v47 =	vld.idx.msk [tilespmem:v53+s10+$0x0], $0xffff;
	v53 =	vor.u32 v5, v30;
	[tilespmem:v55+s14+$0x0] =	vst.idx.msk $0xffff, v49;
	v49 =	vadd.s32 v12, v24  }
0x3d2: {  	v55 =	vor.u32 v1, v35;
	[tilespmem:v50+s14+$0x0] =	vst.idx.msk $0xffff, v51;
	v51 =	vld.idx.msk [tilespmem:v52+s10+$0x0], $0xffff;
	v50 =	vadd.s32 v22, v27  }
0x3d3: {  	v52 =	vor.u32 v15, v25;
	[tilespmem:v56+s14+$0x0] =	vst.idx.msk $0xffff, v41;
	v41 =	vadd.s32 v2, v37;
	v56 =	vld.idx.msk [tilespmem:v58+s10+$0x0], $0xffff  }
0x3d4: {  	v59 =	vadd.s32 v16, v44;
	v58 =	vor.u32 v6, v31;
	v43 =	vld.idx.msk [tilespmem:v43+s10+$0x0], $0xffff;
	[tilespmem:v46+s14+$0x0] =	vst.idx.msk $0xffff, v36  }
0x3d5: {  	v36 =	vor.u32 v1, v32;
	v46 =	vadd.s32 v7, v29;
	[tilespmem:v38+s14+$0x0] =	vst.idx.msk $0xffff, v39;
	v39 =	vld.idx.msk [tilespmem:v54+s10+$0x0], $0xffff  }
0x3d6: {  	v27 =	vmov v44;
	v38 =	vadd.s32 v2, v34;
	[tilespmem:v53+s14+$0x0] =	vst.idx.msk $0xffff, v33;
	v54 =	vld.idx.msk [tilespmem:v49+s10+$0x0], $0xffff;
	v33 =	vmov v37  }
0x3d7: {  	v42 =	vor.u32 v23, v42;
	[tilespmem:v55+s14+$0x0] =	vst.idx.msk $0xffff, v47;
	v55 =	vor.u32 v13, v26;
	v44 =	vld.idx.msk [tilespmem:v50+s10+$0x0], $0xffff  }
.Ltmp3:
0x3d8: {  	v49 =	vadd.s32 v6, v28;
	v37 =	vor.u32 v23, v45;
	v50 =	vld.idx.msk [tilespmem:v41+s10+$0x0], $0xffff;
	[tilespmem:v52+s14+$0x0] =	vst.idx.msk $0xffff, v51;
	(pc) =	sbr.rel @p0 .LBB2_8-.Ltmp3, $4  }
0x3d9: {  	v45 =	vadd.s32 v14, v24;
	v52 =	vor.u32 v2, v35;
	[tilespmem:v58+s14+$0x0] =	vst.idx.msk $0xffff, v56;
	v41 =	vld.idx.msk [tilespmem:v59+s10+$0x0], $0xffff  }
0x3da: {  	[tilespmem:v36+s14+$0x0] =	vst.idx.msk $0xffff, v43;
	v46 =	vld.idx.msk [tilespmem:v46+s10+$0x0], $0xffff;
	v43 =	vor.u32 v17, v25;
	v36 =	vor.u32 v19, v25  }
0x3db: {  	v47 =	vor.u32 v7, v31;
	v51 =	vld.idx.msk [tilespmem:v38+s10+$0x0], $0xffff;
	v38 =	vadd.s32 v18, v27;
	[tilespmem:v48+s14+$0x0] =	vst.idx.msk $0xffff, v39  }
0x3dc: {  	v53 =	vor.u32 v2, v32;
	v48 =	vadd.s32 v8, v29;
	[tilespmem:v55+s14+$0x0] =	vst.idx.msk $0xffff, v54;
	v39 =	vld.idx.msk [tilespmem:v57+s10+$0x0], $0xffff  }
0x3dd: {  	_ = 	snop  }
0x3de: {  	v54 =	vadd.s32 v3, v33;
	_ =	sdelay $0x2  }
0x3df: {  	[tilespmem:v53+s14+$0x0] =	vst.idx.msk $0xffff, v51  }
0x3e0: {  	[tilespmem:v52+s14+$0x0] =	vst.idx.msk $0xffff, v50;
	v63 =	vor.u32 v3, v32;
	v40 =	vld.idx.msk [tilespmem:v40+s10+$0x0], $0xffff  }
0x3e1: {  	v57 =	vadd.s32 v4, v34;
	v58 =	vor.u32 v3, v35;
	v52 =	vld.idx.msk [tilespmem:v54+s10+$0x0], $0xffff  }
0x3e2: {  	v59 =	vadd.s32 v4, v33;
	_ =	sdelay $0x2  }
0x3e3: {  	[tilespmem:v63+s14+$0x0] =	vst.idx.msk $0xffff, v40  }
0x3e4: {  	v60 =	vor.u32 v4, v32;
	v40 =	vld.idx.msk [tilespmem:v57+s10+$0x0], $0xffff;
	[tilespmem:v58+s14+$0x0] =	vst.idx.msk $0xffff, v52  }
0x3e5: {  	v61 =	vadd.s32 v5, v34;
	v62 =	vor.u32 v4, v35;
	v52 =	vld.idx.msk [tilespmem:v59+s10+$0x0], $0xffff  }
0x3e6: {  	v63 =	vadd.s32 v5, v33;
	_ =	sdelay $0x2  }
0x3e7: {  	[tilespmem:v60+s14+$0x0] =	vst.idx.msk $0xffff, v40  }
0x3e8: {  	v57 =	vor.u32 v5, v32;
	v40 =	vld.idx.msk [tilespmem:v61+s10+$0x0], $0xffff;
	[tilespmem:v62+s14+$0x0] =	vst.idx.msk $0xffff, v52  }
0x3e9: {  	v58 =	vadd.s32 v6, v34;
	v59 =	vor.u32 v5, v35;
	v52 =	vld.idx.msk [tilespmem:v63+s10+$0x0], $0xffff  }
0x3ea: {  	v60 =	vadd.s32 v6, v33;
	_ =	sdelay $0x2  }
0x3eb: {  	v49 =	vld.idx.msk [tilespmem:v49+s10+$0x0], $0xffff;
	v55 =	vor.u32 v6, v30;
	[tilespmem:v57+s14+$0x0] =	vst.idx.msk $0xffff, v40  }
0x3ec: {  	v61 =	vadd.s32 v7, v28;
	v62 =	vor.u32 v6, v32;
	v50 =	vld.idx.msk [tilespmem:v58+s10+$0x0], $0xffff;
	[tilespmem:v59+s14+$0x0] =	vst.idx.msk $0xffff, v52  }
0x3ed: {  	v63 =	vadd.s32 v7, v34;
	v53 =	vld.idx.msk [tilespmem:v60+s10+$0x0], $0xffff;
	v60 =	vor.u32 v6, v35  }
0x3ee: {  	v56 =	vadd.s32 v7, v33;
	_ =	sdelay $0x1  }
0x3ef: {  	[tilespmem:v55+s14+$0x0] =	vst.idx.msk $0xffff, v49  }
0x3f0: {  	v40 =	vld.idx.msk [tilespmem:v61+s10+$0x0], $0xffff;
	v61 =	vor.u32 v7, v30;
	[tilespmem:v62+s14+$0x0] =	vst.idx.msk $0xffff, v50  }
0x3f1: {  	v50 =	vadd.s32 v8, v28;
	v62 =	vor.u32 v7, v32;
	v51 =	vld.idx.msk [tilespmem:v63+s10+$0x0], $0xffff;
	[tilespmem:v60+s14+$0x0] =	vst.idx.msk $0xffff, v53  }
0x3f2: {  	v55 =	vor.u32 v7, v35;
	v63 =	vadd.s32 v8, v34;
	v54 =	vld.idx.msk [tilespmem:v56+s10+$0x0], $0xffff  }
0x3f3: {  	v60 =	vadd.s32 v8, v33  }
0x3f4: {  	[tilespmem:v47+s14+$0x0] =	vst.idx.msk $0xffff, v46  }
0x3f5: {  	v47 =	vor.u32 v9, v31;
	v46 =	vld.idx.msk [tilespmem:v48+s10+$0x0], $0xffff;
	[tilespmem:v61+s14+$0x0] =	vst.idx.msk $0xffff, v40  }
0x3f6: {  	v40 =	vadd.s32 v10, v29;
	v61 =	vor.u32 v9, v30;
	v49 =	vld.idx.msk [tilespmem:v50+s10+$0x0], $0xffff;
	[tilespmem:v62+s14+$0x0] =	vst.idx.msk $0xffff, v51  }
0x3f7: {  	v62 =	vadd.s32 v10, v28;
	v51 =	vld.idx.msk [tilespmem:v63+s10+$0x0], $0xffff;
	v63 =	vor.u32 v9, v32;
	[tilespmem:v55+s14+$0x0] =	vst.idx.msk $0xffff, v54  }
0x3f8: {  	v53 =	vadd.s32 v10, v34;
	v54 =	vor.u32 v9, v35;
	v55 =	vld.idx.msk [tilespmem:v60+s10+$0x0], $0xffff  }
0x3f9: {  	v60 =	vadd.s32 v10, v33  }
0x3fa: {  	[tilespmem:v47+s14+$0x0] =	vst.idx.msk $0xffff, v46  }
0x3fb: {  	v46 =	vor.u32 v11, v31;
	v40 =	vld.idx.msk [tilespmem:v40+s10+$0x0], $0xffff;
	[tilespmem:v61+s14+$0x0] =	vst.idx.msk $0xffff, v49  }
0x3fc: {  	v61 =	vadd.s32 v12, v29;
	v48 =	vld.idx.msk [tilespmem:v62+s10+$0x0], $0xffff;
	v62 =	vor.u32 v11, v30;
	[tilespmem:v63+s14+$0x0] =	vst.idx.msk $0xffff, v51  }
0x3fd: {  	v52 =	vor.u32 v11, v32;
	v63 =	vadd.s32 v12, v28;
	v51 =	vld.idx.msk [tilespmem:v53+s10+$0x0], $0xffff;
	[tilespmem:v54+s14+$0x0] =	vst.idx.msk $0xffff, v55  }
0x3fe: {  	v53 =	vadd.s32 v12, v34;
	v55 =	vor.u32 v11, v35;
	v54 =	vld.idx.msk [tilespmem:v60+s10+$0x0], $0xffff  }
0x3ff: {  	v60 =	vadd.s32 v12, v33  }
0x400: {  	[tilespmem:v46+s14+$0x0] =	vst.idx.msk $0xffff, v40  }
0x401: {  	v40 =	vld.idx.msk [tilespmem:v61+s10+$0x0], $0xffff;
	v61 =	vor.u32 v13, v31;
	[tilespmem:v62+s14+$0x0] =	vst.idx.msk $0xffff, v48  }
0x402: {  	v62 =	vadd.s32 v14, v29;
	v48 =	vld.idx.msk [tilespmem:v63+s10+$0x0], $0xffff;
	v63 =	vor.u32 v13, v30;
	[tilespmem:v52+s14+$0x0] =	vst.idx.msk $0xffff, v51  }
0x403: {  	v50 =	vadd.s32 v14, v28;
	v52 =	vor.u32 v13, v32;
	v51 =	vld.idx.msk [tilespmem:v53+s10+$0x0], $0xffff;
	[tilespmem:v55+s14+$0x0] =	vst.idx.msk $0xffff, v54  }
0x404: {  	v57 =	vadd.s32 v14, v34;
	v58 =	vor.u32 v13, v35;
	v54 =	vld.idx.msk [tilespmem:v60+s10+$0x0], $0xffff  }
0x405: {  	[tilespmem:v42+s14+$0x0] =	vst.idx.msk $0xffff, v44;
	v59 =	vadd.s32 v14, v33  }
0x406: {  	v45 =	vld.idx.msk [tilespmem:v45+s10+$0x0], $0xffff;
	v60 =	vor.u32 v15, v26;
	[tilespmem:v61+s14+$0x0] =	vst.idx.msk $0xffff, v40  }
0x407: {  	v40 =	vadd.s32 v16, v24;
	v61 =	vor.u32 v15, v31;
	v46 =	vld.idx.msk [tilespmem:v62+s10+$0x0], $0xffff;
	[tilespmem:v63+s14+$0x0] =	vst.idx.msk $0xffff, v48  }
0x408: {  	v62 =	vadd.s32 v16, v29;
	v63 =	vor.u32 v15, v30;
	v50 =	vld.idx.msk [tilespmem:v50+s10+$0x0], $0xffff;
	[tilespmem:v52+s14+$0x0] =	vst.idx.msk $0xffff, v51  }
0x409: {  	v56 =	vor.u32 v15, v32;
	v51 =	vadd.s32 v16, v28;
	v52 =	vld.idx.msk [tilespmem:v57+s10+$0x0], $0xffff;
	[tilespmem:v58+s14+$0x0] =	vst.idx.msk $0xffff, v54  }
0x40a: {  	[tilespmem:v43+s14+$0x0] =	vst.idx.msk $0xffff, v41;
	v57 =	vadd.s32 v16, v34;
	v58 =	vor.u32 v15, v35;
	v42 =	vld.idx.msk [tilespmem:v59+s10+$0x0], $0xffff  }
0x40b: {  	[tilespmem:v60+s14+$0x0] =	vst.idx.msk $0xffff, v45;
	v59 =	vadd.s32 v16, v33  }
0x40c: {  	v60 =	vor.u32 v17, v26;
	v40 =	vld.idx.msk [tilespmem:v40+s10+$0x0], $0xffff;
	[tilespmem:v61+s14+$0x0] =	vst.idx.msk $0xffff, v46  }
0x40d: {  	v61 =	vadd.s32 v18, v24;
	v47 =	vld.idx.msk [tilespmem:v62+s10+$0x0], $0xffff;
	v62 =	vor.u32 v17, v31;
	[tilespmem:v63+s14+$0x0] =	vst.idx.msk $0xffff, v50  }
0x40e: {  	v49 =	vadd.s32 v18, v29;
	v63 =	vor.u32 v17, v30;
	v51 =	vld.idx.msk [tilespmem:v51+s10+$0x0], $0xffff;
	[tilespmem:v56+s14+$0x0] =	vst.idx.msk $0xffff, v52  }
0x40f: {  	v53 =	vor.u32 v17, v32;
	v52 =	vadd.s32 v18, v28;
	v41 =	vld.idx.msk [tilespmem:v57+s10+$0x0], $0xffff;
	[tilespmem:v58+s14+$0x0] =	vst.idx.msk $0xffff, v42  }
0x410: {  	[tilespmem:v37+s14+$0x0] =	vst.idx.msk $0xffff, v39;
	v56 =	vadd.s32 v18, v34;
	v57 =	vor.u32 v17, v35;
	v42 =	vld.idx.msk [tilespmem:v59+s10+$0x0], $0xffff  }
0x411: {  	v38 =	vld.idx.msk [tilespmem:v38+s10+$0x0], $0xffff;
	[tilespmem:v60+s14+$0x0] =	vst.idx.msk $0xffff, v40;
	v58 =	vadd.s32 v18, v33  }
0x412: {  	v60 =	vor.u32 v19, v26;
	v59 =	vadd.s32 v20, v27;
	v45 =	vld.idx.msk [tilespmem:v61+s10+$0x0], $0xffff;
	[tilespmem:v62+s14+$0x0] =	vst.idx.msk $0xffff, v47  }
0x413: {  	v61 =	vadd.s32 v20, v24;
	v62 =	vor.u32 v19, v31;
	v48 =	vld.idx.msk [tilespmem:v49+s10+$0x0], $0xffff;
	[tilespmem:v63+s14+$0x0] =	vst.idx.msk $0xffff, v51  }
0x414: {  	v49 =	vadd.s32 v20, v29;
	v63 =	vor.u32 v19, v30;
	v51 =	vld.idx.msk [tilespmem:v52+s10+$0x0], $0xffff;
	[tilespmem:v53+s14+$0x0] =	vst.idx.msk $0xffff, v41  }
0x415: {  	v52 =	vor.u32 v19, v32;
	v41 =	vadd.s32 v20, v28;
	v37 =	vld.idx.msk [tilespmem:v56+s10+$0x0], $0xffff;
	[tilespmem:v57+s14+$0x0] =	vst.idx.msk $0xffff, v42  }
0x416: {  	[tilespmem:v36+s14+$0x0] =	vst.idx.msk $0xffff, v38;
	v55 =	vor.u32 v19, v35;
	v54 =	vadd.s32 v20, v34;
	v39 =	vld.idx.msk [tilespmem:v58+s10+$0x0], $0xffff  }
0x417: {  	v56 =	vor.u32 v21, v25;
	v57 =	vld.idx.msk [tilespmem:v59+s10+$0x0], $0xffff;
	[tilespmem:v60+s14+$0x0] =	vst.idx.msk $0xffff, v45;
	v58 =	vadd.s32 v20, v33  }
0x418: {  	v59 =	vor.u32 v21, v26;
	v60 =	vadd.s32 v22, v27;
	v45 =	vld.idx.msk [tilespmem:v61+s10+$0x0], $0xffff;
	[tilespmem:v62+s14+$0x0] =	vst.idx.msk $0xffff, v48  }
0x419: {  	v61 =	vadd.s32 v22, v24;
	v62 =	vor.u32 v21, v31;
	v47 =	vld.idx.msk [tilespmem:v49+s10+$0x0], $0xffff;
	[tilespmem:v63+s14+$0x0] =	vst.idx.msk $0xffff, v51  }
0x41a: {  	v63 =	vor.u32 v21, v30;
	v51 =	vadd.s32 v22, v29;
	v41 =	vld.idx.msk [tilespmem:v41+s10+$0x0], $0xffff;
	[tilespmem:v52+s14+$0x0] =	vst.idx.msk $0xffff, v37  }
0x41b: {  	v53 =	vor.u32 v21, v32;
	v52 =	vadd.s32 v22, v28;
	v36 =	vld.idx.msk [tilespmem:v54+s10+$0x0], $0xffff;
	[tilespmem:v55+s14+$0x0] =	vst.idx.msk $0xffff, v39  }
0x41c: {  	[tilespmem:v56+s14+$0x0] =	vst.idx.msk $0xffff, v57;
	v54 =	vor.u32 v21, v35;
	v55 =	vadd.s32 v22, v34;
	v39 =	vld.idx.msk [tilespmem:v58+s10+$0x0], $0xffff  }
0x41d: {  	v56 =	vor.u32 v23, v25;
	v57 =	vadd.s32 v22, v33;
	v27 =	vld.idx.msk [tilespmem:v60+s10+$0x0], $0xffff;
	[tilespmem:v59+s14+$0x0] =	vst.idx.msk $0xffff, v45  }
0x41e: {  	v58 =	vor.u32 v23, v26;
	v24 =	vld.idx.msk [tilespmem:v61+s10+$0x0], $0xffff;
	[tilespmem:v62+s14+$0x0] =	vst.idx.msk $0xffff, v47  }
0x41f: {  	v59 =	vor.u32 v23, v31;
	v29 =	vld.idx.msk [tilespmem:v51+s10+$0x0], $0xffff;
	[tilespmem:v63+s14+$0x0] =	vst.idx.msk $0xffff, v41  }
0x420: {  	v60 =	vor.u32 v23, v30;
	v28 =	vld.idx.msk [tilespmem:v52+s10+$0x0], $0xffff;
	[tilespmem:v53+s14+$0x0] =	vst.idx.msk $0xffff, v36  }
0x421: {  	v61 =	vor.u32 v23, v32;
	v34 =	vld.idx.msk [tilespmem:v55+s10+$0x0], $0xffff;
	[tilespmem:v54+s14+$0x0] =	vst.idx.msk $0xffff, v39  }
0x422: {  	v62 =	vor.u32 v23, v35;
	[tilespmem:v56+s14+$0x0] =	vst.idx.msk $0xffff, v27;
	v63 =	vld.idx.msk [tilespmem:v57+s10+$0x0], $0xffff  }
0x423: {  	[tilespmem:v58+s14+$0x0] =	vst.idx.msk $0xffff, v24  }
0x424: {  	[tilespmem:v59+s14+$0x0] =	vst.idx.msk $0xffff, v29  }
0x425: {  	[tilespmem:v60+s14+$0x0] =	vst.idx.msk $0xffff, v28  }
0x426: {  	[tilespmem:v61+s14+$0x0] =	vst.idx.msk $0xffff, v34  }
0x427: {  	s17 =	sadd.s32 $0x1, s17;
	[tilespmem:v62+s14+$0x0] =	vst.idx.msk $0xffff, v63  }
0x428: {  	[hbm4b:s8+s2] =	stream.linear.scatter [tilespmem:s14], [sflag:$0x2], $0x8000, $0x38;
	[tilespmem:$0x10800] =	vst v63  }
0x429: {  	p0 =	sne.s32 s17, s9;
	_ =	swait.ge [sflag:s15], $0x8000  }
.Ltmp4:
0x42a: {  	[sflag:s15] =	ssyncset.done $0x0;
	(pc) =	sbr.rel @p0 .LBB2_1-.Ltmp4, $4  }
0x42b: {  	[sflag:s15] =	ssyncadd.s32 $0xFFFF8000  }
0x42c: {  	_ =	swait.ge [sflag:s16], $0x8000  }
0x42d: {  	[sflag:s16] =	ssyncset.done $0x0  }
0x42e: {  	[sflag:s16] =	ssyncadd.s32 $0xFFFF8000  }
0x42f: {  	_ =	sfence.sel $0x180000  }
0x430: {  	[bflag:$0x0] =	sbarrier.arrive $0xFFFF  }
0x431: {  	p0 =	sne.s32 s1, $0x0;
	_ =	strace $0x90000047  }
0x432: {  	s0 =	sadd.s32 @!p0 $0x100000, s0;
	[bflag:$0x2] =	sbarrier.arrive $0xFFFF  }
0x433: {  	[sflag:s0] =	ssyncadd.tile.s32 @!p0 $0x1;
	_ =	shalt  }
.Lfunc_end2:
_tile_overlayer_lowered:
.L_overlay_start_2:
0x434: {  	(tag) =	ssettag $0x2  }
0x435: {  	s0 =	rddreg [dreg:$0x0];
	s2 =	stileid.u32  }
0x436: {  	s1 =	rddreg [dreg:$0x1];
	p0 =	sne.s32 s2, $0x0  }
0x437: {  	s3 =	rddreg [dreg:$0x2];
	[bflag:$0x3] =	sbarrier.arrive $0xFFFF;
	s2 =	simm.s32 @!p0 $0x1C03  }
0x438: {  	[timem:s3], [sflag:s2] =	dma.local @!p0 [hbm:s0], s1  }
0x439: {  	s0 =	simm.s32 @!p0 $0x3  }
0x43a: {  	_ =	swait.ge @!p0 [sflag:s0], s1  }
0x43b: {  	s1 =	ssub.s32 @!p0 $0x0, s1;
	[sflag:s0] =	ssyncset.done @!p0 $0x0  }
0x43c: {  	[sflag:s0] =	ssyncadd.s32 @!p0 s1  }
0x43d: {  	[bflag:$0x3] =	sbarrier.arrive $0xFFFF  }
0x43e: {  	_ =	shalt  }

</sc_bundles>
